<compile_context>
chip_gen: v7x
topology: tpu7x:2x2x1
jax: 0.10.2.dev20260603
libtpu: 0.0.44.dev20260713+nightly
codegen_flags: <defaults>
</compile_context>

<pallas_src>
import functools

import jax
import jax.numpy as jnp
from jax import lax
from jax.experimental import pallas as pl
from jax.experimental.pallas import tpu as pltpu
from jax.experimental.pallas import tpu_sc as plsc

N_NODES = 10000
N_EDGES = 320000
D = 128
D_EDGE = 16
G = 64
LANES = 16

NW = 32
EPW = N_EDGES // NW
CHUNK = 80
NCHUNK = EPW // CHUNK
NSUB = 16
N_PAD = 10240
RPS = N_PAD // NSUB

_f32 = jnp.float32



def _proj_body(x_ref, ws_ref, wd_ref, bm_ref, a_ref, b_ref):
    x = x_ref[...]
    a_ref[...] = jnp.dot(x, ws_ref[...], preferred_element_type=_f32)
    b_ref[...] = jnp.dot(x, wd_ref[...], preferred_element_type=_f32) + bm_ref[...]


def _node_proj(x, ws, wd, bm):
    return pl.pallas_call(
        _proj_body,
        out_shape=[
            jax.ShapeDtypeStruct((N_NODES, D), _f32),
            jax.ShapeDtypeStruct((N_NODES, D), _f32),
        ],
    )(x, ws, wd, bm.reshape(1, D))


_EBLK = 12800


def _epr_body(eat_ref, w_ref, e_ref):
    e_ref[...] = lax.dot_general(eat_ref[...], w_ref[...],
                                 (((0,), (0,)), ((), ())),
                                 preferred_element_type=_f32)


def _edge_proj(edge_attr, we):
    eat = edge_attr.T
    return pl.pallas_call(
        _epr_body,
        grid=(N_EDGES // _EBLK,),
        in_specs=[
            pl.BlockSpec((D_EDGE, _EBLK), lambda i: (0, i)),
            pl.BlockSpec((D_EDGE, D), lambda i: (0, 0)),
        ],
        out_specs=pl.BlockSpec((_EBLK, D), lambda i: (i, 0)),
        out_shape=jax.ShapeDtypeStruct((N_EDGES, D), _f32),
    )(eat, we)


def _update_proj_body(x_ref, p_ref, wx_ref, wa_ref, bu_ref, ws_ref, wd_ref,
                      bm_ref, h_ref, a_ref, b_ref):
    agg = p_ref[0, :N_NODES] + p_ref[1, :N_NODES]
    h = (jnp.dot(x_ref[...], wx_ref[...], preferred_element_type=_f32)
         + jnp.dot(agg, wa_ref[...], preferred_element_type=_f32)
         + bu_ref[...])
    h = jnp.maximum(h, 0.0)
    h_ref[...] = h
    a_ref[...] = jnp.dot(h, ws_ref[...], preferred_element_type=_f32)
    b_ref[...] = jnp.dot(h, wd_ref[...], preferred_element_type=_f32) + bm_ref[...]


def _update_proj(x, parts, wx, wa, bu, ws, wd, bm):
    return pl.pallas_call(
        _update_proj_body,
        out_shape=[
            jax.ShapeDtypeStruct((N_NODES, D), _f32),
            jax.ShapeDtypeStruct((N_NODES, D), _f32),
            jax.ShapeDtypeStruct((N_NODES, D), _f32),
        ],
    )(x, parts.reshape(2, N_PAD, D), wx, wa, bu.reshape(1, D),
      ws, wd, bm.reshape(1, D))


def _update_pool_body(x_ref, p_ref, wx_ref, wa_ref, bu_ref, batch_ref,
                      wout_ref, bout_ref, o_ref):
    agg = p_ref[0, :N_NODES] + p_ref[1, :N_NODES]
    h = (jnp.dot(x_ref[...], wx_ref[...], preferred_element_type=_f32)
         + jnp.dot(agg, wa_ref[...], preferred_element_type=_f32)
         + bu_ref[...])
    h = jnp.maximum(h, 0.0)
    onehot = (batch_ref[...] ==
              lax.broadcasted_iota(jnp.int32, (G, N_NODES), 0)).astype(_f32)
    sums = jnp.dot(onehot, h, preferred_element_type=_f32)
    counts = jnp.sum(onehot, axis=1)
    pooled = sums / jnp.maximum(counts, 1.0)[:, None]
    o_ref[...] = jnp.dot(pooled, wout_ref[...], preferred_element_type=_f32) + bout_ref[...]


def _update_pool(x, parts, wx, wa, bu, batch_i32, wout, bout):
    return pl.pallas_call(
        _update_pool_body,
        out_shape=jax.ShapeDtypeStruct((G, wout.shape[1]), _f32),
    )(x, parts.reshape(2, N_PAD, D), wx, wa, bu.reshape(1, D),
      batch_i32.reshape(1, N_NODES), wout, bout.reshape(1, wout.shape[1]))



@functools.lru_cache(maxsize=1)
def _make_edge_pass():
  mesh = plsc.VectorSubcoreMesh(core_axis_name="c", subcore_axis_name="s")

  ring_types = []
  for _ in range(3):
      ring_types += [pltpu.VMEM((CHUNK,), jnp.int32),
                     pltpu.VMEM((CHUNK,), jnp.int32),
                     pltpu.VMEM((CHUNK, D), _f32)]

  @functools.partial(
      pl.kernel,
      out_type=jax.ShapeDtypeStruct((2 * N_PAD, D), _f32),
      mesh=mesh,
      scratch_types=ring_types + [
          pltpu.VMEM_SHARED((N_PAD, D), _f32),
      ] + [pltpu.SemaphoreType.DMA] * 9,
  )
  def edge_pass(a_hbm, b_hbm, epr_hbm, src_hbm, dst_hbm, zeros_hbm, out_hbm,
                s0, d0, e0, s1, d1, e1, s2, d2, e2,
                agg_sh, gse0, gse1, gse2, ga0, ga1, ga2, ss0, ss1, ss2):
    c = lax.axis_index("c")
    s = lax.axis_index("s")
    wid = s * 2 + c
    base = wid * EPW

    rings = ((s0, d0, e0, gse0, ga0, ss0),
             (s1, d1, e1, gse1, ga1, ss1),
             (s2, d2, e2, gse2, ga2, ss2))

    def issue_head(t, r):
        sv, dv, e, gse, ga, ss = rings[r]
        off = base + t * CHUNK
        pltpu.async_copy(src_hbm.at[pl.ds(off, CHUNK)], sv, gse)
        pltpu.async_copy(dst_hbm.at[pl.ds(off, CHUNK)], dv, gse)
        pltpu.async_copy(epr_hbm.at[pl.ds(off, CHUNK)], e, gse)

    def drain_head(t, r):
        sv, dv, e, gse, ga, ss = rings[r]
        off = base + t * CHUNK
        pltpu.make_async_copy(src_hbm.at[pl.ds(off, CHUNK)], sv, gse).wait()
        pltpu.make_async_copy(dst_hbm.at[pl.ds(off, CHUNK)], dv, gse).wait()
        pltpu.make_async_copy(epr_hbm.at[pl.ds(off, CHUNK)], e, gse).wait()

    def issue_adds(r):
        sv, dv, e, gse, ga, ss = rings[r]
        pltpu.async_copy(a_hbm.at[sv], e, ga, add=True)
        pltpu.async_copy(b_hbm.at[dv], e, ga, add=True)

    def drain_adds(r):
        sv, dv, e, gse, ga, ss = rings[r]
        pltpu.make_async_copy(a_hbm.at[sv], e, ga).wait()
        pltpu.make_async_copy(b_hbm.at[dv], e, ga).wait()

    def compute(r):
        e = rings[r][2]

        def row(i, carry):
            for j in range(D // LANES):
                sl = pl.ds(j * LANES, LANES)
                e[i, sl] = jnp.maximum(e[i, sl], 0.0)
            return carry

        lax.fori_loop(0, CHUNK, row, 0)

    def scatter(r):
        sv, dv, e, gse, ga, ss = rings[r]
        pltpu.async_copy(e, agg_sh.at[dv], ss, add=True)

    def wait_scatter(r):
        sv, dv, e, gse, ga, ss = rings[r]
        pltpu.make_async_copy(e, agg_sh.at[dv], ss).wait()

    def steady(t, r, nxt_adds=True, nxt2_head=True, wait_sc=True):
        drain_adds(r)
        if nxt_adds:
            drain_head(t + 1, (r + 1) % 3)
            issue_adds((r + 1) % 3)
        if nxt2_head:
            if wait_sc:
                wait_scatter((r + 2) % 3)
            issue_head(t + 2, (r + 2) % 3)
        compute(r)
        scatter(r)

    pltpu.sync_copy(zeros_hbm, agg_sh.at[pl.ds(s * RPS, RPS)])
    plsc.subcore_barrier()

    issue_head(0, 0)
    drain_head(0, 0)
    issue_adds(0)
    issue_head(1, 1)
    steady(0, 0, wait_sc=False)
    steady(1, 1)

    def loop_body(k, carry):
        t0 = 2 + 3 * k
        steady(t0, 2)
        steady(t0 + 1, 0)
        steady(t0 + 2, 1)
        return carry

    lax.fori_loop(0, (NCHUNK - 5) // 3, loop_body, 0)
    steady(NCHUNK - 3, 2)
    steady(NCHUNK - 2, 0, nxt2_head=False)
    steady(NCHUNK - 1, 1, nxt_adds=False, nxt2_head=False)
    wait_scatter(2)
    wait_scatter(0)
    wait_scatter(1)
    plsc.subcore_barrier()

    row0 = c * N_PAD + s * RPS
    pltpu.sync_copy(agg_sh.at[pl.ds(s * RPS, RPS)],
                    out_hbm.at[pl.ds(row0, RPS)])

  return edge_pass


def _edge_pass(a, b, epr, src, dst, zeros):
    return _make_edge_pass()(a, b, epr, src, dst, zeros)



def kernel(x, edge_index, batch, edge_attr, pos,
           Wm1, bm1, Wu1, bu1, Wm2, bm2, Wu2, bu2, Wout, bout):
    del pos
    src = edge_index[0].astype(jnp.int32)
    dst = edge_index[1].astype(jnp.int32)
    batch_i32 = batch.astype(jnp.int32)
    zeros = jnp.zeros((RPS, D), _f32)

    ws1, wd1, we1 = Wm1[:D], Wm1[D:2 * D], Wm1[2 * D:]
    ws2, wd2, we2 = Wm2[:D], Wm2[D:2 * D], Wm2[2 * D:]
    wx1, wa1 = Wu1[:D], Wu1[D:]
    wx2, wa2 = Wu2[:D], Wu2[D:]

    epr1 = _edge_proj(edge_attr, we1)
    a1, b1 = _node_proj(x, ws1, wd1, bm1)
    parts1 = _edge_pass(a1, b1, epr1, src, dst, zeros)

    epr2 = _edge_proj(edge_attr, we2)
    h1, a2, b2 = _update_proj(x, parts1, wx1, wa1, bu1, ws2, wd2, bm2)
    parts2 = _edge_pass(a2, b2, epr2, src, dst, zeros)

    return _update_pool(h1, parts2, wx2, wa2, bu2, batch_i32, Wout, bout)

# --- scband reference (transcript-rebuilt; emitter-appended) ---
"""Pipeline reference for scband-mpnn-gc-84885733638734 (READ-ONLY COPY).

The authoritative reference and input builder live on the scoring server;
editing this copy changes nothing except your own understanding.
"""

import jax, jax.numpy as jnp
import numpy as np

N_NODES = 10000
N_EDGES = 320000
D_FEAT = 128
D_EDGE = 16
HIDDEN = 128
OUT = 10
NUM_GRAPHS = 64


def setup_inputs(seed: int = 0) -> dict:
    key = jax.random.key(seed)
    ks = jax.random.split(key, 16)
    x = jax.random.normal(ks[0], (N_NODES, D_FEAT), dtype=jnp.float32)
    edge_index = jax.random.randint(ks[1], (2, N_EDGES), 0, N_NODES, dtype=jnp.int64)
    batch = jnp.sort(jax.random.randint(ks[2], (N_NODES,), 0, NUM_GRAPHS, dtype=jnp.int64))
    edge_attr = jax.random.normal(ks[3], (N_EDGES, D_EDGE), dtype=jnp.float32)
    pos = jax.random.normal(ks[4], (N_NODES, 3), dtype=jnp.float32)
    # Layer 1 params (message MLP over [x_src, x_dst, edge_attr]; update over [x, agg])
    s1 = 1.0 / np.sqrt(D_FEAT * 2 + D_EDGE)
    Wm1 = jax.random.uniform(ks[5], (D_FEAT * 2 + D_EDGE, HIDDEN), jnp.float32, -s1, s1)
    bm1 = jnp.zeros((HIDDEN,), dtype=jnp.float32)
    s2 = 1.0 / np.sqrt(D_FEAT + HIDDEN)
    Wu1 = jax.random.uniform(ks[6], (D_FEAT + HIDDEN, HIDDEN), jnp.float32, -s2, s2)
    bu1 = jnp.zeros((HIDDEN,), dtype=jnp.float32)
    # Layer 2 params
    s3 = 1.0 / np.sqrt(HIDDEN * 2 + D_EDGE)
    Wm2 = jax.random.uniform(ks[7], (HIDDEN * 2 + D_EDGE, HIDDEN), jnp.float32, -s3, s3)
    bm2 = jnp.zeros((HIDDEN,), dtype=jnp.float32)
    s4 = 1.0 / np.sqrt(HIDDEN * 2)
    Wu2 = jax.random.uniform(ks[8], (HIDDEN + HIDDEN, HIDDEN), jnp.float32, -s4, s4)
    bu2 = jnp.zeros((HIDDEN,), dtype=jnp.float32)
    # Output linear
    s5 = 1.0 / np.sqrt(HIDDEN)
    Wout = jax.random.uniform(ks[9], (HIDDEN, OUT), jnp.float32, -s5, s5)
    bout = jnp.zeros((OUT,), dtype=jnp.float32)
    return {
        "x": x, "edge_index": edge_index, "batch": batch,
        "edge_attr": edge_attr, "pos": pos,
        "Wm1": Wm1, "bm1": bm1, "Wu1": Wu1, "bu1": bu1,
        "Wm2": Wm2, "bm2": bm2, "Wu2": Wu2, "bu2": bu2,
        "Wout": Wout, "bout": bout,
    }


def _mpnn_layer(x, edge_index, edge_attr, Wm, bm, Wu, bu):
    src = edge_index[0]
    dst = edge_index[1]
    # message: MLP over concatenated source/dest node features and edge features
    m_in = jnp.concatenate([x[src], x[dst], edge_attr], axis=-1)
    m = jax.nn.relu(m_in @ Wm + bm)
    # aggregate: scatter-add (sum) to destination nodes
    agg = jax.ops.segment_sum(m, dst, num_segments=x.shape[0])
    # update: linear over [x, agg]
    out = jnp.concatenate([x, agg], axis=-1) @ Wu + bu
    return out


def _global_mean_pool(x, batch, num_graphs):
    sums = jax.ops.segment_sum(x, batch, num_segments=num_graphs)
    counts = jax.ops.segment_sum(jnp.ones((x.shape[0],), dtype=x.dtype), batch, num_segments=num_graphs)
    counts = jnp.maximum(counts, 1.0)
    return sums / counts[:, None]


def reference(x, edge_index, batch, edge_attr, pos,
              Wm1, bm1, Wu1, bu1, Wm2, bm2, Wu2, bu2, Wout, bout):
    # pos is accepted by the original forward but not consumed by the layers
    h = _mpnn_layer(x, edge_index, edge_attr, Wm1, bm1, Wu1, bu1)
    h = jax.nn.relu(h)
    h = _mpnn_layer(h, edge_index, edge_attr, Wm2, bm2, Wu2, bu2)
    h = jax.nn.relu(h)
    pooled = _global_mean_pool(h, batch, NUM_GRAPHS)
    out = pooled @ Wout + bout
    return out

if __name__ == "__main__":
    import jax
    _d = setup_inputs()
    print(jax.jit(kernel)(*tuple(_d.values())))

</pallas_src>

<mosaic_0001>
#map = affine_map<(d0, d1) -> (0, 0)>
#map1 = affine_map<(d0, d1) -> (0)>
module attributes {stable_mosaic.version = 14 : i64} {
  func.func @edge_pass(%arg0: i32, %arg1: i32, %arg2: memref<10000x128xf32, #tpu.memory_space<hbm>>, %arg3: memref<10000x128xf32, #tpu.memory_space<hbm>>, %arg4: memref<320000x128xf32, #tpu.memory_space<hbm>>, %arg5: memref<320000xi32, #tpu.memory_space<hbm>>, %arg6: memref<320000xi32, #tpu.memory_space<hbm>>, %arg7: memref<640x128xf32, #tpu.memory_space<hbm>>, %arg8: memref<20480x128xf32, #tpu.memory_space<hbm>>, %arg9: memref<80xi32, #tpu.memory_space<vmem>>, %arg10: memref<80xi32, #tpu.memory_space<vmem>>, %arg11: memref<80x128xf32, #tpu.memory_space<vmem>>, %arg12: memref<80xi32, #tpu.memory_space<vmem>>, %arg13: memref<80xi32, #tpu.memory_space<vmem>>, %arg14: memref<80x128xf32, #tpu.memory_space<vmem>>, %arg15: memref<80xi32, #tpu.memory_space<vmem>>, %arg16: memref<80xi32, #tpu.memory_space<vmem>>, %arg17: memref<80x128xf32, #tpu.memory_space<vmem>>, %arg18: memref<10240x128xf32, #tpu.memory_space<vmem_shared>>, %arg19: memref<!tpu.dma_semaphore, #tpu.memory_space<semaphore_mem>>, %arg20: memref<!tpu.dma_semaphore, #tpu.memory_space<semaphore_mem>>, %arg21: memref<!tpu.dma_semaphore, #tpu.memory_space<semaphore_mem>>, %arg22: memref<!tpu.dma_semaphore, #tpu.memory_space<semaphore_mem>>, %arg23: memref<!tpu.dma_semaphore, #tpu.memory_space<semaphore_mem>>, %arg24: memref<!tpu.dma_semaphore, #tpu.memory_space<semaphore_mem>>, %arg25: memref<!tpu.dma_semaphore, #tpu.memory_space<semaphore_mem>>, %arg26: memref<!tpu.dma_semaphore, #tpu.memory_space<semaphore_mem>>, %arg27: memref<!tpu.dma_semaphore, #tpu.memory_space<semaphore_mem>>) attributes {dimension_semantics = [#tpu.dimension_semantics<core_parallel>, #tpu.dimension_semantics<subcore_parallel>], iteration_bounds = array<i64: 2, 16>, scalar_prefetch = 0 : i64, scratch_operands = 19 : i64, tpu.core_type = #tpu.core_type<sc_vector_subcore>, window_params = [{transform_indices = #map}, {transform_indices = #map}, {transform_indices = #map}, {transform_indices = #map1}, {transform_indices = #map1}, {transform_indices = #map}, {transform_indices = #map}]} {
    %mul3A = arith.constant 2 : i32
    %mul3A_0 = arith.muli %arg1, %mul3A : i32
    %add3A = arith.addi %mul3A_0, %arg0 : i32
    %mul3A_1 = arith.constant 10000 : i32
    %mul3A_2 = arith.muli %add3A, %mul3A_1 : i32
    %mul3A_3 = arith.constant 640 : i32
    %mul3A_4 = arith.muli %arg1, %mul3A_3 : i32
    "tpu.region"() ({
      %run_scoped3A = tpu.sem_alloc : memref<!tpu.dma_semaphore, #tpu.memory_space<semaphore_mem>>
      %dma_start3A_236 = arith.constant 0 : i32
      %dma_start3A_237 = tpu.memref_slice %arg18[%mul3A_4, %dma_start3A_236] : memref<10240x128xf32, #tpu.memory_space<vmem_shared>> -> memref<640x128xf32, #tpu.memory_space<vmem_shared>>
      tpu.enqueue_dma source(%arg7 : memref<640x128xf32, #tpu.memory_space<hbm>>) target(%dma_start3A_237 : memref<640x128xf32, #tpu.memory_space<vmem_shared>>) target_semaphore(%run_scoped3A : memref<!tpu.dma_semaphore, #tpu.memory_space<semaphore_mem>>)
      %dma_wait3A_238 = arith.constant 0 : i32
      %dma_wait3A_239 = tpu.memref_slice %arg18[%mul3A_4, %dma_wait3A_238] : memref<10240x128xf32, #tpu.memory_space<vmem_shared>> -> memref<640x128xf32, #tpu.memory_space<vmem_shared>>
      tpu.wait_dma2 semaphore(%run_scoped3A : memref<!tpu.dma_semaphore, #tpu.memory_space<semaphore_mem>>) src(%arg7 : memref<640x128xf32, #tpu.memory_space<hbm>>) dst(%dma_wait3A_239 : memref<640x128xf32, #tpu.memory_space<vmem_shared>>)
      tpu.yield
    }) : () -> ()
    %barrier3A = arith.constant 0 : index
    tpu.barrier barrier_id(%barrier3A)
    %add3A_5 = arith.constant 0 : i32
    %add3A_6 = arith.addi %mul3A_2, %add3A_5 : i32
    %dma_start3A = tpu.memref_slice %arg5[%add3A_6] : memref<320000xi32, #tpu.memory_space<hbm>> -> memref<80xi32, #tpu.memory_space<hbm>>
    %dma_start3A_7 = tpu.memref_slice %arg5[%add3A_6] : memref<320000xi32, #tpu.memory_space<hbm>> -> memref<80xi32, #tpu.memory_space<hbm>>
    tpu.enqueue_dma source(%dma_start3A_7 : memref<80xi32, #tpu.memory_space<hbm>>) target(%arg9 : memref<80xi32, #tpu.memory_space<vmem>>) target_semaphore(%arg19 : memref<!tpu.dma_semaphore, #tpu.memory_space<semaphore_mem>>)
    %dma_start3A_8 = tpu.memref_slice %arg6[%add3A_6] : memref<320000xi32, #tpu.memory_space<hbm>> -> memref<80xi32, #tpu.memory_space<hbm>>
    %dma_start3A_9 = tpu.memref_slice %arg6[%add3A_6] : memref<320000xi32, #tpu.memory_space<hbm>> -> memref<80xi32, #tpu.memory_space<hbm>>
    tpu.enqueue_dma source(%dma_start3A_9 : memref<80xi32, #tpu.memory_space<hbm>>) target(%arg10 : memref<80xi32, #tpu.memory_space<vmem>>) target_semaphore(%arg19 : memref<!tpu.dma_semaphore, #tpu.memory_space<semaphore_mem>>)
    %dma_start3A_10 = arith.constant 0 : i32
    %dma_start3A_11 = tpu.memref_slice %arg4[%add3A_6, %dma_start3A_10] : memref<320000x128xf32, #tpu.memory_space<hbm>> -> memref<80x128xf32, #tpu.memory_space<hbm>>
    %dma_start3A_12 = arith.constant 0 : i32
    %dma_start3A_13 = tpu.memref_slice %arg4[%add3A_6, %dma_start3A_12] : memref<320000x128xf32, #tpu.memory_space<hbm>> -> memref<80x128xf32, #tpu.memory_space<hbm>>
    tpu.enqueue_dma source(%dma_start3A_13 : memref<80x128xf32, #tpu.memory_space<hbm>>) target(%arg11 : memref<80x128xf32, #tpu.memory_space<vmem>>) target_semaphore(%arg19 : memref<!tpu.dma_semaphore, #tpu.memory_space<semaphore_mem>>)
    %add3A_14 = arith.constant 0 : i32
    %add3A_15 = arith.addi %mul3A_2, %add3A_14 : i32
    %dma_wait3A = tpu.memref_slice %arg5[%add3A_15] : memref<320000xi32, #tpu.memory_space<hbm>> -> memref<80xi32, #tpu.memory_space<hbm>>
    %dma_wait3A_16 = tpu.memref_slice %arg5[%add3A_15] : memref<320000xi32, #tpu.memory_space<hbm>> -> memref<80xi32, #tpu.memory_space<hbm>>
    tpu.wait_dma2 semaphore(%arg19 : memref<!tpu.dma_semaphore, #tpu.memory_space<semaphore_mem>>) src(%dma_wait3A_16 : memref<80xi32, #tpu.memory_space<hbm>>) dst(%arg9 : memref<80xi32, #tpu.memory_space<vmem>>)
    %dma_wait3A_17 = tpu.memref_slice %arg6[%add3A_15] : memref<320000xi32, #tpu.memory_space<hbm>> -> memref<80xi32, #tpu.memory_space<hbm>>
    %dma_wait3A_18 = tpu.memref_slice %arg6[%add3A_15] : memref<320000xi32, #tpu.memory_space<hbm>> -> memref<80xi32, #tpu.memory_space<hbm>>
    tpu.wait_dma2 semaphore(%arg19 : memref<!tpu.dma_semaphore, #tpu.memory_space<semaphore_mem>>) src(%dma_wait3A_18 : memref<80xi32, #tpu.memory_space<hbm>>) dst(%arg10 : memref<80xi32, #tpu.memory_space<vmem>>)
    %dma_wait3A_19 = arith.constant 0 : i32
    %dma_wait3A_20 = tpu.memref_slice %arg4[%add3A_15, %dma_wait3A_19] : memref<320000x128xf32, #tpu.memory_space<hbm>> -> memref<80x128xf32, #tpu.memory_space<hbm>>
    %dma_wait3A_21 = arith.constant 0 : i32
    %dma_wait3A_22 = tpu.memref_slice %arg4[%add3A_15, %dma_wait3A_21] : memref<320000x128xf32, #tpu.memory_space<hbm>> -> memref<80x128xf32, #tpu.memory_space<hbm>>
    tpu.wait_dma2 semaphore(%arg19 : memref<!tpu.dma_semaphore, #tpu.memory_space<semaphore_mem>>) src(%dma_wait3A_22 : memref<80x128xf32, #tpu.memory_space<hbm>>) dst(%arg11 : memref<80x128xf32, #tpu.memory_space<vmem>>)
    %dma_start3A_23 = arith.constant 0 : i32
    %dma_start3A_24 = arith.constant 0 : i32
    %dma_start3A_25 = tpu.memref_slice %arg2[%dma_start3A_23, %dma_start3A_24] : memref<10000x128xf32, #tpu.memory_space<hbm>> -> memref<10000x128xf32, #tpu.memory_space<hbm>>
    tpu.enqueue_indirect_dma source(%dma_start3A_25 : memref<10000x128xf32, #tpu.memory_space<hbm>>) target(%arg11 : memref<80x128xf32, #tpu.memory_space<vmem>>) offsets(%arg9 : memref<80xi32, #tpu.memory_space<vmem>>) semaphore(%arg22 : memref<!tpu.dma_semaphore, #tpu.memory_space<semaphore_mem>>) {add = true}
    %dma_start3A_26 = arith.constant 0 : i32
    %dma_start3A_27 = arith.constant 0 : i32
    %dma_start3A_28 = tpu.memref_slice %arg3[%dma_start3A_26, %dma_start3A_27] : memref<10000x128xf32, #tpu.memory_space<hbm>> -> memref<10000x128xf32, #tpu.memory_space<hbm>>
    tpu.enqueue_indirect_dma source(%dma_start3A_28 : memref<10000x128xf32, #tpu.memory_space<hbm>>) target(%arg11 : memref<80x128xf32, #tpu.memory_space<vmem>>) offsets(%arg10 : memref<80xi32, #tpu.memory_space<vmem>>) semaphore(%arg22 : memref<!tpu.dma_semaphore, #tpu.memory_space<semaphore_mem>>) {add = true}
    %add3A_29 = arith.constant 80 : i32
    %add3A_30 = arith.addi %mul3A_2, %add3A_29 : i32
    %dma_start3A_31 = tpu.memref_slice %arg5[%add3A_30] : memref<320000xi32, #tpu.memory_space<hbm>> -> memref<80xi32, #tpu.memory_space<hbm>>
    %dma_start3A_32 = tpu.memref_slice %arg5[%add3A_30] : memref<320000xi32, #tpu.memory_space<hbm>> -> memref<80xi32, #tpu.memory_space<hbm>>
    tpu.enqueue_dma source(%dma_start3A_32 : memref<80xi32, #tpu.memory_space<hbm>>) target(%arg12 : memref<80xi32, #tpu.memory_space<vmem>>) target_semaphore(%arg20 : memref<!tpu.dma_semaphore, #tpu.memory_space<semaphore_mem>>)
    %dma_start3A_33 = tpu.memref_slice %arg6[%add3A_30] : memref<320000xi32, #tpu.memory_space<hbm>> -> memref<80xi32, #tpu.memory_space<hbm>>
    %dma_start3A_34 = tpu.memref_slice %arg6[%add3A_30] : memref<320000xi32, #tpu.memory_space<hbm>> -> memref<80xi32, #tpu.memory_space<hbm>>
    tpu.enqueue_dma source(%dma_start3A_34 : memref<80xi32, #tpu.memory_space<hbm>>) target(%arg13 : memref<80xi32, #tpu.memory_space<vmem>>) target_semaphore(%arg20 : memref<!tpu.dma_semaphore, #tpu.memory_space<semaphore_mem>>)
    %dma_start3A_35 = arith.constant 0 : i32
    %dma_start3A_36 = tpu.memref_slice %arg4[%add3A_30, %dma_start3A_35] : memref<320000x128xf32, #tpu.memory_space<hbm>> -> memref<80x128xf32, #tpu.memory_space<hbm>>
    %dma_start3A_37 = arith.constant 0 : i32
    %dma_start3A_38 = tpu.memref_slice %arg4[%add3A_30, %dma_start3A_37] : memref<320000x128xf32, #tpu.memory_space<hbm>> -> memref<80x128xf32, #tpu.memory_space<hbm>>
    tpu.enqueue_dma source(%dma_start3A_38 : memref<80x128xf32, #tpu.memory_space<hbm>>) target(%arg14 : memref<80x128xf32, #tpu.memory_space<vmem>>) target_semaphore(%arg20 : memref<!tpu.dma_semaphore, #tpu.memory_space<semaphore_mem>>)
    %dma_wait3A_39 = arith.constant 0 : i32
    %dma_wait3A_40 = arith.constant 0 : i32
    %dma_wait3A_41 = tpu.memref_slice %arg2[%dma_wait3A_39, %dma_wait3A_40] : memref<10000x128xf32, #tpu.memory_space<hbm>> -> memref<10000x128xf32, #tpu.memory_space<hbm>>
    tpu.wait_indirect_dma semaphore(%arg22 : memref<!tpu.dma_semaphore, #tpu.memory_space<semaphore_mem>>) src(%dma_wait3A_41 : memref<10000x128xf32, #tpu.memory_space<hbm>>) dst(%arg11 : memref<80x128xf32, #tpu.memory_space<vmem>>)
    %dma_wait3A_42 = arith.constant 0 : i32
    %dma_wait3A_43 = arith.constant 0 : i32
    %dma_wait3A_44 = tpu.memref_slice %arg3[%dma_wait3A_42, %dma_wait3A_43] : memref<10000x128xf32, #tpu.memory_space<hbm>> -> memref<10000x128xf32, #tpu.memory_space<hbm>>
    tpu.wait_indirect_dma semaphore(%arg22 : memref<!tpu.dma_semaphore, #tpu.memory_space<semaphore_mem>>) src(%dma_wait3A_44 : memref<10000x128xf32, #tpu.memory_space<hbm>>) dst(%arg11 : memref<80x128xf32, #tpu.memory_space<vmem>>)
    %add3A_45 = arith.constant 80 : i32
    %add3A_46 = arith.addi %mul3A_2, %add3A_45 : i32
    %dma_wait3A_47 = tpu.memref_slice %arg5[%add3A_46] : memref<320000xi32, #tpu.memory_space<hbm>> -> memref<80xi32, #tpu.memory_space<hbm>>
    %dma_wait3A_48 = tpu.memref_slice %arg5[%add3A_46] : memref<320000xi32, #tpu.memory_space<hbm>> -> memref<80xi32, #tpu.memory_space<hbm>>
    tpu.wait_dma2 semaphore(%arg20 : memref<!tpu.dma_semaphore, #tpu.memory_space<semaphore_mem>>) src(%dma_wait3A_48 : memref<80xi32, #tpu.memory_space<hbm>>) dst(%arg12 : memref<80xi32, #tpu.memory_space<vmem>>)
    %dma_wait3A_49 = tpu.memref_slice %arg6[%add3A_46] : memref<320000xi32, #tpu.memory_space<hbm>> -> memref<80xi32, #tpu.memory_space<hbm>>
    %dma_wait3A_50 = tpu.memref_slice %arg6[%add3A_46] : memref<320000xi32, #tpu.memory_space<hbm>> -> memref<80xi32, #tpu.memory_space<hbm>>
    tpu.wait_dma2 semaphore(%arg20 : memref<!tpu.dma_semaphore, #tpu.memory_space<semaphore_mem>>) src(%dma_wait3A_50 : memref<80xi32, #tpu.memory_space<hbm>>) dst(%arg13 : memref<80xi32, #tpu.memory_space<vmem>>)
    %dma_wait3A_51 = arith.constant 0 : i32
    %dma_wait3A_52 = tpu.memref_slice %arg4[%add3A_46, %dma_wait3A_51] : memref<320000x128xf32, #tpu.memory_space<hbm>> -> memref<80x128xf32, #tpu.memory_space<hbm>>
    %dma_wait3A_53 = arith.constant 0 : i32
    %dma_wait3A_54 = tpu.memref_slice %arg4[%add3A_46, %dma_wait3A_53] : memref<320000x128xf32, #tpu.memory_space<hbm>> -> memref<80x128xf32, #tpu.memory_space<hbm>>
    tpu.wait_dma2 semaphore(%arg20 : memref<!tpu.dma_semaphore, #tpu.memory_space<semaphore_mem>>) src(%dma_wait3A_54 : memref<80x128xf32, #tpu.memory_space<hbm>>) dst(%arg14 : memref<80x128xf32, #tpu.memory_space<vmem>>)
    %dma_start3A_55 = arith.constant 0 : i32
    %dma_start3A_56 = arith.constant 0 : i32
    %dma_start3A_57 = tpu.memref_slice %arg2[%dma_start3A_55, %dma_start3A_56] : memref<10000x128xf32, #tpu.memory_space<hbm>> -> memref<10000x128xf32, #tpu.memory_space<hbm>>
    tpu.enqueue_indirect_dma source(%dma_start3A_57 : memref<10000x128xf32, #tpu.memory_space<hbm>>) target(%arg14 : memref<80x128xf32, #tpu.memory_space<vmem>>) offsets(%arg12 : memref<80xi32, #tpu.memory_space<vmem>>) semaphore(%arg23 : memref<!tpu.dma_semaphore, #tpu.memory_space<semaphore_mem>>) {add = true}
    %dma_start3A_58 = arith.constant 0 : i32
    %dma_start3A_59 = arith.constant 0 : i32
    %dma_start3A_60 = tpu.memref_slice %arg3[%dma_start3A_58, %dma_start3A_59] : memref<10000x128xf32, #tpu.memory_space<hbm>> -> memref<10000x128xf32, #tpu.memory_space<hbm>>
    tpu.enqueue_indirect_dma source(%dma_start3A_60 : memref<10000x128xf32, #tpu.memory_space<hbm>>) target(%arg14 : memref<80x128xf32, #tpu.memory_space<vmem>>) offsets(%arg13 : memref<80xi32, #tpu.memory_space<vmem>>) semaphore(%arg23 : memref<!tpu.dma_semaphore, #tpu.memory_space<semaphore_mem>>) {add = true}
    %add3A_61 = arith.constant 160 : i32
    %add3A_62 = arith.addi %mul3A_2, %add3A_61 : i32
    %dma_start3A_63 = tpu.memref_slice %arg5[%add3A_62] : memref<320000xi32, #tpu.memory_space<hbm>> -> memref<80xi32, #tpu.memory_space<hbm>>
    %dma_start3A_64 = tpu.memref_slice %arg5[%add3A_62] : memref<320000xi32, #tpu.memory_space<hbm>> -> memref<80xi32, #tpu.memory_space<hbm>>
    tpu.enqueue_dma source(%dma_start3A_64 : memref<80xi32, #tpu.memory_space<hbm>>) target(%arg15 : memref<80xi32, #tpu.memory_space<vmem>>) target_semaphore(%arg21 : memref<!tpu.dma_semaphore, #tpu.memory_space<semaphore_mem>>)
    %dma_start3A_65 = tpu.memref_slice %arg6[%add3A_62] : memref<320000xi32, #tpu.memory_space<hbm>> -> memref<80xi32, #tpu.memory_space<hbm>>
    %dma_start3A_66 = tpu.memref_slice %arg6[%add3A_62] : memref<320000xi32, #tpu.memory_space<hbm>> -> memref<80xi32, #tpu.memory_space<hbm>>
    tpu.enqueue_dma source(%dma_start3A_66 : memref<80xi32, #tpu.memory_space<hbm>>) target(%arg16 : memref<80xi32, #tpu.memory_space<vmem>>) target_semaphore(%arg21 : memref<!tpu.dma_semaphore, #tpu.memory_space<semaphore_mem>>)
    %dma_start3A_67 = arith.constant 0 : i32
    %dma_start3A_68 = tpu.memref_slice %arg4[%add3A_62, %dma_start3A_67] : memref<320000x128xf32, #tpu.memory_space<hbm>> -> memref<80x128xf32, #tpu.memory_space<hbm>>
    %dma_start3A_69 = arith.constant 0 : i32
    %dma_start3A_70 = tpu.memref_slice %arg4[%add3A_62, %dma_start3A_69] : memref<320000x128xf32, #tpu.memory_space<hbm>> -> memref<80x128xf32, #tpu.memory_space<hbm>>
    tpu.enqueue_dma source(%dma_start3A_70 : memref<80x128xf32, #tpu.memory_space<hbm>>) target(%arg17 : memref<80x128xf32, #tpu.memory_space<vmem>>) target_semaphore(%arg21 : memref<!tpu.dma_semaphore, #tpu.memory_space<semaphore_mem>>)
    %scan3A = arith.constant 0 : i32
    %scan3A_71 = arith.constant 0 : i32
    %scan3A_72 = arith.constant 80 : i32
    %scan3A_73 = arith.addi %scan3A_71, %scan3A_72 : i32
    %scan3A_74 = arith.constant 1 : i32
    scf.for %scan3A_236 = %scan3A_71 to %scan3A_73 step %scan3A_74  : i32 {
      %get3A = arith.index_cast %scan3A_236 : i32 to index
      %get3A_237 = arith.constant 0 : index
      %get3A_238 = tpu.vector_load %arg11[%get3A, %get3A_237] {strides = array<i32>} : memref<80x128xf32, #tpu.memory_space<vmem>>, vector<1x16xf32>,
      %get3A_239 = vector.shape_cast %get3A_238 : vector<1x16xf32> to vector<16xf32>
      %max3A = arith.constant 0.000000e+00 : f32
      %max3A_240 = vector.broadcast %max3A : f32 to vector<16xf32>
      %max3A_241 = arith.maximumf %get3A_239, %max3A_240 : vector<16xf32>
      %swap3A = arith.index_cast %scan3A_236 : i32 to index
      %swap3A_242 = arith.constant 0 : index
      %swap3A_243 = tpu.vector_load %arg11[%swap3A, %swap3A_242] {strides = array<i32>} : memref<80x128xf32, #tpu.memory_space<vmem>>, vector<1x16xf32>,
      %swap3A_244 = vector.shape_cast %swap3A_243 : vector<1x16xf32> to vector<16xf32>
      %swap3A_245 = vector.shape_cast %max3A_241 : vector<16xf32> to vector<1x16xf32>
      tpu.vector_store %arg11[%swap3A, %swap3A_242], %swap3A_245 {strides = array<i32>} : memref<80x128xf32, #tpu.memory_space<vmem>>, vector<1x16xf32>,
      %get3A_246 = arith.index_cast %scan3A_236 : i32 to index
      %get3A_247 = arith.constant 16 : index
      %get3A_248 = tpu.vector_load %arg11[%get3A_246, %get3A_247] {strides = array<i32>} : memref<80x128xf32, #tpu.memory_space<vmem>>, vector<1x16xf32>,
      %get3A_249 = vector.shape_cast %get3A_248 : vector<1x16xf32> to vector<16xf32>
      %max3A_250 = arith.constant 0.000000e+00 : f32
      %max3A_251 = vector.broadcast %max3A_250 : f32 to vector<16xf32>
      %max3A_252 = arith.maximumf %get3A_249, %max3A_251 : vector<16xf32>
      %swap3A_253 = arith.index_cast %scan3A_236 : i32 to index
      %swap3A_254 = arith.constant 16 : index
      %swap3A_255 = tpu.vector_load %arg11[%swap3A_253, %swap3A_254] {strides = array<i32>} : memref<80x128xf32, #tpu.memory_space<vmem>>, vector<1x16xf32>,
      %swap3A_256 = vector.shape_cast %swap3A_255 : vector<1x16xf32> to vector<16xf32>
      %swap3A_257 = vector.shape_cast %max3A_252 : vector<16xf32> to vector<1x16xf32>
      tpu.vector_store %arg11[%swap3A_253, %swap3A_254], %swap3A_257 {strides = array<i32>} : memref<80x128xf32, #tpu.memory_space<vmem>>, vector<1x16xf32>,
      %get3A_258 = arith.index_cast %scan3A_236 : i32 to index
      %get3A_259 = arith.constant 32 : index
      %get3A_260 = tpu.vector_load %arg11[%get3A_258, %get3A_259] {strides = array<i32>} : memref<80x128xf32, #tpu.memory_space<vmem>>, vector<1x16xf32>,
      %get3A_261 = vector.shape_cast %get3A_260 : vector<1x16xf32> to vector<16xf32>
      %max3A_262 = arith.constant 0.000000e+00 : f32
      %max3A_263 = vector.broadcast %max3A_262 : f32 to vector<16xf32>
      %max3A_264 = arith.maximumf %get3A_261, %max3A_263 : vector<16xf32>
      %swap3A_265 = arith.index_cast %scan3A_236 : i32 to index
      %swap3A_266 = arith.constant 32 : index
      %swap3A_267 = tpu.vector_load %arg11[%swap3A_265, %swap3A_266] {strides = array<i32>} : memref<80x128xf32, #tpu.memory_space<vmem>>, vector<1x16xf32>,
      %swap3A_268 = vector.shape_cast %swap3A_267 : vector<1x16xf32> to vector<16xf32>
      %swap3A_269 = vector.shape_cast %max3A_264 : vector<16xf32> to vector<1x16xf32>
      tpu.vector_store %arg11[%swap3A_265, %swap3A_266], %swap3A_269 {strides = array<i32>} : memref<80x128xf32, #tpu.memory_space<vmem>>, vector<1x16xf32>,
      %get3A_270 = arith.index_cast %scan3A_236 : i32 to index
      %get3A_271 = arith.constant 48 : index
      %get3A_272 = tpu.vector_load %arg11[%get3A_270, %get3A_271] {strides = array<i32>} : memref<80x128xf32, #tpu.memory_space<vmem>>, vector<1x16xf32>,
      %get3A_273 = vector.shape_cast %get3A_272 : vector<1x16xf32> to vector<16xf32>
      %max3A_274 = arith.constant 0.000000e+00 : f32
      %max3A_275 = vector.broadcast %max3A_274 : f32 to vector<16xf32>
      %max3A_276 = arith.maximumf %get3A_273, %max3A_275 : vector<16xf32>
      %swap3A_277 = arith.index_cast %scan3A_236 : i32 to index
      %swap3A_278 = arith.constant 48 : index
      %swap3A_279 = tpu.vector_load %arg11[%swap3A_277, %swap3A_278] {strides = array<i32>} : memref<80x128xf32, #tpu.memory_space<vmem>>, vector<1x16xf32>,
      %swap3A_280 = vector.shape_cast %swap3A_279 : vector<1x16xf32> to vector<16xf32>
      %swap3A_281 = vector.shape_cast %max3A_276 : vector<16xf32> to vector<1x16xf32>
      tpu.vector_store %arg11[%swap3A_277, %swap3A_278], %swap3A_281 {strides = array<i32>} : memref<80x128xf32, #tpu.memory_space<vmem>>, vector<1x16xf32>,
      %get3A_282 = arith.index_cast %scan3A_236 : i32 to index
      %get3A_283 = arith.constant 64 : index
      %get3A_284 = tpu.vector_load %arg11[%get3A_282, %get3A_283] {strides = array<i32>} : memref<80x128xf32, #tpu.memory_space<vmem>>, vector<1x16xf32>,
      %get3A_285 = vector.shape_cast %get3A_284 : vector<1x16xf32> to vector<16xf32>
      %max3A_286 = arith.constant 0.000000e+00 : f32
      %max3A_287 = vector.broadcast %max3A_286 : f32 to vector<16xf32>
      %max3A_288 = arith.maximumf %get3A_285, %max3A_287 : vector<16xf32>
      %swap3A_289 = arith.index_cast %scan3A_236 : i32 to index
      %swap3A_290 = arith.constant 64 : index
      %swap3A_291 = tpu.vector_load %arg11[%swap3A_289, %swap3A_290] {strides = array<i32>} : memref<80x128xf32, #tpu.memory_space<vmem>>, vector<1x16xf32>,
      %swap3A_292 = vector.shape_cast %swap3A_291 : vector<1x16xf32> to vector<16xf32>
      %swap3A_293 = vector.shape_cast %max3A_288 : vector<16xf32> to vector<1x16xf32>
      tpu.vector_store %arg11[%swap3A_289, %swap3A_290], %swap3A_293 {strides = array<i32>} : memref<80x128xf32, #tpu.memory_space<vmem>>, vector<1x16xf32>,
      %get3A_294 = arith.index_cast %scan3A_236 : i32 to index
      %get3A_295 = arith.constant 80 : index
      %get3A_296 = tpu.vector_load %arg11[%get3A_294, %get3A_295] {strides = array<i32>} : memref<80x128xf32, #tpu.memory_space<vmem>>, vector<1x16xf32>,
      %get3A_297 = vector.shape_cast %get3A_296 : vector<1x16xf32> to vector<16xf32>
      %max3A_298 = arith.constant 0.000000e+00 : f32
      %max3A_299 = vector.broadcast %max3A_298 : f32 to vector<16xf32>
      %max3A_300 = arith.maximumf %get3A_297, %max3A_299 : vector<16xf32>
      %swap3A_301 = arith.index_cast %scan3A_236 : i32 to index
      %swap3A_302 = arith.constant 80 : index
      %swap3A_303 = tpu.vector_load %arg11[%swap3A_301, %swap3A_302] {strides = array<i32>} : memref<80x128xf32, #tpu.memory_space<vmem>>, vector<1x16xf32>,
      %swap3A_304 = vector.shape_cast %swap3A_303 : vector<1x16xf32> to vector<16xf32>
      %swap3A_305 = vector.shape_cast %max3A_300 : vector<16xf32> to vector<1x16xf32>
      tpu.vector_store %arg11[%swap3A_301, %swap3A_302], %swap3A_305 {strides = array<i32>} : memref<80x128xf32, #tpu.memory_space<vmem>>, vector<1x16xf32>,
      %get3A_306 = arith.index_cast %scan3A_236 : i32 to index
      %get3A_307 = arith.constant 96 : index
      %get3A_308 = tpu.vector_load %arg11[%get3A_306, %get3A_307] {strides = array<i32>} : memref<80x128xf32, #tpu.memory_space<vmem>>, vector<1x16xf32>,
      %get3A_309 = vector.shape_cast %get3A_308 : vector<1x16xf32> to vector<16xf32>
      %max3A_310 = arith.constant 0.000000e+00 : f32
      %max3A_311 = vector.broadcast %max3A_310 : f32 to vector<16xf32>
      %max3A_312 = arith.maximumf %get3A_309, %max3A_311 : vector<16xf32>
      %swap3A_313 = arith.index_cast %scan3A_236 : i32 to index
      %swap3A_314 = arith.constant 96 : index
      %swap3A_315 = tpu.vector_load %arg11[%swap3A_313, %swap3A_314] {strides = array<i32>} : memref<80x128xf32, #tpu.memory_space<vmem>>, vector<1x16xf32>,
      %swap3A_316 = vector.shape_cast %swap3A_315 : vector<1x16xf32> to vector<16xf32>
      %swap3A_317 = vector.shape_cast %max3A_312 : vector<16xf32> to vector<1x16xf32>
      tpu.vector_store %arg11[%swap3A_313, %swap3A_314], %swap3A_317 {strides = array<i32>} : memref<80x128xf32, #tpu.memory_space<vmem>>, vector<1x16xf32>,
      %get3A_318 = arith.index_cast %scan3A_236 : i32 to index
      %get3A_319 = arith.constant 112 : index
      %get3A_320 = tpu.vector_load %arg11[%get3A_318, %get3A_319] {strides = array<i32>} : memref<80x128xf32, #tpu.memory_space<vmem>>, vector<1x16xf32>,
      %get3A_321 = vector.shape_cast %get3A_320 : vector<1x16xf32> to vector<16xf32>
      %max3A_322 = arith.constant 0.000000e+00 : f32
      %max3A_323 = vector.broadcast %max3A_322 : f32 to vector<16xf32>
      %max3A_324 = arith.maximumf %get3A_321, %max3A_323 : vector<16xf32>
      %swap3A_325 = arith.index_cast %scan3A_236 : i32 to index
      %swap3A_326 = arith.constant 112 : index
      %swap3A_327 = tpu.vector_load %arg11[%swap3A_325, %swap3A_326] {strides = array<i32>} : memref<80x128xf32, #tpu.memory_space<vmem>>, vector<1x16xf32>,
      %swap3A_328 = vector.shape_cast %swap3A_327 : vector<1x16xf32> to vector<16xf32>
      %swap3A_329 = vector.shape_cast %max3A_324 : vector<16xf32> to vector<1x16xf32>
      tpu.vector_store %arg11[%swap3A_325, %swap3A_326], %swap3A_329 {strides = array<i32>} : memref<80x128xf32, #tpu.memory_space<vmem>>, vector<1x16xf32>,
    }
    %scan3A_75 = arith.constant 80 : i32
    %dma_start3A_76 = arith.constant 0 : i32
    %dma_start3A_77 = arith.constant 0 : i32
    %dma_start3A_78 = tpu.memref_slice %arg18[%dma_start3A_76, %dma_start3A_77] : memref<10240x128xf32, #tpu.memory_space<vmem_shared>> -> memref<10240x128xf32, #tpu.memory_space<vmem_shared>>
    tpu.enqueue_indirect_dma source(%arg11 : memref<80x128xf32, #tpu.memory_space<vmem>>) target(%dma_start3A_78 : memref<10240x128xf32, #tpu.memory_space<vmem_shared>>) offsets(%arg10 : memref<80xi32, #tpu.memory_space<vmem>>) semaphore(%arg25 : memref<!tpu.dma_semaphore, #tpu.memory_space<semaphore_mem>>) {add = true}
    %dma_wait3A_79 = arith.constant 0 : i32
    %dma_wait3A_80 = arith.constant 0 : i32
    %dma_wait3A_81 = tpu.memref_slice %arg2[%dma_wait3A_79, %dma_wait3A_80] : memref<10000x128xf32, #tpu.memory_space<hbm>> -> memref<10000x128xf32, #tpu.memory_space<hbm>>
    tpu.wait_indirect_dma semaphore(%arg23 : memref<!tpu.dma_semaphore, #tpu.memory_space<semaphore_mem>>) src(%dma_wait3A_81 : memref<10000x128xf32, #tpu.memory_space<hbm>>) dst(%arg14 : memref<80x128xf32, #tpu.memory_space<vmem>>)
    %dma_wait3A_82 = arith.constant 0 : i32
    %dma_wait3A_83 = arith.constant 0 : i32
    %dma_wait3A_84 = tpu.memref_slice %arg3[%dma_wait3A_82, %dma_wait3A_83] : memref<10000x128xf32, #tpu.memory_space<hbm>> -> memref<10000x128xf32, #tpu.memory_space<hbm>>
    tpu.wait_indirect_dma semaphore(%arg23 : memref<!tpu.dma_semaphore, #tpu.memory_space<semaphore_mem>>) src(%dma_wait3A_84 : memref<10000x128xf32, #tpu.memory_space<hbm>>) dst(%arg14 : memref<80x128xf32, #tpu.memory_space<vmem>>)
    %add3A_85 = arith.constant 160 : i32
    %add3A_86 = arith.addi %mul3A_2, %add3A_85 : i32
    %dma_wait3A_87 = tpu.memref_slice %arg5[%add3A_86] : memref<320000xi32, #tpu.memory_space<hbm>> -> memref<80xi32, #tpu.memory_space<hbm>>
    %dma_wait3A_88 = tpu.memref_slice %arg5[%add3A_86] : memref<320000xi32, #tpu.memory_space<hbm>> -> memref<80xi32, #tpu.memory_space<hbm>>
    tpu.wait_dma2 semaphore(%arg21 : memref<!tpu.dma_semaphore, #tpu.memory_space<semaphore_mem>>) src(%dma_wait3A_88 : memref<80xi32, #tpu.memory_space<hbm>>) dst(%arg15 : memref<80xi32, #tpu.memory_space<vmem>>)
    %dma_wait3A_89 = tpu.memref_slice %arg6[%add3A_86] : memref<320000xi32, #tpu.memory_space<hbm>> -> memref<80xi32, #tpu.memory_space<hbm>>
    %dma_wait3A_90 = tpu.memref_slice %arg6[%add3A_86] : memref<320000xi32, #tpu.memory_space<hbm>> -> memref<80xi32, #tpu.memory_space<hbm>>
    tpu.wait_dma2 semaphore(%arg21 : memref<!tpu.dma_semaphore, #tpu.memory_space<semaphore_mem>>) src(%dma_wait3A_90 : memref<80xi32, #tpu.memory_space<hbm>>) dst(%arg16 : memref<80xi32, #tpu.memory_space<vmem>>)
    %dma_wait3A_91 = arith.constant 0 : i32
    %dma_wait3A_92 = tpu.memref_slice %arg4[%add3A_86, %dma_wait3A_91] : memref<320000x128xf32, #tpu.memory_space<hbm>> -> memref<80x128xf32, #tpu.memory_space<hbm>>
    %dma_wait3A_93 = arith.constant 0 : i32
    %dma_wait3A_94 = tpu.memref_slice %arg4[%add3A_86, %dma_wait3A_93] : memref<320000x128xf32, #tpu.memory_space<hbm>> -> memref<80x128xf32, #tpu.memory_space<hbm>>
    tpu.wait_dma2 semaphore(%arg21 : memref<!tpu.dma_semaphore, #tpu.memory_space<semaphore_mem>>) src(%dma_wait3A_94 : memref<80x128xf32, #tpu.memory_space<hbm>>) dst(%arg17 : memref<80x128xf32, #tpu.memory_space<vmem>>)
    %dma_start3A_95 = arith.constant 0 : i32
    %dma_start3A_96 = arith.constant 0 : i32
    %dma_start3A_97 = tpu.memref_slice %arg2[%dma_start3A_95, %dma_start3A_96] : memref<10000x128xf32, #tpu.memory_space<hbm>> -> memref<10000x128xf32, #tpu.memory_space<hbm>>
    tpu.enqueue_indirect_dma source(%dma_start3A_97 : memref<10000x128xf32, #tpu.memory_space<hbm>>) target(%arg17 : memref<80x128xf32, #tpu.memory_space<vmem>>) offsets(%arg15 : memref<80xi32, #tpu.memory_space<vmem>>) semaphore(%arg24 : memref<!tpu.dma_semaphore, #tpu.memory_space<semaphore_mem>>) {add = true}
    %dma_start3A_98 = arith.constant 0 : i32
    %dma_start3A_99 = arith.constant 0 : i32
    %dma_start3A_100 = tpu.memref_slice %arg3[%dma_start3A_98, %dma_start3A_99] : memref<10000x128xf32, #tpu.memory_space<hbm>> -> memref<10000x128xf32, #tpu.memory_space<hbm>>
    tpu.enqueue_indirect_dma source(%dma_start3A_100 : memref<10000x128xf32, #tpu.memory_space<hbm>>) target(%arg17 : memref<80x128xf32, #tpu.memory_space<vmem>>) offsets(%arg16 : memref<80xi32, #tpu.memory_space<vmem>>) semaphore(%arg24 : memref<!tpu.dma_semaphore, #tpu.memory_space<semaphore_mem>>) {add = true}
    %dma_wait3A_101 = arith.constant 0 : i32
    %dma_wait3A_102 = arith.constant 0 : i32
    %dma_wait3A_103 = tpu.memref_slice %arg18[%dma_wait3A_101, %dma_wait3A_102] : memref<10240x128xf32, #tpu.memory_space<vmem_shared>> -> memref<10240x128xf32, #tpu.memory_space<vmem_shared>>
    tpu.wait_indirect_dma semaphore(%arg25 : memref<!tpu.dma_semaphore, #tpu.memory_space<semaphore_mem>>) src(%arg11 : memref<80x128xf32, #tpu.memory_space<vmem>>) dst(%dma_wait3A_103 : memref<10240x128xf32, #tpu.memory_space<vmem_shared>>)
    %add3A_104 = arith.constant 240 : i32
    %add3A_105 = arith.addi %mul3A_2, %add3A_104 : i32
    %dma_start3A_106 = tpu.memref_slice %arg5[%add3A_105] : memref<320000xi32, #tpu.memory_space<hbm>> -> memref<80xi32, #tpu.memory_space<hbm>>
    %dma_start3A_107 = tpu.memref_slice %arg5[%add3A_105] : memref<320000xi32, #tpu.memory_space<hbm>> -> memref<80xi32, #tpu.memory_space<hbm>>
    tpu.enqueue_dma source(%dma_start3A_107 : memref<80xi32, #tpu.memory_space<hbm>>) target(%arg9 : memref<80xi32, #tpu.memory_space<vmem>>) target_semaphore(%arg19 : memref<!tpu.dma_semaphore, #tpu.memory_space<semaphore_mem>>)
    %dma_start3A_108 = tpu.memref_slice %arg6[%add3A_105] : memref<320000xi32, #tpu.memory_space<hbm>> -> memref<80xi32, #tpu.memory_space<hbm>>
    %dma_start3A_109 = tpu.memref_slice %arg6[%add3A_105] : memref<320000xi32, #tpu.memory_space<hbm>> -> memref<80xi32, #tpu.memory_space<hbm>>
    tpu.enqueue_dma source(%dma_start3A_109 : memref<80xi32, #tpu.memory_space<hbm>>) target(%arg10 : memref<80xi32, #tpu.memory_space<vmem>>) target_semaphore(%arg19 : memref<!tpu.dma_semaphore, #tpu.memory_space<semaphore_mem>>)
    %dma_start3A_110 = arith.constant 0 : i32
    %dma_start3A_111 = tpu.memref_slice %arg4[%add3A_105, %dma_start3A_110] : memref<320000x128xf32, #tpu.memory_space<hbm>> -> memref<80x128xf32, #tpu.memory_space<hbm>>
    %dma_start3A_112 = arith.constant 0 : i32
    %dma_start3A_113 = tpu.memref_slice %arg4[%add3A_105, %dma_start3A_112] : memref<320000x128xf32, #tpu.memory_space<hbm>> -> memref<80x128xf32, #tpu.memory_space<hbm>>
    tpu.enqueue_dma source(%dma_start3A_113 : memref<80x128xf32, #tpu.memory_space<hbm>>) target(%arg11 : memref<80x128xf32, #tpu.memory_space<vmem>>) target_semaphore(%arg19 : memref<!tpu.dma_semaphore, #tpu.memory_space<semaphore_mem>>)
    %scan3A_114 = arith.constant 0 : i32
    %scan3A_115 = arith.constant 0 : i32
    %scan3A_116 = arith.constant 80 : i32
    %scan3A_117 = arith.addi %scan3A_115, %scan3A_116 : i32
    %scan3A_118 = arith.constant 1 : i32
    scf.for %scan3A_236 = %scan3A_115 to %scan3A_117 step %scan3A_118  : i32 {
      %get3A = arith.index_cast %scan3A_236 : i32 to index
      %get3A_237 = arith.constant 0 : index
      %get3A_238 = tpu.vector_load %arg14[%get3A, %get3A_237] {strides = array<i32>} : memref<80x128xf32, #tpu.memory_space<vmem>>, vector<1x16xf32>,
      %get3A_239 = vector.shape_cast %get3A_238 : vector<1x16xf32> to vector<16xf32>
      %max3A = arith.constant 0.000000e+00 : f32
      %max3A_240 = vector.broadcast %max3A : f32 to vector<16xf32>
      %max3A_241 = arith.maximumf %get3A_239, %max3A_240 : vector<16xf32>
      %swap3A = arith.index_cast %scan3A_236 : i32 to index
      %swap3A_242 = arith.constant 0 : index
      %swap3A_243 = tpu.vector_load %arg14[%swap3A, %swap3A_242] {strides = array<i32>} : memref<80x128xf32, #tpu.memory_space<vmem>>, vector<1x16xf32>,
      %swap3A_244 = vector.shape_cast %swap3A_243 : vector<1x16xf32> to vector<16xf32>
      %swap3A_245 = vector.shape_cast %max3A_241 : vector<16xf32> to vector<1x16xf32>
      tpu.vector_store %arg14[%swap3A, %swap3A_242], %swap3A_245 {strides = array<i32>} : memref<80x128xf32, #tpu.memory_space<vmem>>, vector<1x16xf32>,
      %get3A_246 = arith.index_cast %scan3A_236 : i32 to index
      %get3A_247 = arith.constant 16 : index
      %get3A_248 = tpu.vector_load %arg14[%get3A_246, %get3A_247] {strides = array<i32>} : memref<80x128xf32, #tpu.memory_space<vmem>>, vector<1x16xf32>,
      %get3A_249 = vector.shape_cast %get3A_248 : vector<1x16xf32> to vector<16xf32>
      %max3A_250 = arith.constant 0.000000e+00 : f32
      %max3A_251 = vector.broadcast %max3A_250 : f32 to vector<16xf32>
      %max3A_252 = arith.maximumf %get3A_249, %max3A_251 : vector<16xf32>
      %swap3A_253 = arith.index_cast %scan3A_236 : i32 to index
      %swap3A_254 = arith.constant 16 : index
      %swap3A_255 = tpu.vector_load %arg14[%swap3A_253, %swap3A_254] {strides = array<i32>} : memref<80x128xf32, #tpu.memory_space<vmem>>, vector<1x16xf32>,
      %swap3A_256 = vector.shape_cast %swap3A_255 : vector<1x16xf32> to vector<16xf32>
      %swap3A_257 = vector.shape_cast %max3A_252 : vector<16xf32> to vector<1x16xf32>
      tpu.vector_store %arg14[%swap3A_253, %swap3A_254], %swap3A_257 {strides = array<i32>} : memref<80x128xf32, #tpu.memory_space<vmem>>, vector<1x16xf32>,
      %get3A_258 = arith.index_cast %scan3A_236 : i32 to index
      %get3A_259 = arith.constant 32 : index
      %get3A_260 = tpu.vector_load %arg14[%get3A_258, %get3A_259] {strides = array<i32>} : memref<80x128xf32, #tpu.memory_space<vmem>>, vector<1x16xf32>,
      %get3A_261 = vector.shape_cast %get3A_260 : vector<1x16xf32> to vector<16xf32>
      %max3A_262 = arith.constant 0.000000e+00 : f32
      %max3A_263 = vector.broadcast %max3A_262 : f32 to vector<16xf32>
      %max3A_264 = arith.maximumf %get3A_261, %max3A_263 : vector<16xf32>
      %swap3A_265 = arith.index_cast %scan3A_236 : i32 to index
      %swap3A_266 = arith.constant 32 : index
      %swap3A_267 = tpu.vector_load %arg14[%swap3A_265, %swap3A_266] {strides = array<i32>} : memref<80x128xf32, #tpu.memory_space<vmem>>, vector<1x16xf32>,
      %swap3A_268 = vector.shape_cast %swap3A_267 : vector<1x16xf32> to vector<16xf32>
      %swap3A_269 = vector.shape_cast %max3A_264 : vector<16xf32> to vector<1x16xf32>
      tpu.vector_store %arg14[%swap3A_265, %swap3A_266], %swap3A_269 {strides = array<i32>} : memref<80x128xf32, #tpu.memory_space<vmem>>, vector<1x16xf32>,
      %get3A_270 = arith.index_cast %scan3A_236 : i32 to index
      %get3A_271 = arith.constant 48 : index
      %get3A_272 = tpu.vector_load %arg14[%get3A_270, %get3A_271] {strides = array<i32>} : memref<80x128xf32, #tpu.memory_space<vmem>>, vector<1x16xf32>,
      %get3A_273 = vector.shape_cast %get3A_272 : vector<1x16xf32> to vector<16xf32>
      %max3A_274 = arith.constant 0.000000e+00 : f32
      %max3A_275 = vector.broadcast %max3A_274 : f32 to vector<16xf32>
      %max3A_276 = arith.maximumf %get3A_273, %max3A_275 : vector<16xf32>
      %swap3A_277 = arith.index_cast %scan3A_236 : i32 to index
      %swap3A_278 = arith.constant 48 : index
      %swap3A_279 = tpu.vector_load %arg14[%swap3A_277, %swap3A_278] {strides = array<i32>} : memref<80x128xf32, #tpu.memory_space<vmem>>, vector<1x16xf32>,
      %swap3A_280 = vector.shape_cast %swap3A_279 : vector<1x16xf32> to vector<16xf32>
      %swap3A_281 = vector.shape_cast %max3A_276 : vector<16xf32> to vector<1x16xf32>
      tpu.vector_store %arg14[%swap3A_277, %swap3A_278], %swap3A_281 {strides = array<i32>} : memref<80x128xf32, #tpu.memory_space<vmem>>, vector<1x16xf32>,
      %get3A_282 = arith.index_cast %scan3A_236 : i32 to index
      %get3A_283 = arith.constant 64 : index
      %get3A_284 = tpu.vector_load %arg14[%get3A_282, %get3A_283] {strides = array<i32>} : memref<80x128xf32, #tpu.memory_space<vmem>>, vector<1x16xf32>,
      %get3A_285 = vector.shape_cast %get3A_284 : vector<1x16xf32> to vector<16xf32>
      %max3A_286 = arith.constant 0.000000e+00 : f32
      %max3A_287 = vector.broadcast %max3A_286 : f32 to vector<16xf32>
      %max3A_288 = arith.maximumf %get3A_285, %max3A_287 : vector<16xf32>
      %swap3A_289 = arith.index_cast %scan3A_236 : i32 to index
      %swap3A_290 = arith.constant 64 : index
      %swap3A_291 = tpu.vector_load %arg14[%swap3A_289, %swap3A_290] {strides = array<i32>} : memref<80x128xf32, #tpu.memory_space<vmem>>, vector<1x16xf32>,
      %swap3A_292 = vector.shape_cast %swap3A_291 : vector<1x16xf32> to vector<16xf32>
      %swap3A_293 = vector.shape_cast %max3A_288 : vector<16xf32> to vector<1x16xf32>
      tpu.vector_store %arg14[%swap3A_289, %swap3A_290], %swap3A_293 {strides = array<i32>} : memref<80x128xf32, #tpu.memory_space<vmem>>, vector<1x16xf32>,
      %get3A_294 = arith.index_cast %scan3A_236 : i32 to index
      %get3A_295 = arith.constant 80 : index
      %get3A_296 = tpu.vector_load %arg14[%get3A_294, %get3A_295] {strides = array<i32>} : memref<80x128xf32, #tpu.memory_space<vmem>>, vector<1x16xf32>,
      %get3A_297 = vector.shape_cast %get3A_296 : vector<1x16xf32> to vector<16xf32>
      %max3A_298 = arith.constant 0.000000e+00 : f32
      %max3A_299 = vector.broadcast %max3A_298 : f32 to vector<16xf32>
      %max3A_300 = arith.maximumf %get3A_297, %max3A_299 : vector<16xf32>
      %swap3A_301 = arith.index_cast %scan3A_236 : i32 to index
      %swap3A_302 = arith.constant 80 : index
      %swap3A_303 = tpu.vector_load %arg14[%swap3A_301, %swap3A_302] {strides = array<i32>} : memref<80x128xf32, #tpu.memory_space<vmem>>, vector<1x16xf32>,
      %swap3A_304 = vector.shape_cast %swap3A_303 : vector<1x16xf32> to vector<16xf32>
      %swap3A_305 = vector.shape_cast %max3A_300 : vector<16xf32> to vector<1x16xf32>
      tpu.vector_store %arg14[%swap3A_301, %swap3A_302], %swap3A_305 {strides = array<i32>} : memref<80x128xf32, #tpu.memory_space<vmem>>, vector<1x16xf32>,
      %get3A_306 = arith.index_cast %scan3A_236 : i32 to index
      %get3A_307 = arith.constant 96 : index
      %get3A_308 = tpu.vector_load %arg14[%get3A_306, %get3A_307] {strides = array<i32>} : memref<80x128xf32, #tpu.memory_space<vmem>>, vector<1x16xf32>,
      %get3A_309 = vector.shape_cast %get3A_308 : vector<1x16xf32> to vector<16xf32>
      %max3A_310 = arith.constant 0.000000e+00 : f32
      %max3A_311 = vector.broadcast %max3A_310 : f32 to vector<16xf32>
      %max3A_312 = arith.maximumf %get3A_309, %max3A_311 : vector<16xf32>
      %swap3A_313 = arith.index_cast %scan3A_236 : i32 to index
      %swap3A_314 = arith.constant 96 : index
      %swap3A_315 = tpu.vector_load %arg14[%swap3A_313, %swap3A_314] {strides = array<i32>} : memref<80x128xf32, #tpu.memory_space<vmem>>, vector<1x16xf32>,
      %swap3A_316 = vector.shape_cast %swap3A_315 : vector<1x16xf32> to vector<16xf32>
      %swap3A_317 = vector.shape_cast %max3A_312 : vector<16xf32> to vector<1x16xf32>
      tpu.vector_store %arg14[%swap3A_313, %swap3A_314], %swap3A_317 {strides = array<i32>} : memref<80x128xf32, #tpu.memory_space<vmem>>, vector<1x16xf32>,
      %get3A_318 = arith.index_cast %scan3A_236 : i32 to index
      %get3A_319 = arith.constant 112 : index
      %get3A_320 = tpu.vector_load %arg14[%get3A_318, %get3A_319] {strides = array<i32>} : memref<80x128xf32, #tpu.memory_space<vmem>>, vector<1x16xf32>,
      %get3A_321 = vector.shape_cast %get3A_320 : vector<1x16xf32> to vector<16xf32>
      %max3A_322 = arith.constant 0.000000e+00 : f32
      %max3A_323 = vector.broadcast %max3A_322 : f32 to vector<16xf32>
      %max3A_324 = arith.maximumf %get3A_321, %max3A_323 : vector<16xf32>
      %swap3A_325 = arith.index_cast %scan3A_236 : i32 to index
      %swap3A_326 = arith.constant 112 : index
      %swap3A_327 = tpu.vector_load %arg14[%swap3A_325, %swap3A_326] {strides = array<i32>} : memref<80x128xf32, #tpu.memory_space<vmem>>, vector<1x16xf32>,
      %swap3A_328 = vector.shape_cast %swap3A_327 : vector<1x16xf32> to vector<16xf32>
      %swap3A_329 = vector.shape_cast %max3A_324 : vector<16xf32> to vector<1x16xf32>
      tpu.vector_store %arg14[%swap3A_325, %swap3A_326], %swap3A_329 {strides = array<i32>} : memref<80x128xf32, #tpu.memory_space<vmem>>, vector<1x16xf32>,
    }
    %scan3A_119 = arith.constant 80 : i32
    %dma_start3A_120 = arith.constant 0 : i32
    %dma_start3A_121 = arith.constant 0 : i32
    %dma_start3A_122 = tpu.memref_slice %arg18[%dma_start3A_120, %dma_start3A_121] : memref<10240x128xf32, #tpu.memory_space<vmem_shared>> -> memref<10240x128xf32, #tpu.memory_space<vmem_shared>>
    tpu.enqueue_indirect_dma source(%arg14 : memref<80x128xf32, #tpu.memory_space<vmem>>) target(%dma_start3A_122 : memref<10240x128xf32, #tpu.memory_space<vmem_shared>>) offsets(%arg13 : memref<80xi32, #tpu.memory_space<vmem>>) semaphore(%arg26 : memref<!tpu.dma_semaphore, #tpu.memory_space<semaphore_mem>>) {add = true}
    %scan3A_123 = arith.constant 0 : i32
    %scan3A_124 = arith.constant 0 : i32
    %scan3A_125 = arith.constant 40 : i32
    %scan3A_126 = arith.addi %scan3A_124, %scan3A_125 : i32
    %scan3A_127 = arith.constant 1 : i32
    scf.for %scan3A_236 = %scan3A_124 to %scan3A_126 step %scan3A_127  : i32 {
      %mul3A_237 = arith.constant 3 : i32
      %mul3A_238 = arith.muli %mul3A_237, %scan3A_236 : i32
      %add3A_239 = arith.constant 2 : i32
      %add3A_240 = arith.addi %add3A_239, %mul3A_238 : i32
      %dma_wait3A_241 = arith.constant 0 : i32
      %dma_wait3A_242 = arith.constant 0 : i32
      %dma_wait3A_243 = tpu.memref_slice %arg2[%dma_wait3A_241, %dma_wait3A_242] : memref<10000x128xf32, #tpu.memory_space<hbm>> -> memref<10000x128xf32, #tpu.memory_space<hbm>>
      tpu.wait_indirect_dma semaphore(%arg24 : memref<!tpu.dma_semaphore, #tpu.memory_space<semaphore_mem>>) src(%dma_wait3A_243 : memref<10000x128xf32, #tpu.memory_space<hbm>>) dst(%arg17 : memref<80x128xf32, #tpu.memory_space<vmem>>)
      %dma_wait3A_244 = arith.constant 0 : i32
      %dma_wait3A_245 = arith.constant 0 : i32
      %dma_wait3A_246 = tpu.memref_slice %arg3[%dma_wait3A_244, %dma_wait3A_245] : memref<10000x128xf32, #tpu.memory_space<hbm>> -> memref<10000x128xf32, #tpu.memory_space<hbm>>
      tpu.wait_indirect_dma semaphore(%arg24 : memref<!tpu.dma_semaphore, #tpu.memory_space<semaphore_mem>>) src(%dma_wait3A_246 : memref<10000x128xf32, #tpu.memory_space<hbm>>) dst(%arg17 : memref<80x128xf32, #tpu.memory_space<vmem>>)
      %add3A_247 = arith.constant 1 : i32
      %add3A_248 = arith.addi %add3A_240, %add3A_247 : i32
      %mul3A_249 = arith.constant 80 : i32
      %mul3A_250 = arith.muli %add3A_248, %mul3A_249 : i32
      %add3A_251 = arith.addi %mul3A_2, %mul3A_250 : i32
      %dma_wait3A_252 = tpu.memref_slice %arg5[%add3A_251] : memref<320000xi32, #tpu.memory_space<hbm>> -> memref<80xi32, #tpu.memory_space<hbm>>
      %dma_wait3A_253 = tpu.memref_slice %arg5[%add3A_251] : memref<320000xi32, #tpu.memory_space<hbm>> -> memref<80xi32, #tpu.memory_space<hbm>>
      tpu.wait_dma2 semaphore(%arg19 : memref<!tpu.dma_semaphore, #tpu.memory_space<semaphore_mem>>) src(%dma_wait3A_253 : memref<80xi32, #tpu.memory_space<hbm>>) dst(%arg9 : memref<80xi32, #tpu.memory_space<vmem>>)
      %dma_wait3A_254 = tpu.memref_slice %arg6[%add3A_251] : memref<320000xi32, #tpu.memory_space<hbm>> -> memref<80xi32, #tpu.memory_space<hbm>>
      %dma_wait3A_255 = tpu.memref_slice %arg6[%add3A_251] : memref<320000xi32, #tpu.memory_space<hbm>> -> memref<80xi32, #tpu.memory_space<hbm>>
      tpu.wait_dma2 semaphore(%arg19 : memref<!tpu.dma_semaphore, #tpu.memory_space<semaphore_mem>>) src(%dma_wait3A_255 : memref<80xi32, #tpu.memory_space<hbm>>) dst(%arg10 : memref<80xi32, #tpu.memory_space<vmem>>)
      %dma_wait3A_256 = arith.constant 0 : i32
      %dma_wait3A_257 = tpu.memref_slice %arg4[%add3A_251, %dma_wait3A_256] : memref<320000x128xf32, #tpu.memory_space<hbm>> -> memref<80x128xf32, #tpu.memory_space<hbm>>
      %dma_wait3A_258 = arith.constant 0 : i32
      %dma_wait3A_259 = tpu.memref_slice %arg4[%add3A_251, %dma_wait3A_258] : memref<320000x128xf32, #tpu.memory_space<hbm>> -> memref<80x128xf32, #tpu.memory_space<hbm>>
      tpu.wait_dma2 semaphore(%arg19 : memref<!tpu.dma_semaphore, #tpu.memory_space<semaphore_mem>>) src(%dma_wait3A_259 : memref<80x128xf32, #tpu.memory_space<hbm>>) dst(%arg11 : memref<80x128xf32, #tpu.memory_space<vmem>>)
      %dma_start3A_260 = arith.constant 0 : i32
      %dma_start3A_261 = arith.constant 0 : i32
      %dma_start3A_262 = tpu.memref_slice %arg2[%dma_start3A_260, %dma_start3A_261] : memref<10000x128xf32, #tpu.memory_space<hbm>> -> memref<10000x128xf32, #tpu.memory_space<hbm>>
      tpu.enqueue_indirect_dma source(%dma_start3A_262 : memref<10000x128xf32, #tpu.memory_space<hbm>>) target(%arg11 : memref<80x128xf32, #tpu.memory_space<vmem>>) offsets(%arg9 : memref<80xi32, #tpu.memory_space<vmem>>) semaphore(%arg22 : memref<!tpu.dma_semaphore, #tpu.memory_space<semaphore_mem>>) {add = true}
      %dma_start3A_263 = arith.constant 0 : i32
      %dma_start3A_264 = arith.constant 0 : i32
      %dma_start3A_265 = tpu.memref_slice %arg3[%dma_start3A_263, %dma_start3A_264] : memref<10000x128xf32, #tpu.memory_space<hbm>> -> memref<10000x128xf32, #tpu.memory_space<hbm>>
      tpu.enqueue_indirect_dma source(%dma_start3A_265 : memref<10000x128xf32, #tpu.memory_space<hbm>>) target(%arg11 : memref<80x128xf32, #tpu.memory_space<vmem>>) offsets(%arg10 : memref<80xi32, #tpu.memory_space<vmem>>) semaphore(%arg22 : memref<!tpu.dma_semaphore, #tpu.memory_space<semaphore_mem>>) {add = true}
      %dma_wait3A_266 = arith.constant 0 : i32
      %dma_wait3A_267 = arith.constant 0 : i32
      %dma_wait3A_268 = tpu.memref_slice %arg18[%dma_wait3A_266, %dma_wait3A_267] : memref<10240x128xf32, #tpu.memory_space<vmem_shared>> -> memref<10240x128xf32, #tpu.memory_space<vmem_shared>>
      tpu.wait_indirect_dma semaphore(%arg26 : memref<!tpu.dma_semaphore, #tpu.memory_space<semaphore_mem>>) src(%arg14 : memref<80x128xf32, #tpu.memory_space<vmem>>) dst(%dma_wait3A_268 : memref<10240x128xf32, #tpu.memory_space<vmem_shared>>)
      %add3A_269 = arith.constant 2 : i32
      %add3A_270 = arith.addi %add3A_240, %add3A_269 : i32
      %mul3A_271 = arith.constant 80 : i32
      %mul3A_272 = arith.muli %add3A_270, %mul3A_271 : i32
      %add3A_273 = arith.addi %mul3A_2, %mul3A_272 : i32
      %dma_start3A_274 = tpu.memref_slice %arg5[%add3A_273] : memref<320000xi32, #tpu.memory_space<hbm>> -> memref<80xi32, #tpu.memory_space<hbm>>
      %dma_start3A_275 = tpu.memref_slice %arg5[%add3A_273] : memref<320000xi32, #tpu.memory_space<hbm>> -> memref<80xi32, #tpu.memory_space<hbm>>
      tpu.enqueue_dma source(%dma_start3A_275 : memref<80xi32, #tpu.memory_space<hbm>>) target(%arg12 : memref<80xi32, #tpu.memory_space<vmem>>) target_semaphore(%arg20 : memref<!tpu.dma_semaphore, #tpu.memory_space<semaphore_mem>>)
      %dma_start3A_276 = tpu.memref_slice %arg6[%add3A_273] : memref<320000xi32, #tpu.memory_space<hbm>> -> memref<80xi32, #tpu.memory_space<hbm>>
      %dma_start3A_277 = tpu.memref_slice %arg6[%add3A_273] : memref<320000xi32, #tpu.memory_space<hbm>> -> memref<80xi32, #tpu.memory_space<hbm>>
      tpu.enqueue_dma source(%dma_start3A_277 : memref<80xi32, #tpu.memory_space<hbm>>) target(%arg13 : memref<80xi32, #tpu.memory_space<vmem>>) target_semaphore(%arg20 : memref<!tpu.dma_semaphore, #tpu.memory_space<semaphore_mem>>)
      %dma_start3A_278 = arith.constant 0 : i32
      %dma_start3A_279 = tpu.memref_slice %arg4[%add3A_273, %dma_start3A_278] : memref<320000x128xf32, #tpu.memory_space<hbm>> -> memref<80x128xf32, #tpu.memory_space<hbm>>
      %dma_start3A_280 = arith.constant 0 : i32
      %dma_start3A_281 = tpu.memref_slice %arg4[%add3A_273, %dma_start3A_280] : memref<320000x128xf32, #tpu.memory_space<hbm>> -> memref<80x128xf32, #tpu.memory_space<hbm>>
      tpu.enqueue_dma source(%dma_start3A_281 : memref<80x128xf32, #tpu.memory_space<hbm>>) target(%arg14 : memref<80x128xf32, #tpu.memory_space<vmem>>) target_semaphore(%arg20 : memref<!tpu.dma_semaphore, #tpu.memory_space<semaphore_mem>>)
      %scan3A_282 = arith.constant 0 : i32
      %scan3A_283 = arith.constant 0 : i32
      %scan3A_284 = arith.constant 80 : i32
      %scan3A_285 = arith.addi %scan3A_283, %scan3A_284 : i32
      %scan3A_286 = arith.constant 1 : i32
      scf.for %scan3A_395 = %scan3A_283 to %scan3A_285 step %scan3A_286  : i32 {
        %get3A = arith.index_cast %scan3A_395 : i32 to index
        %get3A_396 = arith.constant 0 : index
        %get3A_397 = tpu.vector_load %arg17[%get3A, %get3A_396] {strides = array<i32>} : memref<80x128xf32, #tpu.memory_space<vmem>>, vector<1x16xf32>,
        %get3A_398 = vector.shape_cast %get3A_397 : vector<1x16xf32> to vector<16xf32>
        %max3A = arith.constant 0.000000e+00 : f32
        %max3A_399 = vector.broadcast %max3A : f32 to vector<16xf32>
        %max3A_400 = arith.maximumf %get3A_398, %max3A_399 : vector<16xf32>
        %swap3A = arith.index_cast %scan3A_395 : i32 to index
        %swap3A_401 = arith.constant 0 : index
        %swap3A_402 = tpu.vector_load %arg17[%swap3A, %swap3A_401] {strides = array<i32>} : memref<80x128xf32, #tpu.memory_space<vmem>>, vector<1x16xf32>,
        %swap3A_403 = vector.shape_cast %swap3A_402 : vector<1x16xf32> to vector<16xf32>
        %swap3A_404 = vector.shape_cast %max3A_400 : vector<16xf32> to vector<1x16xf32>
        tpu.vector_store %arg17[%swap3A, %swap3A_401], %swap3A_404 {strides = array<i32>} : memref<80x128xf32, #tpu.memory_space<vmem>>, vector<1x16xf32>,
        %get3A_405 = arith.index_cast %scan3A_395 : i32 to index
        %get3A_406 = arith.constant 16 : index
        %get3A_407 = tpu.vector_load %arg17[%get3A_405, %get3A_406] {strides = array<i32>} : memref<80x128xf32, #tpu.memory_space<vmem>>, vector<1x16xf32>,
        %get3A_408 = vector.shape_cast %get3A_407 : vector<1x16xf32> to vector<16xf32>
        %max3A_409 = arith.constant 0.000000e+00 : f32
        %max3A_410 = vector.broadcast %max3A_409 : f32 to vector<16xf32>
        %max3A_411 = arith.maximumf %get3A_408, %max3A_410 : vector<16xf32>
        %swap3A_412 = arith.index_cast %scan3A_395 : i32 to index
        %swap3A_413 = arith.constant 16 : index
        %swap3A_414 = tpu.vector_load %arg17[%swap3A_412, %swap3A_413] {strides = array<i32>} : memref<80x128xf32, #tpu.memory_space<vmem>>, vector<1x16xf32>,
        %swap3A_415 = vector.shape_cast %swap3A_414 : vector<1x16xf32> to vector<16xf32>
        %swap3A_416 = vector.shape_cast %max3A_411 : vector<16xf32> to vector<1x16xf32>
        tpu.vector_store %arg17[%swap3A_412, %swap3A_413], %swap3A_416 {strides = array<i32>} : memref<80x128xf32, #tpu.memory_space<vmem>>, vector<1x16xf32>,
        %get3A_417 = arith.index_cast %scan3A_395 : i32 to index
        %get3A_418 = arith.constant 32 : index
        %get3A_419 = tpu.vector_load %arg17[%get3A_417, %get3A_418] {strides = array<i32>} : memref<80x128xf32, #tpu.memory_space<vmem>>, vector<1x16xf32>,
        %get3A_420 = vector.shape_cast %get3A_419 : vector<1x16xf32> to vector<16xf32>
        %max3A_421 = arith.constant 0.000000e+00 : f32
        %max3A_422 = vector.broadcast %max3A_421 : f32 to vector<16xf32>
        %max3A_423 = arith.maximumf %get3A_420, %max3A_422 : vector<16xf32>
        %swap3A_424 = arith.index_cast %scan3A_395 : i32 to index
        %swap3A_425 = arith.constant 32 : index
        %swap3A_426 = tpu.vector_load %arg17[%swap3A_424, %swap3A_425] {strides = array<i32>} : memref<80x128xf32, #tpu.memory_space<vmem>>, vector<1x16xf32>,
        %swap3A_427 = vector.shape_cast %swap3A_426 : vector<1x16xf32> to vector<16xf32>
        %swap3A_428 = vector.shape_cast %max3A_423 : vector<16xf32> to vector<1x16xf32>
        tpu.vector_store %arg17[%swap3A_424, %swap3A_425], %swap3A_428 {strides = array<i32>} : memref<80x128xf32, #tpu.memory_space<vmem>>, vector<1x16xf32>,
        %get3A_429 = arith.index_cast %scan3A_395 : i32 to index
        %get3A_430 = arith.constant 48 : index
        %get3A_431 = tpu.vector_load %arg17[%get3A_429, %get3A_430] {strides = array<i32>} : memref<80x128xf32, #tpu.memory_space<vmem>>, vector<1x16xf32>,
        %get3A_432 = vector.shape_cast %get3A_431 : vector<1x16xf32> to vector<16xf32>
        %max3A_433 = arith.constant 0.000000e+00 : f32
        %max3A_434 = vector.broadcast %max3A_433 : f32 to vector<16xf32>
        %max3A_435 = arith.maximumf %get3A_432, %max3A_434 : vector<16xf32>
        %swap3A_436 = arith.index_cast %scan3A_395 : i32 to index
        %swap3A_437 = arith.constant 48 : index
        %swap3A_438 = tpu.vector_load %arg17[%swap3A_436, %swap3A_437] {strides = array<i32>} : memref<80x128xf32, #tpu.memory_space<vmem>>, vector<1x16xf32>,
        %swap3A_439 = vector.shape_cast %swap3A_438 : vector<1x16xf32> to vector<16xf32>
        %swap3A_440 = vector.shape_cast %max3A_435 : vector<16xf32> to vector<1x16xf32>
        tpu.vector_store %arg17[%swap3A_436, %swap3A_437], %swap3A_440 {strides = array<i32>} : memref<80x128xf32, #tpu.memory_space<vmem>>, vector<1x16xf32>,
        %get3A_441 = arith.index_cast %scan3A_395 : i32 to index
        %get3A_442 = arith.constant 64 : index
        %get3A_443 = tpu.vector_load %arg17[%get3A_441, %get3A_442] {strides = array<i32>} : memref<80x128xf32, #tpu.memory_space<vmem>>, vector<1x16xf32>,
        %get3A_444 = vector.shape_cast %get3A_443 : vector<1x16xf32> to vector<16xf32>
        %max3A_445 = arith.constant 0.000000e+00 : f32
        %max3A_446 = vector.broadcast %max3A_445 : f32 to vector<16xf32>
        %max3A_447 = arith.maximumf %get3A_444, %max3A_446 : vector<16xf32>
        %swap3A_448 = arith.index_cast %scan3A_395 : i32 to index
        %swap3A_449 = arith.constant 64 : index
        %swap3A_450 = tpu.vector_load %arg17[%swap3A_448, %swap3A_449] {strides = array<i32>} : memref<80x128xf32, #tpu.memory_space<vmem>>, vector<1x16xf32>,
        %swap3A_451 = vector.shape_cast %swap3A_450 : vector<1x16xf32> to vector<16xf32>
        %swap3A_452 = vector.shape_cast %max3A_447 : vector<16xf32> to vector<1x16xf32>
        tpu.vector_store %arg17[%swap3A_448, %swap3A_449], %swap3A_452 {strides = array<i32>} : memref<80x128xf32, #tpu.memory_space<vmem>>, vector<1x16xf32>,
        %get3A_453 = arith.index_cast %scan3A_395 : i32 to index
        %get3A_454 = arith.constant 80 : index
        %get3A_455 = tpu.vector_load %arg17[%get3A_453, %get3A_454] {strides = array<i32>} : memref<80x128xf32, #tpu.memory_space<vmem>>, vector<1x16xf32>,
        %get3A_456 = vector.shape_cast %get3A_455 : vector<1x16xf32> to vector<16xf32>
        %max3A_457 = arith.constant 0.000000e+00 : f32
        %max3A_458 = vector.broadcast %max3A_457 : f32 to vector<16xf32>
        %max3A_459 = arith.maximumf %get3A_456, %max3A_458 : vector<16xf32>
        %swap3A_460 = arith.index_cast %scan3A_395 : i32 to index
        %swap3A_461 = arith.constant 80 : index
        %swap3A_462 = tpu.vector_load %arg17[%swap3A_460, %swap3A_461] {strides = array<i32>} : memref<80x128xf32, #tpu.memory_space<vmem>>, vector<1x16xf32>,
        %swap3A_463 = vector.shape_cast %swap3A_462 : vector<1x16xf32> to vector<16xf32>
        %swap3A_464 = vector.shape_cast %max3A_459 : vector<16xf32> to vector<1x16xf32>
        tpu.vector_store %arg17[%swap3A_460, %swap3A_461], %swap3A_464 {strides = array<i32>} : memref<80x128xf32, #tpu.memory_space<vmem>>, vector<1x16xf32>,
        %get3A_465 = arith.index_cast %scan3A_395 : i32 to index
        %get3A_466 = arith.constant 96 : index
        %get3A_467 = tpu.vector_load %arg17[%get3A_465, %get3A_466] {strides = array<i32>} : memref<80x128xf32, #tpu.memory_space<vmem>>, vector<1x16xf32>,
        %get3A_468 = vector.shape_cast %get3A_467 : vector<1x16xf32> to vector<16xf32>
        %max3A_469 = arith.constant 0.000000e+00 : f32
        %max3A_470 = vector.broadcast %max3A_469 : f32 to vector<16xf32>
        %max3A_471 = arith.maximumf %get3A_468, %max3A_470 : vector<16xf32>
        %swap3A_472 = arith.index_cast %scan3A_395 : i32 to index
        %swap3A_473 = arith.constant 96 : index
        %swap3A_474 = tpu.vector_load %arg17[%swap3A_472, %swap3A_473] {strides = array<i32>} : memref<80x128xf32, #tpu.memory_space<vmem>>, vector<1x16xf32>,
        %swap3A_475 = vector.shape_cast %swap3A_474 : vector<1x16xf32> to vector<16xf32>
        %swap3A_476 = vector.shape_cast %max3A_471 : vector<16xf32> to vector<1x16xf32>
        tpu.vector_store %arg17[%swap3A_472, %swap3A_473], %swap3A_476 {strides = array<i32>} : memref<80x128xf32, #tpu.memory_space<vmem>>, vector<1x16xf32>,
        %get3A_477 = arith.index_cast %scan3A_395 : i32 to index
        %get3A_478 = arith.constant 112 : index
        %get3A_479 = tpu.vector_load %arg17[%get3A_477, %get3A_478] {strides = array<i32>} : memref<80x128xf32, #tpu.memory_space<vmem>>, vector<1x16xf32>,
        %get3A_480 = vector.shape_cast %get3A_479 : vector<1x16xf32> to vector<16xf32>
        %max3A_481 = arith.constant 0.000000e+00 : f32
        %max3A_482 = vector.broadcast %max3A_481 : f32 to vector<16xf32>
        %max3A_483 = arith.maximumf %get3A_480, %max3A_482 : vector<16xf32>
        %swap3A_484 = arith.index_cast %scan3A_395 : i32 to index
        %swap3A_485 = arith.constant 112 : index
        %swap3A_486 = tpu.vector_load %arg17[%swap3A_484, %swap3A_485] {strides = array<i32>} : memref<80x128xf32, #tpu.memory_space<vmem>>, vector<1x16xf32>,
        %swap3A_487 = vector.shape_cast %swap3A_486 : vector<1x16xf32> to vector<16xf32>
        %swap3A_488 = vector.shape_cast %max3A_483 : vector<16xf32> to vector<1x16xf32>
        tpu.vector_store %arg17[%swap3A_484, %swap3A_485], %swap3A_488 {strides = array<i32>} : memref<80x128xf32, #tpu.memory_space<vmem>>, vector<1x16xf32>,
      }
      %scan3A_287 = arith.constant 80 : i32
      %dma_start3A_288 = arith.constant 0 : i32
      %dma_start3A_289 = arith.constant 0 : i32
      %dma_start3A_290 = tpu.memref_slice %arg18[%dma_start3A_288, %dma_start3A_289] : memref<10240x128xf32, #tpu.memory_space<vmem_shared>> -> memref<10240x128xf32, #tpu.memory_space<vmem_shared>>
      tpu.enqueue_indirect_dma source(%arg17 : memref<80x128xf32, #tpu.memory_space<vmem>>) target(%dma_start3A_290 : memref<10240x128xf32, #tpu.memory_space<vmem_shared>>) offsets(%arg16 : memref<80xi32, #tpu.memory_space<vmem>>) semaphore(%arg27 : memref<!tpu.dma_semaphore, #tpu.memory_space<semaphore_mem>>) {add = true}
      %add3A_291 = arith.constant 1 : i32
      %add3A_292 = arith.addi %add3A_240, %add3A_291 : i32
      %dma_wait3A_293 = arith.constant 0 : i32
      %dma_wait3A_294 = arith.constant 0 : i32
      %dma_wait3A_295 = tpu.memref_slice %arg2[%dma_wait3A_293, %dma_wait3A_294] : memref<10000x128xf32, #tpu.memory_space<hbm>> -> memref<10000x128xf32, #tpu.memory_space<hbm>>
      tpu.wait_indirect_dma semaphore(%arg22 : memref<!tpu.dma_semaphore, #tpu.memory_space<semaphore_mem>>) src(%dma_wait3A_295 : memref<10000x128xf32, #tpu.memory_space<hbm>>) dst(%arg11 : memref<80x128xf32, #tpu.memory_space<vmem>>)
      %dma_wait3A_296 = arith.constant 0 : i32
      %dma_wait3A_297 = arith.constant 0 : i32
      %dma_wait3A_298 = tpu.memref_slice %arg3[%dma_wait3A_296, %dma_wait3A_297] : memref<10000x128xf32, #tpu.memory_space<hbm>> -> memref<10000x128xf32, #tpu.memory_space<hbm>>
      tpu.wait_indirect_dma semaphore(%arg22 : memref<!tpu.dma_semaphore, #tpu.memory_space<semaphore_mem>>) src(%dma_wait3A_298 : memref<10000x128xf32, #tpu.memory_space<hbm>>) dst(%arg11 : memref<80x128xf32, #tpu.memory_space<vmem>>)
      %add3A_299 = arith.constant 1 : i32
      %add3A_300 = arith.addi %add3A_292, %add3A_299 : i32
      %mul3A_301 = arith.constant 80 : i32
      %mul3A_302 = arith.muli %add3A_300, %mul3A_301 : i32
      %add3A_303 = arith.addi %mul3A_2, %mul3A_302 : i32
      %dma_wait3A_304 = tpu.memref_slice %arg5[%add3A_303] : memref<320000xi32, #tpu.memory_space<hbm>> -> memref<80xi32, #tpu.memory_space<hbm>>
      %dma_wait3A_305 = tpu.memref_slice %arg5[%add3A_303] : memref<320000xi32, #tpu.memory_space<hbm>> -> memref<80xi32, #tpu.memory_space<hbm>>
      tpu.wait_dma2 semaphore(%arg20 : memref<!tpu.dma_semaphore, #tpu.memory_space<semaphore_mem>>) src(%dma_wait3A_305 : memref<80xi32, #tpu.memory_space<hbm>>) dst(%arg12 : memref<80xi32, #tpu.memory_space<vmem>>)
      %dma_wait3A_306 = tpu.memref_slice %arg6[%add3A_303] : memref<320000xi32, #tpu.memory_space<hbm>> -> memref<80xi32, #tpu.memory_space<hbm>>
      %dma_wait3A_307 = tpu.memref_slice %arg6[%add3A_303] : memref<320000xi32, #tpu.memory_space<hbm>> -> memref<80xi32, #tpu.memory_space<hbm>>
      tpu.wait_dma2 semaphore(%arg20 : memref<!tpu.dma_semaphore, #tpu.memory_space<semaphore_mem>>) src(%dma_wait3A_307 : memref<80xi32, #tpu.memory_space<hbm>>) dst(%arg13 : memref<80xi32, #tpu.memory_space<vmem>>)
      %dma_wait3A_308 = arith.constant 0 : i32
      %dma_wait3A_309 = tpu.memref_slice %arg4[%add3A_303, %dma_wait3A_308] : memref<320000x128xf32, #tpu.memory_space<hbm>> -> memref<80x128xf32, #tpu.memory_space<hbm>>
      %dma_wait3A_310 = arith.constant 0 : i32
      %dma_wait3A_311 = tpu.memref_slice %arg4[%add3A_303, %dma_wait3A_310] : memref<320000x128xf32, #tpu.memory_space<hbm>> -> memref<80x128xf32, #tpu.memory_space<hbm>>
      tpu.wait_dma2 semaphore(%arg20 : memref<!tpu.dma_semaphore, #tpu.memory_space<semaphore_mem>>) src(%dma_wait3A_311 : memref<80x128xf32, #tpu.memory_space<hbm>>) dst(%arg14 : memref<80x128xf32, #tpu.memory_space<vmem>>)
      %dma_start3A_312 = arith.constant 0 : i32
      %dma_start3A_313 = arith.constant 0 : i32
      %dma_start3A_314 = tpu.memref_slice %arg2[%dma_start3A_312, %dma_start3A_313] : memref<10000x128xf32, #tpu.memory_space<hbm>> -> memref<10000x128xf32, #tpu.memory_space<hbm>>
      tpu.enqueue_indirect_dma source(%dma_start3A_314 : memref<10000x128xf32, #tpu.memory_space<hbm>>) target(%arg14 : memref<80x128xf32, #tpu.memory_space<vmem>>) offsets(%arg12 : memref<80xi32, #tpu.memory_space<vmem>>) semaphore(%arg23 : memref<!tpu.dma_semaphore, #tpu.memory_space<semaphore_mem>>) {add = true}
      %dma_start3A_315 = arith.constant 0 : i32
      %dma_start3A_316 = arith.constant 0 : i32
      %dma_start3A_317 = tpu.memref_slice %arg3[%dma_start3A_315, %dma_start3A_316] : memref<10000x128xf32, #tpu.memory_space<hbm>> -> memref<10000x128xf32, #tpu.memory_space<hbm>>
      tpu.enqueue_indirect_dma source(%dma_start3A_317 : memref<10000x128xf32, #tpu.memory_space<hbm>>) target(%arg14 : memref<80x128xf32, #tpu.memory_space<vmem>>) offsets(%arg13 : memref<80xi32, #tpu.memory_space<vmem>>) semaphore(%arg23 : memref<!tpu.dma_semaphore, #tpu.memory_space<semaphore_mem>>) {add = true}
      %dma_wait3A_318 = arith.constant 0 : i32
      %dma_wait3A_319 = arith.constant 0 : i32
      %dma_wait3A_320 = tpu.memref_slice %arg18[%dma_wait3A_318, %dma_wait3A_319] : memref<10240x128xf32, #tpu.memory_space<vmem_shared>> -> memref<10240x128xf32, #tpu.memory_space<vmem_shared>>
      tpu.wait_indirect_dma semaphore(%arg27 : memref<!tpu.dma_semaphore, #tpu.memory_space<semaphore_mem>>) src(%arg17 : memref<80x128xf32, #tpu.memory_space<vmem>>) dst(%dma_wait3A_320 : memref<10240x128xf32, #tpu.memory_space<vmem_shared>>)
      %add3A_321 = arith.constant 2 : i32
      %add3A_322 = arith.addi %add3A_292, %add3A_321 : i32
      %mul3A_323 = arith.constant 80 : i32
      %mul3A_324 = arith.muli %add3A_322, %mul3A_323 : i32
      %add3A_325 = arith.addi %mul3A_2, %mul3A_324 : i32
      %dma_start3A_326 = tpu.memref_slice %arg5[%add3A_325] : memref<320000xi32, #tpu.memory_space<hbm>> -> memref<80xi32, #tpu.memory_space<hbm>>
      %dma_start3A_327 = tpu.memref_slice %arg5[%add3A_325] : memref<320000xi32, #tpu.memory_space<hbm>> -> memref<80xi32, #tpu.memory_space<hbm>>
      tpu.enqueue_dma source(%dma_start3A_327 : memref<80xi32, #tpu.memory_space<hbm>>) target(%arg15 : memref<80xi32, #tpu.memory_space<vmem>>) target_semaphore(%arg21 : memref<!tpu.dma_semaphore, #tpu.memory_space<semaphore_mem>>)
      %dma_start3A_328 = tpu.memref_slice %arg6[%add3A_325] : memref<320000xi32, #tpu.memory_space<hbm>> -> memref<80xi32, #tpu.memory_space<hbm>>
      %dma_start3A_329 = tpu.memref_slice %arg6[%add3A_325] : memref<320000xi32, #tpu.memory_space<hbm>> -> memref<80xi32, #tpu.memory_space<hbm>>
      tpu.enqueue_dma source(%dma_start3A_329 : memref<80xi32, #tpu.memory_space<hbm>>) target(%arg16 : memref<80xi32, #tpu.memory_space<vmem>>) target_semaphore(%arg21 : memref<!tpu.dma_semaphore, #tpu.memory_space<semaphore_mem>>)
      %dma_start3A_330 = arith.constant 0 : i32
      %dma_start3A_331 = tpu.memref_slice %arg4[%add3A_325, %dma_start3A_330] : memref<320000x128xf32, #tpu.memory_space<hbm>> -> memref<80x128xf32, #tpu.memory_space<hbm>>
      %dma_start3A_332 = arith.constant 0 : i32
      %dma_start3A_333 = tpu.memref_slice %arg4[%add3A_325, %dma_start3A_332] : memref<320000x128xf32, #tpu.memory_space<hbm>> -> memref<80x128xf32, #tpu.memory_space<hbm>>
      tpu.enqueue_dma source(%dma_start3A_333 : memref<80x128xf32, #tpu.memory_space<hbm>>) target(%arg17 : memref<80x128xf32, #tpu.memory_space<vmem>>) target_semaphore(%arg21 : memref<!tpu.dma_semaphore, #tpu.memory_space<semaphore_mem>>)
      %scan3A_334 = arith.constant 0 : i32
      %scan3A_335 = arith.constant 0 : i32
      %scan3A_336 = arith.constant 80 : i32
      %scan3A_337 = arith.addi %scan3A_335, %scan3A_336 : i32
      %scan3A_338 = arith.constant 1 : i32
      scf.for %scan3A_395 = %scan3A_335 to %scan3A_337 step %scan3A_338  : i32 {
        %get3A = arith.index_cast %scan3A_395 : i32 to index
        %get3A_396 = arith.constant 0 : index
        %get3A_397 = tpu.vector_load %arg11[%get3A, %get3A_396] {strides = array<i32>} : memref<80x128xf32, #tpu.memory_space<vmem>>, vector<1x16xf32>,
        %get3A_398 = vector.shape_cast %get3A_397 : vector<1x16xf32> to vector<16xf32>
        %max3A = arith.constant 0.000000e+00 : f32
        %max3A_399 = vector.broadcast %max3A : f32 to vector<16xf32>
        %max3A_400 = arith.maximumf %get3A_398, %max3A_399 : vector<16xf32>
        %swap3A = arith.index_cast %scan3A_395 : i32 to index
        %swap3A_401 = arith.constant 0 : index
        %swap3A_402 = tpu.vector_load %arg11[%swap3A, %swap3A_401] {strides = array<i32>} : memref<80x128xf32, #tpu.memory_space<vmem>>, vector<1x16xf32>,
        %swap3A_403 = vector.shape_cast %swap3A_402 : vector<1x16xf32> to vector<16xf32>
        %swap3A_404 = vector.shape_cast %max3A_400 : vector<16xf32> to vector<1x16xf32>
        tpu.vector_store %arg11[%swap3A, %swap3A_401], %swap3A_404 {strides = array<i32>} : memref<80x128xf32, #tpu.memory_space<vmem>>, vector<1x16xf32>,
        %get3A_405 = arith.index_cast %scan3A_395 : i32 to index
        %get3A_406 = arith.constant 16 : index
        %get3A_407 = tpu.vector_load %arg11[%get3A_405, %get3A_406] {strides = array<i32>} : memref<80x128xf32, #tpu.memory_space<vmem>>, vector<1x16xf32>,
        %get3A_408 = vector.shape_cast %get3A_407 : vector<1x16xf32> to vector<16xf32>
        %max3A_409 = arith.constant 0.000000e+00 : f32
        %max3A_410 = vector.broadcast %max3A_409 : f32 to vector<16xf32>
        %max3A_411 = arith.maximumf %get3A_408, %max3A_410 : vector<16xf32>
        %swap3A_412 = arith.index_cast %scan3A_395 : i32 to index
        %swap3A_413 = arith.constant 16 : index
        %swap3A_414 = tpu.vector_load %arg11[%swap3A_412, %swap3A_413] {strides = array<i32>} : memref<80x128xf32, #tpu.memory_space<vmem>>, vector<1x16xf32>,
        %swap3A_415 = vector.shape_cast %swap3A_414 : vector<1x16xf32> to vector<16xf32>
        %swap3A_416 = vector.shape_cast %max3A_411 : vector<16xf32> to vector<1x16xf32>
        tpu.vector_store %arg11[%swap3A_412, %swap3A_413], %swap3A_416 {strides = array<i32>} : memref<80x128xf32, #tpu.memory_space<vmem>>, vector<1x16xf32>,
        %get3A_417 = arith.index_cast %scan3A_395 : i32 to index
        %get3A_418 = arith.constant 32 : index
        %get3A_419 = tpu.vector_load %arg11[%get3A_417, %get3A_418] {strides = array<i32>} : memref<80x128xf32, #tpu.memory_space<vmem>>, vector<1x16xf32>,
        %get3A_420 = vector.shape_cast %get3A_419 : vector<1x16xf32> to vector<16xf32>
        %max3A_421 = arith.constant 0.000000e+00 : f32
        %max3A_422 = vector.broadcast %max3A_421 : f32 to vector<16xf32>
        %max3A_423 = arith.maximumf %get3A_420, %max3A_422 : vector<16xf32>
        %swap3A_424 = arith.index_cast %scan3A_395 : i32 to index
        %swap3A_425 = arith.constant 32 : index
        %swap3A_426 = tpu.vector_load %arg11[%swap3A_424, %swap3A_425] {strides = array<i32>} : memref<80x128xf32, #tpu.memory_space<vmem>>, vector<1x16xf32>,
        %swap3A_427 = vector.shape_cast %swap3A_426 : vector<1x16xf32> to vector<16xf32>
        %swap3A_428 = vector.shape_cast %max3A_423 : vector<16xf32> to vector<1x16xf32>
        tpu.vector_store %arg11[%swap3A_424, %swap3A_425], %swap3A_428 {strides = array<i32>} : memref<80x128xf32, #tpu.memory_space<vmem>>, vector<1x16xf32>,
        %get3A_429 = arith.index_cast %scan3A_395 : i32 to index
        %get3A_430 = arith.constant 48 : index
        %get3A_431 = tpu.vector_load %arg11[%get3A_429, %get3A_430] {strides = array<i32>} : memref<80x128xf32, #tpu.memory_space<vmem>>, vector<1x16xf32>,
        %get3A_432 = vector.shape_cast %get3A_431 : vector<1x16xf32> to vector<16xf32>
        %max3A_433 = arith.constant 0.000000e+00 : f32
        %max3A_434 = vector.broadcast %max3A_433 : f32 to vector<16xf32>
        %max3A_435 = arith.maximumf %get3A_432, %max3A_434 : vector<16xf32>
        %swap3A_436 = arith.index_cast %scan3A_395 : i32 to index
        %swap3A_437 = arith.constant 48 : index
        %swap3A_438 = tpu.vector_load %arg11[%swap3A_436, %swap3A_437] {strides = array<i32>} : memref<80x128xf32, #tpu.memory_space<vmem>>, vector<1x16xf32>,
        %swap3A_439 = vector.shape_cast %swap3A_438 : vector<1x16xf32> to vector<16xf32>
        %swap3A_440 = vector.shape_cast %max3A_435 : vector<16xf32> to vector<1x16xf32>
        tpu.vector_store %arg11[%swap3A_436, %swap3A_437], %swap3A_440 {strides = array<i32>} : memref<80x128xf32, #tpu.memory_space<vmem>>, vector<1x16xf32>,
        %get3A_441 = arith.index_cast %scan3A_395 : i32 to index
        %get3A_442 = arith.constant 64 : index
        %get3A_443 = tpu.vector_load %arg11[%get3A_441, %get3A_442] {strides = array<i32>} : memref<80x128xf32, #tpu.memory_space<vmem>>, vector<1x16xf32>,
        %get3A_444 = vector.shape_cast %get3A_443 : vector<1x16xf32> to vector<16xf32>
        %max3A_445 = arith.constant 0.000000e+00 : f32
        %max3A_446 = vector.broadcast %max3A_445 : f32 to vector<16xf32>
        %max3A_447 = arith.maximumf %get3A_444, %max3A_446 : vector<16xf32>
        %swap3A_448 = arith.index_cast %scan3A_395 : i32 to index
        %swap3A_449 = arith.constant 64 : index
        %swap3A_450 = tpu.vector_load %arg11[%swap3A_448, %swap3A_449] {strides = array<i32>} : memref<80x128xf32, #tpu.memory_space<vmem>>, vector<1x16xf32>,
        %swap3A_451 = vector.shape_cast %swap3A_450 : vector<1x16xf32> to vector<16xf32>
        %swap3A_452 = vector.shape_cast %max3A_447 : vector<16xf32> to vector<1x16xf32>
        tpu.vector_store %arg11[%swap3A_448, %swap3A_449], %swap3A_452 {strides = array<i32>} : memref<80x128xf32, #tpu.memory_space<vmem>>, vector<1x16xf32>,
        %get3A_453 = arith.index_cast %scan3A_395 : i32 to index
        %get3A_454 = arith.constant 80 : index
        %get3A_455 = tpu.vector_load %arg11[%get3A_453, %get3A_454] {strides = array<i32>} : memref<80x128xf32, #tpu.memory_space<vmem>>, vector<1x16xf32>,
        %get3A_456 = vector.shape_cast %get3A_455 : vector<1x16xf32> to vector<16xf32>
        %max3A_457 = arith.constant 0.000000e+00 : f32
        %max3A_458 = vector.broadcast %max3A_457 : f32 to vector<16xf32>
        %max3A_459 = arith.maximumf %get3A_456, %max3A_458 : vector<16xf32>
        %swap3A_460 = arith.index_cast %scan3A_395 : i32 to index
        %swap3A_461 = arith.constant 80 : index
        %swap3A_462 = tpu.vector_load %arg11[%swap3A_460, %swap3A_461] {strides = array<i32>} : memref<80x128xf32, #tpu.memory_space<vmem>>, vector<1x16xf32>,
        %swap3A_463 = vector.shape_cast %swap3A_462 : vector<1x16xf32> to vector<16xf32>
        %swap3A_464 = vector.shape_cast %max3A_459 : vector<16xf32> to vector<1x16xf32>
        tpu.vector_store %arg11[%swap3A_460, %swap3A_461], %swap3A_464 {strides = array<i32>} : memref<80x128xf32, #tpu.memory_space<vmem>>, vector<1x16xf32>,
        %get3A_465 = arith.index_cast %scan3A_395 : i32 to index
        %get3A_466 = arith.constant 96 : index
        %get3A_467 = tpu.vector_load %arg11[%get3A_465, %get3A_466] {strides = array<i32>} : memref<80x128xf32, #tpu.memory_space<vmem>>, vector<1x16xf32>,
        %get3A_468 = vector.shape_cast %get3A_467 : vector<1x16xf32> to vector<16xf32>
        %max3A_469 = arith.constant 0.000000e+00 : f32
        %max3A_470 = vector.broadcast %max3A_469 : f32 to vector<16xf32>
        %max3A_471 = arith.maximumf %get3A_468, %max3A_470 : vector<16xf32>
        %swap3A_472 = arith.index_cast %scan3A_395 : i32 to index
        %swap3A_473 = arith.constant 96 : index
        %swap3A_474 = tpu.vector_load %arg11[%swap3A_472, %swap3A_473] {strides = array<i32>} : memref<80x128xf32, #tpu.memory_space<vmem>>, vector<1x16xf32>,
        %swap3A_475 = vector.shape_cast %swap3A_474 : vector<1x16xf32> to vector<16xf32>
        %swap3A_476 = vector.shape_cast %max3A_471 : vector<16xf32> to vector<1x16xf32>
        tpu.vector_store %arg11[%swap3A_472, %swap3A_473], %swap3A_476 {strides = array<i32>} : memref<80x128xf32, #tpu.memory_space<vmem>>, vector<1x16xf32>,
        %get3A_477 = arith.index_cast %scan3A_395 : i32 to index
        %get3A_478 = arith.constant 112 : index
        %get3A_479 = tpu.vector_load %arg11[%get3A_477, %get3A_478] {strides = array<i32>} : memref<80x128xf32, #tpu.memory_space<vmem>>, vector<1x16xf32>,
        %get3A_480 = vector.shape_cast %get3A_479 : vector<1x16xf32> to vector<16xf32>
        %max3A_481 = arith.constant 0.000000e+00 : f32
        %max3A_482 = vector.broadcast %max3A_481 : f32 to vector<16xf32>
        %max3A_483 = arith.maximumf %get3A_480, %max3A_482 : vector<16xf32>
        %swap3A_484 = arith.index_cast %scan3A_395 : i32 to index
        %swap3A_485 = arith.constant 112 : index
        %swap3A_486 = tpu.vector_load %arg11[%swap3A_484, %swap3A_485] {strides = array<i32>} : memref<80x128xf32, #tpu.memory_space<vmem>>, vector<1x16xf32>,
        %swap3A_487 = vector.shape_cast %swap3A_486 : vector<1x16xf32> to vector<16xf32>
        %swap3A_488 = vector.shape_cast %max3A_483 : vector<16xf32> to vector<1x16xf32>
        tpu.vector_store %arg11[%swap3A_484, %swap3A_485], %swap3A_488 {strides = array<i32>} : memref<80x128xf32, #tpu.memory_space<vmem>>, vector<1x16xf32>,
      }
      %scan3A_339 = arith.constant 80 : i32
      %dma_start3A_340 = arith.constant 0 : i32
      %dma_start3A_341 = arith.constant 0 : i32
      %dma_start3A_342 = tpu.memref_slice %arg18[%dma_start3A_340, %dma_start3A_341] : memref<10240x128xf32, #tpu.memory_space<vmem_shared>> -> memref<10240x128xf32, #tpu.memory_space<vmem_shared>>
      tpu.enqueue_indirect_dma source(%arg11 : memref<80x128xf32, #tpu.memory_space<vmem>>) target(%dma_start3A_342 : memref<10240x128xf32, #tpu.memory_space<vmem_shared>>) offsets(%arg10 : memref<80xi32, #tpu.memory_space<vmem>>) semaphore(%arg25 : memref<!tpu.dma_semaphore, #tpu.memory_space<semaphore_mem>>) {add = true}
      %add3A_343 = arith.constant 2 : i32
      %add3A_344 = arith.addi %add3A_240, %add3A_343 : i32
      %dma_wait3A_345 = arith.constant 0 : i32
      %dma_wait3A_346 = arith.constant 0 : i32
      %dma_wait3A_347 = tpu.memref_slice %arg2[%dma_wait3A_345, %dma_wait3A_346] : memref<10000x128xf32, #tpu.memory_space<hbm>> -> memref<10000x128xf32, #tpu.memory_space<hbm>>
      tpu.wait_indirect_dma semaphore(%arg23 : memref<!tpu.dma_semaphore, #tpu.memory_space<semaphore_mem>>) src(%dma_wait3A_347 : memref<10000x128xf32, #tpu.memory_space<hbm>>) dst(%arg14 : memref<80x128xf32, #tpu.memory_space<vmem>>)
      %dma_wait3A_348 = arith.constant 0 : i32
      %dma_wait3A_349 = arith.constant 0 : i32
      %dma_wait3A_350 = tpu.memref_slice %arg3[%dma_wait3A_348, %dma_wait3A_349] : memref<10000x128xf32, #tpu.memory_space<hbm>> -> memref<10000x128xf32, #tpu.memory_space<hbm>>
      tpu.wait_indirect_dma semaphore(%arg23 : memref<!tpu.dma_semaphore, #tpu.memory_space<semaphore_mem>>) src(%dma_wait3A_350 : memref<10000x128xf32, #tpu.memory_space<hbm>>) dst(%arg14 : memref<80x128xf32, #tpu.memory_space<vmem>>)
      %add3A_351 = arith.constant 1 : i32
      %add3A_352 = arith.addi %add3A_344, %add3A_351 : i32
      %mul3A_353 = arith.constant 80 : i32
      %mul3A_354 = arith.muli %add3A_352, %mul3A_353 : i32
      %add3A_355 = arith.addi %mul3A_2, %mul3A_354 : i32
      %dma_wait3A_356 = tpu.memref_slice %arg5[%add3A_355] : memref<320000xi32, #tpu.memory_space<hbm>> -> memref<80xi32, #tpu.memory_space<hbm>>
      %dma_wait3A_357 = tpu.memref_slice %arg5[%add3A_355] : memref<320000xi32, #tpu.memory_space<hbm>> -> memref<80xi32, #tpu.memory_space<hbm>>
      tpu.wait_dma2 semaphore(%arg21 : memref<!tpu.dma_semaphore, #tpu.memory_space<semaphore_mem>>) src(%dma_wait3A_357 : memref<80xi32, #tpu.memory_space<hbm>>) dst(%arg15 : memref<80xi32, #tpu.memory_space<vmem>>)
      %dma_wait3A_358 = tpu.memref_slice %arg6[%add3A_355] : memref<320000xi32, #tpu.memory_space<hbm>> -> memref<80xi32, #tpu.memory_space<hbm>>
      %dma_wait3A_359 = tpu.memref_slice %arg6[%add3A_355] : memref<320000xi32, #tpu.memory_space<hbm>> -> memref<80xi32, #tpu.memory_space<hbm>>
      tpu.wait_dma2 semaphore(%arg21 : memref<!tpu.dma_semaphore, #tpu.memory_space<semaphore_mem>>) src(%dma_wait3A_359 : memref<80xi32, #tpu.memory_space<hbm>>) dst(%arg16 : memref<80xi32, #tpu.memory_space<vmem>>)
      %dma_wait3A_360 = arith.constant 0 : i32
      %dma_wait3A_361 = tpu.memref_slice %arg4[%add3A_355, %dma_wait3A_360] : memref<320000x128xf32, #tpu.memory_space<hbm>> -> memref<80x128xf32, #tpu.memory_space<hbm>>
      %dma_wait3A_362 = arith.constant 0 : i32
      %dma_wait3A_363 = tpu.memref_slice %arg4[%add3A_355, %dma_wait3A_362] : memref<320000x128xf32, #tpu.memory_space<hbm>> -> memref<80x128xf32, #tpu.memory_space<hbm>>
      tpu.wait_dma2 semaphore(%arg21 : memref<!tpu.dma_semaphore, #tpu.memory_space<semaphore_mem>>) src(%dma_wait3A_363 : memref<80x128xf32, #tpu.memory_space<hbm>>) dst(%arg17 : memref<80x128xf32, #tpu.memory_space<vmem>>)
      %dma_start3A_364 = arith.constant 0 : i32
      %dma_start3A_365 = arith.constant 0 : i32
      %dma_start3A_366 = tpu.memref_slice %arg2[%dma_start3A_364, %dma_start3A_365] : memref<10000x128xf32, #tpu.memory_space<hbm>> -> memref<10000x128xf32, #tpu.memory_space<hbm>>
      tpu.enqueue_indirect_dma source(%dma_start3A_366 : memref<10000x128xf32, #tpu.memory_space<hbm>>) target(%arg17 : memref<80x128xf32, #tpu.memory_space<vmem>>) offsets(%arg15 : memref<80xi32, #tpu.memory_space<vmem>>) semaphore(%arg24 : memref<!tpu.dma_semaphore, #tpu.memory_space<semaphore_mem>>) {add = true}
      %dma_start3A_367 = arith.constant 0 : i32
      %dma_start3A_368 = arith.constant 0 : i32
      %dma_start3A_369 = tpu.memref_slice %arg3[%dma_start3A_367, %dma_start3A_368] : memref<10000x128xf32, #tpu.memory_space<hbm>> -> memref<10000x128xf32, #tpu.memory_space<hbm>>
      tpu.enqueue_indirect_dma source(%dma_start3A_369 : memref<10000x128xf32, #tpu.memory_space<hbm>>) target(%arg17 : memref<80x128xf32, #tpu.memory_space<vmem>>) offsets(%arg16 : memref<80xi32, #tpu.memory_space<vmem>>) semaphore(%arg24 : memref<!tpu.dma_semaphore, #tpu.memory_space<semaphore_mem>>) {add = true}
      %dma_wait3A_370 = arith.constant 0 : i32
      %dma_wait3A_371 = arith.constant 0 : i32
      %dma_wait3A_372 = tpu.memref_slice %arg18[%dma_wait3A_370, %dma_wait3A_371] : memref<10240x128xf32, #tpu.memory_space<vmem_shared>> -> memref<10240x128xf32, #tpu.memory_space<vmem_shared>>
      tpu.wait_indirect_dma semaphore(%arg25 : memref<!tpu.dma_semaphore, #tpu.memory_space<semaphore_mem>>) src(%arg11 : memref<80x128xf32, #tpu.memory_space<vmem>>) dst(%dma_wait3A_372 : memref<10240x128xf32, #tpu.memory_space<vmem_shared>>)
      %add3A_373 = arith.constant 2 : i32
      %add3A_374 = arith.addi %add3A_344, %add3A_373 : i32
      %mul3A_375 = arith.constant 80 : i32
      %mul3A_376 = arith.muli %add3A_374, %mul3A_375 : i32
      %add3A_377 = arith.addi %mul3A_2, %mul3A_376 : i32
      %dma_start3A_378 = tpu.memref_slice %arg5[%add3A_377] : memref<320000xi32, #tpu.memory_space<hbm>> -> memref<80xi32, #tpu.memory_space<hbm>>
      %dma_start3A_379 = tpu.memref_slice %arg5[%add3A_377] : memref<320000xi32, #tpu.memory_space<hbm>> -> memref<80xi32, #tpu.memory_space<hbm>>
      tpu.enqueue_dma source(%dma_start3A_379 : memref<80xi32, #tpu.memory_space<hbm>>) target(%arg9 : memref<80xi32, #tpu.memory_space<vmem>>) target_semaphore(%arg19 : memref<!tpu.dma_semaphore, #tpu.memory_space<semaphore_mem>>)
      %dma_start3A_380 = tpu.memref_slice %arg6[%add3A_377] : memref<320000xi32, #tpu.memory_space<hbm>> -> memref<80xi32, #tpu.memory_space<hbm>>
      %dma_start3A_381 = tpu.memref_slice %arg6[%add3A_377] : memref<320000xi32, #tpu.memory_space<hbm>> -> memref<80xi32, #tpu.memory_space<hbm>>
      tpu.enqueue_dma source(%dma_start3A_381 : memref<80xi32, #tpu.memory_space<hbm>>) target(%arg10 : memref<80xi32, #tpu.memory_space<vmem>>) target_semaphore(%arg19 : memref<!tpu.dma_semaphore, #tpu.memory_space<semaphore_mem>>)
      %dma_start3A_382 = arith.constant 0 : i32
      %dma_start3A_383 = tpu.memref_slice %arg4[%add3A_377, %dma_start3A_382] : memref<320000x128xf32, #tpu.memory_space<hbm>> -> memref<80x128xf32, #tpu.memory_space<hbm>>
      %dma_start3A_384 = arith.constant 0 : i32
      %dma_start3A_385 = tpu.memref_slice %arg4[%add3A_377, %dma_start3A_384] : memref<320000x128xf32, #tpu.memory_space<hbm>> -> memref<80x128xf32, #tpu.memory_space<hbm>>
      tpu.enqueue_dma source(%dma_start3A_385 : memref<80x128xf32, #tpu.memory_space<hbm>>) target(%arg11 : memref<80x128xf32, #tpu.memory_space<vmem>>) target_semaphore(%arg19 : memref<!tpu.dma_semaphore, #tpu.memory_space<semaphore_mem>>)
      %scan3A_386 = arith.constant 0 : i32
      %scan3A_387 = arith.constant 0 : i32
      %scan3A_388 = arith.constant 80 : i32
      %scan3A_389 = arith.addi %scan3A_387, %scan3A_388 : i32
      %scan3A_390 = arith.constant 1 : i32
      scf.for %scan3A_395 = %scan3A_387 to %scan3A_389 step %scan3A_390  : i32 {
        %get3A = arith.index_cast %scan3A_395 : i32 to index
        %get3A_396 = arith.constant 0 : index
        %get3A_397 = tpu.vector_load %arg14[%get3A, %get3A_396] {strides = array<i32>} : memref<80x128xf32, #tpu.memory_space<vmem>>, vector<1x16xf32>,
        %get3A_398 = vector.shape_cast %get3A_397 : vector<1x16xf32> to vector<16xf32>
        %max3A = arith.constant 0.000000e+00 : f32
        %max3A_399 = vector.broadcast %max3A : f32 to vector<16xf32>
        %max3A_400 = arith.maximumf %get3A_398, %max3A_399 : vector<16xf32>
        %swap3A = arith.index_cast %scan3A_395 : i32 to index
        %swap3A_401 = arith.constant 0 : index
        %swap3A_402 = tpu.vector_load %arg14[%swap3A, %swap3A_401] {strides = array<i32>} : memref<80x128xf32, #tpu.memory_space<vmem>>, vector<1x16xf32>,
        %swap3A_403 = vector.shape_cast %swap3A_402 : vector<1x16xf32> to vector<16xf32>
        %swap3A_404 = vector.shape_cast %max3A_400 : vector<16xf32> to vector<1x16xf32>
        tpu.vector_store %arg14[%swap3A, %swap3A_401], %swap3A_404 {strides = array<i32>} : memref<80x128xf32, #tpu.memory_space<vmem>>, vector<1x16xf32>,
        %get3A_405 = arith.index_cast %scan3A_395 : i32 to index
        %get3A_406 = arith.constant 16 : index
        %get3A_407 = tpu.vector_load %arg14[%get3A_405, %get3A_406] {strides = array<i32>} : memref<80x128xf32, #tpu.memory_space<vmem>>, vector<1x16xf32>,
        %get3A_408 = vector.shape_cast %get3A_407 : vector<1x16xf32> to vector<16xf32>
        %max3A_409 = arith.constant 0.000000e+00 : f32
        %max3A_410 = vector.broadcast %max3A_409 : f32 to vector<16xf32>
        %max3A_411 = arith.maximumf %get3A_408, %max3A_410 : vector<16xf32>
        %swap3A_412 = arith.index_cast %scan3A_395 : i32 to index
        %swap3A_413 = arith.constant 16 : index
        %swap3A_414 = tpu.vector_load %arg14[%swap3A_412, %swap3A_413] {strides = array<i32>} : memref<80x128xf32, #tpu.memory_space<vmem>>, vector<1x16xf32>,
        %swap3A_415 = vector.shape_cast %swap3A_414 : vector<1x16xf32> to vector<16xf32>
        %swap3A_416 = vector.shape_cast %max3A_411 : vector<16xf32> to vector<1x16xf32>
        tpu.vector_store %arg14[%swap3A_412, %swap3A_413], %swap3A_416 {strides = array<i32>} : memref<80x128xf32, #tpu.memory_space<vmem>>, vector<1x16xf32>,
        %get3A_417 = arith.index_cast %scan3A_395 : i32 to index
        %get3A_418 = arith.constant 32 : index
        %get3A_419 = tpu.vector_load %arg14[%get3A_417, %get3A_418] {strides = array<i32>} : memref<80x128xf32, #tpu.memory_space<vmem>>, vector<1x16xf32>,
        %get3A_420 = vector.shape_cast %get3A_419 : vector<1x16xf32> to vector<16xf32>
        %max3A_421 = arith.constant 0.000000e+00 : f32
        %max3A_422 = vector.broadcast %max3A_421 : f32 to vector<16xf32>
        %max3A_423 = arith.maximumf %get3A_420, %max3A_422 : vector<16xf32>
        %swap3A_424 = arith.index_cast %scan3A_395 : i32 to index
        %swap3A_425 = arith.constant 32 : index
        %swap3A_426 = tpu.vector_load %arg14[%swap3A_424, %swap3A_425] {strides = array<i32>} : memref<80x128xf32, #tpu.memory_space<vmem>>, vector<1x16xf32>,
        %swap3A_427 = vector.shape_cast %swap3A_426 : vector<1x16xf32> to vector<16xf32>
        %swap3A_428 = vector.shape_cast %max3A_423 : vector<16xf32> to vector<1x16xf32>
        tpu.vector_store %arg14[%swap3A_424, %swap3A_425], %swap3A_428 {strides = array<i32>} : memref<80x128xf32, #tpu.memory_space<vmem>>, vector<1x16xf32>,
        %get3A_429 = arith.index_cast %scan3A_395 : i32 to index
        %get3A_430 = arith.constant 48 : index
        %get3A_431 = tpu.vector_load %arg14[%get3A_429, %get3A_430] {strides = array<i32>} : memref<80x128xf32, #tpu.memory_space<vmem>>, vector<1x16xf32>,
        %get3A_432 = vector.shape_cast %get3A_431 : vector<1x16xf32> to vector<16xf32>
        %max3A_433 = arith.constant 0.000000e+00 : f32
        %max3A_434 = vector.broadcast %max3A_433 : f32 to vector<16xf32>
        %max3A_435 = arith.maximumf %get3A_432, %max3A_434 : vector<16xf32>
        %swap3A_436 = arith.index_cast %scan3A_395 : i32 to index
        %swap3A_437 = arith.constant 48 : index
        %swap3A_438 = tpu.vector_load %arg14[%swap3A_436, %swap3A_437] {strides = array<i32>} : memref<80x128xf32, #tpu.memory_space<vmem>>, vector<1x16xf32>,
        %swap3A_439 = vector.shape_cast %swap3A_438 : vector<1x16xf32> to vector<16xf32>
        %swap3A_440 = vector.shape_cast %max3A_435 : vector<16xf32> to vector<1x16xf32>
        tpu.vector_store %arg14[%swap3A_436, %swap3A_437], %swap3A_440 {strides = array<i32>} : memref<80x128xf32, #tpu.memory_space<vmem>>, vector<1x16xf32>,
        %get3A_441 = arith.index_cast %scan3A_395 : i32 to index
        %get3A_442 = arith.constant 64 : index
        %get3A_443 = tpu.vector_load %arg14[%get3A_441, %get3A_442] {strides = array<i32>} : memref<80x128xf32, #tpu.memory_space<vmem>>, vector<1x16xf32>,
        %get3A_444 = vector.shape_cast %get3A_443 : vector<1x16xf32> to vector<16xf32>
        %max3A_445 = arith.constant 0.000000e+00 : f32
        %max3A_446 = vector.broadcast %max3A_445 : f32 to vector<16xf32>
        %max3A_447 = arith.maximumf %get3A_444, %max3A_446 : vector<16xf32>
        %swap3A_448 = arith.index_cast %scan3A_395 : i32 to index
        %swap3A_449 = arith.constant 64 : index
        %swap3A_450 = tpu.vector_load %arg14[%swap3A_448, %swap3A_449] {strides = array<i32>} : memref<80x128xf32, #tpu.memory_space<vmem>>, vector<1x16xf32>,
        %swap3A_451 = vector.shape_cast %swap3A_450 : vector<1x16xf32> to vector<16xf32>
        %swap3A_452 = vector.shape_cast %max3A_447 : vector<16xf32> to vector<1x16xf32>
        tpu.vector_store %arg14[%swap3A_448, %swap3A_449], %swap3A_452 {strides = array<i32>} : memref<80x128xf32, #tpu.memory_space<vmem>>, vector<1x16xf32>,
        %get3A_453 = arith.index_cast %scan3A_395 : i32 to index
        %get3A_454 = arith.constant 80 : index
        %get3A_455 = tpu.vector_load %arg14[%get3A_453, %get3A_454] {strides = array<i32>} : memref<80x128xf32, #tpu.memory_space<vmem>>, vector<1x16xf32>,
        %get3A_456 = vector.shape_cast %get3A_455 : vector<1x16xf32> to vector<16xf32>
        %max3A_457 = arith.constant 0.000000e+00 : f32
        %max3A_458 = vector.broadcast %max3A_457 : f32 to vector<16xf32>
        %max3A_459 = arith.maximumf %get3A_456, %max3A_458 : vector<16xf32>
        %swap3A_460 = arith.index_cast %scan3A_395 : i32 to index
        %swap3A_461 = arith.constant 80 : index
        %swap3A_462 = tpu.vector_load %arg14[%swap3A_460, %swap3A_461] {strides = array<i32>} : memref<80x128xf32, #tpu.memory_space<vmem>>, vector<1x16xf32>,
        %swap3A_463 = vector.shape_cast %swap3A_462 : vector<1x16xf32> to vector<16xf32>
        %swap3A_464 = vector.shape_cast %max3A_459 : vector<16xf32> to vector<1x16xf32>
        tpu.vector_store %arg14[%swap3A_460, %swap3A_461], %swap3A_464 {strides = array<i32>} : memref<80x128xf32, #tpu.memory_space<vmem>>, vector<1x16xf32>,
        %get3A_465 = arith.index_cast %scan3A_395 : i32 to index
        %get3A_466 = arith.constant 96 : index
        %get3A_467 = tpu.vector_load %arg14[%get3A_465, %get3A_466] {strides = array<i32>} : memref<80x128xf32, #tpu.memory_space<vmem>>, vector<1x16xf32>,
        %get3A_468 = vector.shape_cast %get3A_467 : vector<1x16xf32> to vector<16xf32>
        %max3A_469 = arith.constant 0.000000e+00 : f32
        %max3A_470 = vector.broadcast %max3A_469 : f32 to vector<16xf32>
        %max3A_471 = arith.maximumf %get3A_468, %max3A_470 : vector<16xf32>
        %swap3A_472 = arith.index_cast %scan3A_395 : i32 to index
        %swap3A_473 = arith.constant 96 : index
        %swap3A_474 = tpu.vector_load %arg14[%swap3A_472, %swap3A_473] {strides = array<i32>} : memref<80x128xf32, #tpu.memory_space<vmem>>, vector<1x16xf32>,
        %swap3A_475 = vector.shape_cast %swap3A_474 : vector<1x16xf32> to vector<16xf32>
        %swap3A_476 = vector.shape_cast %max3A_471 : vector<16xf32> to vector<1x16xf32>
        tpu.vector_store %arg14[%swap3A_472, %swap3A_473], %swap3A_476 {strides = array<i32>} : memref<80x128xf32, #tpu.memory_space<vmem>>, vector<1x16xf32>,
        %get3A_477 = arith.index_cast %scan3A_395 : i32 to index
        %get3A_478 = arith.constant 112 : index
        %get3A_479 = tpu.vector_load %arg14[%get3A_477, %get3A_478] {strides = array<i32>} : memref<80x128xf32, #tpu.memory_space<vmem>>, vector<1x16xf32>,
        %get3A_480 = vector.shape_cast %get3A_479 : vector<1x16xf32> to vector<16xf32>
        %max3A_481 = arith.constant 0.000000e+00 : f32
        %max3A_482 = vector.broadcast %max3A_481 : f32 to vector<16xf32>
        %max3A_483 = arith.maximumf %get3A_480, %max3A_482 : vector<16xf32>
        %swap3A_484 = arith.index_cast %scan3A_395 : i32 to index
        %swap3A_485 = arith.constant 112 : index
        %swap3A_486 = tpu.vector_load %arg14[%swap3A_484, %swap3A_485] {strides = array<i32>} : memref<80x128xf32, #tpu.memory_space<vmem>>, vector<1x16xf32>,
        %swap3A_487 = vector.shape_cast %swap3A_486 : vector<1x16xf32> to vector<16xf32>
        %swap3A_488 = vector.shape_cast %max3A_483 : vector<16xf32> to vector<1x16xf32>
        tpu.vector_store %arg14[%swap3A_484, %swap3A_485], %swap3A_488 {strides = array<i32>} : memref<80x128xf32, #tpu.memory_space<vmem>>, vector<1x16xf32>,
      }
      %scan3A_391 = arith.constant 80 : i32
      %dma_start3A_392 = arith.constant 0 : i32
      %dma_start3A_393 = arith.constant 0 : i32
      %dma_start3A_394 = tpu.memref_slice %arg18[%dma_start3A_392, %dma_start3A_393] : memref<10240x128xf32, #tpu.memory_space<vmem_shared>> -> memref<10240x128xf32, #tpu.memory_space<vmem_shared>>
      tpu.enqueue_indirect_dma source(%arg14 : memref<80x128xf32, #tpu.memory_space<vmem>>) target(%dma_start3A_394 : memref<10240x128xf32, #tpu.memory_space<vmem_shared>>) offsets(%arg13 : memref<80xi32, #tpu.memory_space<vmem>>) semaphore(%arg26 : memref<!tpu.dma_semaphore, #tpu.memory_space<semaphore_mem>>) {add = true}
    }
    %scan3A_128 = arith.constant 40 : i32
    %dma_wait3A_129 = arith.constant 0 : i32
    %dma_wait3A_130 = arith.constant 0 : i32
    %dma_wait3A_131 = tpu.memref_slice %arg2[%dma_wait3A_129, %dma_wait3A_130] : memref<10000x128xf32, #tpu.memory_space<hbm>> -> memref<10000x128xf32, #tpu.memory_space<hbm>>
    tpu.wait_indirect_dma semaphore(%arg24 : memref<!tpu.dma_semaphore, #tpu.memory_space<semaphore_mem>>) src(%dma_wait3A_131 : memref<10000x128xf32, #tpu.memory_space<hbm>>) dst(%arg17 : memref<80x128xf32, #tpu.memory_space<vmem>>)
    %dma_wait3A_132 = arith.constant 0 : i32
    %dma_wait3A_133 = arith.constant 0 : i32
    %dma_wait3A_134 = tpu.memref_slice %arg3[%dma_wait3A_132, %dma_wait3A_133] : memref<10000x128xf32, #tpu.memory_space<hbm>> -> memref<10000x128xf32, #tpu.memory_space<hbm>>
    tpu.wait_indirect_dma semaphore(%arg24 : memref<!tpu.dma_semaphore, #tpu.memory_space<semaphore_mem>>) src(%dma_wait3A_134 : memref<10000x128xf32, #tpu.memory_space<hbm>>) dst(%arg17 : memref<80x128xf32, #tpu.memory_space<vmem>>)
    %add3A_135 = arith.constant 9840 : i32
    %add3A_136 = arith.addi %mul3A_2, %add3A_135 : i32
    %dma_wait3A_137 = tpu.memref_slice %arg5[%add3A_136] : memref<320000xi32, #tpu.memory_space<hbm>> -> memref<80xi32, #tpu.memory_space<hbm>>
    %dma_wait3A_138 = tpu.memref_slice %arg5[%add3A_136] : memref<320000xi32, #tpu.memory_space<hbm>> -> memref<80xi32, #tpu.memory_space<hbm>>
    tpu.wait_dma2 semaphore(%arg19 : memref<!tpu.dma_semaphore, #tpu.memory_space<semaphore_mem>>) src(%dma_wait3A_138 : memref<80xi32, #tpu.memory_space<hbm>>) dst(%arg9 : memref<80xi32, #tpu.memory_space<vmem>>)
    %dma_wait3A_139 = tpu.memref_slice %arg6[%add3A_136] : memref<320000xi32, #tpu.memory_space<hbm>> -> memref<80xi32, #tpu.memory_space<hbm>>
    %dma_wait3A_140 = tpu.memref_slice %arg6[%add3A_136] : memref<320000xi32, #tpu.memory_space<hbm>> -> memref<80xi32, #tpu.memory_space<hbm>>
    tpu.wait_dma2 semaphore(%arg19 : memref<!tpu.dma_semaphore, #tpu.memory_space<semaphore_mem>>) src(%dma_wait3A_140 : memref<80xi32, #tpu.memory_space<hbm>>) dst(%arg10 : memref<80xi32, #tpu.memory_space<vmem>>)
    %dma_wait3A_141 = arith.constant 0 : i32
    %dma_wait3A_142 = tpu.memref_slice %arg4[%add3A_136, %dma_wait3A_141] : memref<320000x128xf32, #tpu.memory_space<hbm>> -> memref<80x128xf32, #tpu.memory_space<hbm>>
    %dma_wait3A_143 = arith.constant 0 : i32
    %dma_wait3A_144 = tpu.memref_slice %arg4[%add3A_136, %dma_wait3A_143] : memref<320000x128xf32, #tpu.memory_space<hbm>> -> memref<80x128xf32, #tpu.memory_space<hbm>>
    tpu.wait_dma2 semaphore(%arg19 : memref<!tpu.dma_semaphore, #tpu.memory_space<semaphore_mem>>) src(%dma_wait3A_144 : memref<80x128xf32, #tpu.memory_space<hbm>>) dst(%arg11 : memref<80x128xf32, #tpu.memory_space<vmem>>)
    %dma_start3A_145 = arith.constant 0 : i32
    %dma_start3A_146 = arith.constant 0 : i32
    %dma_start3A_147 = tpu.memref_slice %arg2[%dma_start3A_145, %dma_start3A_146] : memref<10000x128xf32, #tpu.memory_space<hbm>> -> memref<10000x128xf32, #tpu.memory_space<hbm>>
    tpu.enqueue_indirect_dma source(%dma_start3A_147 : memref<10000x128xf32, #tpu.memory_space<hbm>>) target(%arg11 : memref<80x128xf32, #tpu.memory_space<vmem>>) offsets(%arg9 : memref<80xi32, #tpu.memory_space<vmem>>) semaphore(%arg22 : memref<!tpu.dma_semaphore, #tpu.memory_space<semaphore_mem>>) {add = true}
    %dma_start3A_148 = arith.constant 0 : i32
    %dma_start3A_149 = arith.constant 0 : i32
    %dma_start3A_150 = tpu.memref_slice %arg3[%dma_start3A_148, %dma_start3A_149] : memref<10000x128xf32, #tpu.memory_space<hbm>> -> memref<10000x128xf32, #tpu.memory_space<hbm>>
    tpu.enqueue_indirect_dma source(%dma_start3A_150 : memref<10000x128xf32, #tpu.memory_space<hbm>>) target(%arg11 : memref<80x128xf32, #tpu.memory_space<vmem>>) offsets(%arg10 : memref<80xi32, #tpu.memory_space<vmem>>) semaphore(%arg22 : memref<!tpu.dma_semaphore, #tpu.memory_space<semaphore_mem>>) {add = true}
    %dma_wait3A_151 = arith.constant 0 : i32
    %dma_wait3A_152 = arith.constant 0 : i32
    %dma_wait3A_153 = tpu.memref_slice %arg18[%dma_wait3A_151, %dma_wait3A_152] : memref<10240x128xf32, #tpu.memory_space<vmem_shared>> -> memref<10240x128xf32, #tpu.memory_space<vmem_shared>>
    tpu.wait_indirect_dma semaphore(%arg26 : memref<!tpu.dma_semaphore, #tpu.memory_space<semaphore_mem>>) src(%arg14 : memref<80x128xf32, #tpu.memory_space<vmem>>) dst(%dma_wait3A_153 : memref<10240x128xf32, #tpu.memory_space<vmem_shared>>)
    %add3A_154 = arith.constant 9920 : i32
    %add3A_155 = arith.addi %mul3A_2, %add3A_154 : i32
    %dma_start3A_156 = tpu.memref_slice %arg5[%add3A_155] : memref<320000xi32, #tpu.memory_space<hbm>> -> memref<80xi32, #tpu.memory_space<hbm>>
    %dma_start3A_157 = tpu.memref_slice %arg5[%add3A_155] : memref<320000xi32, #tpu.memory_space<hbm>> -> memref<80xi32, #tpu.memory_space<hbm>>
    tpu.enqueue_dma source(%dma_start3A_157 : memref<80xi32, #tpu.memory_space<hbm>>) target(%arg12 : memref<80xi32, #tpu.memory_space<vmem>>) target_semaphore(%arg20 : memref<!tpu.dma_semaphore, #tpu.memory_space<semaphore_mem>>)
    %dma_start3A_158 = tpu.memref_slice %arg6[%add3A_155] : memref<320000xi32, #tpu.memory_space<hbm>> -> memref<80xi32, #tpu.memory_space<hbm>>
    %dma_start3A_159 = tpu.memref_slice %arg6[%add3A_155] : memref<320000xi32, #tpu.memory_space<hbm>> -> memref<80xi32, #tpu.memory_space<hbm>>
    tpu.enqueue_dma source(%dma_start3A_159 : memref<80xi32, #tpu.memory_space<hbm>>) target(%arg13 : memref<80xi32, #tpu.memory_space<vmem>>) target_semaphore(%arg20 : memref<!tpu.dma_semaphore, #tpu.memory_space<semaphore_mem>>)
    %dma_start3A_160 = arith.constant 0 : i32
    %dma_start3A_161 = tpu.memref_slice %arg4[%add3A_155, %dma_start3A_160] : memref<320000x128xf32, #tpu.memory_space<hbm>> -> memref<80x128xf32, #tpu.memory_space<hbm>>
    %dma_start3A_162 = arith.constant 0 : i32
    %dma_start3A_163 = tpu.memref_slice %arg4[%add3A_155, %dma_start3A_162] : memref<320000x128xf32, #tpu.memory_space<hbm>> -> memref<80x128xf32, #tpu.memory_space<hbm>>
    tpu.enqueue_dma source(%dma_start3A_163 : memref<80x128xf32, #tpu.memory_space<hbm>>) target(%arg14 : memref<80x128xf32, #tpu.memory_space<vmem>>) target_semaphore(%arg20 : memref<!tpu.dma_semaphore, #tpu.memory_space<semaphore_mem>>)
    %scan3A_164 = arith.constant 0 : i32
    %scan3A_165 = arith.constant 0 : i32
    %scan3A_166 = arith.constant 80 : i32
    %scan3A_167 = arith.addi %scan3A_165, %scan3A_166 : i32
    %scan3A_168 = arith.constant 1 : i32
    scf.for %scan3A_236 = %scan3A_165 to %scan3A_167 step %scan3A_168  : i32 {
      %get3A = arith.index_cast %scan3A_236 : i32 to index
      %get3A_237 = arith.constant 0 : index
      %get3A_238 = tpu.vector_load %arg17[%get3A, %get3A_237] {strides = array<i32>} : memref<80x128xf32, #tpu.memory_space<vmem>>, vector<1x16xf32>,
      %get3A_239 = vector.shape_cast %get3A_238 : vector<1x16xf32> to vector<16xf32>
      %max3A = arith.constant 0.000000e+00 : f32
      %max3A_240 = vector.broadcast %max3A : f32 to vector<16xf32>
      %max3A_241 = arith.maximumf %get3A_239, %max3A_240 : vector<16xf32>
      %swap3A = arith.index_cast %scan3A_236 : i32 to index
      %swap3A_242 = arith.constant 0 : index
      %swap3A_243 = tpu.vector_load %arg17[%swap3A, %swap3A_242] {strides = array<i32>} : memref<80x128xf32, #tpu.memory_space<vmem>>, vector<1x16xf32>,
      %swap3A_244 = vector.shape_cast %swap3A_243 : vector<1x16xf32> to vector<16xf32>
      %swap3A_245 = vector.shape_cast %max3A_241 : vector<16xf32> to vector<1x16xf32>
      tpu.vector_store %arg17[%swap3A, %swap3A_242], %swap3A_245 {strides = array<i32>} : memref<80x128xf32, #tpu.memory_space<vmem>>, vector<1x16xf32>,
      %get3A_246 = arith.index_cast %scan3A_236 : i32 to index
      %get3A_247 = arith.constant 16 : index
      %get3A_248 = tpu.vector_load %arg17[%get3A_246, %get3A_247] {strides = array<i32>} : memref<80x128xf32, #tpu.memory_space<vmem>>, vector<1x16xf32>,
      %get3A_249 = vector.shape_cast %get3A_248 : vector<1x16xf32> to vector<16xf32>
      %max3A_250 = arith.constant 0.000000e+00 : f32
      %max3A_251 = vector.broadcast %max3A_250 : f32 to vector<16xf32>
      %max3A_252 = arith.maximumf %get3A_249, %max3A_251 : vector<16xf32>
      %swap3A_253 = arith.index_cast %scan3A_236 : i32 to index
      %swap3A_254 = arith.constant 16 : index
      %swap3A_255 = tpu.vector_load %arg17[%swap3A_253, %swap3A_254] {strides = array<i32>} : memref<80x128xf32, #tpu.memory_space<vmem>>, vector<1x16xf32>,
      %swap3A_256 = vector.shape_cast %swap3A_255 : vector<1x16xf32> to vector<16xf32>
      %swap3A_257 = vector.shape_cast %max3A_252 : vector<16xf32> to vector<1x16xf32>
      tpu.vector_store %arg17[%swap3A_253, %swap3A_254], %swap3A_257 {strides = array<i32>} : memref<80x128xf32, #tpu.memory_space<vmem>>, vector<1x16xf32>,
      %get3A_258 = arith.index_cast %scan3A_236 : i32 to index
      %get3A_259 = arith.constant 32 : index
      %get3A_260 = tpu.vector_load %arg17[%get3A_258, %get3A_259] {strides = array<i32>} : memref<80x128xf32, #tpu.memory_space<vmem>>, vector<1x16xf32>,
      %get3A_261 = vector.shape_cast %get3A_260 : vector<1x16xf32> to vector<16xf32>
      %max3A_262 = arith.constant 0.000000e+00 : f32
      %max3A_263 = vector.broadcast %max3A_262 : f32 to vector<16xf32>
      %max3A_264 = arith.maximumf %get3A_261, %max3A_263 : vector<16xf32>
      %swap3A_265 = arith.index_cast %scan3A_236 : i32 to index
      %swap3A_266 = arith.constant 32 : index
      %swap3A_267 = tpu.vector_load %arg17[%swap3A_265, %swap3A_266] {strides = array<i32>} : memref<80x128xf32, #tpu.memory_space<vmem>>, vector<1x16xf32>,
      %swap3A_268 = vector.shape_cast %swap3A_267 : vector<1x16xf32> to vector<16xf32>
      %swap3A_269 = vector.shape_cast %max3A_264 : vector<16xf32> to vector<1x16xf32>
      tpu.vector_store %arg17[%swap3A_265, %swap3A_266], %swap3A_269 {strides = array<i32>} : memref<80x128xf32, #tpu.memory_space<vmem>>, vector<1x16xf32>,
      %get3A_270 = arith.index_cast %scan3A_236 : i32 to index
      %get3A_271 = arith.constant 48 : index
      %get3A_272 = tpu.vector_load %arg17[%get3A_270, %get3A_271] {strides = array<i32>} : memref<80x128xf32, #tpu.memory_space<vmem>>, vector<1x16xf32>,
      %get3A_273 = vector.shape_cast %get3A_272 : vector<1x16xf32> to vector<16xf32>
      %max3A_274 = arith.constant 0.000000e+00 : f32
      %max3A_275 = vector.broadcast %max3A_274 : f32 to vector<16xf32>
      %max3A_276 = arith.maximumf %get3A_273, %max3A_275 : vector<16xf32>
      %swap3A_277 = arith.index_cast %scan3A_236 : i32 to index
      %swap3A_278 = arith.constant 48 : index
      %swap3A_279 = tpu.vector_load %arg17[%swap3A_277, %swap3A_278] {strides = array<i32>} : memref<80x128xf32, #tpu.memory_space<vmem>>, vector<1x16xf32>,
      %swap3A_280 = vector.shape_cast %swap3A_279 : vector<1x16xf32> to vector<16xf32>
      %swap3A_281 = vector.shape_cast %max3A_276 : vector<16xf32> to vector<1x16xf32>
      tpu.vector_store %arg17[%swap3A_277, %swap3A_278], %swap3A_281 {strides = array<i32>} : memref<80x128xf32, #tpu.memory_space<vmem>>, vector<1x16xf32>,
      %get3A_282 = arith.index_cast %scan3A_236 : i32 to index
      %get3A_283 = arith.constant 64 : index
      %get3A_284 = tpu.vector_load %arg17[%get3A_282, %get3A_283] {strides = array<i32>} : memref<80x128xf32, #tpu.memory_space<vmem>>, vector<1x16xf32>,
      %get3A_285 = vector.shape_cast %get3A_284 : vector<1x16xf32> to vector<16xf32>
      %max3A_286 = arith.constant 0.000000e+00 : f32
      %max3A_287 = vector.broadcast %max3A_286 : f32 to vector<16xf32>
      %max3A_288 = arith.maximumf %get3A_285, %max3A_287 : vector<16xf32>
      %swap3A_289 = arith.index_cast %scan3A_236 : i32 to index
      %swap3A_290 = arith.constant 64 : index
      %swap3A_291 = tpu.vector_load %arg17[%swap3A_289, %swap3A_290] {strides = array<i32>} : memref<80x128xf32, #tpu.memory_space<vmem>>, vector<1x16xf32>,
      %swap3A_292 = vector.shape_cast %swap3A_291 : vector<1x16xf32> to vector<16xf32>
      %swap3A_293 = vector.shape_cast %max3A_288 : vector<16xf32> to vector<1x16xf32>
      tpu.vector_store %arg17[%swap3A_289, %swap3A_290], %swap3A_293 {strides = array<i32>} : memref<80x128xf32, #tpu.memory_space<vmem>>, vector<1x16xf32>,
      %get3A_294 = arith.index_cast %scan3A_236 : i32 to index
      %get3A_295 = arith.constant 80 : index
      %get3A_296 = tpu.vector_load %arg17[%get3A_294, %get3A_295] {strides = array<i32>} : memref<80x128xf32, #tpu.memory_space<vmem>>, vector<1x16xf32>,
      %get3A_297 = vector.shape_cast %get3A_296 : vector<1x16xf32> to vector<16xf32>
      %max3A_298 = arith.constant 0.000000e+00 : f32
      %max3A_299 = vector.broadcast %max3A_298 : f32 to vector<16xf32>
      %max3A_300 = arith.maximumf %get3A_297, %max3A_299 : vector<16xf32>
      %swap3A_301 = arith.index_cast %scan3A_236 : i32 to index
      %swap3A_302 = arith.constant 80 : index
      %swap3A_303 = tpu.vector_load %arg17[%swap3A_301, %swap3A_302] {strides = array<i32>} : memref<80x128xf32, #tpu.memory_space<vmem>>, vector<1x16xf32>,
      %swap3A_304 = vector.shape_cast %swap3A_303 : vector<1x16xf32> to vector<16xf32>
      %swap3A_305 = vector.shape_cast %max3A_300 : vector<16xf32> to vector<1x16xf32>
      tpu.vector_store %arg17[%swap3A_301, %swap3A_302], %swap3A_305 {strides = array<i32>} : memref<80x128xf32, #tpu.memory_space<vmem>>, vector<1x16xf32>,
      %get3A_306 = arith.index_cast %scan3A_236 : i32 to index
      %get3A_307 = arith.constant 96 : index
      %get3A_308 = tpu.vector_load %arg17[%get3A_306, %get3A_307] {strides = array<i32>} : memref<80x128xf32, #tpu.memory_space<vmem>>, vector<1x16xf32>,
      %get3A_309 = vector.shape_cast %get3A_308 : vector<1x16xf32> to vector<16xf32>
      %max3A_310 = arith.constant 0.000000e+00 : f32
      %max3A_311 = vector.broadcast %max3A_310 : f32 to vector<16xf32>
      %max3A_312 = arith.maximumf %get3A_309, %max3A_311 : vector<16xf32>
      %swap3A_313 = arith.index_cast %scan3A_236 : i32 to index
      %swap3A_314 = arith.constant 96 : index
      %swap3A_315 = tpu.vector_load %arg17[%swap3A_313, %swap3A_314] {strides = array<i32>} : memref<80x128xf32, #tpu.memory_space<vmem>>, vector<1x16xf32>,
      %swap3A_316 = vector.shape_cast %swap3A_315 : vector<1x16xf32> to vector<16xf32>
      %swap3A_317 = vector.shape_cast %max3A_312 : vector<16xf32> to vector<1x16xf32>
      tpu.vector_store %arg17[%swap3A_313, %swap3A_314], %swap3A_317 {strides = array<i32>} : memref<80x128xf32, #tpu.memory_space<vmem>>, vector<1x16xf32>,
      %get3A_318 = arith.index_cast %scan3A_236 : i32 to index
      %get3A_319 = arith.constant 112 : index
      %get3A_320 = tpu.vector_load %arg17[%get3A_318, %get3A_319] {strides = array<i32>} : memref<80x128xf32, #tpu.memory_space<vmem>>, vector<1x16xf32>,
      %get3A_321 = vector.shape_cast %get3A_320 : vector<1x16xf32> to vector<16xf32>
      %max3A_322 = arith.constant 0.000000e+00 : f32
      %max3A_323 = vector.broadcast %max3A_322 : f32 to vector<16xf32>
      %max3A_324 = arith.maximumf %get3A_321, %max3A_323 : vector<16xf32>
      %swap3A_325 = arith.index_cast %scan3A_236 : i32 to index
      %swap3A_326 = arith.constant 112 : index
      %swap3A_327 = tpu.vector_load %arg17[%swap3A_325, %swap3A_326] {strides = array<i32>} : memref<80x128xf32, #tpu.memory_space<vmem>>, vector<1x16xf32>,
      %swap3A_328 = vector.shape_cast %swap3A_327 : vector<1x16xf32> to vector<16xf32>
      %swap3A_329 = vector.shape_cast %max3A_324 : vector<16xf32> to vector<1x16xf32>
      tpu.vector_store %arg17[%swap3A_325, %swap3A_326], %swap3A_329 {strides = array<i32>} : memref<80x128xf32, #tpu.memory_space<vmem>>, vector<1x16xf32>,
    }
    %scan3A_169 = arith.constant 80 : i32
    %dma_start3A_170 = arith.constant 0 : i32
    %dma_start3A_171 = arith.constant 0 : i32
    %dma_start3A_172 = tpu.memref_slice %arg18[%dma_start3A_170, %dma_start3A_171] : memref<10240x128xf32, #tpu.memory_space<vmem_shared>> -> memref<10240x128xf32, #tpu.memory_space<vmem_shared>>
    tpu.enqueue_indirect_dma source(%arg17 : memref<80x128xf32, #tpu.memory_space<vmem>>) target(%dma_start3A_172 : memref<10240x128xf32, #tpu.memory_space<vmem_shared>>) offsets(%arg16 : memref<80xi32, #tpu.memory_space<vmem>>) semaphore(%arg27 : memref<!tpu.dma_semaphore, #tpu.memory_space<semaphore_mem>>) {add = true}
    %dma_wait3A_173 = arith.constant 0 : i32
    %dma_wait3A_174 = arith.constant 0 : i32
    %dma_wait3A_175 = tpu.memref_slice %arg2[%dma_wait3A_173, %dma_wait3A_174] : memref<10000x128xf32, #tpu.memory_space<hbm>> -> memref<10000x128xf32, #tpu.memory_space<hbm>>
    tpu.wait_indirect_dma semaphore(%arg22 : memref<!tpu.dma_semaphore, #tpu.memory_space<semaphore_mem>>) src(%dma_wait3A_175 : memref<10000x128xf32, #tpu.memory_space<hbm>>) dst(%arg11 : memref<80x128xf32, #tpu.memory_space<vmem>>)
    %dma_wait3A_176 = arith.constant 0 : i32
    %dma_wait3A_177 = arith.constant 0 : i32
    %dma_wait3A_178 = tpu.memref_slice %arg3[%dma_wait3A_176, %dma_wait3A_177] : memref<10000x128xf32, #tpu.memory_space<hbm>> -> memref<10000x128xf32, #tpu.memory_space<hbm>>
    tpu.wait_indirect_dma semaphore(%arg22 : memref<!tpu.dma_semaphore, #tpu.memory_space<semaphore_mem>>) src(%dma_wait3A_178 : memref<10000x128xf32, #tpu.memory_space<hbm>>) dst(%arg11 : memref<80x128xf32, #tpu.memory_space<vmem>>)
    %add3A_179 = arith.constant 9920 : i32
    %add3A_180 = arith.addi %mul3A_2, %add3A_179 : i32
    %dma_wait3A_181 = tpu.memref_slice %arg5[%add3A_180] : memref<320000xi32, #tpu.memory_space<hbm>> -> memref<80xi32, #tpu.memory_space<hbm>>
    %dma_wait3A_182 = tpu.memref_slice %arg5[%add3A_180] : memref<320000xi32, #tpu.memory_space<hbm>> -> memref<80xi32, #tpu.memory_space<hbm>>
    tpu.wait_dma2 semaphore(%arg20 : memref<!tpu.dma_semaphore, #tpu.memory_space<semaphore_mem>>) src(%dma_wait3A_182 : memref<80xi32, #tpu.memory_space<hbm>>) dst(%arg12 : memref<80xi32, #tpu.memory_space<vmem>>)
    %dma_wait3A_183 = tpu.memref_slice %arg6[%add3A_180] : memref<320000xi32, #tpu.memory_space<hbm>> -> memref<80xi32, #tpu.memory_space<hbm>>
    %dma_wait3A_184 = tpu.memref_slice %arg6[%add3A_180] : memref<320000xi32, #tpu.memory_space<hbm>> -> memref<80xi32, #tpu.memory_space<hbm>>
    tpu.wait_dma2 semaphore(%arg20 : memref<!tpu.dma_semaphore, #tpu.memory_space<semaphore_mem>>) src(%dma_wait3A_184 : memref<80xi32, #tpu.memory_space<hbm>>) dst(%arg13 : memref<80xi32, #tpu.memory_space<vmem>>)
    %dma_wait3A_185 = arith.constant 0 : i32
    %dma_wait3A_186 = tpu.memref_slice %arg4[%add3A_180, %dma_wait3A_185] : memref<320000x128xf32, #tpu.memory_space<hbm>> -> memref<80x128xf32, #tpu.memory_space<hbm>>
    %dma_wait3A_187 = arith.constant 0 : i32
    %dma_wait3A_188 = tpu.memref_slice %arg4[%add3A_180, %dma_wait3A_187] : memref<320000x128xf32, #tpu.memory_space<hbm>> -> memref<80x128xf32, #tpu.memory_space<hbm>>
    tpu.wait_dma2 semaphore(%arg20 : memref<!tpu.dma_semaphore, #tpu.memory_space<semaphore_mem>>) src(%dma_wait3A_188 : memref<80x128xf32, #tpu.memory_space<hbm>>) dst(%arg14 : memref<80x128xf32, #tpu.memory_space<vmem>>)
    %dma_start3A_189 = arith.constant 0 : i32
    %dma_start3A_190 = arith.constant 0 : i32
    %dma_start3A_191 = tpu.memref_slice %arg2[%dma_start3A_189, %dma_start3A_190] : memref<10000x128xf32, #tpu.memory_space<hbm>> -> memref<10000x128xf32, #tpu.memory_space<hbm>>
    tpu.enqueue_indirect_dma source(%dma_start3A_191 : memref<10000x128xf32, #tpu.memory_space<hbm>>) target(%arg14 : memref<80x128xf32, #tpu.memory_space<vmem>>) offsets(%arg12 : memref<80xi32, #tpu.memory_space<vmem>>) semaphore(%arg23 : memref<!tpu.dma_semaphore, #tpu.memory_space<semaphore_mem>>) {add = true}
    %dma_start3A_192 = arith.constant 0 : i32
    %dma_start3A_193 = arith.constant 0 : i32
    %dma_start3A_194 = tpu.memref_slice %arg3[%dma_start3A_192, %dma_start3A_193] : memref<10000x128xf32, #tpu.memory_space<hbm>> -> memref<10000x128xf32, #tpu.memory_space<hbm>>
    tpu.enqueue_indirect_dma source(%dma_start3A_194 : memref<10000x128xf32, #tpu.memory_space<hbm>>) target(%arg14 : memref<80x128xf32, #tpu.memory_space<vmem>>) offsets(%arg13 : memref<80xi32, #tpu.memory_space<vmem>>) semaphore(%arg23 : memref<!tpu.dma_semaphore, #tpu.memory_space<semaphore_mem>>) {add = true}
    %scan3A_195 = arith.constant 0 : i32
    %scan3A_196 = arith.constant 0 : i32
    %scan3A_197 = arith.constant 80 : i32
    %scan3A_198 = arith.addi %scan3A_196, %scan3A_197 : i32
    %scan3A_199 = arith.constant 1 : i32
    scf.for %scan3A_236 = %scan3A_196 to %scan3A_198 step %scan3A_199  : i32 {
      %get3A = arith.index_cast %scan3A_236 : i32 to index
      %get3A_237 = arith.constant 0 : index
      %get3A_238 = tpu.vector_load %arg11[%get3A, %get3A_237] {strides = array<i32>} : memref<80x128xf32, #tpu.memory_space<vmem>>, vector<1x16xf32>,
      %get3A_239 = vector.shape_cast %get3A_238 : vector<1x16xf32> to vector<16xf32>
      %max3A = arith.constant 0.000000e+00 : f32
      %max3A_240 = vector.broadcast %max3A : f32 to vector<16xf32>
      %max3A_241 = arith.maximumf %get3A_239, %max3A_240 : vector<16xf32>
      %swap3A = arith.index_cast %scan3A_236 : i32 to index
      %swap3A_242 = arith.constant 0 : index
      %swap3A_243 = tpu.vector_load %arg11[%swap3A, %swap3A_242] {strides = array<i32>} : memref<80x128xf32, #tpu.memory_space<vmem>>, vector<1x16xf32>,
      %swap3A_244 = vector.shape_cast %swap3A_243 : vector<1x16xf32> to vector<16xf32>
      %swap3A_245 = vector.shape_cast %max3A_241 : vector<16xf32> to vector<1x16xf32>
      tpu.vector_store %arg11[%swap3A, %swap3A_242], %swap3A_245 {strides = array<i32>} : memref<80x128xf32, #tpu.memory_space<vmem>>, vector<1x16xf32>,
      %get3A_246 = arith.index_cast %scan3A_236 : i32 to index
      %get3A_247 = arith.constant 16 : index
      %get3A_248 = tpu.vector_load %arg11[%get3A_246, %get3A_247] {strides = array<i32>} : memref<80x128xf32, #tpu.memory_space<vmem>>, vector<1x16xf32>,
      %get3A_249 = vector.shape_cast %get3A_248 : vector<1x16xf32> to vector<16xf32>
      %max3A_250 = arith.constant 0.000000e+00 : f32
      %max3A_251 = vector.broadcast %max3A_250 : f32 to vector<16xf32>
      %max3A_252 = arith.maximumf %get3A_249, %max3A_251 : vector<16xf32>
      %swap3A_253 = arith.index_cast %scan3A_236 : i32 to index
      %swap3A_254 = arith.constant 16 : index
      %swap3A_255 = tpu.vector_load %arg11[%swap3A_253, %swap3A_254] {strides = array<i32>} : memref<80x128xf32, #tpu.memory_space<vmem>>, vector<1x16xf32>,
      %swap3A_256 = vector.shape_cast %swap3A_255 : vector<1x16xf32> to vector<16xf32>
      %swap3A_257 = vector.shape_cast %max3A_252 : vector<16xf32> to vector<1x16xf32>
      tpu.vector_store %arg11[%swap3A_253, %swap3A_254], %swap3A_257 {strides = array<i32>} : memref<80x128xf32, #tpu.memory_space<vmem>>, vector<1x16xf32>,
      %get3A_258 = arith.index_cast %scan3A_236 : i32 to index
      %get3A_259 = arith.constant 32 : index
      %get3A_260 = tpu.vector_load %arg11[%get3A_258, %get3A_259] {strides = array<i32>} : memref<80x128xf32, #tpu.memory_space<vmem>>, vector<1x16xf32>,
      %get3A_261 = vector.shape_cast %get3A_260 : vector<1x16xf32> to vector<16xf32>
      %max3A_262 = arith.constant 0.000000e+00 : f32
      %max3A_263 = vector.broadcast %max3A_262 : f32 to vector<16xf32>
      %max3A_264 = arith.maximumf %get3A_261, %max3A_263 : vector<16xf32>
      %swap3A_265 = arith.index_cast %scan3A_236 : i32 to index
      %swap3A_266 = arith.constant 32 : index
      %swap3A_267 = tpu.vector_load %arg11[%swap3A_265, %swap3A_266] {strides = array<i32>} : memref<80x128xf32, #tpu.memory_space<vmem>>, vector<1x16xf32>,
      %swap3A_268 = vector.shape_cast %swap3A_267 : vector<1x16xf32> to vector<16xf32>
      %swap3A_269 = vector.shape_cast %max3A_264 : vector<16xf32> to vector<1x16xf32>
      tpu.vector_store %arg11[%swap3A_265, %swap3A_266], %swap3A_269 {strides = array<i32>} : memref<80x128xf32, #tpu.memory_space<vmem>>, vector<1x16xf32>,
      %get3A_270 = arith.index_cast %scan3A_236 : i32 to index
      %get3A_271 = arith.constant 48 : index
      %get3A_272 = tpu.vector_load %arg11[%get3A_270, %get3A_271] {strides = array<i32>} : memref<80x128xf32, #tpu.memory_space<vmem>>, vector<1x16xf32>,
      %get3A_273 = vector.shape_cast %get3A_272 : vector<1x16xf32> to vector<16xf32>
      %max3A_274 = arith.constant 0.000000e+00 : f32
      %max3A_275 = vector.broadcast %max3A_274 : f32 to vector<16xf32>
      %max3A_276 = arith.maximumf %get3A_273, %max3A_275 : vector<16xf32>
      %swap3A_277 = arith.index_cast %scan3A_236 : i32 to index
      %swap3A_278 = arith.constant 48 : index
      %swap3A_279 = tpu.vector_load %arg11[%swap3A_277, %swap3A_278] {strides = array<i32>} : memref<80x128xf32, #tpu.memory_space<vmem>>, vector<1x16xf32>,
      %swap3A_280 = vector.shape_cast %swap3A_279 : vector<1x16xf32> to vector<16xf32>
      %swap3A_281 = vector.shape_cast %max3A_276 : vector<16xf32> to vector<1x16xf32>
      tpu.vector_store %arg11[%swap3A_277, %swap3A_278], %swap3A_281 {strides = array<i32>} : memref<80x128xf32, #tpu.memory_space<vmem>>, vector<1x16xf32>,
      %get3A_282 = arith.index_cast %scan3A_236 : i32 to index
      %get3A_283 = arith.constant 64 : index
      %get3A_284 = tpu.vector_load %arg11[%get3A_282, %get3A_283] {strides = array<i32>} : memref<80x128xf32, #tpu.memory_space<vmem>>, vector<1x16xf32>,
      %get3A_285 = vector.shape_cast %get3A_284 : vector<1x16xf32> to vector<16xf32>
      %max3A_286 = arith.constant 0.000000e+00 : f32
      %max3A_287 = vector.broadcast %max3A_286 : f32 to vector<16xf32>
      %max3A_288 = arith.maximumf %get3A_285, %max3A_287 : vector<16xf32>
      %swap3A_289 = arith.index_cast %scan3A_236 : i32 to index
      %swap3A_290 = arith.constant 64 : index
      %swap3A_291 = tpu.vector_load %arg11[%swap3A_289, %swap3A_290] {strides = array<i32>} : memref<80x128xf32, #tpu.memory_space<vmem>>, vector<1x16xf32>,
      %swap3A_292 = vector.shape_cast %swap3A_291 : vector<1x16xf32> to vector<16xf32>
      %swap3A_293 = vector.shape_cast %max3A_288 : vector<16xf32> to vector<1x16xf32>
      tpu.vector_store %arg11[%swap3A_289, %swap3A_290], %swap3A_293 {strides = array<i32>} : memref<80x128xf32, #tpu.memory_space<vmem>>, vector<1x16xf32>,
      %get3A_294 = arith.index_cast %scan3A_236 : i32 to index
      %get3A_295 = arith.constant 80 : index
      %get3A_296 = tpu.vector_load %arg11[%get3A_294, %get3A_295] {strides = array<i32>} : memref<80x128xf32, #tpu.memory_space<vmem>>, vector<1x16xf32>,
      %get3A_297 = vector.shape_cast %get3A_296 : vector<1x16xf32> to vector<16xf32>
      %max3A_298 = arith.constant 0.000000e+00 : f32
      %max3A_299 = vector.broadcast %max3A_298 : f32 to vector<16xf32>
      %max3A_300 = arith.maximumf %get3A_297, %max3A_299 : vector<16xf32>
      %swap3A_301 = arith.index_cast %scan3A_236 : i32 to index
      %swap3A_302 = arith.constant 80 : index
      %swap3A_303 = tpu.vector_load %arg11[%swap3A_301, %swap3A_302] {strides = array<i32>} : memref<80x128xf32, #tpu.memory_space<vmem>>, vector<1x16xf32>,
      %swap3A_304 = vector.shape_cast %swap3A_303 : vector<1x16xf32> to vector<16xf32>
      %swap3A_305 = vector.shape_cast %max3A_300 : vector<16xf32> to vector<1x16xf32>
      tpu.vector_store %arg11[%swap3A_301, %swap3A_302], %swap3A_305 {strides = array<i32>} : memref<80x128xf32, #tpu.memory_space<vmem>>, vector<1x16xf32>,
      %get3A_306 = arith.index_cast %scan3A_236 : i32 to index
      %get3A_307 = arith.constant 96 : index
      %get3A_308 = tpu.vector_load %arg11[%get3A_306, %get3A_307] {strides = array<i32>} : memref<80x128xf32, #tpu.memory_space<vmem>>, vector<1x16xf32>,
      %get3A_309 = vector.shape_cast %get3A_308 : vector<1x16xf32> to vector<16xf32>
      %max3A_310 = arith.constant 0.000000e+00 : f32
      %max3A_311 = vector.broadcast %max3A_310 : f32 to vector<16xf32>
      %max3A_312 = arith.maximumf %get3A_309, %max3A_311 : vector<16xf32>
      %swap3A_313 = arith.index_cast %scan3A_236 : i32 to index
      %swap3A_314 = arith.constant 96 : index
      %swap3A_315 = tpu.vector_load %arg11[%swap3A_313, %swap3A_314] {strides = array<i32>} : memref<80x128xf32, #tpu.memory_space<vmem>>, vector<1x16xf32>,
      %swap3A_316 = vector.shape_cast %swap3A_315 : vector<1x16xf32> to vector<16xf32>
      %swap3A_317 = vector.shape_cast %max3A_312 : vector<16xf32> to vector<1x16xf32>
      tpu.vector_store %arg11[%swap3A_313, %swap3A_314], %swap3A_317 {strides = array<i32>} : memref<80x128xf32, #tpu.memory_space<vmem>>, vector<1x16xf32>,
      %get3A_318 = arith.index_cast %scan3A_236 : i32 to index
      %get3A_319 = arith.constant 112 : index
      %get3A_320 = tpu.vector_load %arg11[%get3A_318, %get3A_319] {strides = array<i32>} : memref<80x128xf32, #tpu.memory_space<vmem>>, vector<1x16xf32>,
      %get3A_321 = vector.shape_cast %get3A_320 : vector<1x16xf32> to vector<16xf32>
      %max3A_322 = arith.constant 0.000000e+00 : f32
      %max3A_323 = vector.broadcast %max3A_322 : f32 to vector<16xf32>
      %max3A_324 = arith.maximumf %get3A_321, %max3A_323 : vector<16xf32>
      %swap3A_325 = arith.index_cast %scan3A_236 : i32 to index
      %swap3A_326 = arith.constant 112 : index
      %swap3A_327 = tpu.vector_load %arg11[%swap3A_325, %swap3A_326] {strides = array<i32>} : memref<80x128xf32, #tpu.memory_space<vmem>>, vector<1x16xf32>,
      %swap3A_328 = vector.shape_cast %swap3A_327 : vector<1x16xf32> to vector<16xf32>
      %swap3A_329 = vector.shape_cast %max3A_324 : vector<16xf32> to vector<1x16xf32>
      tpu.vector_store %arg11[%swap3A_325, %swap3A_326], %swap3A_329 {strides = array<i32>} : memref<80x128xf32, #tpu.memory_space<vmem>>, vector<1x16xf32>,
    }
    %scan3A_200 = arith.constant 80 : i32
    %dma_start3A_201 = arith.constant 0 : i32
    %dma_start3A_202 = arith.constant 0 : i32
    %dma_start3A_203 = tpu.memref_slice %arg18[%dma_start3A_201, %dma_start3A_202] : memref<10240x128xf32, #tpu.memory_space<vmem_shared>> -> memref<10240x128xf32, #tpu.memory_space<vmem_shared>>
    tpu.enqueue_indirect_dma source(%arg11 : memref<80x128xf32, #tpu.memory_space<vmem>>) target(%dma_start3A_203 : memref<10240x128xf32, #tpu.memory_space<vmem_shared>>) offsets(%arg10 : memref<80xi32, #tpu.memory_space<vmem>>) semaphore(%arg25 : memref<!tpu.dma_semaphore, #tpu.memory_space<semaphore_mem>>) {add = true}
    %dma_wait3A_204 = arith.constant 0 : i32
    %dma_wait3A_205 = arith.constant 0 : i32
    %dma_wait3A_206 = tpu.memref_slice %arg2[%dma_wait3A_204, %dma_wait3A_205] : memref<10000x128xf32, #tpu.memory_space<hbm>> -> memref<10000x128xf32, #tpu.memory_space<hbm>>
    tpu.wait_indirect_dma semaphore(%arg23 : memref<!tpu.dma_semaphore, #tpu.memory_space<semaphore_mem>>) src(%dma_wait3A_206 : memref<10000x128xf32, #tpu.memory_space<hbm>>) dst(%arg14 : memref<80x128xf32, #tpu.memory_space<vmem>>)
    %dma_wait3A_207 = arith.constant 0 : i32
    %dma_wait3A_208 = arith.constant 0 : i32
    %dma_wait3A_209 = tpu.memref_slice %arg3[%dma_wait3A_207, %dma_wait3A_208] : memref<10000x128xf32, #tpu.memory_space<hbm>> -> memref<10000x128xf32, #tpu.memory_space<hbm>>
    tpu.wait_indirect_dma semaphore(%arg23 : memref<!tpu.dma_semaphore, #tpu.memory_space<semaphore_mem>>) src(%dma_wait3A_209 : memref<10000x128xf32, #tpu.memory_space<hbm>>) dst(%arg14 : memref<80x128xf32, #tpu.memory_space<vmem>>)
    %scan3A_210 = arith.constant 0 : i32
    %scan3A_211 = arith.constant 0 : i32
    %scan3A_212 = arith.constant 80 : i32
    %scan3A_213 = arith.addi %scan3A_211, %scan3A_212 : i32
    %scan3A_214 = arith.constant 1 : i32
    scf.for %scan3A_236 = %scan3A_211 to %scan3A_213 step %scan3A_214  : i32 {
      %get3A = arith.index_cast %scan3A_236 : i32 to index
      %get3A_237 = arith.constant 0 : index
      %get3A_238 = tpu.vector_load %arg14[%get3A, %get3A_237] {strides = array<i32>} : memref<80x128xf32, #tpu.memory_space<vmem>>, vector<1x16xf32>,
      %get3A_239 = vector.shape_cast %get3A_238 : vector<1x16xf32> to vector<16xf32>
      %max3A = arith.constant 0.000000e+00 : f32
      %max3A_240 = vector.broadcast %max3A : f32 to vector<16xf32>
      %max3A_241 = arith.maximumf %get3A_239, %max3A_240 : vector<16xf32>
      %swap3A = arith.index_cast %scan3A_236 : i32 to index
      %swap3A_242 = arith.constant 0 : index
      %swap3A_243 = tpu.vector_load %arg14[%swap3A, %swap3A_242] {strides = array<i32>} : memref<80x128xf32, #tpu.memory_space<vmem>>, vector<1x16xf32>,
      %swap3A_244 = vector.shape_cast %swap3A_243 : vector<1x16xf32> to vector<16xf32>
      %swap3A_245 = vector.shape_cast %max3A_241 : vector<16xf32> to vector<1x16xf32>
      tpu.vector_store %arg14[%swap3A, %swap3A_242], %swap3A_245 {strides = array<i32>} : memref<80x128xf32, #tpu.memory_space<vmem>>, vector<1x16xf32>,
      %get3A_246 = arith.index_cast %scan3A_236 : i32 to index
      %get3A_247 = arith.constant 16 : index
      %get3A_248 = tpu.vector_load %arg14[%get3A_246, %get3A_247] {strides = array<i32>} : memref<80x128xf32, #tpu.memory_space<vmem>>, vector<1x16xf32>,
      %get3A_249 = vector.shape_cast %get3A_248 : vector<1x16xf32> to vector<16xf32>
      %max3A_250 = arith.constant 0.000000e+00 : f32
      %max3A_251 = vector.broadcast %max3A_250 : f32 to vector<16xf32>
      %max3A_252 = arith.maximumf %get3A_249, %max3A_251 : vector<16xf32>
      %swap3A_253 = arith.index_cast %scan3A_236 : i32 to index
      %swap3A_254 = arith.constant 16 : index
      %swap3A_255 = tpu.vector_load %arg14[%swap3A_253, %swap3A_254] {strides = array<i32>} : memref<80x128xf32, #tpu.memory_space<vmem>>, vector<1x16xf32>,
      %swap3A_256 = vector.shape_cast %swap3A_255 : vector<1x16xf32> to vector<16xf32>
      %swap3A_257 = vector.shape_cast %max3A_252 : vector<16xf32> to vector<1x16xf32>
      tpu.vector_store %arg14[%swap3A_253, %swap3A_254], %swap3A_257 {strides = array<i32>} : memref<80x128xf32, #tpu.memory_space<vmem>>, vector<1x16xf32>,
      %get3A_258 = arith.index_cast %scan3A_236 : i32 to index
      %get3A_259 = arith.constant 32 : index
      %get3A_260 = tpu.vector_load %arg14[%get3A_258, %get3A_259] {strides = array<i32>} : memref<80x128xf32, #tpu.memory_space<vmem>>, vector<1x16xf32>,
      %get3A_261 = vector.shape_cast %get3A_260 : vector<1x16xf32> to vector<16xf32>
      %max3A_262 = arith.constant 0.000000e+00 : f32
      %max3A_263 = vector.broadcast %max3A_262 : f32 to vector<16xf32>
      %max3A_264 = arith.maximumf %get3A_261, %max3A_263 : vector<16xf32>
      %swap3A_265 = arith.index_cast %scan3A_236 : i32 to index
      %swap3A_266 = arith.constant 32 : index
      %swap3A_267 = tpu.vector_load %arg14[%swap3A_265, %swap3A_266] {strides = array<i32>} : memref<80x128xf32, #tpu.memory_space<vmem>>, vector<1x16xf32>,
      %swap3A_268 = vector.shape_cast %swap3A_267 : vector<1x16xf32> to vector<16xf32>
      %swap3A_269 = vector.shape_cast %max3A_264 : vector<16xf32> to vector<1x16xf32>
      tpu.vector_store %arg14[%swap3A_265, %swap3A_266], %swap3A_269 {strides = array<i32>} : memref<80x128xf32, #tpu.memory_space<vmem>>, vector<1x16xf32>,
      %get3A_270 = arith.index_cast %scan3A_236 : i32 to index
      %get3A_271 = arith.constant 48 : index
      %get3A_272 = tpu.vector_load %arg14[%get3A_270, %get3A_271] {strides = array<i32>} : memref<80x128xf32, #tpu.memory_space<vmem>>, vector<1x16xf32>,
      %get3A_273 = vector.shape_cast %get3A_272 : vector<1x16xf32> to vector<16xf32>
      %max3A_274 = arith.constant 0.000000e+00 : f32
      %max3A_275 = vector.broadcast %max3A_274 : f32 to vector<16xf32>
      %max3A_276 = arith.maximumf %get3A_273, %max3A_275 : vector<16xf32>
      %swap3A_277 = arith.index_cast %scan3A_236 : i32 to index
      %swap3A_278 = arith.constant 48 : index
      %swap3A_279 = tpu.vector_load %arg14[%swap3A_277, %swap3A_278] {strides = array<i32>} : memref<80x128xf32, #tpu.memory_space<vmem>>, vector<1x16xf32>,
      %swap3A_280 = vector.shape_cast %swap3A_279 : vector<1x16xf32> to vector<16xf32>
      %swap3A_281 = vector.shape_cast %max3A_276 : vector<16xf32> to vector<1x16xf32>
      tpu.vector_store %arg14[%swap3A_277, %swap3A_278], %swap3A_281 {strides = array<i32>} : memref<80x128xf32, #tpu.memory_space<vmem>>, vector<1x16xf32>,
      %get3A_282 = arith.index_cast %scan3A_236 : i32 to index
      %get3A_283 = arith.constant 64 : index
      %get3A_284 = tpu.vector_load %arg14[%get3A_282, %get3A_283] {strides = array<i32>} : memref<80x128xf32, #tpu.memory_space<vmem>>, vector<1x16xf32>,
      %get3A_285 = vector.shape_cast %get3A_284 : vector<1x16xf32> to vector<16xf32>
      %max3A_286 = arith.constant 0.000000e+00 : f32
      %max3A_287 = vector.broadcast %max3A_286 : f32 to vector<16xf32>
      %max3A_288 = arith.maximumf %get3A_285, %max3A_287 : vector<16xf32>
      %swap3A_289 = arith.index_cast %scan3A_236 : i32 to index
      %swap3A_290 = arith.constant 64 : index
      %swap3A_291 = tpu.vector_load %arg14[%swap3A_289, %swap3A_290] {strides = array<i32>} : memref<80x128xf32, #tpu.memory_space<vmem>>, vector<1x16xf32>,
      %swap3A_292 = vector.shape_cast %swap3A_291 : vector<1x16xf32> to vector<16xf32>
      %swap3A_293 = vector.shape_cast %max3A_288 : vector<16xf32> to vector<1x16xf32>
      tpu.vector_store %arg14[%swap3A_289, %swap3A_290], %swap3A_293 {strides = array<i32>} : memref<80x128xf32, #tpu.memory_space<vmem>>, vector<1x16xf32>,
      %get3A_294 = arith.index_cast %scan3A_236 : i32 to index
      %get3A_295 = arith.constant 80 : index
      %get3A_296 = tpu.vector_load %arg14[%get3A_294, %get3A_295] {strides = array<i32>} : memref<80x128xf32, #tpu.memory_space<vmem>>, vector<1x16xf32>,
      %get3A_297 = vector.shape_cast %get3A_296 : vector<1x16xf32> to vector<16xf32>
      %max3A_298 = arith.constant 0.000000e+00 : f32
      %max3A_299 = vector.broadcast %max3A_298 : f32 to vector<16xf32>
      %max3A_300 = arith.maximumf %get3A_297, %max3A_299 : vector<16xf32>
      %swap3A_301 = arith.index_cast %scan3A_236 : i32 to index
      %swap3A_302 = arith.constant 80 : index
      %swap3A_303 = tpu.vector_load %arg14[%swap3A_301, %swap3A_302] {strides = array<i32>} : memref<80x128xf32, #tpu.memory_space<vmem>>, vector<1x16xf32>,
      %swap3A_304 = vector.shape_cast %swap3A_303 : vector<1x16xf32> to vector<16xf32>
      %swap3A_305 = vector.shape_cast %max3A_300 : vector<16xf32> to vector<1x16xf32>
      tpu.vector_store %arg14[%swap3A_301, %swap3A_302], %swap3A_305 {strides = array<i32>} : memref<80x128xf32, #tpu.memory_space<vmem>>, vector<1x16xf32>,
      %get3A_306 = arith.index_cast %scan3A_236 : i32 to index
      %get3A_307 = arith.constant 96 : index
      %get3A_308 = tpu.vector_load %arg14[%get3A_306, %get3A_307] {strides = array<i32>} : memref<80x128xf32, #tpu.memory_space<vmem>>, vector<1x16xf32>,
      %get3A_309 = vector.shape_cast %get3A_308 : vector<1x16xf32> to vector<16xf32>
      %max3A_310 = arith.constant 0.000000e+00 : f32
      %max3A_311 = vector.broadcast %max3A_310 : f32 to vector<16xf32>
      %max3A_312 = arith.maximumf %get3A_309, %max3A_311 : vector<16xf32>
      %swap3A_313 = arith.index_cast %scan3A_236 : i32 to index
      %swap3A_314 = arith.constant 96 : index
      %swap3A_315 = tpu.vector_load %arg14[%swap3A_313, %swap3A_314] {strides = array<i32>} : memref<80x128xf32, #tpu.memory_space<vmem>>, vector<1x16xf32>,
      %swap3A_316 = vector.shape_cast %swap3A_315 : vector<1x16xf32> to vector<16xf32>
      %swap3A_317 = vector.shape_cast %max3A_312 : vector<16xf32> to vector<1x16xf32>
      tpu.vector_store %arg14[%swap3A_313, %swap3A_314], %swap3A_317 {strides = array<i32>} : memref<80x128xf32, #tpu.memory_space<vmem>>, vector<1x16xf32>,
      %get3A_318 = arith.index_cast %scan3A_236 : i32 to index
      %get3A_319 = arith.constant 112 : index
      %get3A_320 = tpu.vector_load %arg14[%get3A_318, %get3A_319] {strides = array<i32>} : memref<80x128xf32, #tpu.memory_space<vmem>>, vector<1x16xf32>,
      %get3A_321 = vector.shape_cast %get3A_320 : vector<1x16xf32> to vector<16xf32>
      %max3A_322 = arith.constant 0.000000e+00 : f32
      %max3A_323 = vector.broadcast %max3A_322 : f32 to vector<16xf32>
      %max3A_324 = arith.maximumf %get3A_321, %max3A_323 : vector<16xf32>
      %swap3A_325 = arith.index_cast %scan3A_236 : i32 to index
      %swap3A_326 = arith.constant 112 : index
      %swap3A_327 = tpu.vector_load %arg14[%swap3A_325, %swap3A_326] {strides = array<i32>} : memref<80x128xf32, #tpu.memory_space<vmem>>, vector<1x16xf32>,
      %swap3A_328 = vector.shape_cast %swap3A_327 : vector<1x16xf32> to vector<16xf32>
      %swap3A_329 = vector.shape_cast %max3A_324 : vector<16xf32> to vector<1x16xf32>
      tpu.vector_store %arg14[%swap3A_325, %swap3A_326], %swap3A_329 {strides = array<i32>} : memref<80x128xf32, #tpu.memory_space<vmem>>, vector<1x16xf32>,
    }
    %scan3A_215 = arith.constant 80 : i32
    %dma_start3A_216 = arith.constant 0 : i32
    %dma_start3A_217 = arith.constant 0 : i32
    %dma_start3A_218 = tpu.memref_slice %arg18[%dma_start3A_216, %dma_start3A_217] : memref<10240x128xf32, #tpu.memory_space<vmem_shared>> -> memref<10240x128xf32, #tpu.memory_space<vmem_shared>>
    tpu.enqueue_indirect_dma source(%arg14 : memref<80x128xf32, #tpu.memory_space<vmem>>) target(%dma_start3A_218 : memref<10240x128xf32, #tpu.memory_space<vmem_shared>>) offsets(%arg13 : memref<80xi32, #tpu.memory_space<vmem>>) semaphore(%arg26 : memref<!tpu.dma_semaphore, #tpu.memory_space<semaphore_mem>>) {add = true}
    %dma_wait3A_219 = arith.constant 0 : i32
    %dma_wait3A_220 = arith.constant 0 : i32
    %dma_wait3A_221 = tpu.memref_slice %arg18[%dma_wait3A_219, %dma_wait3A_220] : memref<10240x128xf32, #tpu.memory_space<vmem_shared>> -> memref<10240x128xf32, #tpu.memory_space<vmem_shared>>
    tpu.wait_indirect_dma semaphore(%arg27 : memref<!tpu.dma_semaphore, #tpu.memory_space<semaphore_mem>>) src(%arg17 : memref<80x128xf32, #tpu.memory_space<vmem>>) dst(%dma_wait3A_221 : memref<10240x128xf32, #tpu.memory_space<vmem_shared>>)
    %dma_wait3A_222 = arith.constant 0 : i32
    %dma_wait3A_223 = arith.constant 0 : i32
    %dma_wait3A_224 = tpu.memref_slice %arg18[%dma_wait3A_222, %dma_wait3A_223] : memref<10240x128xf32, #tpu.memory_space<vmem_shared>> -> memref<10240x128xf32, #tpu.memory_space<vmem_shared>>
    tpu.wait_indirect_dma semaphore(%arg25 : memref<!tpu.dma_semaphore, #tpu.memory_space<semaphore_mem>>) src(%arg11 : memref<80x128xf32, #tpu.memory_space<vmem>>) dst(%dma_wait3A_224 : memref<10240x128xf32, #tpu.memory_space<vmem_shared>>)
    %dma_wait3A_225 = arith.constant 0 : i32
    %dma_wait3A_226 = arith.constant 0 : i32
    %dma_wait3A_227 = tpu.memref_slice %arg18[%dma_wait3A_225, %dma_wait3A_226] : memref<10240x128xf32, #tpu.memory_space<vmem_shared>> -> memref<10240x128xf32, #tpu.memory_space<vmem_shared>>
    tpu.wait_indirect_dma semaphore(%arg26 : memref<!tpu.dma_semaphore, #tpu.memory_space<semaphore_mem>>) src(%arg14 : memref<80x128xf32, #tpu.memory_space<vmem>>) dst(%dma_wait3A_227 : memref<10240x128xf32, #tpu.memory_space<vmem_shared>>)
    %barrier3A_228 = arith.constant 0 : index
    tpu.barrier barrier_id(%barrier3A_228)
    %mul3A_229 = arith.constant 10240 : i32
    %mul3A_230 = arith.muli %arg0, %mul3A_229 : i32
    %mul3A_231 = arith.constant 640 : i32
    %mul3A_232 = arith.muli %arg1, %mul3A_231 : i32
    %add3A_233 = arith.addi %mul3A_230, %mul3A_232 : i32
    %mul3A_234 = arith.constant 640 : i32
    %mul3A_235 = arith.muli %arg1, %mul3A_234 : i32
    "tpu.region"() ({
      %run_scoped3A = tpu.sem_alloc : memref<!tpu.dma_semaphore, #tpu.memory_space<semaphore_mem>>
      %dma_start3A_236 = arith.constant 0 : i32
      %dma_start3A_237 = tpu.memref_slice %arg8[%add3A_233, %dma_start3A_236] : memref<20480x128xf32, #tpu.memory_space<hbm>> -> memref<640x128xf32, #tpu.memory_space<hbm>>
      %dma_start3A_238 = arith.constant 0 : i32
      %dma_start3A_239 = tpu.memref_slice %arg18[%mul3A_235, %dma_start3A_238] : memref<10240x128xf32, #tpu.memory_space<vmem_shared>> -> memref<640x128xf32, #tpu.memory_space<vmem_shared>>
      tpu.enqueue_dma source(%dma_start3A_239 : memref<640x128xf32, #tpu.memory_space<vmem_shared>>) target(%dma_start3A_237 : memref<640x128xf32, #tpu.memory_space<hbm>>) target_semaphore(%run_scoped3A : memref<!tpu.dma_semaphore, #tpu.memory_space<semaphore_mem>>)
      %dma_wait3A_240 = arith.constant 0 : i32
      %dma_wait3A_241 = tpu.memref_slice %arg8[%add3A_233, %dma_wait3A_240] : memref<20480x128xf32, #tpu.memory_space<hbm>> -> memref<640x128xf32, #tpu.memory_space<hbm>>
      %dma_wait3A_242 = arith.constant 0 : i32
      %dma_wait3A_243 = tpu.memref_slice %arg18[%mul3A_235, %dma_wait3A_242] : memref<10240x128xf32, #tpu.memory_space<vmem_shared>> -> memref<640x128xf32, #tpu.memory_space<vmem_shared>>
      tpu.wait_dma2 semaphore(%run_scoped3A : memref<!tpu.dma_semaphore, #tpu.memory_space<semaphore_mem>>) src(%dma_wait3A_243 : memref<640x128xf32, #tpu.memory_space<vmem_shared>>) dst(%dma_wait3A_241 : memref<640x128xf32, #tpu.memory_space<hbm>>)
      tpu.yield
    }) : () -> ()
    return
  }
}

#map = affine_map<(d0, d1) -> (0, 0)>
#map1 = affine_map<(d0, d1) -> (0)>
module attributes {stable_mosaic.version = 14 : i64} {
  func.func @edge_pass(%arg0: i32, %arg1: i32, %arg2: memref<10000x128xf32, #tpu.memory_space<hbm>>, %arg3: memref<10000x128xf32, #tpu.memory_space<hbm>>, %arg4: memref<320000x128xf32, #tpu.memory_space<hbm>>, %arg5: memref<320000xi32, #tpu.memory_space<hbm>>, %arg6: memref<320000xi32, #tpu.memory_space<hbm>>, %arg7: memref<640x128xf32, #tpu.memory_space<hbm>>, %arg8: memref<20480x128xf32, #tpu.memory_space<hbm>>, %arg9: memref<80xi32, #tpu.memory_space<vmem>>, %arg10: memref<80xi32, #tpu.memory_space<vmem>>, %arg11: memref<80x128xf32, #tpu.memory_space<vmem>>, %arg12: memref<80xi32, #tpu.memory_space<vmem>>, %arg13: memref<80xi32, #tpu.memory_space<vmem>>, %arg14: memref<80x128xf32, #tpu.memory_space<vmem>>, %arg15: memref<80xi32, #tpu.memory_space<vmem>>, %arg16: memref<80xi32, #tpu.memory_space<vmem>>, %arg17: memref<80x128xf32, #tpu.memory_space<vmem>>, %arg18: memref<10240x128xf32, #tpu.memory_space<vmem_shared>>, %arg19: memref<!tpu.dma_semaphore, #tpu.memory_space<semaphore_mem>>, %arg20: memref<!tpu.dma_semaphore, #tpu.memory_space<semaphore_mem>>, %arg21: memref<!tpu.dma_semaphore, #tpu.memory_space<semaphore_mem>>, %arg22: memref<!tpu.dma_semaphore, #tpu.memory_space<semaphore_mem>>, %arg23: memref<!tpu.dma_semaphore, #tpu.memory_space<semaphore_mem>>, %arg24: memref<!tpu.dma_semaphore, #tpu.memory_space<semaphore_mem>>, %arg25: memref<!tpu.dma_semaphore, #tpu.memory_space<semaphore_mem>>, %arg26: memref<!tpu.dma_semaphore, #tpu.memory_space<semaphore_mem>>, %arg27: memref<!tpu.dma_semaphore, #tpu.memory_space<semaphore_mem>>) attributes {dimension_semantics = [#tpu.dimension_semantics<core_parallel>, #tpu.dimension_semantics<subcore_parallel>], iteration_bounds = array<i64: 2, 16>, scalar_prefetch = 0 : i64, scratch_operands = 19 : i64, tpu.core_type = #tpu.core_type<sc_vector_subcore>, window_params = [{transform_indices = #map}, {transform_indices = #map}, {transform_indices = #map}, {transform_indices = #map1}, {transform_indices = #map1}, {transform_indices = #map}, {transform_indices = #map}]} {
    %mul3A = arith.constant 2 : i32
    %mul3A_0 = arith.muli %arg1, %mul3A : i32
    %add3A = arith.addi %mul3A_0, %arg0 : i32
    %mul3A_1 = arith.constant 10000 : i32
    %mul3A_2 = arith.muli %add3A, %mul3A_1 : i32
    %mul3A_3 = arith.constant 640 : i32
    %mul3A_4 = arith.muli %arg1, %mul3A_3 : i32
    "tpu.region"() ({
      %run_scoped3A = tpu.sem_alloc : memref<!tpu.dma_semaphore, #tpu.memory_space<semaphore_mem>>
      %dma_start3A_236 = arith.constant 0 : i32
      %dma_start3A_237 = tpu.memref_slice %arg18[%mul3A_4, %dma_start3A_236] : memref<10240x128xf32, #tpu.memory_space<vmem_shared>> -> memref<640x128xf32, #tpu.memory_space<vmem_shared>>
      tpu.enqueue_dma source(%arg7 : memref<640x128xf32, #tpu.memory_space<hbm>>) target(%dma_start3A_237 : memref<640x128xf32, #tpu.memory_space<vmem_shared>>) target_semaphore(%run_scoped3A : memref<!tpu.dma_semaphore, #tpu.memory_space<semaphore_mem>>)
      %dma_wait3A_238 = arith.constant 0 : i32
      %dma_wait3A_239 = tpu.memref_slice %arg18[%mul3A_4, %dma_wait3A_238] : memref<10240x128xf32, #tpu.memory_space<vmem_shared>> -> memref<640x128xf32, #tpu.memory_space<vmem_shared>>
      tpu.wait_dma2 semaphore(%run_scoped3A : memref<!tpu.dma_semaphore, #tpu.memory_space<semaphore_mem>>) src(%arg7 : memref<640x128xf32, #tpu.memory_space<hbm>>) dst(%dma_wait3A_239 : memref<640x128xf32, #tpu.memory_space<vmem_shared>>)
      tpu.yield
    }) : () -> ()
    %barrier3A = arith.constant 0 : index
    tpu.barrier barrier_id(%barrier3A)
    %add3A_5 = arith.constant 0 : i32
    %add3A_6 = arith.addi %mul3A_2, %add3A_5 : i32
    %dma_start3A = tpu.memref_slice %arg5[%add3A_6] : memref<320000xi32, #tpu.memory_space<hbm>> -> memref<80xi32, #tpu.memory_space<hbm>>
    %dma_start3A_7 = tpu.memref_slice %arg5[%add3A_6] : memref<320000xi32, #tpu.memory_space<hbm>> -> memref<80xi32, #tpu.memory_space<hbm>>
    tpu.enqueue_dma source(%dma_start3A_7 : memref<80xi32, #tpu.memory_space<hbm>>) target(%arg9 : memref<80xi32, #tpu.memory_space<vmem>>) target_semaphore(%arg19 : memref<!tpu.dma_semaphore, #tpu.memory_space<semaphore_mem>>)
    %dma_start3A_8 = tpu.memref_slice %arg6[%add3A_6] : memref<320000xi32, #tpu.memory_space<hbm>> -> memref<80xi32, #tpu.memory_space<hbm>>
    %dma_start3A_9 = tpu.memref_slice %arg6[%add3A_6] : memref<320000xi32, #tpu.memory_space<hbm>> -> memref<80xi32, #tpu.memory_space<hbm>>
    tpu.enqueue_dma source(%dma_start3A_9 : memref<80xi32, #tpu.memory_space<hbm>>) target(%arg10 : memref<80xi32, #tpu.memory_space<vmem>>) target_semaphore(%arg19 : memref<!tpu.dma_semaphore, #tpu.memory_space<semaphore_mem>>)
    %dma_start3A_10 = arith.constant 0 : i32
    %dma_start3A_11 = tpu.memref_slice %arg4[%add3A_6, %dma_start3A_10] : memref<320000x128xf32, #tpu.memory_space<hbm>> -> memref<80x128xf32, #tpu.memory_space<hbm>>
    %dma_start3A_12 = arith.constant 0 : i32
    %dma_start3A_13 = tpu.memref_slice %arg4[%add3A_6, %dma_start3A_12] : memref<320000x128xf32, #tpu.memory_space<hbm>> -> memref<80x128xf32, #tpu.memory_space<hbm>>
    tpu.enqueue_dma source(%dma_start3A_13 : memref<80x128xf32, #tpu.memory_space<hbm>>) target(%arg11 : memref<80x128xf32, #tpu.memory_space<vmem>>) target_semaphore(%arg19 : memref<!tpu.dma_semaphore, #tpu.memory_space<semaphore_mem>>)
    %add3A_14 = arith.constant 0 : i32
    %add3A_15 = arith.addi %mul3A_2, %add3A_14 : i32
    %dma_wait3A = tpu.memref_slice %arg5[%add3A_15] : memref<320000xi32, #tpu.memory_space<hbm>> -> memref<80xi32, #tpu.memory_space<hbm>>
    %dma_wait3A_16 = tpu.memref_slice %arg5[%add3A_15] : memref<320000xi32, #tpu.memory_space<hbm>> -> memref<80xi32, #tpu.memory_space<hbm>>
    tpu.wait_dma2 semaphore(%arg19 : memref<!tpu.dma_semaphore, #tpu.memory_space<semaphore_mem>>) src(%dma_wait3A_16 : memref<80xi32, #tpu.memory_space<hbm>>) dst(%arg9 : memref<80xi32, #tpu.memory_space<vmem>>)
    %dma_wait3A_17 = tpu.memref_slice %arg6[%add3A_15] : memref<320000xi32, #tpu.memory_space<hbm>> -> memref<80xi32, #tpu.memory_space<hbm>>
    %dma_wait3A_18 = tpu.memref_slice %arg6[%add3A_15] : memref<320000xi32, #tpu.memory_space<hbm>> -> memref<80xi32, #tpu.memory_space<hbm>>
    tpu.wait_dma2 semaphore(%arg19 : memref<!tpu.dma_semaphore, #tpu.memory_space<semaphore_mem>>) src(%dma_wait3A_18 : memref<80xi32, #tpu.memory_space<hbm>>) dst(%arg10 : memref<80xi32, #tpu.memory_space<vmem>>)
    %dma_wait3A_19 = arith.constant 0 : i32
    %dma_wait3A_20 = tpu.memref_slice %arg4[%add3A_15, %dma_wait3A_19] : memref<320000x128xf32, #tpu.memory_space<hbm>> -> memref<80x128xf32, #tpu.memory_space<hbm>>
    %dma_wait3A_21 = arith.constant 0 : i32
    %dma_wait3A_22 = tpu.memref_slice %arg4[%add3A_15, %dma_wait3A_21] : memref<320000x128xf32, #tpu.memory_space<hbm>> -> memref<80x128xf32, #tpu.memory_space<hbm>>
    tpu.wait_dma2 semaphore(%arg19 : memref<!tpu.dma_semaphore, #tpu.memory_space<semaphore_mem>>) src(%dma_wait3A_22 : memref<80x128xf32, #tpu.memory_space<hbm>>) dst(%arg11 : memref<80x128xf32, #tpu.memory_space<vmem>>)
    %dma_start3A_23 = arith.constant 0 : i32
    %dma_start3A_24 = arith.constant 0 : i32
    %dma_start3A_25 = tpu.memref_slice %arg2[%dma_start3A_23, %dma_start3A_24] : memref<10000x128xf32, #tpu.memory_space<hbm>> -> memref<10000x128xf32, #tpu.memory_space<hbm>>
    tpu.enqueue_indirect_dma source(%dma_start3A_25 : memref<10000x128xf32, #tpu.memory_space<hbm>>) target(%arg11 : memref<80x128xf32, #tpu.memory_space<vmem>>) offsets(%arg9 : memref<80xi32, #tpu.memory_space<vmem>>) semaphore(%arg22 : memref<!tpu.dma_semaphore, #tpu.memory_space<semaphore_mem>>) {add = true}
    %dma_start3A_26 = arith.constant 0 : i32
    %dma_start3A_27 = arith.constant 0 : i32
    %dma_start3A_28 = tpu.memref_slice %arg3[%dma_start3A_26, %dma_start3A_27] : memref<10000x128xf32, #tpu.memory_space<hbm>> -> memref<10000x128xf32, #tpu.memory_space<hbm>>
    tpu.enqueue_indirect_dma source(%dma_start3A_28 : memref<10000x128xf32, #tpu.memory_space<hbm>>) target(%arg11 : memref<80x128xf32, #tpu.memory_space<vmem>>) offsets(%arg10 : memref<80xi32, #tpu.memory_space<vmem>>) semaphore(%arg22 : memref<!tpu.dma_semaphore, #tpu.memory_space<semaphore_mem>>) {add = true}
    %add3A_29 = arith.constant 80 : i32
    %add3A_30 = arith.addi %mul3A_2, %add3A_29 : i32
    %dma_start3A_31 = tpu.memref_slice %arg5[%add3A_30] : memref<320000xi32, #tpu.memory_space<hbm>> -> memref<80xi32, #tpu.memory_space<hbm>>
    %dma_start3A_32 = tpu.memref_slice %arg5[%add3A_30] : memref<320000xi32, #tpu.memory_space<hbm>> -> memref<80xi32, #tpu.memory_space<hbm>>
    tpu.enqueue_dma source(%dma_start3A_32 : memref<80xi32, #tpu.memory_space<hbm>>) target(%arg12 : memref<80xi32, #tpu.memory_space<vmem>>) target_semaphore(%arg20 : memref<!tpu.dma_semaphore, #tpu.memory_space<semaphore_mem>>)
    %dma_start3A_33 = tpu.memref_slice %arg6[%add3A_30] : memref<320000xi32, #tpu.memory_space<hbm>> -> memref<80xi32, #tpu.memory_space<hbm>>
    %dma_start3A_34 = tpu.memref_slice %arg6[%add3A_30] : memref<320000xi32, #tpu.memory_space<hbm>> -> memref<80xi32, #tpu.memory_space<hbm>>
    tpu.enqueue_dma source(%dma_start3A_34 : memref<80xi32, #tpu.memory_space<hbm>>) target(%arg13 : memref<80xi32, #tpu.memory_space<vmem>>) target_semaphore(%arg20 : memref<!tpu.dma_semaphore, #tpu.memory_space<semaphore_mem>>)
    %dma_start3A_35 = arith.constant 0 : i32
    %dma_start3A_36 = tpu.memref_slice %arg4[%add3A_30, %dma_start3A_35] : memref<320000x128xf32, #tpu.memory_space<hbm>> -> memref<80x128xf32, #tpu.memory_space<hbm>>
    %dma_start3A_37 = arith.constant 0 : i32
    %dma_start3A_38 = tpu.memref_slice %arg4[%add3A_30, %dma_start3A_37] : memref<320000x128xf32, #tpu.memory_space<hbm>> -> memref<80x128xf32, #tpu.memory_space<hbm>>
    tpu.enqueue_dma source(%dma_start3A_38 : memref<80x128xf32, #tpu.memory_space<hbm>>) target(%arg14 : memref<80x128xf32, #tpu.memory_space<vmem>>) target_semaphore(%arg20 : memref<!tpu.dma_semaphore, #tpu.memory_space<semaphore_mem>>)
    %dma_wait3A_39 = arith.constant 0 : i32
    %dma_wait3A_40 = arith.constant 0 : i32
    %dma_wait3A_41 = tpu.memref_slice %arg2[%dma_wait3A_39, %dma_wait3A_40] : memref<10000x128xf32, #tpu.memory_space<hbm>> -> memref<10000x128xf32, #tpu.memory_space<hbm>>
    tpu.wait_indirect_dma semaphore(%arg22 : memref<!tpu.dma_semaphore, #tpu.memory_space<semaphore_mem>>) src(%dma_wait3A_41 : memref<10000x128xf32, #tpu.memory_space<hbm>>) dst(%arg11 : memref<80x128xf32, #tpu.memory_space<vmem>>)
    %dma_wait3A_42 = arith.constant 0 : i32
    %dma_wait3A_43 = arith.constant 0 : i32
    %dma_wait3A_44 = tpu.memref_slice %arg3[%dma_wait3A_42, %dma_wait3A_43] : memref<10000x128xf32, #tpu.memory_space<hbm>> -> memref<10000x128xf32, #tpu.memory_space<hbm>>
    tpu.wait_indirect_dma semaphore(%arg22 : memref<!tpu.dma_semaphore, #tpu.memory_space<semaphore_mem>>) src(%dma_wait3A_44 : memref<10000x128xf32, #tpu.memory_space<hbm>>) dst(%arg11 : memref<80x128xf32, #tpu.memory_space<vmem>>)
    %add3A_45 = arith.constant 80 : i32
    %add3A_46 = arith.addi %mul3A_2, %add3A_45 : i32
    %dma_wait3A_47 = tpu.memref_slice %arg5[%add3A_46] : memref<320000xi32, #tpu.memory_space<hbm>> -> memref<80xi32, #tpu.memory_space<hbm>>
    %dma_wait3A_48 = tpu.memref_slice %arg5[%add3A_46] : memref<320000xi32, #tpu.memory_space<hbm>> -> memref<80xi32, #tpu.memory_space<hbm>>
    tpu.wait_dma2 semaphore(%arg20 : memref<!tpu.dma_semaphore, #tpu.memory_space<semaphore_mem>>) src(%dma_wait3A_48 : memref<80xi32, #tpu.memory_space<hbm>>) dst(%arg12 : memref<80xi32, #tpu.memory_space<vmem>>)
    %dma_wait3A_49 = tpu.memref_slice %arg6[%add3A_46] : memref<320000xi32, #tpu.memory_space<hbm>> -> memref<80xi32, #tpu.memory_space<hbm>>
    %dma_wait3A_50 = tpu.memref_slice %arg6[%add3A_46] : memref<320000xi32, #tpu.memory_space<hbm>> -> memref<80xi32, #tpu.memory_space<hbm>>
    tpu.wait_dma2 semaphore(%arg20 : memref<!tpu.dma_semaphore, #tpu.memory_space<semaphore_mem>>) src(%dma_wait3A_50 : memref<80xi32, #tpu.memory_space<hbm>>) dst(%arg13 : memref<80xi32, #tpu.memory_space<vmem>>)
    %dma_wait3A_51 = arith.constant 0 : i32
    %dma_wait3A_52 = tpu.memref_slice %arg4[%add3A_46, %dma_wait3A_51] : memref<320000x128xf32, #tpu.memory_space<hbm>> -> memref<80x128xf32, #tpu.memory_space<hbm>>
    %dma_wait3A_53 = arith.constant 0 : i32
    %dma_wait3A_54 = tpu.memref_slice %arg4[%add3A_46, %dma_wait3A_53] : memref<320000x128xf32, #tpu.memory_space<hbm>> -> memref<80x128xf32, #tpu.memory_space<hbm>>
    tpu.wait_dma2 semaphore(%arg20 : memref<!tpu.dma_semaphore, #tpu.memory_space<semaphore_mem>>) src(%dma_wait3A_54 : memref<80x128xf32, #tpu.memory_space<hbm>>) dst(%arg14 : memref<80x128xf32, #tpu.memory_space<vmem>>)
    %dma_start3A_55 = arith.constant 0 : i32
    %dma_start3A_56 = arith.constant 0 : i32
    %dma_start3A_57 = tpu.memref_slice %arg2[%dma_start3A_55, %dma_start3A_56] : memref<10000x128xf32, #tpu.memory_space<hbm>> -> memref<10000x128xf32, #tpu.memory_space<hbm>>
    tpu.enqueue_indirect_dma source(%dma_start3A_57 : memref<10000x128xf32, #tpu.memory_space<hbm>>) target(%arg14 : memref<80x128xf32, #tpu.memory_space<vmem>>) offsets(%arg12 : memref<80xi32, #tpu.memory_space<vmem>>) semaphore(%arg23 : memref<!tpu.dma_semaphore, #tpu.memory_space<semaphore_mem>>) {add = true}
    %dma_start3A_58 = arith.constant 0 : i32
    %dma_start3A_59 = arith.constant 0 : i32
    %dma_start3A_60 = tpu.memref_slice %arg3[%dma_start3A_58, %dma_start3A_59] : memref<10000x128xf32, #tpu.memory_space<hbm>> -> memref<10000x128xf32, #tpu.memory_space<hbm>>
    tpu.enqueue_indirect_dma source(%dma_start3A_60 : memref<10000x128xf32, #tpu.memory_space<hbm>>) target(%arg14 : memref<80x128xf32, #tpu.memory_space<vmem>>) offsets(%arg13 : memref<80xi32, #tpu.memory_space<vmem>>) semaphore(%arg23 : memref<!tpu.dma_semaphore, #tpu.memory_space<semaphore_mem>>) {add = true}
    %add3A_61 = arith.constant 160 : i32
    %add3A_62 = arith.addi %mul3A_2, %add3A_61 : i32
    %dma_start3A_63 = tpu.memref_slice %arg5[%add3A_62] : memref<320000xi32, #tpu.memory_space<hbm>> -> memref<80xi32, #tpu.memory_space<hbm>>
    %dma_start3A_64 = tpu.memref_slice %arg5[%add3A_62] : memref<320000xi32, #tpu.memory_space<hbm>> -> memref<80xi32, #tpu.memory_space<hbm>>
    tpu.enqueue_dma source(%dma_start3A_64 : memref<80xi32, #tpu.memory_space<hbm>>) target(%arg15 : memref<80xi32, #tpu.memory_space<vmem>>) target_semaphore(%arg21 : memref<!tpu.dma_semaphore, #tpu.memory_space<semaphore_mem>>)
    %dma_start3A_65 = tpu.memref_slice %arg6[%add3A_62] : memref<320000xi32, #tpu.memory_space<hbm>> -> memref<80xi32, #tpu.memory_space<hbm>>
    %dma_start3A_66 = tpu.memref_slice %arg6[%add3A_62] : memref<320000xi32, #tpu.memory_space<hbm>> -> memref<80xi32, #tpu.memory_space<hbm>>
    tpu.enqueue_dma source(%dma_start3A_66 : memref<80xi32, #tpu.memory_space<hbm>>) target(%arg16 : memref<80xi32, #tpu.memory_space<vmem>>) target_semaphore(%arg21 : memref<!tpu.dma_semaphore, #tpu.memory_space<semaphore_mem>>)
    %dma_start3A_67 = arith.constant 0 : i32
    %dma_start3A_68 = tpu.memref_slice %arg4[%add3A_62, %dma_start3A_67] : memref<320000x128xf32, #tpu.memory_space<hbm>> -> memref<80x128xf32, #tpu.memory_space<hbm>>
    %dma_start3A_69 = arith.constant 0 : i32
    %dma_start3A_70 = tpu.memref_slice %arg4[%add3A_62, %dma_start3A_69] : memref<320000x128xf32, #tpu.memory_space<hbm>> -> memref<80x128xf32, #tpu.memory_space<hbm>>
    tpu.enqueue_dma source(%dma_start3A_70 : memref<80x128xf32, #tpu.memory_space<hbm>>) target(%arg17 : memref<80x128xf32, #tpu.memory_space<vmem>>) target_semaphore(%arg21 : memref<!tpu.dma_semaphore, #tpu.memory_space<semaphore_mem>>)
    %scan3A = arith.constant 0 : i32
    %scan3A_71 = arith.constant 0 : i32
    %scan3A_72 = arith.constant 80 : i32
    %scan3A_73 = arith.addi %scan3A_71, %scan3A_72 : i32
    %scan3A_74 = arith.constant 1 : i32
    scf.for %scan3A_236 = %scan3A_71 to %scan3A_73 step %scan3A_74  : i32 {
      %get3A = arith.index_cast %scan3A_236 : i32 to index
      %get3A_237 = arith.constant 0 : index
      %get3A_238 = tpu.vector_load %arg11[%get3A, %get3A_237] {strides = array<i32>} : memref<80x128xf32, #tpu.memory_space<vmem>>, vector<1x16xf32>,
      %get3A_239 = vector.shape_cast %get3A_238 : vector<1x16xf32> to vector<16xf32>
      %max3A = arith.constant 0.000000e+00 : f32
      %max3A_240 = vector.broadcast %max3A : f32 to vector<16xf32>
      %max3A_241 = arith.maximumf %get3A_239, %max3A_240 : vector<16xf32>
      %swap3A = arith.index_cast %scan3A_236 : i32 to index
      %swap3A_242 = arith.constant 0 : index
      %swap3A_243 = tpu.vector_load %arg11[%swap3A, %swap3A_242] {strides = array<i32>} : memref<80x128xf32, #tpu.memory_space<vmem>>, vector<1x16xf32>,
      %swap3A_244 = vector.shape_cast %swap3A_243 : vector<1x16xf32> to vector<16xf32>
      %swap3A_245 = vector.shape_cast %max3A_241 : vector<16xf32> to vector<1x16xf32>
      tpu.vector_store %arg11[%swap3A, %swap3A_242], %swap3A_245 {strides = array<i32>} : memref<80x128xf32, #tpu.memory_space<vmem>>, vector<1x16xf32>,
      %get3A_246 = arith.index_cast %scan3A_236 : i32 to index
      %get3A_247 = arith.constant 16 : index
      %get3A_248 = tpu.vector_load %arg11[%get3A_246, %get3A_247] {strides = array<i32>} : memref<80x128xf32, #tpu.memory_space<vmem>>, vector<1x16xf32>,
      %get3A_249 = vector.shape_cast %get3A_248 : vector<1x16xf32> to vector<16xf32>
      %max3A_250 = arith.constant 0.000000e+00 : f32
      %max3A_251 = vector.broadcast %max3A_250 : f32 to vector<16xf32>
      %max3A_252 = arith.maximumf %get3A_249, %max3A_251 : vector<16xf32>
      %swap3A_253 = arith.index_cast %scan3A_236 : i32 to index
      %swap3A_254 = arith.constant 16 : index
      %swap3A_255 = tpu.vector_load %arg11[%swap3A_253, %swap3A_254] {strides = array<i32>} : memref<80x128xf32, #tpu.memory_space<vmem>>, vector<1x16xf32>,
      %swap3A_256 = vector.shape_cast %swap3A_255 : vector<1x16xf32> to vector<16xf32>
      %swap3A_257 = vector.shape_cast %max3A_252 : vector<16xf32> to vector<1x16xf32>
      tpu.vector_store %arg11[%swap3A_253, %swap3A_254], %swap3A_257 {strides = array<i32>} : memref<80x128xf32, #tpu.memory_space<vmem>>, vector<1x16xf32>,
      %get3A_258 = arith.index_cast %scan3A_236 : i32 to index
      %get3A_259 = arith.constant 32 : index
      %get3A_260 = tpu.vector_load %arg11[%get3A_258, %get3A_259] {strides = array<i32>} : memref<80x128xf32, #tpu.memory_space<vmem>>, vector<1x16xf32>,
      %get3A_261 = vector.shape_cast %get3A_260 : vector<1x16xf32> to vector<16xf32>
      %max3A_262 = arith.constant 0.000000e+00 : f32
      %max3A_263 = vector.broadcast %max3A_262 : f32 to vector<16xf32>
      %max3A_264 = arith.maximumf %get3A_261, %max3A_263 : vector<16xf32>
      %swap3A_265 = arith.index_cast %scan3A_236 : i32 to index
      %swap3A_266 = arith.constant 32 : index
      %swap3A_267 = tpu.vector_load %arg11[%swap3A_265, %swap3A_266] {strides = array<i32>} : memref<80x128xf32, #tpu.memory_space<vmem>>, vector<1x16xf32>,
      %swap3A_268 = vector.shape_cast %swap3A_267 : vector<1x16xf32> to vector<16xf32>
      %swap3A_269 = vector.shape_cast %max3A_264 : vector<16xf32> to vector<1x16xf32>
      tpu.vector_store %arg11[%swap3A_265, %swap3A_266], %swap3A_269 {strides = array<i32>} : memref<80x128xf32, #tpu.memory_space<vmem>>, vector<1x16xf32>,
      %get3A_270 = arith.index_cast %scan3A_236 : i32 to index
      %get3A_271 = arith.constant 48 : index
      %get3A_272 = tpu.vector_load %arg11[%get3A_270, %get3A_271] {strides = array<i32>} : memref<80x128xf32, #tpu.memory_space<vmem>>, vector<1x16xf32>,
      %get3A_273 = vector.shape_cast %get3A_272 : vector<1x16xf32> to vector<16xf32>
      %max3A_274 = arith.constant 0.000000e+00 : f32
      %max3A_275 = vector.broadcast %max3A_274 : f32 to vector<16xf32>
      %max3A_276 = arith.maximumf %get3A_273, %max3A_275 : vector<16xf32>
      %swap3A_277 = arith.index_cast %scan3A_236 : i32 to index
      %swap3A_278 = arith.constant 48 : index
      %swap3A_279 = tpu.vector_load %arg11[%swap3A_277, %swap3A_278] {strides = array<i32>} : memref<80x128xf32, #tpu.memory_space<vmem>>, vector<1x16xf32>,
      %swap3A_280 = vector.shape_cast %swap3A_279 : vector<1x16xf32> to vector<16xf32>
      %swap3A_281 = vector.shape_cast %max3A_276 : vector<16xf32> to vector<1x16xf32>
      tpu.vector_store %arg11[%swap3A_277, %swap3A_278], %swap3A_281 {strides = array<i32>} : memref<80x128xf32, #tpu.memory_space<vmem>>, vector<1x16xf32>,
      %get3A_282 = arith.index_cast %scan3A_236 : i32 to index
      %get3A_283 = arith.constant 64 : index
      %get3A_284 = tpu.vector_load %arg11[%get3A_282, %get3A_283] {strides = array<i32>} : memref<80x128xf32, #tpu.memory_space<vmem>>, vector<1x16xf32>,
      %get3A_285 = vector.shape_cast %get3A_284 : vector<1x16xf32> to vector<16xf32>
      %max3A_286 = arith.constant 0.000000e+00 : f32
      %max3A_287 = vector.broadcast %max3A_286 : f32 to vector<16xf32>
      %max3A_288 = arith.maximumf %get3A_285, %max3A_287 : vector<16xf32>
      %swap3A_289 = arith.index_cast %scan3A_236 : i32 to index
      %swap3A_290 = arith.constant 64 : index
      %swap3A_291 = tpu.vector_load %arg11[%swap3A_289, %swap3A_290] {strides = array<i32>} : memref<80x128xf32, #tpu.memory_space<vmem>>, vector<1x16xf32>,
      %swap3A_292 = vector.shape_cast %swap3A_291 : vector<1x16xf32> to vector<16xf32>
      %swap3A_293 = vector.shape_cast %max3A_288 : vector<16xf32> to vector<1x16xf32>
      tpu.vector_store %arg11[%swap3A_289, %swap3A_290], %swap3A_293 {strides = array<i32>} : memref<80x128xf32, #tpu.memory_space<vmem>>, vector<1x16xf32>,
      %get3A_294 = arith.index_cast %scan3A_236 : i32 to index
      %get3A_295 = arith.constant 80 : index
      %get3A_296 = tpu.vector_load %arg11[%get3A_294, %get3A_295] {strides = array<i32>} : memref<80x128xf32, #tpu.memory_space<vmem>>, vector<1x16xf32>,
      %get3A_297 = vector.shape_cast %get3A_296 : vector<1x16xf32> to vector<16xf32>
      %max3A_298 = arith.constant 0.000000e+00 : f32
      %max3A_299 = vector.broadcast %max3A_298 : f32 to vector<16xf32>
      %max3A_300 = arith.maximumf %get3A_297, %max3A_299 : vector<16xf32>
      %swap3A_301 = arith.index_cast %scan3A_236 : i32 to index
      %swap3A_302 = arith.constant 80 : index
      %swap3A_303 = tpu.vector_load %arg11[%swap3A_301, %swap3A_302] {strides = array<i32>} : memref<80x128xf32, #tpu.memory_space<vmem>>, vector<1x16xf32>,
      %swap3A_304 = vector.shape_cast %swap3A_303 : vector<1x16xf32> to vector<16xf32>
      %swap3A_305 = vector.shape_cast %max3A_300 : vector<16xf32> to vector<1x16xf32>
      tpu.vector_store %arg11[%swap3A_301, %swap3A_302], %swap3A_305 {strides = array<i32>} : memref<80x128xf32, #tpu.memory_space<vmem>>, vector<1x16xf32>,
      %get3A_306 = arith.index_cast %scan3A_236 : i32 to index
      %get3A_307 = arith.constant 96 : index
      %get3A_308 = tpu.vector_load %arg11[%get3A_306, %get3A_307] {strides = array<i32>} : memref<80x128xf32, #tpu.memory_space<vmem>>, vector<1x16xf32>,
      %get3A_309 = vector.shape_cast %get3A_308 : vector<1x16xf32> to vector<16xf32>
      %max3A_310 = arith.constant 0.000000e+00 : f32
      %max3A_311 = vector.broadcast %max3A_310 : f32 to vector<16xf32>
      %max3A_312 = arith.maximumf %get3A_309, %max3A_311 : vector<16xf32>
      %swap3A_313 = arith.index_cast %scan3A_236 : i32 to index
      %swap3A_314 = arith.constant 96 : index
      %swap3A_315 = tpu.vector_load %arg11[%swap3A_313, %swap3A_314] {strides = array<i32>} : memref<80x128xf32, #tpu.memory_space<vmem>>, vector<1x16xf32>,
      %swap3A_316 = vector.shape_cast %swap3A_315 : vector<1x16xf32> to vector<16xf32>
      %swap3A_317 = vector.shape_cast %max3A_312 : vector<16xf32> to vector<1x16xf32>
      tpu.vector_store %arg11[%swap3A_313, %swap3A_314], %swap3A_317 {strides = array<i32>} : memref<80x128xf32, #tpu.memory_space<vmem>>, vector<1x16xf32>,
      %get3A_318 = arith.index_cast %scan3A_236 : i32 to index
      %get3A_319 = arith.constant 112 : index
      %get3A_320 = tpu.vector_load %arg11[%get3A_318, %get3A_319] {strides = array<i32>} : memref<80x128xf32, #tpu.memory_space<vmem>>, vector<1x16xf32>,
      %get3A_321 = vector.shape_cast %get3A_320 : vector<1x16xf32> to vector<16xf32>
      %max3A_322 = arith.constant 0.000000e+00 : f32
      %max3A_323 = vector.broadcast %max3A_322 : f32 to vector<16xf32>
      %max3A_324 = arith.maximumf %get3A_321, %max3A_323 : vector<16xf32>
      %swap3A_325 = arith.index_cast %scan3A_236 : i32 to index
      %swap3A_326 = arith.constant 112 : index
      %swap3A_327 = tpu.vector_load %arg11[%swap3A_325, %swap3A_326] {strides = array<i32>} : memref<80x128xf32, #tpu.memory_space<vmem>>, vector<1x16xf32>,
      %swap3A_328 = vector.shape_cast %swap3A_327 : vector<1x16xf32> to vector<16xf32>
      %swap3A_329 = vector.shape_cast %max3A_324 : vector<16xf32> to vector<1x16xf32>
      tpu.vector_store %arg11[%swap3A_325, %swap3A_326], %swap3A_329 {strides = array<i32>} : memref<80x128xf32, #tpu.memory_space<vmem>>, vector<1x16xf32>,
    }
    %scan3A_75 = arith.constant 80 : i32
    %dma_start3A_76 = arith.constant 0 : i32
    %dma_start3A_77 = arith.constant 0 : i32
    %dma_start3A_78 = tpu.memref_slice %arg18[%dma_start3A_76, %dma_start3A_77] : memref<10240x128xf32, #tpu.memory_space<vmem_shared>> -> memref<10240x128xf32, #tpu.memory_space<vmem_shared>>
    tpu.enqueue_indirect_dma source(%arg11 : memref<80x128xf32, #tpu.memory_space<vmem>>) target(%dma_start3A_78 : memref<10240x128xf32, #tpu.memory_space<vmem_shared>>) offsets(%arg10 : memref<80xi32, #tpu.memory_space<vmem>>) semaphore(%arg25 : memref<!tpu.dma_semaphore, #tpu.memory_space<semaphore_mem>>) {add = true}
    %dma_wait3A_79 = arith.constant 0 : i32
    %dma_wait3A_80 = arith.constant 0 : i32
    %dma_wait3A_81 = tpu.memref_slice %arg2[%dma_wait3A_79, %dma_wait3A_80] : memref<10000x128xf32, #tpu.memory_space<hbm>> -> memref<10000x128xf32, #tpu.memory_space<hbm>>
    tpu.wait_indirect_dma semaphore(%arg23 : memref<!tpu.dma_semaphore, #tpu.memory_space<semaphore_mem>>) src(%dma_wait3A_81 : memref<10000x128xf32, #tpu.memory_space<hbm>>) dst(%arg14 : memref<80x128xf32, #tpu.memory_space<vmem>>)
    %dma_wait3A_82 = arith.constant 0 : i32
    %dma_wait3A_83 = arith.constant 0 : i32
    %dma_wait3A_84 = tpu.memref_slice %arg3[%dma_wait3A_82, %dma_wait3A_83] : memref<10000x128xf32, #tpu.memory_space<hbm>> -> memref<10000x128xf32, #tpu.memory_space<hbm>>
    tpu.wait_indirect_dma semaphore(%arg23 : memref<!tpu.dma_semaphore, #tpu.memory_space<semaphore_mem>>) src(%dma_wait3A_84 : memref<10000x128xf32, #tpu.memory_space<hbm>>) dst(%arg14 : memref<80x128xf32, #tpu.memory_space<vmem>>)
    %add3A_85 = arith.constant 160 : i32
    %add3A_86 = arith.addi %mul3A_2, %add3A_85 : i32
    %dma_wait3A_87 = tpu.memref_slice %arg5[%add3A_86] : memref<320000xi32, #tpu.memory_space<hbm>> -> memref<80xi32, #tpu.memory_space<hbm>>
    %dma_wait3A_88 = tpu.memref_slice %arg5[%add3A_86] : memref<320000xi32, #tpu.memory_space<hbm>> -> memref<80xi32, #tpu.memory_space<hbm>>
    tpu.wait_dma2 semaphore(%arg21 : memref<!tpu.dma_semaphore, #tpu.memory_space<semaphore_mem>>) src(%dma_wait3A_88 : memref<80xi32, #tpu.memory_space<hbm>>) dst(%arg15 : memref<80xi32, #tpu.memory_space<vmem>>)
    %dma_wait3A_89 = tpu.memref_slice %arg6[%add3A_86] : memref<320000xi32, #tpu.memory_space<hbm>> -> memref<80xi32, #tpu.memory_space<hbm>>
    %dma_wait3A_90 = tpu.memref_slice %arg6[%add3A_86] : memref<320000xi32, #tpu.memory_space<hbm>> -> memref<80xi32, #tpu.memory_space<hbm>>
    tpu.wait_dma2 semaphore(%arg21 : memref<!tpu.dma_semaphore, #tpu.memory_space<semaphore_mem>>) src(%dma_wait3A_90 : memref<80xi32, #tpu.memory_space<hbm>>) dst(%arg16 : memref<80xi32, #tpu.memory_space<vmem>>)
    %dma_wait3A_91 = arith.constant 0 : i32
    %dma_wait3A_92 = tpu.memref_slice %arg4[%add3A_86, %dma_wait3A_91] : memref<320000x128xf32, #tpu.memory_space<hbm>> -> memref<80x128xf32, #tpu.memory_space<hbm>>
    %dma_wait3A_93 = arith.constant 0 : i32
    %dma_wait3A_94 = tpu.memref_slice %arg4[%add3A_86, %dma_wait3A_93] : memref<320000x128xf32, #tpu.memory_space<hbm>> -> memref<80x128xf32, #tpu.memory_space<hbm>>
    tpu.wait_dma2 semaphore(%arg21 : memref<!tpu.dma_semaphore, #tpu.memory_space<semaphore_mem>>) src(%dma_wait3A_94 : memref<80x128xf32, #tpu.memory_space<hbm>>) dst(%arg17 : memref<80x128xf32, #tpu.memory_space<vmem>>)
    %dma_start3A_95 = arith.constant 0 : i32
    %dma_start3A_96 = arith.constant 0 : i32
    %dma_start3A_97 = tpu.memref_slice %arg2[%dma_start3A_95, %dma_start3A_96] : memref<10000x128xf32, #tpu.memory_space<hbm>> -> memref<10000x128xf32, #tpu.memory_space<hbm>>
    tpu.enqueue_indirect_dma source(%dma_start3A_97 : memref<10000x128xf32, #tpu.memory_space<hbm>>) target(%arg17 : memref<80x128xf32, #tpu.memory_space<vmem>>) offsets(%arg15 : memref<80xi32, #tpu.memory_space<vmem>>) semaphore(%arg24 : memref<!tpu.dma_semaphore, #tpu.memory_space<semaphore_mem>>) {add = true}
    %dma_start3A_98 = arith.constant 0 : i32
    %dma_start3A_99 = arith.constant 0 : i32
    %dma_start3A_100 = tpu.memref_slice %arg3[%dma_start3A_98, %dma_start3A_99] : memref<10000x128xf32, #tpu.memory_space<hbm>> -> memref<10000x128xf32, #tpu.memory_space<hbm>>
    tpu.enqueue_indirect_dma source(%dma_start3A_100 : memref<10000x128xf32, #tpu.memory_space<hbm>>) target(%arg17 : memref<80x128xf32, #tpu.memory_space<vmem>>) offsets(%arg16 : memref<80xi32, #tpu.memory_space<vmem>>) semaphore(%arg24 : memref<!tpu.dma_semaphore, #tpu.memory_space<semaphore_mem>>) {add = true}
    %dma_wait3A_101 = arith.constant 0 : i32
    %dma_wait3A_102 = arith.constant 0 : i32
    %dma_wait3A_103 = tpu.memref_slice %arg18[%dma_wait3A_101, %dma_wait3A_102] : memref<10240x128xf32, #tpu.memory_space<vmem_shared>> -> memref<10240x128xf32, #tpu.memory_space<vmem_shared>>
    tpu.wait_indirect_dma semaphore(%arg25 : memref<!tpu.dma_semaphore, #tpu.memory_space<semaphore_mem>>) src(%arg11 : memref<80x128xf32, #tpu.memory_space<vmem>>) dst(%dma_wait3A_103 : memref<10240x128xf32, #tpu.memory_space<vmem_shared>>)
    %add3A_104 = arith.constant 240 : i32
    %add3A_105 = arith.addi %mul3A_2, %add3A_104 : i32
    %dma_start3A_106 = tpu.memref_slice %arg5[%add3A_105] : memref<320000xi32, #tpu.memory_space<hbm>> -> memref<80xi32, #tpu.memory_space<hbm>>
    %dma_start3A_107 = tpu.memref_slice %arg5[%add3A_105] : memref<320000xi32, #tpu.memory_space<hbm>> -> memref<80xi32, #tpu.memory_space<hbm>>
    tpu.enqueue_dma source(%dma_start3A_107 : memref<80xi32, #tpu.memory_space<hbm>>) target(%arg9 : memref<80xi32, #tpu.memory_space<vmem>>) target_semaphore(%arg19 : memref<!tpu.dma_semaphore, #tpu.memory_space<semaphore_mem>>)
    %dma_start3A_108 = tpu.memref_slice %arg6[%add3A_105] : memref<320000xi32, #tpu.memory_space<hbm>> -> memref<80xi32, #tpu.memory_space<hbm>>
    %dma_start3A_109 = tpu.memref_slice %arg6[%add3A_105] : memref<320000xi32, #tpu.memory_space<hbm>> -> memref<80xi32, #tpu.memory_space<hbm>>
    tpu.enqueue_dma source(%dma_start3A_109 : memref<80xi32, #tpu.memory_space<hbm>>) target(%arg10 : memref<80xi32, #tpu.memory_space<vmem>>) target_semaphore(%arg19 : memref<!tpu.dma_semaphore, #tpu.memory_space<semaphore_mem>>)
    %dma_start3A_110 = arith.constant 0 : i32
    %dma_start3A_111 = tpu.memref_slice %arg4[%add3A_105, %dma_start3A_110] : memref<320000x128xf32, #tpu.memory_space<hbm>> -> memref<80x128xf32, #tpu.memory_space<hbm>>
    %dma_start3A_112 = arith.constant 0 : i32
    %dma_start3A_113 = tpu.memref_slice %arg4[%add3A_105, %dma_start3A_112] : memref<320000x128xf32, #tpu.memory_space<hbm>> -> memref<80x128xf32, #tpu.memory_space<hbm>>
    tpu.enqueue_dma source(%dma_start3A_113 : memref<80x128xf32, #tpu.memory_space<hbm>>) target(%arg11 : memref<80x128xf32, #tpu.memory_space<vmem>>) target_semaphore(%arg19 : memref<!tpu.dma_semaphore, #tpu.memory_space<semaphore_mem>>)
    %scan3A_114 = arith.constant 0 : i32
    %scan3A_115 = arith.constant 0 : i32
    %scan3A_116 = arith.constant 80 : i32
    %scan3A_117 = arith.addi %scan3A_115, %scan3A_116 : i32
    %scan3A_118 = arith.constant 1 : i32
    scf.for %scan3A_236 = %scan3A_115 to %scan3A_117 step %scan3A_118  : i32 {
      %get3A = arith.index_cast %scan3A_236 : i32 to index
      %get3A_237 = arith.constant 0 : index
      %get3A_238 = tpu.vector_load %arg14[%get3A, %get3A_237] {strides = array<i32>} : memref<80x128xf32, #tpu.memory_space<vmem>>, vector<1x16xf32>,
      %get3A_239 = vector.shape_cast %get3A_238 : vector<1x16xf32> to vector<16xf32>
      %max3A = arith.constant 0.000000e+00 : f32
      %max3A_240 = vector.broadcast %max3A : f32 to vector<16xf32>
      %max3A_241 = arith.maximumf %get3A_239, %max3A_240 : vector<16xf32>
      %swap3A = arith.index_cast %scan3A_236 : i32 to index
      %swap3A_242 = arith.constant 0 : index
      %swap3A_243 = tpu.vector_load %arg14[%swap3A, %swap3A_242] {strides = array<i32>} : memref<80x128xf32, #tpu.memory_space<vmem>>, vector<1x16xf32>,
      %swap3A_244 = vector.shape_cast %swap3A_243 : vector<1x16xf32> to vector<16xf32>
      %swap3A_245 = vector.shape_cast %max3A_241 : vector<16xf32> to vector<1x16xf32>
      tpu.vector_store %arg14[%swap3A, %swap3A_242], %swap3A_245 {strides = array<i32>} : memref<80x128xf32, #tpu.memory_space<vmem>>, vector<1x16xf32>,
      %get3A_246 = arith.index_cast %scan3A_236 : i32 to index
      %get3A_247 = arith.constant 16 : index
      %get3A_248 = tpu.vector_load %arg14[%get3A_246, %get3A_247] {strides = array<i32>} : memref<80x128xf32, #tpu.memory_space<vmem>>, vector<1x16xf32>,
      %get3A_249 = vector.shape_cast %get3A_248 : vector<1x16xf32> to vector<16xf32>
      %max3A_250 = arith.constant 0.000000e+00 : f32
      %max3A_251 = vector.broadcast %max3A_250 : f32 to vector<16xf32>
      %max3A_252 = arith.maximumf %get3A_249, %max3A_251 : vector<16xf32>
      %swap3A_253 = arith.index_cast %scan3A_236 : i32 to index
      %swap3A_254 = arith.constant 16 : index
      %swap3A_255 = tpu.vector_load %arg14[%swap3A_253, %swap3A_254] {strides = array<i32>} : memref<80x128xf32, #tpu.memory_space<vmem>>, vector<1x16xf32>,
      %swap3A_256 = vector.shape_cast %swap3A_255 : vector<1x16xf32> to vector<16xf32>
      %swap3A_257 = vector.shape_cast %max3A_252 : vector<16xf32> to vector<1x16xf32>
      tpu.vector_store %arg14[%swap3A_253, %swap3A_254], %swap3A_257 {strides = array<i32>} : memref<80x128xf32, #tpu.memory_space<vmem>>, vector<1x16xf32>,
      %get3A_258 = arith.index_cast %scan3A_236 : i32 to index
      %get3A_259 = arith.constant 32 : index
      %get3A_260 = tpu.vector_load %arg14[%get3A_258, %get3A_259] {strides = array<i32>} : memref<80x128xf32, #tpu.memory_space<vmem>>, vector<1x16xf32>,
      %get3A_261 = vector.shape_cast %get3A_260 : vector<1x16xf32> to vector<16xf32>
      %max3A_262 = arith.constant 0.000000e+00 : f32
      %max3A_263 = vector.broadcast %max3A_262 : f32 to vector<16xf32>
      %max3A_264 = arith.maximumf %get3A_261, %max3A_263 : vector<16xf32>
      %swap3A_265 = arith.index_cast %scan3A_236 : i32 to index
      %swap3A_266 = arith.constant 32 : index
      %swap3A_267 = tpu.vector_load %arg14[%swap3A_265, %swap3A_266] {strides = array<i32>} : memref<80x128xf32, #tpu.memory_space<vmem>>, vector<1x16xf32>,
      %swap3A_268 = vector.shape_cast %swap3A_267 : vector<1x16xf32> to vector<16xf32>
      %swap3A_269 = vector.shape_cast %max3A_264 : vector<16xf32> to vector<1x16xf32>
      tpu.vector_store %arg14[%swap3A_265, %swap3A_266], %swap3A_269 {strides = array<i32>} : memref<80x128xf32, #tpu.memory_space<vmem>>, vector<1x16xf32>,
      %get3A_270 = arith.index_cast %scan3A_236 : i32 to index
      %get3A_271 = arith.constant 48 : index
      %get3A_272 = tpu.vector_load %arg14[%get3A_270, %get3A_271] {strides = array<i32>} : memref<80x128xf32, #tpu.memory_space<vmem>>, vector<1x16xf32>,
      %get3A_273 = vector.shape_cast %get3A_272 : vector<1x16xf32> to vector<16xf32>
      %max3A_274 = arith.constant 0.000000e+00 : f32
      %max3A_275 = vector.broadcast %max3A_274 : f32 to vector<16xf32>
      %max3A_276 = arith.maximumf %get3A_273, %max3A_275 : vector<16xf32>
      %swap3A_277 = arith.index_cast %scan3A_236 : i32 to index
      %swap3A_278 = arith.constant 48 : index
      %swap3A_279 = tpu.vector_load %arg14[%swap3A_277, %swap3A_278] {strides = array<i32>} : memref<80x128xf32, #tpu.memory_space<vmem>>, vector<1x16xf32>,
      %swap3A_280 = vector.shape_cast %swap3A_279 : vector<1x16xf32> to vector<16xf32>
      %swap3A_281 = vector.shape_cast %max3A_276 : vector<16xf32> to vector<1x16xf32>
      tpu.vector_store %arg14[%swap3A_277, %swap3A_278], %swap3A_281 {strides = array<i32>} : memref<80x128xf32, #tpu.memory_space<vmem>>, vector<1x16xf32>,
      %get3A_282 = arith.index_cast %scan3A_236 : i32 to index
      %get3A_283 = arith.constant 64 : index
      %get3A_284 = tpu.vector_load %arg14[%get3A_282, %get3A_283] {strides = array<i32>} : memref<80x128xf32, #tpu.memory_space<vmem>>, vector<1x16xf32>,
      %get3A_285 = vector.shape_cast %get3A_284 : vector<1x16xf32> to vector<16xf32>
      %max3A_286 = arith.constant 0.000000e+00 : f32
      %max3A_287 = vector.broadcast %max3A_286 : f32 to vector<16xf32>
      %max3A_288 = arith.maximumf %get3A_285, %max3A_287 : vector<16xf32>
      %swap3A_289 = arith.index_cast %scan3A_236 : i32 to index
      %swap3A_290 = arith.constant 64 : index
      %swap3A_291 = tpu.vector_load %arg14[%swap3A_289, %swap3A_290] {strides = array<i32>} : memref<80x128xf32, #tpu.memory_space<vmem>>, vector<1x16xf32>,
      %swap3A_292 = vector.shape_cast %swap3A_291 : vector<1x16xf32> to vector<16xf32>
      %swap3A_293 = vector.shape_cast %max3A_288 : vector<16xf32> to vector<1x16xf32>
      tpu.vector_store %arg14[%swap3A_289, %swap3A_290], %swap3A_293 {strides = array<i32>} : memref<80x128xf32, #tpu.memory_space<vmem>>, vector<1x16xf32>,
      %get3A_294 = arith.index_cast %scan3A_236 : i32 to index
      %get3A_295 = arith.constant 80 : index
      %get3A_296 = tpu.vector_load %arg14[%get3A_294, %get3A_295] {strides = array<i32>} : memref<80x128xf32, #tpu.memory_space<vmem>>, vector<1x16xf32>,
      %get3A_297 = vector.shape_cast %get3A_296 : vector<1x16xf32> to vector<16xf32>
      %max3A_298 = arith.constant 0.000000e+00 : f32
      %max3A_299 = vector.broadcast %max3A_298 : f32 to vector<16xf32>
      %max3A_300 = arith.maximumf %get3A_297, %max3A_299 : vector<16xf32>
      %swap3A_301 = arith.index_cast %scan3A_236 : i32 to index
      %swap3A_302 = arith.constant 80 : index
      %swap3A_303 = tpu.vector_load %arg14[%swap3A_301, %swap3A_302] {strides = array<i32>} : memref<80x128xf32, #tpu.memory_space<vmem>>, vector<1x16xf32>,
      %swap3A_304 = vector.shape_cast %swap3A_303 : vector<1x16xf32> to vector<16xf32>
      %swap3A_305 = vector.shape_cast %max3A_300 : vector<16xf32> to vector<1x16xf32>
      tpu.vector_store %arg14[%swap3A_301, %swap3A_302], %swap3A_305 {strides = array<i32>} : memref<80x128xf32, #tpu.memory_space<vmem>>, vector<1x16xf32>,
      %get3A_306 = arith.index_cast %scan3A_236 : i32 to index
      %get3A_307 = arith.constant 96 : index
      %get3A_308 = tpu.vector_load %arg14[%get3A_306, %get3A_307] {strides = array<i32>} : memref<80x128xf32, #tpu.memory_space<vmem>>, vector<1x16xf32>,
      %get3A_309 = vector.shape_cast %get3A_308 : vector<1x16xf32> to vector<16xf32>
      %max3A_310 = arith.constant 0.000000e+00 : f32
      %max3A_311 = vector.broadcast %max3A_310 : f32 to vector<16xf32>
      %max3A_312 = arith.maximumf %get3A_309, %max3A_311 : vector<16xf32>
      %swap3A_313 = arith.index_cast %scan3A_236 : i32 to index
      %swap3A_314 = arith.constant 96 : index
      %swap3A_315 = tpu.vector_load %arg14[%swap3A_313, %swap3A_314] {strides = array<i32>} : memref<80x128xf32, #tpu.memory_space<vmem>>, vector<1x16xf32>,
      %swap3A_316 = vector.shape_cast %swap3A_315 : vector<1x16xf32> to vector<16xf32>
      %swap3A_317 = vector.shape_cast %max3A_312 : vector<16xf32> to vector<1x16xf32>
      tpu.vector_store %arg14[%swap3A_313, %swap3A_314], %swap3A_317 {strides = array<i32>} : memref<80x128xf32, #tpu.memory_space<vmem>>, vector<1x16xf32>,
      %get3A_318 = arith.index_cast %scan3A_236 : i32 to index
      %get3A_319 = arith.constant 112 : index
      %get3A_320 = tpu.vector_load %arg14[%get3A_318, %get3A_319] {strides = array<i32>} : memref<80x128xf32, #tpu.memory_space<vmem>>, vector<1x16xf32>,
      %get3A_321 = vector.shape_cast %get3A_320 : vector<1x16xf32> to vector<16xf32>
      %max3A_322 = arith.constant 0.000000e+00 : f32
      %max3A_323 = vector.broadcast %max3A_322 : f32 to vector<16xf32>
      %max3A_324 = arith.maximumf %get3A_321, %max3A_323 : vector<16xf32>
      %swap3A_325 = arith.index_cast %scan3A_236 : i32 to index
      %swap3A_326 = arith.constant 112 : index
      %swap3A_327 = tpu.vector_load %arg14[%swap3A_325, %swap3A_326] {strides = array<i32>} : memref<80x128xf32, #tpu.memory_space<vmem>>, vector<1x16xf32>,
      %swap3A_328 = vector.shape_cast %swap3A_327 : vector<1x16xf32> to vector<16xf32>
      %swap3A_329 = vector.shape_cast %max3A_324 : vector<16xf32> to vector<1x16xf32>
      tpu.vector_store %arg14[%swap3A_325, %swap3A_326], %swap3A_329 {strides = array<i32>} : memref<80x128xf32, #tpu.memory_space<vmem>>, vector<1x16xf32>,
    }
    %scan3A_119 = arith.constant 80 : i32
    %dma_start3A_120 = arith.constant 0 : i32
    %dma_start3A_121 = arith.constant 0 : i32
    %dma_start3A_122 = tpu.memref_slice %arg18[%dma_start3A_120, %dma_start3A_121] : memref<10240x128xf32, #tpu.memory_space<vmem_shared>> -> memref<10240x128xf32, #tpu.memory_space<vmem_shared>>
    tpu.enqueue_indirect_dma source(%arg14 : memref<80x128xf32, #tpu.memory_space<vmem>>) target(%dma_start3A_122 : memref<10240x128xf32, #tpu.memory_space<vmem_shared>>) offsets(%arg13 : memref<80xi32, #tpu.memory_space<vmem>>) semaphore(%arg26 : memref<!tpu.dma_semaphore, #tpu.memory_space<semaphore_mem>>) {add = true}
    %scan3A_123 = arith.constant 0 : i32
    %scan3A_124 = arith.constant 0 : i32
    %scan3A_125 = arith.constant 40 : i32
    %scan3A_126 = arith.addi %scan3A_124, %scan3A_125 : i32
    %scan3A_127 = arith.constant 1 : i32
    scf.for %scan3A_236 = %scan3A_124 to %scan3A_126 step %scan3A_127  : i32 {
      %mul3A_237 = arith.constant 3 : i32
      %mul3A_238 = arith.muli %mul3A_237, %scan3A_236 : i32
      %add3A_239 = arith.constant 2 : i32
      %add3A_240 = arith.addi %add3A_239, %mul3A_238 : i32
      %dma_wait3A_241 = arith.constant 0 : i32
      %dma_wait3A_242 = arith.constant 0 : i32
      %dma_wait3A_243 = tpu.memref_slice %arg2[%dma_wait3A_241, %dma_wait3A_242] : memref<10000x128xf32, #tpu.memory_space<hbm>> -> memref<10000x128xf32, #tpu.memory_space<hbm>>
      tpu.wait_indirect_dma semaphore(%arg24 : memref<!tpu.dma_semaphore, #tpu.memory_space<semaphore_mem>>) src(%dma_wait3A_243 : memref<10000x128xf32, #tpu.memory_space<hbm>>) dst(%arg17 : memref<80x128xf32, #tpu.memory_space<vmem>>)
      %dma_wait3A_244 = arith.constant 0 : i32
      %dma_wait3A_245 = arith.constant 0 : i32
      %dma_wait3A_246 = tpu.memref_slice %arg3[%dma_wait3A_244, %dma_wait3A_245] : memref<10000x128xf32, #tpu.memory_space<hbm>> -> memref<10000x128xf32, #tpu.memory_space<hbm>>
      tpu.wait_indirect_dma semaphore(%arg24 : memref<!tpu.dma_semaphore, #tpu.memory_space<semaphore_mem>>) src(%dma_wait3A_246 : memref<10000x128xf32, #tpu.memory_space<hbm>>) dst(%arg17 : memref<80x128xf32, #tpu.memory_space<vmem>>)
      %add3A_247 = arith.constant 1 : i32
      %add3A_248 = arith.addi %add3A_240, %add3A_247 : i32
      %mul3A_249 = arith.constant 80 : i32
      %mul3A_250 = arith.muli %add3A_248, %mul3A_249 : i32
      %add3A_251 = arith.addi %mul3A_2, %mul3A_250 : i32
      %dma_wait3A_252 = tpu.memref_slice %arg5[%add3A_251] : memref<320000xi32, #tpu.memory_space<hbm>> -> memref<80xi32, #tpu.memory_space<hbm>>
      %dma_wait3A_253 = tpu.memref_slice %arg5[%add3A_251] : memref<320000xi32, #tpu.memory_space<hbm>> -> memref<80xi32, #tpu.memory_space<hbm>>
      tpu.wait_dma2 semaphore(%arg19 : memref<!tpu.dma_semaphore, #tpu.memory_space<semaphore_mem>>) src(%dma_wait3A_253 : memref<80xi32, #tpu.memory_space<hbm>>) dst(%arg9 : memref<80xi32, #tpu.memory_space<vmem>>)
      %dma_wait3A_254 = tpu.memref_slice %arg6[%add3A_251] : memref<320000xi32, #tpu.memory_space<hbm>> -> memref<80xi32, #tpu.memory_space<hbm>>
      %dma_wait3A_255 = tpu.memref_slice %arg6[%add3A_251] : memref<320000xi32, #tpu.memory_space<hbm>> -> memref<80xi32, #tpu.memory_space<hbm>>
      tpu.wait_dma2 semaphore(%arg19 : memref<!tpu.dma_semaphore, #tpu.memory_space<semaphore_mem>>) src(%dma_wait3A_255 : memref<80xi32, #tpu.memory_space<hbm>>) dst(%arg10 : memref<80xi32, #tpu.memory_space<vmem>>)
      %dma_wait3A_256 = arith.constant 0 : i32
      %dma_wait3A_257 = tpu.memref_slice %arg4[%add3A_251, %dma_wait3A_256] : memref<320000x128xf32, #tpu.memory_space<hbm>> -> memref<80x128xf32, #tpu.memory_space<hbm>>
      %dma_wait3A_258 = arith.constant 0 : i32
      %dma_wait3A_259 = tpu.memref_slice %arg4[%add3A_251, %dma_wait3A_258] : memref<320000x128xf32, #tpu.memory_space<hbm>> -> memref<80x128xf32, #tpu.memory_space<hbm>>
      tpu.wait_dma2 semaphore(%arg19 : memref<!tpu.dma_semaphore, #tpu.memory_space<semaphore_mem>>) src(%dma_wait3A_259 : memref<80x128xf32, #tpu.memory_space<hbm>>) dst(%arg11 : memref<80x128xf32, #tpu.memory_space<vmem>>)
      %dma_start3A_260 = arith.constant 0 : i32
      %dma_start3A_261 = arith.constant 0 : i32
      %dma_start3A_262 = tpu.memref_slice %arg2[%dma_start3A_260, %dma_start3A_261] : memref<10000x128xf32, #tpu.memory_space<hbm>> -> memref<10000x128xf32, #tpu.memory_space<hbm>>
      tpu.enqueue_indirect_dma source(%dma_start3A_262 : memref<10000x128xf32, #tpu.memory_space<hbm>>) target(%arg11 : memref<80x128xf32, #tpu.memory_space<vmem>>) offsets(%arg9 : memref<80xi32, #tpu.memory_space<vmem>>) semaphore(%arg22 : memref<!tpu.dma_semaphore, #tpu.memory_space<semaphore_mem>>) {add = true}
      %dma_start3A_263 = arith.constant 0 : i32
      %dma_start3A_264 = arith.constant 0 : i32
      %dma_start3A_265 = tpu.memref_slice %arg3[%dma_start3A_263, %dma_start3A_264] : memref<10000x128xf32, #tpu.memory_space<hbm>> -> memref<10000x128xf32, #tpu.memory_space<hbm>>
      tpu.enqueue_indirect_dma source(%dma_start3A_265 : memref<10000x128xf32, #tpu.memory_space<hbm>>) target(%arg11 : memref<80x128xf32, #tpu.memory_space<vmem>>) offsets(%arg10 : memref<80xi32, #tpu.memory_space<vmem>>) semaphore(%arg22 : memref<!tpu.dma_semaphore, #tpu.memory_space<semaphore_mem>>) {add = true}
      %dma_wait3A_266 = arith.constant 0 : i32
      %dma_wait3A_267 = arith.constant 0 : i32
      %dma_wait3A_268 = tpu.memref_slice %arg18[%dma_wait3A_266, %dma_wait3A_267] : memref<10240x128xf32, #tpu.memory_space<vmem_shared>> -> memref<10240x128xf32, #tpu.memory_space<vmem_shared>>
      tpu.wait_indirect_dma semaphore(%arg26 : memref<!tpu.dma_semaphore, #tpu.memory_space<semaphore_mem>>) src(%arg14 : memref<80x128xf32, #tpu.memory_space<vmem>>) dst(%dma_wait3A_268 : memref<10240x128xf32, #tpu.memory_space<vmem_shared>>)
      %add3A_269 = arith.constant 2 : i32
      %add3A_270 = arith.addi %add3A_240, %add3A_269 : i32
      %mul3A_271 = arith.constant 80 : i32
      %mul3A_272 = arith.muli %add3A_270, %mul3A_271 : i32
      %add3A_273 = arith.addi %mul3A_2, %mul3A_272 : i32
      %dma_start3A_274 = tpu.memref_slice %arg5[%add3A_273] : memref<320000xi32, #tpu.memory_space<hbm>> -> memref<80xi32, #tpu.memory_space<hbm>>
      %dma_start3A_275 = tpu.memref_slice %arg5[%add3A_273] : memref<320000xi32, #tpu.memory_space<hbm>> -> memref<80xi32, #tpu.memory_space<hbm>>
      tpu.enqueue_dma source(%dma_start3A_275 : memref<80xi32, #tpu.memory_space<hbm>>) target(%arg12 : memref<80xi32, #tpu.memory_space<vmem>>) target_semaphore(%arg20 : memref<!tpu.dma_semaphore, #tpu.memory_space<semaphore_mem>>)
      %dma_start3A_276 = tpu.memref_slice %arg6[%add3A_273] : memref<320000xi32, #tpu.memory_space<hbm>> -> memref<80xi32, #tpu.memory_space<hbm>>
      %dma_start3A_277 = tpu.memref_slice %arg6[%add3A_273] : memref<320000xi32, #tpu.memory_space<hbm>> -> memref<80xi32, #tpu.memory_space<hbm>>
      tpu.enqueue_dma source(%dma_start3A_277 : memref<80xi32, #tpu.memory_space<hbm>>) target(%arg13 : memref<80xi32, #tpu.memory_space<vmem>>) target_semaphore(%arg20 : memref<!tpu.dma_semaphore, #tpu.memory_space<semaphore_mem>>)
      %dma_start3A_278 = arith.constant 0 : i32
      %dma_start3A_279 = tpu.memref_slice %arg4[%add3A_273, %dma_start3A_278] : memref<320000x128xf32, #tpu.memory_space<hbm>> -> memref<80x128xf32, #tpu.memory_space<hbm>>
      %dma_start3A_280 = arith.constant 0 : i32
      %dma_start3A_281 = tpu.memref_slice %arg4[%add3A_273, %dma_start3A_280] : memref<320000x128xf32, #tpu.memory_space<hbm>> -> memref<80x128xf32, #tpu.memory_space<hbm>>
      tpu.enqueue_dma source(%dma_start3A_281 : memref<80x128xf32, #tpu.memory_space<hbm>>) target(%arg14 : memref<80x128xf32, #tpu.memory_space<vmem>>) target_semaphore(%arg20 : memref<!tpu.dma_semaphore, #tpu.memory_space<semaphore_mem>>)
      %scan3A_282 = arith.constant 0 : i32
      %scan3A_283 = arith.constant 0 : i32
      %scan3A_284 = arith.constant 80 : i32
      %scan3A_285 = arith.addi %scan3A_283, %scan3A_284 : i32
      %scan3A_286 = arith.constant 1 : i32
      scf.for %scan3A_395 = %scan3A_283 to %scan3A_285 step %scan3A_286  : i32 {
        %get3A = arith.index_cast %scan3A_395 : i32 to index
        %get3A_396 = arith.constant 0 : index
        %get3A_397 = tpu.vector_load %arg17[%get3A, %get3A_396] {strides = array<i32>} : memref<80x128xf32, #tpu.memory_space<vmem>>, vector<1x16xf32>,
        %get3A_398 = vector.shape_cast %get3A_397 : vector<1x16xf32> to vector<16xf32>
        %max3A = arith.constant 0.000000e+00 : f32
        %max3A_399 = vector.broadcast %max3A : f32 to vector<16xf32>
        %max3A_400 = arith.maximumf %get3A_398, %max3A_399 : vector<16xf32>
        %swap3A = arith.index_cast %scan3A_395 : i32 to index
        %swap3A_401 = arith.constant 0 : index
        %swap3A_402 = tpu.vector_load %arg17[%swap3A, %swap3A_401] {strides = array<i32>} : memref<80x128xf32, #tpu.memory_space<vmem>>, vector<1x16xf32>,
        %swap3A_403 = vector.shape_cast %swap3A_402 : vector<1x16xf32> to vector<16xf32>
        %swap3A_404 = vector.shape_cast %max3A_400 : vector<16xf32> to vector<1x16xf32>
        tpu.vector_store %arg17[%swap3A, %swap3A_401], %swap3A_404 {strides = array<i32>} : memref<80x128xf32, #tpu.memory_space<vmem>>, vector<1x16xf32>,
        %get3A_405 = arith.index_cast %scan3A_395 : i32 to index
        %get3A_406 = arith.constant 16 : index
        %get3A_407 = tpu.vector_load %arg17[%get3A_405, %get3A_406] {strides = array<i32>} : memref<80x128xf32, #tpu.memory_space<vmem>>, vector<1x16xf32>,
        %get3A_408 = vector.shape_cast %get3A_407 : vector<1x16xf32> to vector<16xf32>
        %max3A_409 = arith.constant 0.000000e+00 : f32
        %max3A_410 = vector.broadcast %max3A_409 : f32 to vector<16xf32>
        %max3A_411 = arith.maximumf %get3A_408, %max3A_410 : vector<16xf32>
        %swap3A_412 = arith.index_cast %scan3A_395 : i32 to index
        %swap3A_413 = arith.constant 16 : index
        %swap3A_414 = tpu.vector_load %arg17[%swap3A_412, %swap3A_413] {strides = array<i32>} : memref<80x128xf32, #tpu.memory_space<vmem>>, vector<1x16xf32>,
        %swap3A_415 = vector.shape_cast %swap3A_414 : vector<1x16xf32> to vector<16xf32>
        %swap3A_416 = vector.shape_cast %max3A_411 : vector<16xf32> to vector<1x16xf32>
        tpu.vector_store %arg17[%swap3A_412, %swap3A_413], %swap3A_416 {strides = array<i32>} : memref<80x128xf32, #tpu.memory_space<vmem>>, vector<1x16xf32>,
        %get3A_417 = arith.index_cast %scan3A_395 : i32 to index
        %get3A_418 = arith.constant 32 : index
        %get3A_419 = tpu.vector_load %arg17[%get3A_417, %get3A_418] {strides = array<i32>} : memref<80x128xf32, #tpu.memory_space<vmem>>, vector<1x16xf32>,
        %get3A_420 = vector.shape_cast %get3A_419 : vector<1x16xf32> to vector<16xf32>
        %max3A_421 = arith.constant 0.000000e+00 : f32
        %max3A_422 = vector.broadcast %max3A_421 : f32 to vector<16xf32>
        %max3A_423 = arith.maximumf %get3A_420, %max3A_422 : vector<16xf32>
        %swap3A_424 = arith.index_cast %scan3A_395 : i32 to index
        %swap3A_425 = arith.constant 32 : index
        %swap3A_426 = tpu.vector_load %arg17[%swap3A_424, %swap3A_425] {strides = array<i32>} : memref<80x128xf32, #tpu.memory_space<vmem>>, vector<1x16xf32>,
        %swap3A_427 = vector.shape_cast %swap3A_426 : vector<1x16xf32> to vector<16xf32>
        %swap3A_428 = vector.shape_cast %max3A_423 : vector<16xf32> to vector<1x16xf32>
        tpu.vector_store %arg17[%swap3A_424, %swap3A_425], %swap3A_428 {strides = array<i32>} : memref<80x128xf32, #tpu.memory_space<vmem>>, vector<1x16xf32>,
        %get3A_429 = arith.index_cast %scan3A_395 : i32 to index
        %get3A_430 = arith.constant 48 : index
        %get3A_431 = tpu.vector_load %arg17[%get3A_429, %get3A_430] {strides = array<i32>} : memref<80x128xf32, #tpu.memory_space<vmem>>, vector<1x16xf32>,
        %get3A_432 = vector.shape_cast %get3A_431 : vector<1x16xf32> to vector<16xf32>
        %max3A_433 = arith.constant 0.000000e+00 : f32
        %max3A_434 = vector.broadcast %max3A_433 : f32 to vector<16xf32>
        %max3A_435 = arith.maximumf %get3A_432, %max3A_434 : vector<16xf32>
        %swap3A_436 = arith.index_cast %scan3A_395 : i32 to index
        %swap3A_437 = arith.constant 48 : index
        %swap3A_438 = tpu.vector_load %arg17[%swap3A_436, %swap3A_437] {strides = array<i32>} : memref<80x128xf32, #tpu.memory_space<vmem>>, vector<1x16xf32>,
        %swap3A_439 = vector.shape_cast %swap3A_438 : vector<1x16xf32> to vector<16xf32>
        %swap3A_440 = vector.shape_cast %max3A_435 : vector<16xf32> to vector<1x16xf32>
        tpu.vector_store %arg17[%swap3A_436, %swap3A_437], %swap3A_440 {strides = array<i32>} : memref<80x128xf32, #tpu.memory_space<vmem>>, vector<1x16xf32>,
        %get3A_441 = arith.index_cast %scan3A_395 : i32 to index
        %get3A_442 = arith.constant 64 : index
        %get3A_443 = tpu.vector_load %arg17[%get3A_441, %get3A_442] {strides = array<i32>} : memref<80x128xf32, #tpu.memory_space<vmem>>, vector<1x16xf32>,
        %get3A_444 = vector.shape_cast %get3A_443 : vector<1x16xf32> to vector<16xf32>
        %max3A_445 = arith.constant 0.000000e+00 : f32
        %max3A_446 = vector.broadcast %max3A_445 : f32 to vector<16xf32>
        %max3A_447 = arith.maximumf %get3A_444, %max3A_446 : vector<16xf32>
        %swap3A_448 = arith.index_cast %scan3A_395 : i32 to index
        %swap3A_449 = arith.constant 64 : index
        %swap3A_450 = tpu.vector_load %arg17[%swap3A_448, %swap3A_449] {strides = array<i32>} : memref<80x128xf32, #tpu.memory_space<vmem>>, vector<1x16xf32>,
        %swap3A_451 = vector.shape_cast %swap3A_450 : vector<1x16xf32> to vector<16xf32>
        %swap3A_452 = vector.shape_cast %max3A_447 : vector<16xf32> to vector<1x16xf32>
        tpu.vector_store %arg17[%swap3A_448, %swap3A_449], %swap3A_452 {strides = array<i32>} : memref<80x128xf32, #tpu.memory_space<vmem>>, vector<1x16xf32>,
        %get3A_453 = arith.index_cast %scan3A_395 : i32 to index
        %get3A_454 = arith.constant 80 : index
        %get3A_455 = tpu.vector_load %arg17[%get3A_453, %get3A_454] {strides = array<i32>} : memref<80x128xf32, #tpu.memory_space<vmem>>, vector<1x16xf32>,
        %get3A_456 = vector.shape_cast %get3A_455 : vector<1x16xf32> to vector<16xf32>
        %max3A_457 = arith.constant 0.000000e+00 : f32
        %max3A_458 = vector.broadcast %max3A_457 : f32 to vector<16xf32>
        %max3A_459 = arith.maximumf %get3A_456, %max3A_458 : vector<16xf32>
        %swap3A_460 = arith.index_cast %scan3A_395 : i32 to index
        %swap3A_461 = arith.constant 80 : index
        %swap3A_462 = tpu.vector_load %arg17[%swap3A_460, %swap3A_461] {strides = array<i32>} : memref<80x128xf32, #tpu.memory_space<vmem>>, vector<1x16xf32>,
        %swap3A_463 = vector.shape_cast %swap3A_462 : vector<1x16xf32> to vector<16xf32>
        %swap3A_464 = vector.shape_cast %max3A_459 : vector<16xf32> to vector<1x16xf32>
        tpu.vector_store %arg17[%swap3A_460, %swap3A_461], %swap3A_464 {strides = array<i32>} : memref<80x128xf32, #tpu.memory_space<vmem>>, vector<1x16xf32>,
        %get3A_465 = arith.index_cast %scan3A_395 : i32 to index
        %get3A_466 = arith.constant 96 : index
        %get3A_467 = tpu.vector_load %arg17[%get3A_465, %get3A_466] {strides = array<i32>} : memref<80x128xf32, #tpu.memory_space<vmem>>, vector<1x16xf32>,
        %get3A_468 = vector.shape_cast %get3A_467 : vector<1x16xf32> to vector<16xf32>
        %max3A_469 = arith.constant 0.000000e+00 : f32
        %max3A_470 = vector.broadcast %max3A_469 : f32 to vector<16xf32>
        %max3A_471 = arith.maximumf %get3A_468, %max3A_470 : vector<16xf32>
        %swap3A_472 = arith.index_cast %scan3A_395 : i32 to index
        %swap3A_473 = arith.constant 96 : index
        %swap3A_474 = tpu.vector_load %arg17[%swap3A_472, %swap3A_473] {strides = array<i32>} : memref<80x128xf32, #tpu.memory_space<vmem>>, vector<1x16xf32>,
        %swap3A_475 = vector.shape_cast %swap3A_474 : vector<1x16xf32> to vector<16xf32>
        %swap3A_476 = vector.shape_cast %max3A_471 : vector<16xf32> to vector<1x16xf32>
        tpu.vector_store %arg17[%swap3A_472, %swap3A_473], %swap3A_476 {strides = array<i32>} : memref<80x128xf32, #tpu.memory_space<vmem>>, vector<1x16xf32>,
        %get3A_477 = arith.index_cast %scan3A_395 : i32 to index
        %get3A_478 = arith.constant 112 : index
        %get3A_479 = tpu.vector_load %arg17[%get3A_477, %get3A_478] {strides = array<i32>} : memref<80x128xf32, #tpu.memory_space<vmem>>, vector<1x16xf32>,
        %get3A_480 = vector.shape_cast %get3A_479 : vector<1x16xf32> to vector<16xf32>
        %max3A_481 = arith.constant 0.000000e+00 : f32
        %max3A_482 = vector.broadcast %max3A_481 : f32 to vector<16xf32>
        %max3A_483 = arith.maximumf %get3A_480, %max3A_482 : vector<16xf32>
        %swap3A_484 = arith.index_cast %scan3A_395 : i32 to index
        %swap3A_485 = arith.constant 112 : index
        %swap3A_486 = tpu.vector_load %arg17[%swap3A_484, %swap3A_485] {strides = array<i32>} : memref<80x128xf32, #tpu.memory_space<vmem>>, vector<1x16xf32>,
        %swap3A_487 = vector.shape_cast %swap3A_486 : vector<1x16xf32> to vector<16xf32>
        %swap3A_488 = vector.shape_cast %max3A_483 : vector<16xf32> to vector<1x16xf32>
        tpu.vector_store %arg17[%swap3A_484, %swap3A_485], %swap3A_488 {strides = array<i32>} : memref<80x128xf32, #tpu.memory_space<vmem>>, vector<1x16xf32>,
      }
      %scan3A_287 = arith.constant 80 : i32
      %dma_start3A_288 = arith.constant 0 : i32
      %dma_start3A_289 = arith.constant 0 : i32
      %dma_start3A_290 = tpu.memref_slice %arg18[%dma_start3A_288, %dma_start3A_289] : memref<10240x128xf32, #tpu.memory_space<vmem_shared>> -> memref<10240x128xf32, #tpu.memory_space<vmem_shared>>
      tpu.enqueue_indirect_dma source(%arg17 : memref<80x128xf32, #tpu.memory_space<vmem>>) target(%dma_start3A_290 : memref<10240x128xf32, #tpu.memory_space<vmem_shared>>) offsets(%arg16 : memref<80xi32, #tpu.memory_space<vmem>>) semaphore(%arg27 : memref<!tpu.dma_semaphore, #tpu.memory_space<semaphore_mem>>) {add = true}
      %add3A_291 = arith.constant 1 : i32
      %add3A_292 = arith.addi %add3A_240, %add3A_291 : i32
      %dma_wait3A_293 = arith.constant 0 : i32
      %dma_wait3A_294 = arith.constant 0 : i32
      %dma_wait3A_295 = tpu.memref_slice %arg2[%dma_wait3A_293, %dma_wait3A_294] : memref<10000x128xf32, #tpu.memory_space<hbm>> -> memref<10000x128xf32, #tpu.memory_space<hbm>>
      tpu.wait_indirect_dma semaphore(%arg22 : memref<!tpu.dma_semaphore, #tpu.memory_space<semaphore_mem>>) src(%dma_wait3A_295 : memref<10000x128xf32, #tpu.memory_space<hbm>>) dst(%arg11 : memref<80x128xf32, #tpu.memory_space<vmem>>)
      %dma_wait3A_296 = arith.constant 0 : i32
      %dma_wait3A_297 = arith.constant 0 : i32
      %dma_wait3A_298 = tpu.memref_slice %arg3[%dma_wait3A_296, %dma_wait3A_297] : memref<10000x128xf32, #tpu.memory_space<hbm>> -> memref<10000x128xf32, #tpu.memory_space<hbm>>
      tpu.wait_indirect_dma semaphore(%arg22 : memref<!tpu.dma_semaphore, #tpu.memory_space<semaphore_mem>>) src(%dma_wait3A_298 : memref<10000x128xf32, #tpu.memory_space<hbm>>) dst(%arg11 : memref<80x128xf32, #tpu.memory_space<vmem>>)
      %add3A_299 = arith.constant 1 : i32
      %add3A_300 = arith.addi %add3A_292, %add3A_299 : i32
      %mul3A_301 = arith.constant 80 : i32
      %mul3A_302 = arith.muli %add3A_300, %mul3A_301 : i32
      %add3A_303 = arith.addi %mul3A_2, %mul3A_302 : i32
      %dma_wait3A_304 = tpu.memref_slice %arg5[%add3A_303] : memref<320000xi32, #tpu.memory_space<hbm>> -> memref<80xi32, #tpu.memory_space<hbm>>
      %dma_wait3A_305 = tpu.memref_slice %arg5[%add3A_303] : memref<320000xi32, #tpu.memory_space<hbm>> -> memref<80xi32, #tpu.memory_space<hbm>>
      tpu.wait_dma2 semaphore(%arg20 : memref<!tpu.dma_semaphore, #tpu.memory_space<semaphore_mem>>) src(%dma_wait3A_305 : memref<80xi32, #tpu.memory_space<hbm>>) dst(%arg12 : memref<80xi32, #tpu.memory_space<vmem>>)
      %dma_wait3A_306 = tpu.memref_slice %arg6[%add3A_303] : memref<320000xi32, #tpu.memory_space<hbm>> -> memref<80xi32, #tpu.memory_space<hbm>>
      %dma_wait3A_307 = tpu.memref_slice %arg6[%add3A_303] : memref<320000xi32, #tpu.memory_space<hbm>> -> memref<80xi32, #tpu.memory_space<hbm>>
      tpu.wait_dma2 semaphore(%arg20 : memref<!tpu.dma_semaphore, #tpu.memory_space<semaphore_mem>>) src(%dma_wait3A_307 : memref<80xi32, #tpu.memory_space<hbm>>) dst(%arg13 : memref<80xi32, #tpu.memory_space<vmem>>)
      %dma_wait3A_308 = arith.constant 0 : i32
      %dma_wait3A_309 = tpu.memref_slice %arg4[%add3A_303, %dma_wait3A_308] : memref<320000x128xf32, #tpu.memory_space<hbm>> -> memref<80x128xf32, #tpu.memory_space<hbm>>
      %dma_wait3A_310 = arith.constant 0 : i32
      %dma_wait3A_311 = tpu.memref_slice %arg4[%add3A_303, %dma_wait3A_310] : memref<320000x128xf32, #tpu.memory_space<hbm>> -> memref<80x128xf32, #tpu.memory_space<hbm>>
      tpu.wait_dma2 semaphore(%arg20 : memref<!tpu.dma_semaphore, #tpu.memory_space<semaphore_mem>>) src(%dma_wait3A_311 : memref<80x128xf32, #tpu.memory_space<hbm>>) dst(%arg14 : memref<80x128xf32, #tpu.memory_space<vmem>>)
      %dma_start3A_312 = arith.constant 0 : i32
      %dma_start3A_313 = arith.constant 0 : i32
      %dma_start3A_314 = tpu.memref_slice %arg2[%dma_start3A_312, %dma_start3A_313] : memref<10000x128xf32, #tpu.memory_space<hbm>> -> memref<10000x128xf32, #tpu.memory_space<hbm>>
      tpu.enqueue_indirect_dma source(%dma_start3A_314 : memref<10000x128xf32, #tpu.memory_space<hbm>>) target(%arg14 : memref<80x128xf32, #tpu.memory_space<vmem>>) offsets(%arg12 : memref<80xi32, #tpu.memory_space<vmem>>) semaphore(%arg23 : memref<!tpu.dma_semaphore, #tpu.memory_space<semaphore_mem>>) {add = true}
      %dma_start3A_315 = arith.constant 0 : i32
      %dma_start3A_316 = arith.constant 0 : i32
      %dma_start3A_317 = tpu.memref_slice %arg3[%dma_start3A_315, %dma_start3A_316] : memref<10000x128xf32, #tpu.memory_space<hbm>> -> memref<10000x128xf32, #tpu.memory_space<hbm>>
      tpu.enqueue_indirect_dma source(%dma_start3A_317 : memref<10000x128xf32, #tpu.memory_space<hbm>>) target(%arg14 : memref<80x128xf32, #tpu.memory_space<vmem>>) offsets(%arg13 : memref<80xi32, #tpu.memory_space<vmem>>) semaphore(%arg23 : memref<!tpu.dma_semaphore, #tpu.memory_space<semaphore_mem>>) {add = true}
      %dma_wait3A_318 = arith.constant 0 : i32
      %dma_wait3A_319 = arith.constant 0 : i32
      %dma_wait3A_320 = tpu.memref_slice %arg18[%dma_wait3A_318, %dma_wait3A_319] : memref<10240x128xf32, #tpu.memory_space<vmem_shared>> -> memref<10240x128xf32, #tpu.memory_space<vmem_shared>>
      tpu.wait_indirect_dma semaphore(%arg27 : memref<!tpu.dma_semaphore, #tpu.memory_space<semaphore_mem>>) src(%arg17 : memref<80x128xf32, #tpu.memory_space<vmem>>) dst(%dma_wait3A_320 : memref<10240x128xf32, #tpu.memory_space<vmem_shared>>)
      %add3A_321 = arith.constant 2 : i32
      %add3A_322 = arith.addi %add3A_292, %add3A_321 : i32
      %mul3A_323 = arith.constant 80 : i32
      %mul3A_324 = arith.muli %add3A_322, %mul3A_323 : i32
      %add3A_325 = arith.addi %mul3A_2, %mul3A_324 : i32
      %dma_start3A_326 = tpu.memref_slice %arg5[%add3A_325] : memref<320000xi32, #tpu.memory_space<hbm>> -> memref<80xi32, #tpu.memory_space<hbm>>
      %dma_start3A_327 = tpu.memref_slice %arg5[%add3A_325] : memref<320000xi32, #tpu.memory_space<hbm>> -> memref<80xi32, #tpu.memory_space<hbm>>
      tpu.enqueue_dma source(%dma_start3A_327 : memref<80xi32, #tpu.memory_space<hbm>>) target(%arg15 : memref<80xi32, #tpu.memory_space<vmem>>) target_semaphore(%arg21 : memref<!tpu.dma_semaphore, #tpu.memory_space<semaphore_mem>>)
      %dma_start3A_328 = tpu.memref_slice %arg6[%add3A_325] : memref<320000xi32, #tpu.memory_space<hbm>> -> memref<80xi32, #tpu.memory_space<hbm>>
      %dma_start3A_329 = tpu.memref_slice %arg6[%add3A_325] : memref<320000xi32, #tpu.memory_space<hbm>> -> memref<80xi32, #tpu.memory_space<hbm>>
      tpu.enqueue_dma source(%dma_start3A_329 : memref<80xi32, #tpu.memory_space<hbm>>) target(%arg16 : memref<80xi32, #tpu.memory_space<vmem>>) target_semaphore(%arg21 : memref<!tpu.dma_semaphore, #tpu.memory_space<semaphore_mem>>)
      %dma_start3A_330 = arith.constant 0 : i32
      %dma_start3A_331 = tpu.memref_slice %arg4[%add3A_325, %dma_start3A_330] : memref<320000x128xf32, #tpu.memory_space<hbm>> -> memref<80x128xf32, #tpu.memory_space<hbm>>
      %dma_start3A_332 = arith.constant 0 : i32
      %dma_start3A_333 = tpu.memref_slice %arg4[%add3A_325, %dma_start3A_332] : memref<320000x128xf32, #tpu.memory_space<hbm>> -> memref<80x128xf32, #tpu.memory_space<hbm>>
      tpu.enqueue_dma source(%dma_start3A_333 : memref<80x128xf32, #tpu.memory_space<hbm>>) target(%arg17 : memref<80x128xf32, #tpu.memory_space<vmem>>) target_semaphore(%arg21 : memref<!tpu.dma_semaphore, #tpu.memory_space<semaphore_mem>>)
      %scan3A_334 = arith.constant 0 : i32
      %scan3A_335 = arith.constant 0 : i32
      %scan3A_336 = arith.constant 80 : i32
      %scan3A_337 = arith.addi %scan3A_335, %scan3A_336 : i32
      %scan3A_338 = arith.constant 1 : i32
      scf.for %scan3A_395 = %scan3A_335 to %scan3A_337 step %scan3A_338  : i32 {
        %get3A = arith.index_cast %scan3A_395 : i32 to index
        %get3A_396 = arith.constant 0 : index
        %get3A_397 = tpu.vector_load %arg11[%get3A, %get3A_396] {strides = array<i32>} : memref<80x128xf32, #tpu.memory_space<vmem>>, vector<1x16xf32>,
        %get3A_398 = vector.shape_cast %get3A_397 : vector<1x16xf32> to vector<16xf32>
        %max3A = arith.constant 0.000000e+00 : f32
        %max3A_399 = vector.broadcast %max3A : f32 to vector<16xf32>
        %max3A_400 = arith.maximumf %get3A_398, %max3A_399 : vector<16xf32>
        %swap3A = arith.index_cast %scan3A_395 : i32 to index
        %swap3A_401 = arith.constant 0 : index
        %swap3A_402 = tpu.vector_load %arg11[%swap3A, %swap3A_401] {strides = array<i32>} : memref<80x128xf32, #tpu.memory_space<vmem>>, vector<1x16xf32>,
        %swap3A_403 = vector.shape_cast %swap3A_402 : vector<1x16xf32> to vector<16xf32>
        %swap3A_404 = vector.shape_cast %max3A_400 : vector<16xf32> to vector<1x16xf32>
        tpu.vector_store %arg11[%swap3A, %swap3A_401], %swap3A_404 {strides = array<i32>} : memref<80x128xf32, #tpu.memory_space<vmem>>, vector<1x16xf32>,
        %get3A_405 = arith.index_cast %scan3A_395 : i32 to index
        %get3A_406 = arith.constant 16 : index
        %get3A_407 = tpu.vector_load %arg11[%get3A_405, %get3A_406] {strides = array<i32>} : memref<80x128xf32, #tpu.memory_space<vmem>>, vector<1x16xf32>,
        %get3A_408 = vector.shape_cast %get3A_407 : vector<1x16xf32> to vector<16xf32>
        %max3A_409 = arith.constant 0.000000e+00 : f32
        %max3A_410 = vector.broadcast %max3A_409 : f32 to vector<16xf32>
        %max3A_411 = arith.maximumf %get3A_408, %max3A_410 : vector<16xf32>
        %swap3A_412 = arith.index_cast %scan3A_395 : i32 to index
        %swap3A_413 = arith.constant 16 : index
        %swap3A_414 = tpu.vector_load %arg11[%swap3A_412, %swap3A_413] {strides = array<i32>} : memref<80x128xf32, #tpu.memory_space<vmem>>, vector<1x16xf32>,
        %swap3A_415 = vector.shape_cast %swap3A_414 : vector<1x16xf32> to vector<16xf32>
        %swap3A_416 = vector.shape_cast %max3A_411 : vector<16xf32> to vector<1x16xf32>
        tpu.vector_store %arg11[%swap3A_412, %swap3A_413], %swap3A_416 {strides = array<i32>} : memref<80x128xf32, #tpu.memory_space<vmem>>, vector<1x16xf32>,
        %get3A_417 = arith.index_cast %scan3A_395 : i32 to index
        %get3A_418 = arith.constant 32 : index
        %get3A_419 = tpu.vector_load %arg11[%get3A_417, %get3A_418] {strides = array<i32>} : memref<80x128xf32, #tpu.memory_space<vmem>>, vector<1x16xf32>,
        %get3A_420 = vector.shape_cast %get3A_419 : vector<1x16xf32> to vector<16xf32>
        %max3A_421 = arith.constant 0.000000e+00 : f32
        %max3A_422 = vector.broadcast %max3A_421 : f32 to vector<16xf32>
        %max3A_423 = arith.maximumf %get3A_420, %max3A_422 : vector<16xf32>
        %swap3A_424 = arith.index_cast %scan3A_395 : i32 to index
        %swap3A_425 = arith.constant 32 : index
        %swap3A_426 = tpu.vector_load %arg11[%swap3A_424, %swap3A_425] {strides = array<i32>} : memref<80x128xf32, #tpu.memory_space<vmem>>, vector<1x16xf32>,
        %swap3A_427 = vector.shape_cast %swap3A_426 : vector<1x16xf32> to vector<16xf32>
        %swap3A_428 = vector.shape_cast %max3A_423 : vector<16xf32> to vector<1x16xf32>
        tpu.vector_store %arg11[%swap3A_424, %swap3A_425], %swap3A_428 {strides = array<i32>} : memref<80x128xf32, #tpu.memory_space<vmem>>, vector<1x16xf32>,
        %get3A_429 = arith.index_cast %scan3A_395 : i32 to index
        %get3A_430 = arith.constant 48 : index
        %get3A_431 = tpu.vector_load %arg11[%get3A_429, %get3A_430] {strides = array<i32>} : memref<80x128xf32, #tpu.memory_space<vmem>>, vector<1x16xf32>,
        %get3A_432 = vector.shape_cast %get3A_431 : vector<1x16xf32> to vector<16xf32>
        %max3A_433 = arith.constant 0.000000e+00 : f32
        %max3A_434 = vector.broadcast %max3A_433 : f32 to vector<16xf32>
        %max3A_435 = arith.maximumf %get3A_432, %max3A_434 : vector<16xf32>
        %swap3A_436 = arith.index_cast %scan3A_395 : i32 to index
        %swap3A_437 = arith.constant 48 : index
        %swap3A_438 = tpu.vector_load %arg11[%swap3A_436, %swap3A_437] {strides = array<i32>} : memref<80x128xf32, #tpu.memory_space<vmem>>, vector<1x16xf32>,
        %swap3A_439 = vector.shape_cast %swap3A_438 : vector<1x16xf32> to vector<16xf32>
        %swap3A_440 = vector.shape_cast %max3A_435 : vector<16xf32> to vector<1x16xf32>
        tpu.vector_store %arg11[%swap3A_436, %swap3A_437], %swap3A_440 {strides = array<i32>} : memref<80x128xf32, #tpu.memory_space<vmem>>, vector<1x16xf32>,
        %get3A_441 = arith.index_cast %scan3A_395 : i32 to index
        %get3A_442 = arith.constant 64 : index
        %get3A_443 = tpu.vector_load %arg11[%get3A_441, %get3A_442] {strides = array<i32>} : memref<80x128xf32, #tpu.memory_space<vmem>>, vector<1x16xf32>,
        %get3A_444 = vector.shape_cast %get3A_443 : vector<1x16xf32> to vector<16xf32>
        %max3A_445 = arith.constant 0.000000e+00 : f32
        %max3A_446 = vector.broadcast %max3A_445 : f32 to vector<16xf32>
        %max3A_447 = arith.maximumf %get3A_444, %max3A_446 : vector<16xf32>
        %swap3A_448 = arith.index_cast %scan3A_395 : i32 to index
        %swap3A_449 = arith.constant 64 : index
        %swap3A_450 = tpu.vector_load %arg11[%swap3A_448, %swap3A_449] {strides = array<i32>} : memref<80x128xf32, #tpu.memory_space<vmem>>, vector<1x16xf32>,
        %swap3A_451 = vector.shape_cast %swap3A_450 : vector<1x16xf32> to vector<16xf32>
        %swap3A_452 = vector.shape_cast %max3A_447 : vector<16xf32> to vector<1x16xf32>
        tpu.vector_store %arg11[%swap3A_448, %swap3A_449], %swap3A_452 {strides = array<i32>} : memref<80x128xf32, #tpu.memory_space<vmem>>, vector<1x16xf32>,
        %get3A_453 = arith.index_cast %scan3A_395 : i32 to index
        %get3A_454 = arith.constant 80 : index
        %get3A_455 = tpu.vector_load %arg11[%get3A_453, %get3A_454] {strides = array<i32>} : memref<80x128xf32, #tpu.memory_space<vmem>>, vector<1x16xf32>,
        %get3A_456 = vector.shape_cast %get3A_455 : vector<1x16xf32> to vector<16xf32>
        %max3A_457 = arith.constant 0.000000e+00 : f32
        %max3A_458 = vector.broadcast %max3A_457 : f32 to vector<16xf32>
        %max3A_459 = arith.maximumf %get3A_456, %max3A_458 : vector<16xf32>
        %swap3A_460 = arith.index_cast %scan3A_395 : i32 to index
        %swap3A_461 = arith.constant 80 : index
        %swap3A_462 = tpu.vector_load %arg11[%swap3A_460, %swap3A_461] {strides = array<i32>} : memref<80x128xf32, #tpu.memory_space<vmem>>, vector<1x16xf32>,
        %swap3A_463 = vector.shape_cast %swap3A_462 : vector<1x16xf32> to vector<16xf32>
        %swap3A_464 = vector.shape_cast %max3A_459 : vector<16xf32> to vector<1x16xf32>
        tpu.vector_store %arg11[%swap3A_460, %swap3A_461], %swap3A_464 {strides = array<i32>} : memref<80x128xf32, #tpu.memory_space<vmem>>, vector<1x16xf32>,
        %get3A_465 = arith.index_cast %scan3A_395 : i32 to index
        %get3A_466 = arith.constant 96 : index
        %get3A_467 = tpu.vector_load %arg11[%get3A_465, %get3A_466] {strides = array<i32>} : memref<80x128xf32, #tpu.memory_space<vmem>>, vector<1x16xf32>,
        %get3A_468 = vector.shape_cast %get3A_467 : vector<1x16xf32> to vector<16xf32>
        %max3A_469 = arith.constant 0.000000e+00 : f32
        %max3A_470 = vector.broadcast %max3A_469 : f32 to vector<16xf32>
        %max3A_471 = arith.maximumf %get3A_468, %max3A_470 : vector<16xf32>
        %swap3A_472 = arith.index_cast %scan3A_395 : i32 to index
        %swap3A_473 = arith.constant 96 : index
        %swap3A_474 = tpu.vector_load %arg11[%swap3A_472, %swap3A_473] {strides = array<i32>} : memref<80x128xf32, #tpu.memory_space<vmem>>, vector<1x16xf32>,
        %swap3A_475 = vector.shape_cast %swap3A_474 : vector<1x16xf32> to vector<16xf32>
        %swap3A_476 = vector.shape_cast %max3A_471 : vector<16xf32> to vector<1x16xf32>
        tpu.vector_store %arg11[%swap3A_472, %swap3A_473], %swap3A_476 {strides = array<i32>} : memref<80x128xf32, #tpu.memory_space<vmem>>, vector<1x16xf32>,
        %get3A_477 = arith.index_cast %scan3A_395 : i32 to index
        %get3A_478 = arith.constant 112 : index
        %get3A_479 = tpu.vector_load %arg11[%get3A_477, %get3A_478] {strides = array<i32>} : memref<80x128xf32, #tpu.memory_space<vmem>>, vector<1x16xf32>,
        %get3A_480 = vector.shape_cast %get3A_479 : vector<1x16xf32> to vector<16xf32>
        %max3A_481 = arith.constant 0.000000e+00 : f32
        %max3A_482 = vector.broadcast %max3A_481 : f32 to vector<16xf32>
        %max3A_483 = arith.maximumf %get3A_480, %max3A_482 : vector<16xf32>
        %swap3A_484 = arith.index_cast %scan3A_395 : i32 to index
        %swap3A_485 = arith.constant 112 : index
        %swap3A_486 = tpu.vector_load %arg11[%swap3A_484, %swap3A_485] {strides = array<i32>} : memref<80x128xf32, #tpu.memory_space<vmem>>, vector<1x16xf32>,
        %swap3A_487 = vector.shape_cast %swap3A_486 : vector<1x16xf32> to vector<16xf32>
        %swap3A_488 = vector.shape_cast %max3A_483 : vector<16xf32> to vector<1x16xf32>
        tpu.vector_store %arg11[%swap3A_484, %swap3A_485], %swap3A_488 {strides = array<i32>} : memref<80x128xf32, #tpu.memory_space<vmem>>, vector<1x16xf32>,
      }
      %scan3A_339 = arith.constant 80 : i32
      %dma_start3A_340 = arith.constant 0 : i32
      %dma_start3A_341 = arith.constant 0 : i32
      %dma_start3A_342 = tpu.memref_slice %arg18[%dma_start3A_340, %dma_start3A_341] : memref<10240x128xf32, #tpu.memory_space<vmem_shared>> -> memref<10240x128xf32, #tpu.memory_space<vmem_shared>>
      tpu.enqueue_indirect_dma source(%arg11 : memref<80x128xf32, #tpu.memory_space<vmem>>) target(%dma_start3A_342 : memref<10240x128xf32, #tpu.memory_space<vmem_shared>>) offsets(%arg10 : memref<80xi32, #tpu.memory_space<vmem>>) semaphore(%arg25 : memref<!tpu.dma_semaphore, #tpu.memory_space<semaphore_mem>>) {add = true}
      %add3A_343 = arith.constant 2 : i32
      %add3A_344 = arith.addi %add3A_240, %add3A_343 : i32
      %dma_wait3A_345 = arith.constant 0 : i32
      %dma_wait3A_346 = arith.constant 0 : i32
      %dma_wait3A_347 = tpu.memref_slice %arg2[%dma_wait3A_345, %dma_wait3A_346] : memref<10000x128xf32, #tpu.memory_space<hbm>> -> memref<10000x128xf32, #tpu.memory_space<hbm>>
      tpu.wait_indirect_dma semaphore(%arg23 : memref<!tpu.dma_semaphore, #tpu.memory_space<semaphore_mem>>) src(%dma_wait3A_347 : memref<10000x128xf32, #tpu.memory_space<hbm>>) dst(%arg14 : memref<80x128xf32, #tpu.memory_space<vmem>>)
      %dma_wait3A_348 = arith.constant 0 : i32
      %dma_wait3A_349 = arith.constant 0 : i32
      %dma_wait3A_350 = tpu.memref_slice %arg3[%dma_wait3A_348, %dma_wait3A_349] : memref<10000x128xf32, #tpu.memory_space<hbm>> -> memref<10000x128xf32, #tpu.memory_space<hbm>>
      tpu.wait_indirect_dma semaphore(%arg23 : memref<!tpu.dma_semaphore, #tpu.memory_space<semaphore_mem>>) src(%dma_wait3A_350 : memref<10000x128xf32, #tpu.memory_space<hbm>>) dst(%arg14 : memref<80x128xf32, #tpu.memory_space<vmem>>)
      %add3A_351 = arith.constant 1 : i32
      %add3A_352 = arith.addi %add3A_344, %add3A_351 : i32
      %mul3A_353 = arith.constant 80 : i32
      %mul3A_354 = arith.muli %add3A_352, %mul3A_353 : i32
      %add3A_355 = arith.addi %mul3A_2, %mul3A_354 : i32
      %dma_wait3A_356 = tpu.memref_slice %arg5[%add3A_355] : memref<320000xi32, #tpu.memory_space<hbm>> -> memref<80xi32, #tpu.memory_space<hbm>>
      %dma_wait3A_357 = tpu.memref_slice %arg5[%add3A_355] : memref<320000xi32, #tpu.memory_space<hbm>> -> memref<80xi32, #tpu.memory_space<hbm>>
      tpu.wait_dma2 semaphore(%arg21 : memref<!tpu.dma_semaphore, #tpu.memory_space<semaphore_mem>>) src(%dma_wait3A_357 : memref<80xi32, #tpu.memory_space<hbm>>) dst(%arg15 : memref<80xi32, #tpu.memory_space<vmem>>)
      %dma_wait3A_358 = tpu.memref_slice %arg6[%add3A_355] : memref<320000xi32, #tpu.memory_space<hbm>> -> memref<80xi32, #tpu.memory_space<hbm>>
      %dma_wait3A_359 = tpu.memref_slice %arg6[%add3A_355] : memref<320000xi32, #tpu.memory_space<hbm>> -> memref<80xi32, #tpu.memory_space<hbm>>
      tpu.wait_dma2 semaphore(%arg21 : memref<!tpu.dma_semaphore, #tpu.memory_space<semaphore_mem>>) src(%dma_wait3A_359 : memref<80xi32, #tpu.memory_space<hbm>>) dst(%arg16 : memref<80xi32, #tpu.memory_space<vmem>>)
      %dma_wait3A_360 = arith.constant 0 : i32
      %dma_wait3A_361 = tpu.memref_slice %arg4[%add3A_355, %dma_wait3A_360] : memref<320000x128xf32, #tpu.memory_space<hbm>> -> memref<80x128xf32, #tpu.memory_space<hbm>>
      %dma_wait3A_362 = arith.constant 0 : i32
      %dma_wait3A_363 = tpu.memref_slice %arg4[%add3A_355, %dma_wait3A_362] : memref<320000x128xf32, #tpu.memory_space<hbm>> -> memref<80x128xf32, #tpu.memory_space<hbm>>
      tpu.wait_dma2 semaphore(%arg21 : memref<!tpu.dma_semaphore, #tpu.memory_space<semaphore_mem>>) src(%dma_wait3A_363 : memref<80x128xf32, #tpu.memory_space<hbm>>) dst(%arg17 : memref<80x128xf32, #tpu.memory_space<vmem>>)
      %dma_start3A_364 = arith.constant 0 : i32
      %dma_start3A_365 = arith.constant 0 : i32
      %dma_start3A_366 = tpu.memref_slice %arg2[%dma_start3A_364, %dma_start3A_365] : memref<10000x128xf32, #tpu.memory_space<hbm>> -> memref<10000x128xf32, #tpu.memory_space<hbm>>
      tpu.enqueue_indirect_dma source(%dma_start3A_366 : memref<10000x128xf32, #tpu.memory_space<hbm>>) target(%arg17 : memref<80x128xf32, #tpu.memory_space<vmem>>) offsets(%arg15 : memref<80xi32, #tpu.memory_space<vmem>>) semaphore(%arg24 : memref<!tpu.dma_semaphore, #tpu.memory_space<semaphore_mem>>) {add = true}
      %dma_start3A_367 = arith.constant 0 : i32
      %dma_start3A_368 = arith.constant 0 : i32
      %dma_start3A_369 = tpu.memref_slice %arg3[%dma_start3A_367, %dma_start3A_368] : memref<10000x128xf32, #tpu.memory_space<hbm>> -> memref<10000x128xf32, #tpu.memory_space<hbm>>
      tpu.enqueue_indirect_dma source(%dma_start3A_369 : memref<10000x128xf32, #tpu.memory_space<hbm>>) target(%arg17 : memref<80x128xf32, #tpu.memory_space<vmem>>) offsets(%arg16 : memref<80xi32, #tpu.memory_space<vmem>>) semaphore(%arg24 : memref<!tpu.dma_semaphore, #tpu.memory_space<semaphore_mem>>) {add = true}
      %dma_wait3A_370 = arith.constant 0 : i32
      %dma_wait3A_371 = arith.constant 0 : i32
      %dma_wait3A_372 = tpu.memref_slice %arg18[%dma_wait3A_370, %dma_wait3A_371] : memref<10240x128xf32, #tpu.memory_space<vmem_shared>> -> memref<10240x128xf32, #tpu.memory_space<vmem_shared>>
      tpu.wait_indirect_dma semaphore(%arg25 : memref<!tpu.dma_semaphore, #tpu.memory_space<semaphore_mem>>) src(%arg11 : memref<80x128xf32, #tpu.memory_space<vmem>>) dst(%dma_wait3A_372 : memref<10240x128xf32, #tpu.memory_space<vmem_shared>>)
      %add3A_373 = arith.constant 2 : i32
      %add3A_374 = arith.addi %add3A_344, %add3A_373 : i32
      %mul3A_375 = arith.constant 80 : i32
      %mul3A_376 = arith.muli %add3A_374, %mul3A_375 : i32
      %add3A_377 = arith.addi %mul3A_2, %mul3A_376 : i32
      %dma_start3A_378 = tpu.memref_slice %arg5[%add3A_377] : memref<320000xi32, #tpu.memory_space<hbm>> -> memref<80xi32, #tpu.memory_space<hbm>>
      %dma_start3A_379 = tpu.memref_slice %arg5[%add3A_377] : memref<320000xi32, #tpu.memory_space<hbm>> -> memref<80xi32, #tpu.memory_space<hbm>>
      tpu.enqueue_dma source(%dma_start3A_379 : memref<80xi32, #tpu.memory_space<hbm>>) target(%arg9 : memref<80xi32, #tpu.memory_space<vmem>>) target_semaphore(%arg19 : memref<!tpu.dma_semaphore, #tpu.memory_space<semaphore_mem>>)
      %dma_start3A_380 = tpu.memref_slice %arg6[%add3A_377] : memref<320000xi32, #tpu.memory_space<hbm>> -> memref<80xi32, #tpu.memory_space<hbm>>
      %dma_start3A_381 = tpu.memref_slice %arg6[%add3A_377] : memref<320000xi32, #tpu.memory_space<hbm>> -> memref<80xi32, #tpu.memory_space<hbm>>
      tpu.enqueue_dma source(%dma_start3A_381 : memref<80xi32, #tpu.memory_space<hbm>>) target(%arg10 : memref<80xi32, #tpu.memory_space<vmem>>) target_semaphore(%arg19 : memref<!tpu.dma_semaphore, #tpu.memory_space<semaphore_mem>>)
      %dma_start3A_382 = arith.constant 0 : i32
      %dma_start3A_383 = tpu.memref_slice %arg4[%add3A_377, %dma_start3A_382] : memref<320000x128xf32, #tpu.memory_space<hbm>> -> memref<80x128xf32, #tpu.memory_space<hbm>>
      %dma_start3A_384 = arith.constant 0 : i32
      %dma_start3A_385 = tpu.memref_slice %arg4[%add3A_377, %dma_start3A_384] : memref<320000x128xf32, #tpu.memory_space<hbm>> -> memref<80x128xf32, #tpu.memory_space<hbm>>
      tpu.enqueue_dma source(%dma_start3A_385 : memref<80x128xf32, #tpu.memory_space<hbm>>) target(%arg11 : memref<80x128xf32, #tpu.memory_space<vmem>>) target_semaphore(%arg19 : memref<!tpu.dma_semaphore, #tpu.memory_space<semaphore_mem>>)
      %scan3A_386 = arith.constant 0 : i32
      %scan3A_387 = arith.constant 0 : i32
      %scan3A_388 = arith.constant 80 : i32
      %scan3A_389 = arith.addi %scan3A_387, %scan3A_388 : i32
      %scan3A_390 = arith.constant 1 : i32
      scf.for %scan3A_395 = %scan3A_387 to %scan3A_389 step %scan3A_390  : i32 {
        %get3A = arith.index_cast %scan3A_395 : i32 to index
        %get3A_396 = arith.constant 0 : index
        %get3A_397 = tpu.vector_load %arg14[%get3A, %get3A_396] {strides = array<i32>} : memref<80x128xf32, #tpu.memory_space<vmem>>, vector<1x16xf32>,
        %get3A_398 = vector.shape_cast %get3A_397 : vector<1x16xf32> to vector<16xf32>
        %max3A = arith.constant 0.000000e+00 : f32
        %max3A_399 = vector.broadcast %max3A : f32 to vector<16xf32>
        %max3A_400 = arith.maximumf %get3A_398, %max3A_399 : vector<16xf32>
        %swap3A = arith.index_cast %scan3A_395 : i32 to index
        %swap3A_401 = arith.constant 0 : index
        %swap3A_402 = tpu.vector_load %arg14[%swap3A, %swap3A_401] {strides = array<i32>} : memref<80x128xf32, #tpu.memory_space<vmem>>, vector<1x16xf32>,
        %swap3A_403 = vector.shape_cast %swap3A_402 : vector<1x16xf32> to vector<16xf32>
        %swap3A_404 = vector.shape_cast %max3A_400 : vector<16xf32> to vector<1x16xf32>
        tpu.vector_store %arg14[%swap3A, %swap3A_401], %swap3A_404 {strides = array<i32>} : memref<80x128xf32, #tpu.memory_space<vmem>>, vector<1x16xf32>,
        %get3A_405 = arith.index_cast %scan3A_395 : i32 to index
        %get3A_406 = arith.constant 16 : index
        %get3A_407 = tpu.vector_load %arg14[%get3A_405, %get3A_406] {strides = array<i32>} : memref<80x128xf32, #tpu.memory_space<vmem>>, vector<1x16xf32>,
        %get3A_408 = vector.shape_cast %get3A_407 : vector<1x16xf32> to vector<16xf32>
        %max3A_409 = arith.constant 0.000000e+00 : f32
        %max3A_410 = vector.broadcast %max3A_409 : f32 to vector<16xf32>
        %max3A_411 = arith.maximumf %get3A_408, %max3A_410 : vector<16xf32>
        %swap3A_412 = arith.index_cast %scan3A_395 : i32 to index
        %swap3A_413 = arith.constant 16 : index
        %swap3A_414 = tpu.vector_load %arg14[%swap3A_412, %swap3A_413] {strides = array<i32>} : memref<80x128xf32, #tpu.memory_space<vmem>>, vector<1x16xf32>,
        %swap3A_415 = vector.shape_cast %swap3A_414 : vector<1x16xf32> to vector<16xf32>
        %swap3A_416 = vector.shape_cast %max3A_411 : vector<16xf32> to vector<1x16xf32>
        tpu.vector_store %arg14[%swap3A_412, %swap3A_413], %swap3A_416 {strides = array<i32>} : memref<80x128xf32, #tpu.memory_space<vmem>>, vector<1x16xf32>,
        %get3A_417 = arith.index_cast %scan3A_395 : i32 to index
        %get3A_418 = arith.constant 32 : index
        %get3A_419 = tpu.vector_load %arg14[%get3A_417, %get3A_418] {strides = array<i32>} : memref<80x128xf32, #tpu.memory_space<vmem>>, vector<1x16xf32>,
        %get3A_420 = vector.shape_cast %get3A_419 : vector<1x16xf32> to vector<16xf32>
        %max3A_421 = arith.constant 0.000000e+00 : f32
        %max3A_422 = vector.broadcast %max3A_421 : f32 to vector<16xf32>
        %max3A_423 = arith.maximumf %get3A_420, %max3A_422 : vector<16xf32>
        %swap3A_424 = arith.index_cast %scan3A_395 : i32 to index
        %swap3A_425 = arith.constant 32 : index
        %swap3A_426 = tpu.vector_load %arg14[%swap3A_424, %swap3A_425] {strides = array<i32>} : memref<80x128xf32, #tpu.memory_space<vmem>>, vector<1x16xf32>,
        %swap3A_427 = vector.shape_cast %swap3A_426 : vector<1x16xf32> to vector<16xf32>
        %swap3A_428 = vector.shape_cast %max3A_423 : vector<16xf32> to vector<1x16xf32>
        tpu.vector_store %arg14[%swap3A_424, %swap3A_425], %swap3A_428 {strides = array<i32>} : memref<80x128xf32, #tpu.memory_space<vmem>>, vector<1x16xf32>,
        %get3A_429 = arith.index_cast %scan3A_395 : i32 to index
        %get3A_430 = arith.constant 48 : index
        %get3A_431 = tpu.vector_load %arg14[%get3A_429, %get3A_430] {strides = array<i32>} : memref<80x128xf32, #tpu.memory_space<vmem>>, vector<1x16xf32>,
        %get3A_432 = vector.shape_cast %get3A_431 : vector<1x16xf32> to vector<16xf32>
        %max3A_433 = arith.constant 0.000000e+00 : f32
        %max3A_434 = vector.broadcast %max3A_433 : f32 to vector<16xf32>
        %max3A_435 = arith.maximumf %get3A_432, %max3A_434 : vector<16xf32>
        %swap3A_436 = arith.index_cast %scan3A_395 : i32 to index
        %swap3A_437 = arith.constant 48 : index
        %swap3A_438 = tpu.vector_load %arg14[%swap3A_436, %swap3A_437] {strides = array<i32>} : memref<80x128xf32, #tpu.memory_space<vmem>>, vector<1x16xf32>,
        %swap3A_439 = vector.shape_cast %swap3A_438 : vector<1x16xf32> to vector<16xf32>
        %swap3A_440 = vector.shape_cast %max3A_435 : vector<16xf32> to vector<1x16xf32>
        tpu.vector_store %arg14[%swap3A_436, %swap3A_437], %swap3A_440 {strides = array<i32>} : memref<80x128xf32, #tpu.memory_space<vmem>>, vector<1x16xf32>,
        %get3A_441 = arith.index_cast %scan3A_395 : i32 to index
        %get3A_442 = arith.constant 64 : index
        %get3A_443 = tpu.vector_load %arg14[%get3A_441, %get3A_442] {strides = array<i32>} : memref<80x128xf32, #tpu.memory_space<vmem>>, vector<1x16xf32>,
        %get3A_444 = vector.shape_cast %get3A_443 : vector<1x16xf32> to vector<16xf32>
        %max3A_445 = arith.constant 0.000000e+00 : f32
        %max3A_446 = vector.broadcast %max3A_445 : f32 to vector<16xf32>
        %max3A_447 = arith.maximumf %get3A_444, %max3A_446 : vector<16xf32>
        %swap3A_448 = arith.index_cast %scan3A_395 : i32 to index
        %swap3A_449 = arith.constant 64 : index
        %swap3A_450 = tpu.vector_load %arg14[%swap3A_448, %swap3A_449] {strides = array<i32>} : memref<80x128xf32, #tpu.memory_space<vmem>>, vector<1x16xf32>,
        %swap3A_451 = vector.shape_cast %swap3A_450 : vector<1x16xf32> to vector<16xf32>
        %swap3A_452 = vector.shape_cast %max3A_447 : vector<16xf32> to vector<1x16xf32>
        tpu.vector_store %arg14[%swap3A_448, %swap3A_449], %swap3A_452 {strides = array<i32>} : memref<80x128xf32, #tpu.memory_space<vmem>>, vector<1x16xf32>,
        %get3A_453 = arith.index_cast %scan3A_395 : i32 to index
        %get3A_454 = arith.constant 80 : index
        %get3A_455 = tpu.vector_load %arg14[%get3A_453, %get3A_454] {strides = array<i32>} : memref<80x128xf32, #tpu.memory_space<vmem>>, vector<1x16xf32>,
        %get3A_456 = vector.shape_cast %get3A_455 : vector<1x16xf32> to vector<16xf32>
        %max3A_457 = arith.constant 0.000000e+00 : f32
        %max3A_458 = vector.broadcast %max3A_457 : f32 to vector<16xf32>
        %max3A_459 = arith.maximumf %get3A_456, %max3A_458 : vector<16xf32>
        %swap3A_460 = arith.index_cast %scan3A_395 : i32 to index
        %swap3A_461 = arith.constant 80 : index
        %swap3A_462 = tpu.vector_load %arg14[%swap3A_460, %swap3A_461] {strides = array<i32>} : memref<80x128xf32, #tpu.memory_space<vmem>>, vector<1x16xf32>,
        %swap3A_463 = vector.shape_cast %swap3A_462 : vector<1x16xf32> to vector<16xf32>
        %swap3A_464 = vector.shape_cast %max3A_459 : vector<16xf32> to vector<1x16xf32>
        tpu.vector_store %arg14[%swap3A_460, %swap3A_461], %swap3A_464 {strides = array<i32>} : memref<80x128xf32, #tpu.memory_space<vmem>>, vector<1x16xf32>,
        %get3A_465 = arith.index_cast %scan3A_395 : i32 to index
        %get3A_466 = arith.constant 96 : index
        %get3A_467 = tpu.vector_load %arg14[%get3A_465, %get3A_466] {strides = array<i32>} : memref<80x128xf32, #tpu.memory_space<vmem>>, vector<1x16xf32>,
        %get3A_468 = vector.shape_cast %get3A_467 : vector<1x16xf32> to vector<16xf32>
        %max3A_469 = arith.constant 0.000000e+00 : f32
        %max3A_470 = vector.broadcast %max3A_469 : f32 to vector<16xf32>
        %max3A_471 = arith.maximumf %get3A_468, %max3A_470 : vector<16xf32>
        %swap3A_472 = arith.index_cast %scan3A_395 : i32 to index
        %swap3A_473 = arith.constant 96 : index
        %swap3A_474 = tpu.vector_load %arg14[%swap3A_472, %swap3A_473] {strides = array<i32>} : memref<80x128xf32, #tpu.memory_space<vmem>>, vector<1x16xf32>,
        %swap3A_475 = vector.shape_cast %swap3A_474 : vector<1x16xf32> to vector<16xf32>
        %swap3A_476 = vector.shape_cast %max3A_471 : vector<16xf32> to vector<1x16xf32>
        tpu.vector_store %arg14[%swap3A_472, %swap3A_473], %swap3A_476 {strides = array<i32>} : memref<80x128xf32, #tpu.memory_space<vmem>>, vector<1x16xf32>,
        %get3A_477 = arith.index_cast %scan3A_395 : i32 to index
        %get3A_478 = arith.constant 112 : index
        %get3A_479 = tpu.vector_load %arg14[%get3A_477, %get3A_478] {strides = array<i32>} : memref<80x128xf32, #tpu.memory_space<vmem>>, vector<1x16xf32>,
        %get3A_480 = vector.shape_cast %get3A_479 : vector<1x16xf32> to vector<16xf32>
        %max3A_481 = arith.constant 0.000000e+00 : f32
        %max3A_482 = vector.broadcast %max3A_481 : f32 to vector<16xf32>
        %max3A_483 = arith.maximumf %get3A_480, %max3A_482 : vector<16xf32>
        %swap3A_484 = arith.index_cast %scan3A_395 : i32 to index
        %swap3A_485 = arith.constant 112 : index
        %swap3A_486 = tpu.vector_load %arg14[%swap3A_484, %swap3A_485] {strides = array<i32>} : memref<80x128xf32, #tpu.memory_space<vmem>>, vector<1x16xf32>,
        %swap3A_487 = vector.shape_cast %swap3A_486 : vector<1x16xf32> to vector<16xf32>
        %swap3A_488 = vector.shape_cast %max3A_483 : vector<16xf32> to vector<1x16xf32>
        tpu.vector_store %arg14[%swap3A_484, %swap3A_485], %swap3A_488 {strides = array<i32>} : memref<80x128xf32, #tpu.memory_space<vmem>>, vector<1x16xf32>,
      }
      %scan3A_391 = arith.constant 80 : i32
      %dma_start3A_392 = arith.constant 0 : i32
      %dma_start3A_393 = arith.constant 0 : i32
      %dma_start3A_394 = tpu.memref_slice %arg18[%dma_start3A_392, %dma_start3A_393] : memref<10240x128xf32, #tpu.memory_space<vmem_shared>> -> memref<10240x128xf32, #tpu.memory_space<vmem_shared>>
      tpu.enqueue_indirect_dma source(%arg14 : memref<80x128xf32, #tpu.memory_space<vmem>>) target(%dma_start3A_394 : memref<10240x128xf32, #tpu.memory_space<vmem_shared>>) offsets(%arg13 : memref<80xi32, #tpu.memory_space<vmem>>) semaphore(%arg26 : memref<!tpu.dma_semaphore, #tpu.memory_space<semaphore_mem>>) {add = true}
    }
    %scan3A_128 = arith.constant 40 : i32
    %dma_wait3A_129 = arith.constant 0 : i32
    %dma_wait3A_130 = arith.constant 0 : i32
    %dma_wait3A_131 = tpu.memref_slice %arg2[%dma_wait3A_129, %dma_wait3A_130] : memref<10000x128xf32, #tpu.memory_space<hbm>> -> memref<10000x128xf32, #tpu.memory_space<hbm>>
    tpu.wait_indirect_dma semaphore(%arg24 : memref<!tpu.dma_semaphore, #tpu.memory_space<semaphore_mem>>) src(%dma_wait3A_131 : memref<10000x128xf32, #tpu.memory_space<hbm>>) dst(%arg17 : memref<80x128xf32, #tpu.memory_space<vmem>>)
    %dma_wait3A_132 = arith.constant 0 : i32
    %dma_wait3A_133 = arith.constant 0 : i32
    %dma_wait3A_134 = tpu.memref_slice %arg3[%dma_wait3A_132, %dma_wait3A_133] : memref<10000x128xf32, #tpu.memory_space<hbm>> -> memref<10000x128xf32, #tpu.memory_space<hbm>>
    tpu.wait_indirect_dma semaphore(%arg24 : memref<!tpu.dma_semaphore, #tpu.memory_space<semaphore_mem>>) src(%dma_wait3A_134 : memref<10000x128xf32, #tpu.memory_space<hbm>>) dst(%arg17 : memref<80x128xf32, #tpu.memory_space<vmem>>)
    %add3A_135 = arith.constant 9840 : i32
    %add3A_136 = arith.addi %mul3A_2, %add3A_135 : i32
    %dma_wait3A_137 = tpu.memref_slice %arg5[%add3A_136] : memref<320000xi32, #tpu.memory_space<hbm>> -> memref<80xi32, #tpu.memory_space<hbm>>
    %dma_wait3A_138 = tpu.memref_slice %arg5[%add3A_136] : memref<320000xi32, #tpu.memory_space<hbm>> -> memref<80xi32, #tpu.memory_space<hbm>>
    tpu.wait_dma2 semaphore(%arg19 : memref<!tpu.dma_semaphore, #tpu.memory_space<semaphore_mem>>) src(%dma_wait3A_138 : memref<80xi32, #tpu.memory_space<hbm>>) dst(%arg9 : memref<80xi32, #tpu.memory_space<vmem>>)
    %dma_wait3A_139 = tpu.memref_slice %arg6[%add3A_136] : memref<320000xi32, #tpu.memory_space<hbm>> -> memref<80xi32, #tpu.memory_space<hbm>>
    %dma_wait3A_140 = tpu.memref_slice %arg6[%add3A_136] : memref<320000xi32, #tpu.memory_space<hbm>> -> memref<80xi32, #tpu.memory_space<hbm>>
    tpu.wait_dma2 semaphore(%arg19 : memref<!tpu.dma_semaphore, #tpu.memory_space<semaphore_mem>>) src(%dma_wait3A_140 : memref<80xi32, #tpu.memory_space<hbm>>) dst(%arg10 : memref<80xi32, #tpu.memory_space<vmem>>)
    %dma_wait3A_141 = arith.constant 0 : i32
    %dma_wait3A_142 = tpu.memref_slice %arg4[%add3A_136, %dma_wait3A_141] : memref<320000x128xf32, #tpu.memory_space<hbm>> -> memref<80x128xf32, #tpu.memory_space<hbm>>
    %dma_wait3A_143 = arith.constant 0 : i32
    %dma_wait3A_144 = tpu.memref_slice %arg4[%add3A_136, %dma_wait3A_143] : memref<320000x128xf32, #tpu.memory_space<hbm>> -> memref<80x128xf32, #tpu.memory_space<hbm>>
    tpu.wait_dma2 semaphore(%arg19 : memref<!tpu.dma_semaphore, #tpu.memory_space<semaphore_mem>>) src(%dma_wait3A_144 : memref<80x128xf32, #tpu.memory_space<hbm>>) dst(%arg11 : memref<80x128xf32, #tpu.memory_space<vmem>>)
    %dma_start3A_145 = arith.constant 0 : i32
    %dma_start3A_146 = arith.constant 0 : i32
    %dma_start3A_147 = tpu.memref_slice %arg2[%dma_start3A_145, %dma_start3A_146] : memref<10000x128xf32, #tpu.memory_space<hbm>> -> memref<10000x128xf32, #tpu.memory_space<hbm>>
    tpu.enqueue_indirect_dma source(%dma_start3A_147 : memref<10000x128xf32, #tpu.memory_space<hbm>>) target(%arg11 : memref<80x128xf32, #tpu.memory_space<vmem>>) offsets(%arg9 : memref<80xi32, #tpu.memory_space<vmem>>) semaphore(%arg22 : memref<!tpu.dma_semaphore, #tpu.memory_space<semaphore_mem>>) {add = true}
    %dma_start3A_148 = arith.constant 0 : i32
    %dma_start3A_149 = arith.constant 0 : i32
    %dma_start3A_150 = tpu.memref_slice %arg3[%dma_start3A_148, %dma_start3A_149] : memref<10000x128xf32, #tpu.memory_space<hbm>> -> memref<10000x128xf32, #tpu.memory_space<hbm>>
    tpu.enqueue_indirect_dma source(%dma_start3A_150 : memref<10000x128xf32, #tpu.memory_space<hbm>>) target(%arg11 : memref<80x128xf32, #tpu.memory_space<vmem>>) offsets(%arg10 : memref<80xi32, #tpu.memory_space<vmem>>) semaphore(%arg22 : memref<!tpu.dma_semaphore, #tpu.memory_space<semaphore_mem>>) {add = true}
    %dma_wait3A_151 = arith.constant 0 : i32
    %dma_wait3A_152 = arith.constant 0 : i32
    %dma_wait3A_153 = tpu.memref_slice %arg18[%dma_wait3A_151, %dma_wait3A_152] : memref<10240x128xf32, #tpu.memory_space<vmem_shared>> -> memref<10240x128xf32, #tpu.memory_space<vmem_shared>>
    tpu.wait_indirect_dma semaphore(%arg26 : memref<!tpu.dma_semaphore, #tpu.memory_space<semaphore_mem>>) src(%arg14 : memref<80x128xf32, #tpu.memory_space<vmem>>) dst(%dma_wait3A_153 : memref<10240x128xf32, #tpu.memory_space<vmem_shared>>)
    %add3A_154 = arith.constant 9920 : i32
    %add3A_155 = arith.addi %mul3A_2, %add3A_154 : i32
    %dma_start3A_156 = tpu.memref_slice %arg5[%add3A_155] : memref<320000xi32, #tpu.memory_space<hbm>> -> memref<80xi32, #tpu.memory_space<hbm>>
    %dma_start3A_157 = tpu.memref_slice %arg5[%add3A_155] : memref<320000xi32, #tpu.memory_space<hbm>> -> memref<80xi32, #tpu.memory_space<hbm>>
    tpu.enqueue_dma source(%dma_start3A_157 : memref<80xi32, #tpu.memory_space<hbm>>) target(%arg12 : memref<80xi32, #tpu.memory_space<vmem>>) target_semaphore(%arg20 : memref<!tpu.dma_semaphore, #tpu.memory_space<semaphore_mem>>)
    %dma_start3A_158 = tpu.memref_slice %arg6[%add3A_155] : memref<320000xi32, #tpu.memory_space<hbm>> -> memref<80xi32, #tpu.memory_space<hbm>>
    %dma_start3A_159 = tpu.memref_slice %arg6[%add3A_155] : memref<320000xi32, #tpu.memory_space<hbm>> -> memref<80xi32, #tpu.memory_space<hbm>>
    tpu.enqueue_dma source(%dma_start3A_159 : memref<80xi32, #tpu.memory_space<hbm>>) target(%arg13 : memref<80xi32, #tpu.memory_space<vmem>>) target_semaphore(%arg20 : memref<!tpu.dma_semaphore, #tpu.memory_space<semaphore_mem>>)
    %dma_start3A_160 = arith.constant 0 : i32
    %dma_start3A_161 = tpu.memref_slice %arg4[%add3A_155, %dma_start3A_160] : memref<320000x128xf32, #tpu.memory_space<hbm>> -> memref<80x128xf32, #tpu.memory_space<hbm>>
    %dma_start3A_162 = arith.constant 0 : i32
    %dma_start3A_163 = tpu.memref_slice %arg4[%add3A_155, %dma_start3A_162] : memref<320000x128xf32, #tpu.memory_space<hbm>> -> memref<80x128xf32, #tpu.memory_space<hbm>>
    tpu.enqueue_dma source(%dma_start3A_163 : memref<80x128xf32, #tpu.memory_space<hbm>>) target(%arg14 : memref<80x128xf32, #tpu.memory_space<vmem>>) target_semaphore(%arg20 : memref<!tpu.dma_semaphore, #tpu.memory_space<semaphore_mem>>)
    %scan3A_164 = arith.constant 0 : i32
    %scan3A_165 = arith.constant 0 : i32
    %scan3A_166 = arith.constant 80 : i32
    %scan3A_167 = arith.addi %scan3A_165, %scan3A_166 : i32
    %scan3A_168 = arith.constant 1 : i32
    scf.for %scan3A_236 = %scan3A_165 to %scan3A_167 step %scan3A_168  : i32 {
      %get3A = arith.index_cast %scan3A_236 : i32 to index
      %get3A_237 = arith.constant 0 : index
      %get3A_238 = tpu.vector_load %arg17[%get3A, %get3A_237] {strides = array<i32>} : memref<80x128xf32, #tpu.memory_space<vmem>>, vector<1x16xf32>,
      %get3A_239 = vector.shape_cast %get3A_238 : vector<1x16xf32> to vector<16xf32>
      %max3A = arith.constant 0.000000e+00 : f32
      %max3A_240 = vector.broadcast %max3A : f32 to vector<16xf32>
      %max3A_241 = arith.maximumf %get3A_239, %max3A_240 : vector<16xf32>
      %swap3A = arith.index_cast %scan3A_236 : i32 to index
      %swap3A_242 = arith.constant 0 : index
      %swap3A_243 = tpu.vector_load %arg17[%swap3A, %swap3A_242] {strides = array<i32>} : memref<80x128xf32, #tpu.memory_space<vmem>>, vector<1x16xf32>,
      %swap3A_244 = vector.shape_cast %swap3A_243 : vector<1x16xf32> to vector<16xf32>
      %swap3A_245 = vector.shape_cast %max3A_241 : vector<16xf32> to vector<1x16xf32>
      tpu.vector_store %arg17[%swap3A, %swap3A_242], %swap3A_245 {strides = array<i32>} : memref<80x128xf32, #tpu.memory_space<vmem>>, vector<1x16xf32>,
      %get3A_246 = arith.index_cast %scan3A_236 : i32 to index
      %get3A_247 = arith.constant 16 : index
      %get3A_248 = tpu.vector_load %arg17[%get3A_246, %get3A_247] {strides = array<i32>} : memref<80x128xf32, #tpu.memory_space<vmem>>, vector<1x16xf32>,
      %get3A_249 = vector.shape_cast %get3A_248 : vector<1x16xf32> to vector<16xf32>
      %max3A_250 = arith.constant 0.000000e+00 : f32
      %max3A_251 = vector.broadcast %max3A_250 : f32 to vector<16xf32>
      %max3A_252 = arith.maximumf %get3A_249, %max3A_251 : vector<16xf32>
      %swap3A_253 = arith.index_cast %scan3A_236 : i32 to index
      %swap3A_254 = arith.constant 16 : index
      %swap3A_255 = tpu.vector_load %arg17[%swap3A_253, %swap3A_254] {strides = array<i32>} : memref<80x128xf32, #tpu.memory_space<vmem>>, vector<1x16xf32>,
      %swap3A_256 = vector.shape_cast %swap3A_255 : vector<1x16xf32> to vector<16xf32>
      %swap3A_257 = vector.shape_cast %max3A_252 : vector<16xf32> to vector<1x16xf32>
      tpu.vector_store %arg17[%swap3A_253, %swap3A_254], %swap3A_257 {strides = array<i32>} : memref<80x128xf32, #tpu.memory_space<vmem>>, vector<1x16xf32>,
      %get3A_258 = arith.index_cast %scan3A_236 : i32 to index
      %get3A_259 = arith.constant 32 : index
      %get3A_260 = tpu.vector_load %arg17[%get3A_258, %get3A_259] {strides = array<i32>} : memref<80x128xf32, #tpu.memory_space<vmem>>, vector<1x16xf32>,
      %get3A_261 = vector.shape_cast %get3A_260 : vector<1x16xf32> to vector<16xf32>
      %max3A_262 = arith.constant 0.000000e+00 : f32
      %max3A_263 = vector.broadcast %max3A_262 : f32 to vector<16xf32>
      %max3A_264 = arith.maximumf %get3A_261, %max3A_263 : vector<16xf32>
      %swap3A_265 = arith.index_cast %scan3A_236 : i32 to index
      %swap3A_266 = arith.constant 32 : index
      %swap3A_267 = tpu.vector_load %arg17[%swap3A_265, %swap3A_266] {strides = array<i32>} : memref<80x128xf32, #tpu.memory_space<vmem>>, vector<1x16xf32>,
      %swap3A_268 = vector.shape_cast %swap3A_267 : vector<1x16xf32> to vector<16xf32>
      %swap3A_269 = vector.shape_cast %max3A_264 : vector<16xf32> to vector<1x16xf32>
      tpu.vector_store %arg17[%swap3A_265, %swap3A_266], %swap3A_269 {strides = array<i32>} : memref<80x128xf32, #tpu.memory_space<vmem>>, vector<1x16xf32>,
      %get3A_270 = arith.index_cast %scan3A_236 : i32 to index
      %get3A_271 = arith.constant 48 : index
      %get3A_272 = tpu.vector_load %arg17[%get3A_270, %get3A_271] {strides = array<i32>} : memref<80x128xf32, #tpu.memory_space<vmem>>, vector<1x16xf32>,
      %get3A_273 = vector.shape_cast %get3A_272 : vector<1x16xf32> to vector<16xf32>
      %max3A_274 = arith.constant 0.000000e+00 : f32
      %max3A_275 = vector.broadcast %max3A_274 : f32 to vector<16xf32>
      %max3A_276 = arith.maximumf %get3A_273, %max3A_275 : vector<16xf32>
      %swap3A_277 = arith.index_cast %scan3A_236 : i32 to index
      %swap3A_278 = arith.constant 48 : index
      %swap3A_279 = tpu.vector_load %arg17[%swap3A_277, %swap3A_278] {strides = array<i32>} : memref<80x128xf32, #tpu.memory_space<vmem>>, vector<1x16xf32>,
      %swap3A_280 = vector.shape_cast %swap3A_279 : vector<1x16xf32> to vector<16xf32>
      %swap3A_281 = vector.shape_cast %max3A_276 : vector<16xf32> to vector<1x16xf32>
      tpu.vector_store %arg17[%swap3A_277, %swap3A_278], %swap3A_281 {strides = array<i32>} : memref<80x128xf32, #tpu.memory_space<vmem>>, vector<1x16xf32>,
      %get3A_282 = arith.index_cast %scan3A_236 : i32 to index
      %get3A_283 = arith.constant 64 : index
      %get3A_284 = tpu.vector_load %arg17[%get3A_282, %get3A_283] {strides = array<i32>} : memref<80x128xf32, #tpu.memory_space<vmem>>, vector<1x16xf32>,
      %get3A_285 = vector.shape_cast %get3A_284 : vector<1x16xf32> to vector<16xf32>
      %max3A_286 = arith.constant 0.000000e+00 : f32
      %max3A_287 = vector.broadcast %max3A_286 : f32 to vector<16xf32>
      %max3A_288 = arith.maximumf %get3A_285, %max3A_287 : vector<16xf32>
      %swap3A_289 = arith.index_cast %scan3A_236 : i32 to index
      %swap3A_290 = arith.constant 64 : index
      %swap3A_291 = tpu.vector_load %arg17[%swap3A_289, %swap3A_290] {strides = array<i32>} : memref<80x128xf32, #tpu.memory_space<vmem>>, vector<1x16xf32>,
      %swap3A_292 = vector.shape_cast %swap3A_291 : vector<1x16xf32> to vector<16xf32>
      %swap3A_293 = vector.shape_cast %max3A_288 : vector<16xf32> to vector<1x16xf32>
      tpu.vector_store %arg17[%swap3A_289, %swap3A_290], %swap3A_293 {strides = array<i32>} : memref<80x128xf32, #tpu.memory_space<vmem>>, vector<1x16xf32>,
      %get3A_294 = arith.index_cast %scan3A_236 : i32 to index
      %get3A_295 = arith.constant 80 : index
      %get3A_296 = tpu.vector_load %arg17[%get3A_294, %get3A_295] {strides = array<i32>} : memref<80x128xf32, #tpu.memory_space<vmem>>, vector<1x16xf32>,
      %get3A_297 = vector.shape_cast %get3A_296 : vector<1x16xf32> to vector<16xf32>
      %max3A_298 = arith.constant 0.000000e+00 : f32
      %max3A_299 = vector.broadcast %max3A_298 : f32 to vector<16xf32>
      %max3A_300 = arith.maximumf %get3A_297, %max3A_299 : vector<16xf32>
      %swap3A_301 = arith.index_cast %scan3A_236 : i32 to index
      %swap3A_302 = arith.constant 80 : index
      %swap3A_303 = tpu.vector_load %arg17[%swap3A_301, %swap3A_302] {strides = array<i32>} : memref<80x128xf32, #tpu.memory_space<vmem>>, vector<1x16xf32>,
      %swap3A_304 = vector.shape_cast %swap3A_303 : vector<1x16xf32> to vector<16xf32>
      %swap3A_305 = vector.shape_cast %max3A_300 : vector<16xf32> to vector<1x16xf32>
      tpu.vector_store %arg17[%swap3A_301, %swap3A_302], %swap3A_305 {strides = array<i32>} : memref<80x128xf32, #tpu.memory_space<vmem>>, vector<1x16xf32>,
      %get3A_306 = arith.index_cast %scan3A_236 : i32 to index
      %get3A_307 = arith.constant 96 : index
      %get3A_308 = tpu.vector_load %arg17[%get3A_306, %get3A_307] {strides = array<i32>} : memref<80x128xf32, #tpu.memory_space<vmem>>, vector<1x16xf32>,
      %get3A_309 = vector.shape_cast %get3A_308 : vector<1x16xf32> to vector<16xf32>
      %max3A_310 = arith.constant 0.000000e+00 : f32
      %max3A_311 = vector.broadcast %max3A_310 : f32 to vector<16xf32>
      %max3A_312 = arith.maximumf %get3A_309, %max3A_311 : vector<16xf32>
      %swap3A_313 = arith.index_cast %scan3A_236 : i32 to index
      %swap3A_314 = arith.constant 96 : index
      %swap3A_315 = tpu.vector_load %arg17[%swap3A_313, %swap3A_314] {strides = array<i32>} : memref<80x128xf32, #tpu.memory_space<vmem>>, vector<1x16xf32>,
      %swap3A_316 = vector.shape_cast %swap3A_315 : vector<1x16xf32> to vector<16xf32>
      %swap3A_317 = vector.shape_cast %max3A_312 : vector<16xf32> to vector<1x16xf32>
      tpu.vector_store %arg17[%swap3A_313, %swap3A_314], %swap3A_317 {strides = array<i32>} : memref<80x128xf32, #tpu.memory_space<vmem>>, vector<1x16xf32>,
      %get3A_318 = arith.index_cast %scan3A_236 : i32 to index
      %get3A_319 = arith.constant 112 : index
      %get3A_320 = tpu.vector_load %arg17[%get3A_318, %get3A_319] {strides = array<i32>} : memref<80x128xf32, #tpu.memory_space<vmem>>, vector<1x16xf32>,
      %get3A_321 = vector.shape_cast %get3A_320 : vector<1x16xf32> to vector<16xf32>
      %max3A_322 = arith.constant 0.000000e+00 : f32
      %max3A_323 = vector.broadcast %max3A_322 : f32 to vector<16xf32>
      %max3A_324 = arith.maximumf %get3A_321, %max3A_323 : vector<16xf32>
      %swap3A_325 = arith.index_cast %scan3A_236 : i32 to index
      %swap3A_326 = arith.constant 112 : index
      %swap3A_327 = tpu.vector_load %arg17[%swap3A_325, %swap3A_326] {strides = array<i32>} : memref<80x128xf32, #tpu.memory_space<vmem>>, vector<1x16xf32>,
      %swap3A_328 = vector.shape_cast %swap3A_327 : vector<1x16xf32> to vector<16xf32>
      %swap3A_329 = vector.shape_cast %max3A_324 : vector<16xf32> to vector<1x16xf32>
      tpu.vector_store %arg17[%swap3A_325, %swap3A_326], %swap3A_329 {strides = array<i32>} : memref<80x128xf32, #tpu.memory_space<vmem>>, vector<1x16xf32>,
    }
    %scan3A_169 = arith.constant 80 : i32
    %dma_start3A_170 = arith.constant 0 : i32
    %dma_start3A_171 = arith.constant 0 : i32
    %dma_start3A_172 = tpu.memref_slice %arg18[%dma_start3A_170, %dma_start3A_171] : memref<10240x128xf32, #tpu.memory_space<vmem_shared>> -> memref<10240x128xf32, #tpu.memory_space<vmem_shared>>
    tpu.enqueue_indirect_dma source(%arg17 : memref<80x128xf32, #tpu.memory_space<vmem>>) target(%dma_start3A_172 : memref<10240x128xf32, #tpu.memory_space<vmem_shared>>) offsets(%arg16 : memref<80xi32, #tpu.memory_space<vmem>>) semaphore(%arg27 : memref<!tpu.dma_semaphore, #tpu.memory_space<semaphore_mem>>) {add = true}
    %dma_wait3A_173 = arith.constant 0 : i32
    %dma_wait3A_174 = arith.constant 0 : i32
    %dma_wait3A_175 = tpu.memref_slice %arg2[%dma_wait3A_173, %dma_wait3A_174] : memref<10000x128xf32, #tpu.memory_space<hbm>> -> memref<10000x128xf32, #tpu.memory_space<hbm>>
    tpu.wait_indirect_dma semaphore(%arg22 : memref<!tpu.dma_semaphore, #tpu.memory_space<semaphore_mem>>) src(%dma_wait3A_175 : memref<10000x128xf32, #tpu.memory_space<hbm>>) dst(%arg11 : memref<80x128xf32, #tpu.memory_space<vmem>>)
    %dma_wait3A_176 = arith.constant 0 : i32
    %dma_wait3A_177 = arith.constant 0 : i32
    %dma_wait3A_178 = tpu.memref_slice %arg3[%dma_wait3A_176, %dma_wait3A_177] : memref<10000x128xf32, #tpu.memory_space<hbm>> -> memref<10000x128xf32, #tpu.memory_space<hbm>>
    tpu.wait_indirect_dma semaphore(%arg22 : memref<!tpu.dma_semaphore, #tpu.memory_space<semaphore_mem>>) src(%dma_wait3A_178 : memref<10000x128xf32, #tpu.memory_space<hbm>>) dst(%arg11 : memref<80x128xf32, #tpu.memory_space<vmem>>)
    %add3A_179 = arith.constant 9920 : i32
    %add3A_180 = arith.addi %mul3A_2, %add3A_179 : i32
    %dma_wait3A_181 = tpu.memref_slice %arg5[%add3A_180] : memref<320000xi32, #tpu.memory_space<hbm>> -> memref<80xi32, #tpu.memory_space<hbm>>
    %dma_wait3A_182 = tpu.memref_slice %arg5[%add3A_180] : memref<320000xi32, #tpu.memory_space<hbm>> -> memref<80xi32, #tpu.memory_space<hbm>>
    tpu.wait_dma2 semaphore(%arg20 : memref<!tpu.dma_semaphore, #tpu.memory_space<semaphore_mem>>) src(%dma_wait3A_182 : memref<80xi32, #tpu.memory_space<hbm>>) dst(%arg12 : memref<80xi32, #tpu.memory_space<vmem>>)
    %dma_wait3A_183 = tpu.memref_slice %arg6[%add3A_180] : memref<320000xi32, #tpu.memory_space<hbm>> -> memref<80xi32, #tpu.memory_space<hbm>>
    %dma_wait3A_184 = tpu.memref_slice %arg6[%add3A_180] : memref<320000xi32, #tpu.memory_space<hbm>> -> memref<80xi32, #tpu.memory_space<hbm>>
    tpu.wait_dma2 semaphore(%arg20 : memref<!tpu.dma_semaphore, #tpu.memory_space<semaphore_mem>>) src(%dma_wait3A_184 : memref<80xi32, #tpu.memory_space<hbm>>) dst(%arg13 : memref<80xi32, #tpu.memory_space<vmem>>)
    %dma_wait3A_185 = arith.constant 0 : i32
    %dma_wait3A_186 = tpu.memref_slice %arg4[%add3A_180, %dma_wait3A_185] : memref<320000x128xf32, #tpu.memory_space<hbm>> -> memref<80x128xf32, #tpu.memory_space<hbm>>
    %dma_wait3A_187 = arith.constant 0 : i32
    %dma_wait3A_188 = tpu.memref_slice %arg4[%add3A_180, %dma_wait3A_187] : memref<320000x128xf32, #tpu.memory_space<hbm>> -> memref<80x128xf32, #tpu.memory_space<hbm>>
    tpu.wait_dma2 semaphore(%arg20 : memref<!tpu.dma_semaphore, #tpu.memory_space<semaphore_mem>>) src(%dma_wait3A_188 : memref<80x128xf32, #tpu.memory_space<hbm>>) dst(%arg14 : memref<80x128xf32, #tpu.memory_space<vmem>>)
    %dma_start3A_189 = arith.constant 0 : i32
    %dma_start3A_190 = arith.constant 0 : i32
    %dma_start3A_191 = tpu.memref_slice %arg2[%dma_start3A_189, %dma_start3A_190] : memref<10000x128xf32, #tpu.memory_space<hbm>> -> memref<10000x128xf32, #tpu.memory_space<hbm>>
    tpu.enqueue_indirect_dma source(%dma_start3A_191 : memref<10000x128xf32, #tpu.memory_space<hbm>>) target(%arg14 : memref<80x128xf32, #tpu.memory_space<vmem>>) offsets(%arg12 : memref<80xi32, #tpu.memory_space<vmem>>) semaphore(%arg23 : memref<!tpu.dma_semaphore, #tpu.memory_space<semaphore_mem>>) {add = true}
    %dma_start3A_192 = arith.constant 0 : i32
    %dma_start3A_193 = arith.constant 0 : i32
    %dma_start3A_194 = tpu.memref_slice %arg3[%dma_start3A_192, %dma_start3A_193] : memref<10000x128xf32, #tpu.memory_space<hbm>> -> memref<10000x128xf32, #tpu.memory_space<hbm>>
    tpu.enqueue_indirect_dma source(%dma_start3A_194 : memref<10000x128xf32, #tpu.memory_space<hbm>>) target(%arg14 : memref<80x128xf32, #tpu.memory_space<vmem>>) offsets(%arg13 : memref<80xi32, #tpu.memory_space<vmem>>) semaphore(%arg23 : memref<!tpu.dma_semaphore, #tpu.memory_space<semaphore_mem>>) {add = true}
    %scan3A_195 = arith.constant 0 : i32
    %scan3A_196 = arith.constant 0 : i32
    %scan3A_197 = arith.constant 80 : i32
    %scan3A_198 = arith.addi %scan3A_196, %scan3A_197 : i32
    %scan3A_199 = arith.constant 1 : i32
    scf.for %scan3A_236 = %scan3A_196 to %scan3A_198 step %scan3A_199  : i32 {
      %get3A = arith.index_cast %scan3A_236 : i32 to index
      %get3A_237 = arith.constant 0 : index
      %get3A_238 = tpu.vector_load %arg11[%get3A, %get3A_237] {strides = array<i32>} : memref<80x128xf32, #tpu.memory_space<vmem>>, vector<1x16xf32>,
      %get3A_239 = vector.shape_cast %get3A_238 : vector<1x16xf32> to vector<16xf32>
      %max3A = arith.constant 0.000000e+00 : f32
      %max3A_240 = vector.broadcast %max3A : f32 to vector<16xf32>
      %max3A_241 = arith.maximumf %get3A_239, %max3A_240 : vector<16xf32>
      %swap3A = arith.index_cast %scan3A_236 : i32 to index
      %swap3A_242 = arith.constant 0 : index
      %swap3A_243 = tpu.vector_load %arg11[%swap3A, %swap3A_242] {strides = array<i32>} : memref<80x128xf32, #tpu.memory_space<vmem>>, vector<1x16xf32>,
      %swap3A_244 = vector.shape_cast %swap3A_243 : vector<1x16xf32> to vector<16xf32>
      %swap3A_245 = vector.shape_cast %max3A_241 : vector<16xf32> to vector<1x16xf32>
      tpu.vector_store %arg11[%swap3A, %swap3A_242], %swap3A_245 {strides = array<i32>} : memref<80x128xf32, #tpu.memory_space<vmem>>, vector<1x16xf32>,
      %get3A_246 = arith.index_cast %scan3A_236 : i32 to index
      %get3A_247 = arith.constant 16 : index
      %get3A_248 = tpu.vector_load %arg11[%get3A_246, %get3A_247] {strides = array<i32>} : memref<80x128xf32, #tpu.memory_space<vmem>>, vector<1x16xf32>,
      %get3A_249 = vector.shape_cast %get3A_248 : vector<1x16xf32> to vector<16xf32>
      %max3A_250 = arith.constant 0.000000e+00 : f32
      %max3A_251 = vector.broadcast %max3A_250 : f32 to vector<16xf32>
      %max3A_252 = arith.maximumf %get3A_249, %max3A_251 : vector<16xf32>
      %swap3A_253 = arith.index_cast %scan3A_236 : i32 to index
      %swap3A_254 = arith.constant 16 : index
      %swap3A_255 = tpu.vector_load %arg11[%swap3A_253, %swap3A_254] {strides = array<i32>} : memref<80x128xf32, #tpu.memory_space<vmem>>, vector<1x16xf32>,
      %swap3A_256 = vector.shape_cast %swap3A_255 : vector<1x16xf32> to vector<16xf32>
      %swap3A_257 = vector.shape_cast %max3A_252 : vector<16xf32> to vector<1x16xf32>
      tpu.vector_store %arg11[%swap3A_253, %swap3A_254], %swap3A_257 {strides = array<i32>} : memref<80x128xf32, #tpu.memory_space<vmem>>, vector<1x16xf32>,
      %get3A_258 = arith.index_cast %scan3A_236 : i32 to index
      %get3A_259 = arith.constant 32 : index
      %get3A_260 = tpu.vector_load %arg11[%get3A_258, %get3A_259] {strides = array<i32>} : memref<80x128xf32, #tpu.memory_space<vmem>>, vector<1x16xf32>,
      %get3A_261 = vector.shape_cast %get3A_260 : vector<1x16xf32> to vector<16xf32>
      %max3A_262 = arith.constant 0.000000e+00 : f32
      %max3A_263 = vector.broadcast %max3A_262 : f32 to vector<16xf32>
      %max3A_264 = arith.maximumf %get3A_261, %max3A_263 : vector<16xf32>
      %swap3A_265 = arith.index_cast %scan3A_236 : i32 to index
      %swap3A_266 = arith.constant 32 : index
      %swap3A_267 = tpu.vector_load %arg11[%swap3A_265, %swap3A_266] {strides = array<i32>} : memref<80x128xf32, #tpu.memory_space<vmem>>, vector<1x16xf32>,
      %swap3A_268 = vector.shape_cast %swap3A_267 : vector<1x16xf32> to vector<16xf32>
      %swap3A_269 = vector.shape_cast %max3A_264 : vector<16xf32> to vector<1x16xf32>
      tpu.vector_store %arg11[%swap3A_265, %swap3A_266], %swap3A_269 {strides = array<i32>} : memref<80x128xf32, #tpu.memory_space<vmem>>, vector<1x16xf32>,
      %get3A_270 = arith.index_cast %scan3A_236 : i32 to index
      %get3A_271 = arith.constant 48 : index
      %get3A_272 = tpu.vector_load %arg11[%get3A_270, %get3A_271] {strides = array<i32>} : memref<80x128xf32, #tpu.memory_space<vmem>>, vector<1x16xf32>,
      %get3A_273 = vector.shape_cast %get3A_272 : vector<1x16xf32> to vector<16xf32>
      %max3A_274 = arith.constant 0.000000e+00 : f32
      %max3A_275 = vector.broadcast %max3A_274 : f32 to vector<16xf32>
      %max3A_276 = arith.maximumf %get3A_273, %max3A_275 : vector<16xf32>
      %swap3A_277 = arith.index_cast %scan3A_236 : i32 to index
      %swap3A_278 = arith.constant 48 : index
      %swap3A_279 = tpu.vector_load %arg11[%swap3A_277, %swap3A_278] {strides = array<i32>} : memref<80x128xf32, #tpu.memory_space<vmem>>, vector<1x16xf32>,
      %swap3A_280 = vector.shape_cast %swap3A_279 : vector<1x16xf32> to vector<16xf32>
      %swap3A_281 = vector.shape_cast %max3A_276 : vector<16xf32> to vector<1x16xf32>
      tpu.vector_store %arg11[%swap3A_277, %swap3A_278], %swap3A_281 {strides = array<i32>} : memref<80x128xf32, #tpu.memory_space<vmem>>, vector<1x16xf32>,
      %get3A_282 = arith.index_cast %scan3A_236 : i32 to index
      %get3A_283 = arith.constant 64 : index
      %get3A_284 = tpu.vector_load %arg11[%get3A_282, %get3A_283] {strides = array<i32>} : memref<80x128xf32, #tpu.memory_space<vmem>>, vector<1x16xf32>,
      %get3A_285 = vector.shape_cast %get3A_284 : vector<1x16xf32> to vector<16xf32>
      %max3A_286 = arith.constant 0.000000e+00 : f32
      %max3A_287 = vector.broadcast %max3A_286 : f32 to vector<16xf32>
      %max3A_288 = arith.maximumf %get3A_285, %max3A_287 : vector<16xf32>
      %swap3A_289 = arith.index_cast %scan3A_236 : i32 to index
      %swap3A_290 = arith.constant 64 : index
      %swap3A_291 = tpu.vector_load %arg11[%swap3A_289, %swap3A_290] {strides = array<i32>} : memref<80x128xf32, #tpu.memory_space<vmem>>, vector<1x16xf32>,
      %swap3A_292 = vector.shape_cast %swap3A_291 : vector<1x16xf32> to vector<16xf32>
      %swap3A_293 = vector.shape_cast %max3A_288 : vector<16xf32> to vector<1x16xf32>
      tpu.vector_store %arg11[%swap3A_289, %swap3A_290], %swap3A_293 {strides = array<i32>} : memref<80x128xf32, #tpu.memory_space<vmem>>, vector<1x16xf32>,
      %get3A_294 = arith.index_cast %scan3A_236 : i32 to index
      %get3A_295 = arith.constant 80 : index
      %get3A_296 = tpu.vector_load %arg11[%get3A_294, %get3A_295] {strides = array<i32>} : memref<80x128xf32, #tpu.memory_space<vmem>>, vector<1x16xf32>,
      %get3A_297 = vector.shape_cast %get3A_296 : vector<1x16xf32> to vector<16xf32>
      %max3A_298 = arith.constant 0.000000e+00 : f32
      %max3A_299 = vector.broadcast %max3A_298 : f32 to vector<16xf32>
      %max3A_300 = arith.maximumf %get3A_297, %max3A_299 : vector<16xf32>
      %swap3A_301 = arith.index_cast %scan3A_236 : i32 to index
      %swap3A_302 = arith.constant 80 : index
      %swap3A_303 = tpu.vector_load %arg11[%swap3A_301, %swap3A_302] {strides = array<i32>} : memref<80x128xf32, #tpu.memory_space<vmem>>, vector<1x16xf32>,
      %swap3A_304 = vector.shape_cast %swap3A_303 : vector<1x16xf32> to vector<16xf32>
      %swap3A_305 = vector.shape_cast %max3A_300 : vector<16xf32> to vector<1x16xf32>
      tpu.vector_store %arg11[%swap3A_301, %swap3A_302], %swap3A_305 {strides = array<i32>} : memref<80x128xf32, #tpu.memory_space<vmem>>, vector<1x16xf32>,
      %get3A_306 = arith.index_cast %scan3A_236 : i32 to index
      %get3A_307 = arith.constant 96 : index
      %get3A_308 = tpu.vector_load %arg11[%get3A_306, %get3A_307] {strides = array<i32>} : memref<80x128xf32, #tpu.memory_space<vmem>>, vector<1x16xf32>,
      %get3A_309 = vector.shape_cast %get3A_308 : vector<1x16xf32> to vector<16xf32>
      %max3A_310 = arith.constant 0.000000e+00 : f32
      %max3A_311 = vector.broadcast %max3A_310 : f32 to vector<16xf32>
      %max3A_312 = arith.maximumf %get3A_309, %max3A_311 : vector<16xf32>
      %swap3A_313 = arith.index_cast %scan3A_236 : i32 to index
      %swap3A_314 = arith.constant 96 : index
      %swap3A_315 = tpu.vector_load %arg11[%swap3A_313, %swap3A_314] {strides = array<i32>} : memref<80x128xf32, #tpu.memory_space<vmem>>, vector<1x16xf32>,
      %swap3A_316 = vector.shape_cast %swap3A_315 : vector<1x16xf32> to vector<16xf32>
      %swap3A_317 = vector.shape_cast %max3A_312 : vector<16xf32> to vector<1x16xf32>
      tpu.vector_store %arg11[%swap3A_313, %swap3A_314], %swap3A_317 {strides = array<i32>} : memref<80x128xf32, #tpu.memory_space<vmem>>, vector<1x16xf32>,
      %get3A_318 = arith.index_cast %scan3A_236 : i32 to index
      %get3A_319 = arith.constant 112 : index
      %get3A_320 = tpu.vector_load %arg11[%get3A_318, %get3A_319] {strides = array<i32>} : memref<80x128xf32, #tpu.memory_space<vmem>>, vector<1x16xf32>,
      %get3A_321 = vector.shape_cast %get3A_320 : vector<1x16xf32> to vector<16xf32>
      %max3A_322 = arith.constant 0.000000e+00 : f32
      %max3A_323 = vector.broadcast %max3A_322 : f32 to vector<16xf32>
      %max3A_324 = arith.maximumf %get3A_321, %max3A_323 : vector<16xf32>
      %swap3A_325 = arith.index_cast %scan3A_236 : i32 to index
      %swap3A_326 = arith.constant 112 : index
      %swap3A_327 = tpu.vector_load %arg11[%swap3A_325, %swap3A_326] {strides = array<i32>} : memref<80x128xf32, #tpu.memory_space<vmem>>, vector<1x16xf32>,
      %swap3A_328 = vector.shape_cast %swap3A_327 : vector<1x16xf32> to vector<16xf32>
      %swap3A_329 = vector.shape_cast %max3A_324 : vector<16xf32> to vector<1x16xf32>
      tpu.vector_store %arg11[%swap3A_325, %swap3A_326], %swap3A_329 {strides = array<i32>} : memref<80x128xf32, #tpu.memory_space<vmem>>, vector<1x16xf32>,
    }
    %scan3A_200 = arith.constant 80 : i32
    %dma_start3A_201 = arith.constant 0 : i32
    %dma_start3A_202 = arith.constant 0 : i32
    %dma_start3A_203 = tpu.memref_slice %arg18[%dma_start3A_201, %dma_start3A_202] : memref<10240x128xf32, #tpu.memory_space<vmem_shared>> -> memref<10240x128xf32, #tpu.memory_space<vmem_shared>>
    tpu.enqueue_indirect_dma source(%arg11 : memref<80x128xf32, #tpu.memory_space<vmem>>) target(%dma_start3A_203 : memref<10240x128xf32, #tpu.memory_space<vmem_shared>>) offsets(%arg10 : memref<80xi32, #tpu.memory_space<vmem>>) semaphore(%arg25 : memref<!tpu.dma_semaphore, #tpu.memory_space<semaphore_mem>>) {add = true}
    %dma_wait3A_204 = arith.constant 0 : i32
    %dma_wait3A_205 = arith.constant 0 : i32
    %dma_wait3A_206 = tpu.memref_slice %arg2[%dma_wait3A_204, %dma_wait3A_205] : memref<10000x128xf32, #tpu.memory_space<hbm>> -> memref<10000x128xf32, #tpu.memory_space<hbm>>
    tpu.wait_indirect_dma semaphore(%arg23 : memref<!tpu.dma_semaphore, #tpu.memory_space<semaphore_mem>>) src(%dma_wait3A_206 : memref<10000x128xf32, #tpu.memory_space<hbm>>) dst(%arg14 : memref<80x128xf32, #tpu.memory_space<vmem>>)
    %dma_wait3A_207 = arith.constant 0 : i32
    %dma_wait3A_208 = arith.constant 0 : i32
    %dma_wait3A_209 = tpu.memref_slice %arg3[%dma_wait3A_207, %dma_wait3A_208] : memref<10000x128xf32, #tpu.memory_space<hbm>> -> memref<10000x128xf32, #tpu.memory_space<hbm>>
    tpu.wait_indirect_dma semaphore(%arg23 : memref<!tpu.dma_semaphore, #tpu.memory_space<semaphore_mem>>) src(%dma_wait3A_209 : memref<10000x128xf32, #tpu.memory_space<hbm>>) dst(%arg14 : memref<80x128xf32, #tpu.memory_space<vmem>>)
    %scan3A_210 = arith.constant 0 : i32
    %scan3A_211 = arith.constant 0 : i32
    %scan3A_212 = arith.constant 80 : i32
    %scan3A_213 = arith.addi %scan3A_211, %scan3A_212 : i32
    %scan3A_214 = arith.constant 1 : i32
    scf.for %scan3A_236 = %scan3A_211 to %scan3A_213 step %scan3A_214  : i32 {
      %get3A = arith.index_cast %scan3A_236 : i32 to index
      %get3A_237 = arith.constant 0 : index
      %get3A_238 = tpu.vector_load %arg14[%get3A, %get3A_237] {strides = array<i32>} : memref<80x128xf32, #tpu.memory_space<vmem>>, vector<1x16xf32>,
      %get3A_239 = vector.shape_cast %get3A_238 : vector<1x16xf32> to vector<16xf32>
      %max3A = arith.constant 0.000000e+00 : f32
      %max3A_240 = vector.broadcast %max3A : f32 to vector<16xf32>
      %max3A_241 = arith.maximumf %get3A_239, %max3A_240 : vector<16xf32>
      %swap3A = arith.index_cast %scan3A_236 : i32 to index
      %swap3A_242 = arith.constant 0 : index
      %swap3A_243 = tpu.vector_load %arg14[%swap3A, %swap3A_242] {strides = array<i32>} : memref<80x128xf32, #tpu.memory_space<vmem>>, vector<1x16xf32>,
      %swap3A_244 = vector.shape_cast %swap3A_243 : vector<1x16xf32> to vector<16xf32>
      %swap3A_245 = vector.shape_cast %max3A_241 : vector<16xf32> to vector<1x16xf32>
      tpu.vector_store %arg14[%swap3A, %swap3A_242], %swap3A_245 {strides = array<i32>} : memref<80x128xf32, #tpu.memory_space<vmem>>, vector<1x16xf32>,
      %get3A_246 = arith.index_cast %scan3A_236 : i32 to index
      %get3A_247 = arith.constant 16 : index
      %get3A_248 = tpu.vector_load %arg14[%get3A_246, %get3A_247] {strides = array<i32>} : memref<80x128xf32, #tpu.memory_space<vmem>>, vector<1x16xf32>,
      %get3A_249 = vector.shape_cast %get3A_248 : vector<1x16xf32> to vector<16xf32>
      %max3A_250 = arith.constant 0.000000e+00 : f32
      %max3A_251 = vector.broadcast %max3A_250 : f32 to vector<16xf32>
      %max3A_252 = arith.maximumf %get3A_249, %max3A_251 : vector<16xf32>
      %swap3A_253 = arith.index_cast %scan3A_236 : i32 to index
      %swap3A_254 = arith.constant 16 : index
      %swap3A_255 = tpu.vector_load %arg14[%swap3A_253, %swap3A_254] {strides = array<i32>} : memref<80x128xf32, #tpu.memory_space<vmem>>, vector<1x16xf32>,
      %swap3A_256 = vector.shape_cast %swap3A_255 : vector<1x16xf32> to vector<16xf32>
      %swap3A_257 = vector.shape_cast %max3A_252 : vector<16xf32> to vector<1x16xf32>
      tpu.vector_store %arg14[%swap3A_253, %swap3A_254], %swap3A_257 {strides = array<i32>} : memref<80x128xf32, #tpu.memory_space<vmem>>, vector<1x16xf32>,
      %get3A_258 = arith.index_cast %scan3A_236 : i32 to index
      %get3A_259 = arith.constant 32 : index
      %get3A_260 = tpu.vector_load %arg14[%get3A_258, %get3A_259] {strides = array<i32>} : memref<80x128xf32, #tpu.memory_space<vmem>>, vector<1x16xf32>,
      %get3A_261 = vector.shape_cast %get3A_260 : vector<1x16xf32> to vector<16xf32>
      %max3A_262 = arith.constant 0.000000e+00 : f32
      %max3A_263 = vector.broadcast %max3A_262 : f32 to vector<16xf32>
      %max3A_264 = arith.maximumf %get3A_261, %max3A_263 : vector<16xf32>
      %swap3A_265 = arith.index_cast %scan3A_236 : i32 to index
      %swap3A_266 = arith.constant 32 : index
      %swap3A_267 = tpu.vector_load %arg14[%swap3A_265, %swap3A_266] {strides = array<i32>} : memref<80x128xf32, #tpu.memory_space<vmem>>, vector<1x16xf32>,
      %swap3A_268 = vector.shape_cast %swap3A_267 : vector<1x16xf32> to vector<16xf32>
      %swap3A_269 = vector.shape_cast %max3A_264 : vector<16xf32> to vector<1x16xf32>
      tpu.vector_store %arg14[%swap3A_265, %swap3A_266], %swap3A_269 {strides = array<i32>} : memref<80x128xf32, #tpu.memory_space<vmem>>, vector<1x16xf32>,
      %get3A_270 = arith.index_cast %scan3A_236 : i32 to index
      %get3A_271 = arith.constant 48 : index
      %get3A_272 = tpu.vector_load %arg14[%get3A_270, %get3A_271] {strides = array<i32>} : memref<80x128xf32, #tpu.memory_space<vmem>>, vector<1x16xf32>,
      %get3A_273 = vector.shape_cast %get3A_272 : vector<1x16xf32> to vector<16xf32>
      %max3A_274 = arith.constant 0.000000e+00 : f32
      %max3A_275 = vector.broadcast %max3A_274 : f32 to vector<16xf32>
      %max3A_276 = arith.maximumf %get3A_273, %max3A_275 : vector<16xf32>
      %swap3A_277 = arith.index_cast %scan3A_236 : i32 to index
      %swap3A_278 = arith.constant 48 : index
      %swap3A_279 = tpu.vector_load %arg14[%swap3A_277, %swap3A_278] {strides = array<i32>} : memref<80x128xf32, #tpu.memory_space<vmem>>, vector<1x16xf32>,
      %swap3A_280 = vector.shape_cast %swap3A_279 : vector<1x16xf32> to vector<16xf32>
      %swap3A_281 = vector.shape_cast %max3A_276 : vector<16xf32> to vector<1x16xf32>
      tpu.vector_store %arg14[%swap3A_277, %swap3A_278], %swap3A_281 {strides = array<i32>} : memref<80x128xf32, #tpu.memory_space<vmem>>, vector<1x16xf32>,
      %get3A_282 = arith.index_cast %scan3A_236 : i32 to index
      %get3A_283 = arith.constant 64 : index
      %get3A_284 = tpu.vector_load %arg14[%get3A_282, %get3A_283] {strides = array<i32>} : memref<80x128xf32, #tpu.memory_space<vmem>>, vector<1x16xf32>,
      %get3A_285 = vector.shape_cast %get3A_284 : vector<1x16xf32> to vector<16xf32>
      %max3A_286 = arith.constant 0.000000e+00 : f32
      %max3A_287 = vector.broadcast %max3A_286 : f32 to vector<16xf32>
      %max3A_288 = arith.maximumf %get3A_285, %max3A_287 : vector<16xf32>
      %swap3A_289 = arith.index_cast %scan3A_236 : i32 to index
      %swap3A_290 = arith.constant 64 : index
      %swap3A_291 = tpu.vector_load %arg14[%swap3A_289, %swap3A_290] {strides = array<i32>} : memref<80x128xf32, #tpu.memory_space<vmem>>, vector<1x16xf32>,
      %swap3A_292 = vector.shape_cast %swap3A_291 : vector<1x16xf32> to vector<16xf32>
      %swap3A_293 = vector.shape_cast %max3A_288 : vector<16xf32> to vector<1x16xf32>
      tpu.vector_store %arg14[%swap3A_289, %swap3A_290], %swap3A_293 {strides = array<i32>} : memref<80x128xf32, #tpu.memory_space<vmem>>, vector<1x16xf32>,
      %get3A_294 = arith.index_cast %scan3A_236 : i32 to index
      %get3A_295 = arith.constant 80 : index
      %get3A_296 = tpu.vector_load %arg14[%get3A_294, %get3A_295] {strides = array<i32>} : memref<80x128xf32, #tpu.memory_space<vmem>>, vector<1x16xf32>,
      %get3A_297 = vector.shape_cast %get3A_296 : vector<1x16xf32> to vector<16xf32>
      %max3A_298 = arith.constant 0.000000e+00 : f32
      %max3A_299 = vector.broadcast %max3A_298 : f32 to vector<16xf32>
      %max3A_300 = arith.maximumf %get3A_297, %max3A_299 : vector<16xf32>
      %swap3A_301 = arith.index_cast %scan3A_236 : i32 to index
      %swap3A_302 = arith.constant 80 : index
      %swap3A_303 = tpu.vector_load %arg14[%swap3A_301, %swap3A_302] {strides = array<i32>} : memref<80x128xf32, #tpu.memory_space<vmem>>, vector<1x16xf32>,
      %swap3A_304 = vector.shape_cast %swap3A_303 : vector<1x16xf32> to vector<16xf32>
      %swap3A_305 = vector.shape_cast %max3A_300 : vector<16xf32> to vector<1x16xf32>
      tpu.vector_store %arg14[%swap3A_301, %swap3A_302], %swap3A_305 {strides = array<i32>} : memref<80x128xf32, #tpu.memory_space<vmem>>, vector<1x16xf32>,
      %get3A_306 = arith.index_cast %scan3A_236 : i32 to index
      %get3A_307 = arith.constant 96 : index
      %get3A_308 = tpu.vector_load %arg14[%get3A_306, %get3A_307] {strides = array<i32>} : memref<80x128xf32, #tpu.memory_space<vmem>>, vector<1x16xf32>,
      %get3A_309 = vector.shape_cast %get3A_308 : vector<1x16xf32> to vector<16xf32>
      %max3A_310 = arith.constant 0.000000e+00 : f32
      %max3A_311 = vector.broadcast %max3A_310 : f32 to vector<16xf32>
      %max3A_312 = arith.maximumf %get3A_309, %max3A_311 : vector<16xf32>
      %swap3A_313 = arith.index_cast %scan3A_236 : i32 to index
      %swap3A_314 = arith.constant 96 : index
      %swap3A_315 = tpu.vector_load %arg14[%swap3A_313, %swap3A_314] {strides = array<i32>} : memref<80x128xf32, #tpu.memory_space<vmem>>, vector<1x16xf32>,
      %swap3A_316 = vector.shape_cast %swap3A_315 : vector<1x16xf32> to vector<16xf32>
      %swap3A_317 = vector.shape_cast %max3A_312 : vector<16xf32> to vector<1x16xf32>
      tpu.vector_store %arg14[%swap3A_313, %swap3A_314], %swap3A_317 {strides = array<i32>} : memref<80x128xf32, #tpu.memory_space<vmem>>, vector<1x16xf32>,
      %get3A_318 = arith.index_cast %scan3A_236 : i32 to index
      %get3A_319 = arith.constant 112 : index
      %get3A_320 = tpu.vector_load %arg14[%get3A_318, %get3A_319] {strides = array<i32>} : memref<80x128xf32, #tpu.memory_space<vmem>>, vector<1x16xf32>,
      %get3A_321 = vector.shape_cast %get3A_320 : vector<1x16xf32> to vector<16xf32>
      %max3A_322 = arith.constant 0.000000e+00 : f32
      %max3A_323 = vector.broadcast %max3A_322 : f32 to vector<16xf32>
      %max3A_324 = arith.maximumf %get3A_321, %max3A_323 : vector<16xf32>
      %swap3A_325 = arith.index_cast %scan3A_236 : i32 to index
      %swap3A_326 = arith.constant 112 : index
      %swap3A_327 = tpu.vector_load %arg14[%swap3A_325, %swap3A_326] {strides = array<i32>} : memref<80x128xf32, #tpu.memory_space<vmem>>, vector<1x16xf32>,
      %swap3A_328 = vector.shape_cast %swap3A_327 : vector<1x16xf32> to vector<16xf32>
      %swap3A_329 = vector.shape_cast %max3A_324 : vector<16xf32> to vector<1x16xf32>
      tpu.vector_store %arg14[%swap3A_325, %swap3A_326], %swap3A_329 {strides = array<i32>} : memref<80x128xf32, #tpu.memory_space<vmem>>, vector<1x16xf32>,
    }
    %scan3A_215 = arith.constant 80 : i32
    %dma_start3A_216 = arith.constant 0 : i32
    %dma_start3A_217 = arith.constant 0 : i32
    %dma_start3A_218 = tpu.memref_slice %arg18[%dma_start3A_216, %dma_start3A_217] : memref<10240x128xf32, #tpu.memory_space<vmem_shared>> -> memref<10240x128xf32, #tpu.memory_space<vmem_shared>>
    tpu.enqueue_indirect_dma source(%arg14 : memref<80x128xf32, #tpu.memory_space<vmem>>) target(%dma_start3A_218 : memref<10240x128xf32, #tpu.memory_space<vmem_shared>>) offsets(%arg13 : memref<80xi32, #tpu.memory_space<vmem>>) semaphore(%arg26 : memref<!tpu.dma_semaphore, #tpu.memory_space<semaphore_mem>>) {add = true}
    %dma_wait3A_219 = arith.constant 0 : i32
    %dma_wait3A_220 = arith.constant 0 : i32
    %dma_wait3A_221 = tpu.memref_slice %arg18[%dma_wait3A_219, %dma_wait3A_220] : memref<10240x128xf32, #tpu.memory_space<vmem_shared>> -> memref<10240x128xf32, #tpu.memory_space<vmem_shared>>
    tpu.wait_indirect_dma semaphore(%arg27 : memref<!tpu.dma_semaphore, #tpu.memory_space<semaphore_mem>>) src(%arg17 : memref<80x128xf32, #tpu.memory_space<vmem>>) dst(%dma_wait3A_221 : memref<10240x128xf32, #tpu.memory_space<vmem_shared>>)
    %dma_wait3A_222 = arith.constant 0 : i32
    %dma_wait3A_223 = arith.constant 0 : i32
    %dma_wait3A_224 = tpu.memref_slice %arg18[%dma_wait3A_222, %dma_wait3A_223] : memref<10240x128xf32, #tpu.memory_space<vmem_shared>> -> memref<10240x128xf32, #tpu.memory_space<vmem_shared>>
    tpu.wait_indirect_dma semaphore(%arg25 : memref<!tpu.dma_semaphore, #tpu.memory_space<semaphore_mem>>) src(%arg11 : memref<80x128xf32, #tpu.memory_space<vmem>>) dst(%dma_wait3A_224 : memref<10240x128xf32, #tpu.memory_space<vmem_shared>>)
    %dma_wait3A_225 = arith.constant 0 : i32
    %dma_wait3A_226 = arith.constant 0 : i32
    %dma_wait3A_227 = tpu.memref_slice %arg18[%dma_wait3A_225, %dma_wait3A_226] : memref<10240x128xf32, #tpu.memory_space<vmem_shared>> -> memref<10240x128xf32, #tpu.memory_space<vmem_shared>>
    tpu.wait_indirect_dma semaphore(%arg26 : memref<!tpu.dma_semaphore, #tpu.memory_space<semaphore_mem>>) src(%arg14 : memref<80x128xf32, #tpu.memory_space<vmem>>) dst(%dma_wait3A_227 : memref<10240x128xf32, #tpu.memory_space<vmem_shared>>)
    %barrier3A_228 = arith.constant 0 : index
    tpu.barrier barrier_id(%barrier3A_228)
    %mul3A_229 = arith.constant 10240 : i32
    %mul3A_230 = arith.muli %arg0, %mul3A_229 : i32
    %mul3A_231 = arith.constant 640 : i32
    %mul3A_232 = arith.muli %arg1, %mul3A_231 : i32
    %add3A_233 = arith.addi %mul3A_230, %mul3A_232 : i32
    %mul3A_234 = arith.constant 640 : i32
    %mul3A_235 = arith.muli %arg1, %mul3A_234 : i32
    "tpu.region"() ({
      %run_scoped3A = tpu.sem_alloc : memref<!tpu.dma_semaphore, #tpu.memory_space<semaphore_mem>>
      %dma_start3A_236 = arith.constant 0 : i32
      %dma_start3A_237 = tpu.memref_slice %arg8[%add3A_233, %dma_start3A_236] : memref<20480x128xf32, #tpu.memory_space<hbm>> -> memref<640x128xf32, #tpu.memory_space<hbm>>
      %dma_start3A_238 = arith.constant 0 : i32
      %dma_start3A_239 = tpu.memref_slice %arg18[%mul3A_235, %dma_start3A_238] : memref<10240x128xf32, #tpu.memory_space<vmem_shared>> -> memref<640x128xf32, #tpu.memory_space<vmem_shared>>
      tpu.enqueue_dma source(%dma_start3A_239 : memref<640x128xf32, #tpu.memory_space<vmem_shared>>) target(%dma_start3A_237 : memref<640x128xf32, #tpu.memory_space<hbm>>) target_semaphore(%run_scoped3A : memref<!tpu.dma_semaphore, #tpu.memory_space<semaphore_mem>>)
      %dma_wait3A_240 = arith.constant 0 : i32
      %dma_wait3A_241 = tpu.memref_slice %arg8[%add3A_233, %dma_wait3A_240] : memref<20480x128xf32, #tpu.memory_space<hbm>> -> memref<640x128xf32, #tpu.memory_space<hbm>>
      %dma_wait3A_242 = arith.constant 0 : i32
      %dma_wait3A_243 = tpu.memref_slice %arg18[%mul3A_235, %dma_wait3A_242] : memref<10240x128xf32, #tpu.memory_space<vmem_shared>> -> memref<640x128xf32, #tpu.memory_space<vmem_shared>>
      tpu.wait_dma2 semaphore(%run_scoped3A : memref<!tpu.dma_semaphore, #tpu.memory_space<semaphore_mem>>) src(%dma_wait3A_243 : memref<640x128xf32, #tpu.memory_space<vmem_shared>>) dst(%dma_wait3A_241 : memref<640x128xf32, #tpu.memory_space<hbm>>)
      tpu.yield
    }) : () -> ()
    return
  }
}

module attributes {stable_mosaic.version = 14 : i64} {
  func.func @_proj_body(%arg0: memref<10000x128xf32, #tpu.memory_space<vmem>>, %arg1: memref<128x128xf32, #tpu.memory_space<vmem>>, %arg2: memref<128x128xf32, #tpu.memory_space<vmem>>, %arg3: memref<1x128xf32, #tpu.memory_space<vmem>>, %arg4: memref<10000x128xf32, #tpu.memory_space<vmem>>, %arg5: memref<10000x128xf32, #tpu.memory_space<vmem>>) attributes {dimension_semantics = [], scalar_prefetch = 0 : i64, scratch_operands = 0 : i64, tpu.core_type = #tpu.core_type<tc>} {
    %get3A = arith.constant 0 : index
    %get3A_0 = arith.constant 0 : index
    %get3A_1 = vector.load %arg0[%get3A, %get3A_0] : memref<10000x128xf32, #tpu.memory_space<vmem>>, vector<10000x128xf32>
    %get3A_2 = arith.constant 0 : index
    %get3A_3 = arith.constant 0 : index
    %get3A_4 = vector.load %arg1[%get3A_2, %get3A_3] : memref<128x128xf32, #tpu.memory_space<vmem>>, vector<128x128xf32>
    %dot_general3A = arith.constant dense<0.000000e+00> : vector<10000x128xf32>
    %dot_general3A_5 = tpu.matmul %get3A_1, %get3A_4, %dot_general3A {dimension_numbers = #tpu.dot_dimension_numbers<[1], [0], [0], [1], [0, 0, 1, 1], [], []>, transpose_lhs_hint = false} : vector<10000x128xf32>, vector<128x128xf32>, vector<10000x128xf32> -> vector<10000x128xf32>
    %swap3A = arith.constant 0 : index
    %swap3A_6 = arith.constant 0 : index
    %swap3A_7 = vector.load %arg4[%swap3A, %swap3A_6] : memref<10000x128xf32, #tpu.memory_space<vmem>>, vector<10000x128xf32>
    tpu.vector_store %arg4[%swap3A, %swap3A_6], %dot_general3A_5 {strides = array<i32>} : memref<10000x128xf32, #tpu.memory_space<vmem>>, vector<10000x128xf32>,
    %get3A_8 = arith.constant 0 : index
    %get3A_9 = arith.constant 0 : index
    %get3A_10 = vector.load %arg2[%get3A_8, %get3A_9] : memref<128x128xf32, #tpu.memory_space<vmem>>, vector<128x128xf32>
    %dot_general3A_11 = arith.constant dense<0.000000e+00> : vector<10000x128xf32>
    %dot_general3A_12 = tpu.matmul %get3A_1, %get3A_10, %dot_general3A_11 {dimension_numbers = #tpu.dot_dimension_numbers<[1], [0], [0], [1], [0, 0, 1, 1], [], []>, transpose_lhs_hint = false} : vector<10000x128xf32>, vector<128x128xf32>, vector<10000x128xf32> -> vector<10000x128xf32>
    %get3A_13 = arith.constant 0 : index
    %get3A_14 = arith.constant 0 : index
    %get3A_15 = vector.load %arg3[%get3A_13, %get3A_14] : memref<1x128xf32, #tpu.memory_space<vmem>>, vector<1x128xf32>
    %add3A = vector.broadcast %get3A_15 : vector<1x128xf32> to vector<10000x128xf32>
    %add3A_16 = arith.addf %dot_general3A_12, %add3A : vector<10000x128xf32>
    %swap3A_17 = arith.constant 0 : index
    %swap3A_18 = arith.constant 0 : index
    %swap3A_19 = vector.load %arg5[%swap3A_17, %swap3A_18] : memref<10000x128xf32, #tpu.memory_space<vmem>>, vector<10000x128xf32>
    tpu.vector_store %arg5[%swap3A_17, %swap3A_18], %add3A_16 {strides = array<i32>} : memref<10000x128xf32, #tpu.memory_space<vmem>>, vector<10000x128xf32>,
    return
  }
}

module attributes {stable_mosaic.version = 14 : i64} {
  func.func @_epr_body(%arg0: i32, %arg1: memref<16x12800xf32, #tpu.memory_space<vmem>>, %arg2: memref<16x128xf32, #tpu.memory_space<vmem>>, %arg3: memref<12800x128xf32, #tpu.memory_space<vmem>>) attributes {dimension_semantics = [#tpu.dimension_semantics<arbitrary>], iteration_bounds = array<i64: 25>, scalar_prefetch = 0 : i64, scratch_operands = 0 : i64, tpu.core_type = #tpu.core_type<tc>, window_params = [{transform_indices = @transform_0, window_bounds = array<i64: 16, 12800>}, {pipeline_mode = #tpu.pipeline_mode<synchronous>, transform_indices = @transform_1, window_bounds = array<i64: 16, 128>}, {transform_indices = @transform_2, window_bounds = array<i64: 12800, 128>}]} {
    %get3A = arith.constant 0 : index
    %get3A_0 = arith.constant 0 : index
    %get3A_1 = vector.load %arg1[%get3A, %get3A_0] : memref<16x12800xf32, #tpu.memory_space<vmem>>, vector<16x12800xf32>
    %get3A_2 = arith.constant 0 : index
    %get3A_3 = arith.constant 0 : index
    %get3A_4 = vector.load %arg2[%get3A_2, %get3A_3] : memref<16x128xf32, #tpu.memory_space<vmem>>, vector<16x128xf32>
    %dot_general3A = arith.constant dense<0.000000e+00> : vector<12800x128xf32>
    %dot_general3A_5 = tpu.matmul %get3A_1, %get3A_4, %dot_general3A {dimension_numbers = #tpu.dot_dimension_numbers<[0], [0], [1], [1], [0, 1, 1, 1], [], []>, transpose_lhs_hint = false} : vector<16x12800xf32>, vector<16x128xf32>, vector<12800x128xf32> -> vector<12800x128xf32>
    %swap3A = arith.constant 0 : index
    %swap3A_6 = arith.constant 0 : index
    %swap3A_7 = vector.load %arg3[%swap3A, %swap3A_6] : memref<12800x128xf32, #tpu.memory_space<vmem>>, vector<12800x128xf32>
    tpu.vector_store %arg3[%swap3A, %swap3A_6], %dot_general3A_5 {strides = array<i32>} : memref<12800x128xf32, #tpu.memory_space<vmem>>, vector<12800x128xf32>,
    return
  }
  func.func @transform_0(%arg0: i32) -> (i32, i32) {
    %c0_i32 = arith.constant 0 : i32
    %c0_i32_0 = arith.constant 0 : i32
    return %c0_i32, %arg0 : i32, i32
  }
  func.func @transform_1(%arg0: i32) -> (i32, i32) {
    %c0_i32 = arith.constant 0 : i32
    %c0_i32_0 = arith.constant 0 : i32
    %c0_i32_1 = arith.constant 0 : i32
    return %c0_i32, %c0_i32_0 : i32, i32
  }
  func.func @transform_2(%arg0: i32) -> (i32, i32) {
    %c0_i32 = arith.constant 0 : i32
    %c0_i32_0 = arith.constant 0 : i32
    return %arg0, %c0_i32 : i32, i32
  }
}

module attributes {stable_mosaic.version = 14 : i64} {
  func.func @_update_proj_body(%arg0: memref<10000x128xf32, #tpu.memory_space<vmem>>, %arg1: memref<2x10240x128xf32, #tpu.memory_space<vmem>>, %arg2: memref<128x128xf32, #tpu.memory_space<vmem>>, %arg3: memref<128x128xf32, #tpu.memory_space<vmem>>, %arg4: memref<1x128xf32, #tpu.memory_space<vmem>>, %arg5: memref<128x128xf32, #tpu.memory_space<vmem>>, %arg6: memref<128x128xf32, #tpu.memory_space<vmem>>, %arg7: memref<1x128xf32, #tpu.memory_space<vmem>>, %arg8: memref<10000x128xf32, #tpu.memory_space<vmem>>, %arg9: memref<10000x128xf32, #tpu.memory_space<vmem>>, %arg10: memref<10000x128xf32, #tpu.memory_space<vmem>>) attributes {dimension_semantics = [], scalar_prefetch = 0 : i64, scratch_operands = 0 : i64, tpu.core_type = #tpu.core_type<tc>} {
    %get3A = arith.constant 0 : index
    %get3A_0 = arith.constant 0 : index
    %get3A_1 = arith.constant 0 : index
    %get3A_2 = vector.load %arg1[%get3A, %get3A_0, %get3A_1] : memref<2x10240x128xf32, #tpu.memory_space<vmem>>, vector<1x10000x128xf32>
    %get3A_3 = vector.shape_cast %get3A_2 : vector<1x10000x128xf32> to vector<10000x128xf32>
    %get3A_4 = arith.constant 1 : index
    %get3A_5 = arith.constant 0 : index
    %get3A_6 = arith.constant 0 : index
    %get3A_7 = vector.load %arg1[%get3A_4, %get3A_5, %get3A_6] : memref<2x10240x128xf32, #tpu.memory_space<vmem>>, vector<1x10000x128xf32>
    %get3A_8 = vector.shape_cast %get3A_7 : vector<1x10000x128xf32> to vector<10000x128xf32>
    %add3A = arith.addf %get3A_3, %get3A_8 : vector<10000x128xf32>
    %get3A_9 = arith.constant 0 : index
    %get3A_10 = arith.constant 0 : index
    %get3A_11 = vector.load %arg0[%get3A_9, %get3A_10] : memref<10000x128xf32, #tpu.memory_space<vmem>>, vector<10000x128xf32>
    %get3A_12 = arith.constant 0 : index
    %get3A_13 = arith.constant 0 : index
    %get3A_14 = vector.load %arg2[%get3A_12, %get3A_13] : memref<128x128xf32, #tpu.memory_space<vmem>>, vector<128x128xf32>
    %dot_general3A = arith.constant dense<0.000000e+00> : vector<10000x128xf32>
    %dot_general3A_15 = tpu.matmul %get3A_11, %get3A_14, %dot_general3A {dimension_numbers = #tpu.dot_dimension_numbers<[1], [0], [0], [1], [0, 0, 1, 1], [], []>, transpose_lhs_hint = false} : vector<10000x128xf32>, vector<128x128xf32>, vector<10000x128xf32> -> vector<10000x128xf32>
    %get3A_16 = arith.constant 0 : index
    %get3A_17 = arith.constant 0 : index
    %get3A_18 = vector.load %arg3[%get3A_16, %get3A_17] : memref<128x128xf32, #tpu.memory_space<vmem>>, vector<128x128xf32>
    %dot_general3A_19 = arith.constant dense<0.000000e+00> : vector<10000x128xf32>
    %dot_general3A_20 = tpu.matmul %add3A, %get3A_18, %dot_general3A_19 {dimension_numbers = #tpu.dot_dimension_numbers<[1], [0], [0], [1], [0, 0, 1, 1], [], []>, transpose_lhs_hint = false} : vector<10000x128xf32>, vector<128x128xf32>, vector<10000x128xf32> -> vector<10000x128xf32>
    %add3A_21 = arith.addf %dot_general3A_15, %dot_general3A_20 : vector<10000x128xf32>
    %get3A_22 = arith.constant 0 : index
    %get3A_23 = arith.constant 0 : index
    %get3A_24 = vector.load %arg4[%get3A_22, %get3A_23] : memref<1x128xf32, #tpu.memory_space<vmem>>, vector<1x128xf32>
    %add3A_25 = vector.broadcast %get3A_24 : vector<1x128xf32> to vector<10000x128xf32>
    %add3A_26 = arith.addf %add3A_21, %add3A_25 : vector<10000x128xf32>
    %max3A = arith.constant 0.000000e+00 : f32
    %max3A_27 = vector.broadcast %max3A : f32 to vector<10000x128xf32>
    %max3A_28 = arith.maximumf %add3A_26, %max3A_27 : vector<10000x128xf32>
    %swap3A = arith.constant 0 : index
    %swap3A_29 = arith.constant 0 : index
    %swap3A_30 = vector.load %arg8[%swap3A, %swap3A_29] : memref<10000x128xf32, #tpu.memory_space<vmem>>, vector<10000x128xf32>
    tpu.vector_store %arg8[%swap3A, %swap3A_29], %max3A_28 {strides = array<i32>} : memref<10000x128xf32, #tpu.memory_space<vmem>>, vector<10000x128xf32>,
    %get3A_31 = arith.constant 0 : index
    %get3A_32 = arith.constant 0 : index
    %get3A_33 = vector.load %arg5[%get3A_31, %get3A_32] : memref<128x128xf32, #tpu.memory_space<vmem>>, vector<128x128xf32>
    %dot_general3A_34 = arith.constant dense<0.000000e+00> : vector<10000x128xf32>
    %dot_general3A_35 = tpu.matmul %max3A_28, %get3A_33, %dot_general3A_34 {dimension_numbers = #tpu.dot_dimension_numbers<[1], [0], [0], [1], [0, 0, 1, 1], [], []>, transpose_lhs_hint = false} : vector<10000x128xf32>, vector<128x128xf32>, vector<10000x128xf32> -> vector<10000x128xf32>
    %swap3A_36 = arith.constant 0 : index
    %swap3A_37 = arith.constant 0 : index
    %swap3A_38 = vector.load %arg9[%swap3A_36, %swap3A_37] : memref<10000x128xf32, #tpu.memory_space<vmem>>, vector<10000x128xf32>
    tpu.vector_store %arg9[%swap3A_36, %swap3A_37], %dot_general3A_35 {strides = array<i32>} : memref<10000x128xf32, #tpu.memory_space<vmem>>, vector<10000x128xf32>,
    %get3A_39 = arith.constant 0 : index
    %get3A_40 = arith.constant 0 : index
    %get3A_41 = vector.load %arg6[%get3A_39, %get3A_40] : memref<128x128xf32, #tpu.memory_space<vmem>>, vector<128x128xf32>
    %dot_general3A_42 = arith.constant dense<0.000000e+00> : vector<10000x128xf32>
    %dot_general3A_43 = tpu.matmul %max3A_28, %get3A_41, %dot_general3A_42 {dimension_numbers = #tpu.dot_dimension_numbers<[1], [0], [0], [1], [0, 0, 1, 1], [], []>, transpose_lhs_hint = false} : vector<10000x128xf32>, vector<128x128xf32>, vector<10000x128xf32> -> vector<10000x128xf32>
    %get3A_44 = arith.constant 0 : index
    %get3A_45 = arith.constant 0 : index
    %get3A_46 = vector.load %arg7[%get3A_44, %get3A_45] : memref<1x128xf32, #tpu.memory_space<vmem>>, vector<1x128xf32>
    %add3A_47 = vector.broadcast %get3A_46 : vector<1x128xf32> to vector<10000x128xf32>
    %add3A_48 = arith.addf %dot_general3A_43, %add3A_47 : vector<10000x128xf32>
    %swap3A_49 = arith.constant 0 : index
    %swap3A_50 = arith.constant 0 : index
    %swap3A_51 = vector.load %arg10[%swap3A_49, %swap3A_50] : memref<10000x128xf32, #tpu.memory_space<vmem>>, vector<10000x128xf32>
    tpu.vector_store %arg10[%swap3A_49, %swap3A_50], %add3A_48 {strides = array<i32>} : memref<10000x128xf32, #tpu.memory_space<vmem>>, vector<10000x128xf32>,
    return
  }
}

module attributes {stable_mosaic.version = 14 : i64} {
  func.func @_update_pool_body(%arg0: memref<10000x128xf32, #tpu.memory_space<vmem>>, %arg1: memref<2x10240x128xf32, #tpu.memory_space<vmem>>, %arg2: memref<128x128xf32, #tpu.memory_space<vmem>>, %arg3: memref<128x128xf32, #tpu.memory_space<vmem>>, %arg4: memref<1x128xf32, #tpu.memory_space<vmem>>, %arg5: memref<1x10000xi32, #tpu.memory_space<vmem>>, %arg6: memref<128x10xf32, #tpu.memory_space<vmem>>, %arg7: memref<1x10xf32, #tpu.memory_space<vmem>>, %arg8: memref<64x10xf32, #tpu.memory_space<vmem>>) attributes {dimension_semantics = [], scalar_prefetch = 0 : i64, scratch_operands = 0 : i64, tpu.core_type = #tpu.core_type<tc>} {
    %get3A = arith.constant 0 : index
    %get3A_0 = arith.constant 0 : index
    %get3A_1 = arith.constant 0 : index
    %get3A_2 = vector.load %arg1[%get3A, %get3A_0, %get3A_1] : memref<2x10240x128xf32, #tpu.memory_space<vmem>>, vector<1x10000x128xf32>
    %get3A_3 = vector.shape_cast %get3A_2 : vector<1x10000x128xf32> to vector<10000x128xf32>
    %get3A_4 = arith.constant 1 : index
    %get3A_5 = arith.constant 0 : index
    %get3A_6 = arith.constant 0 : index
    %get3A_7 = vector.load %arg1[%get3A_4, %get3A_5, %get3A_6] : memref<2x10240x128xf32, #tpu.memory_space<vmem>>, vector<1x10000x128xf32>
    %get3A_8 = vector.shape_cast %get3A_7 : vector<1x10000x128xf32> to vector<10000x128xf32>
    %add3A = arith.addf %get3A_3, %get3A_8 : vector<10000x128xf32>
    %get3A_9 = arith.constant 0 : index
    %get3A_10 = arith.constant 0 : index
    %get3A_11 = vector.load %arg0[%get3A_9, %get3A_10] : memref<10000x128xf32, #tpu.memory_space<vmem>>, vector<10000x128xf32>
    %get3A_12 = arith.constant 0 : index
    %get3A_13 = arith.constant 0 : index
    %get3A_14 = vector.load %arg2[%get3A_12, %get3A_13] : memref<128x128xf32, #tpu.memory_space<vmem>>, vector<128x128xf32>
    %dot_general3A = arith.constant dense<0.000000e+00> : vector<10000x128xf32>
    %dot_general3A_15 = tpu.matmul %get3A_11, %get3A_14, %dot_general3A {dimension_numbers = #tpu.dot_dimension_numbers<[1], [0], [0], [1], [0, 0, 1, 1], [], []>, transpose_lhs_hint = false} : vector<10000x128xf32>, vector<128x128xf32>, vector<10000x128xf32> -> vector<10000x128xf32>
    %get3A_16 = arith.constant 0 : index
    %get3A_17 = arith.constant 0 : index
    %get3A_18 = vector.load %arg3[%get3A_16, %get3A_17] : memref<128x128xf32, #tpu.memory_space<vmem>>, vector<128x128xf32>
    %dot_general3A_19 = arith.constant dense<0.000000e+00> : vector<10000x128xf32>
    %dot_general3A_20 = tpu.matmul %add3A, %get3A_18, %dot_general3A_19 {dimension_numbers = #tpu.dot_dimension_numbers<[1], [0], [0], [1], [0, 0, 1, 1], [], []>, transpose_lhs_hint = false} : vector<10000x128xf32>, vector<128x128xf32>, vector<10000x128xf32> -> vector<10000x128xf32>
    %add3A_21 = arith.addf %dot_general3A_15, %dot_general3A_20 : vector<10000x128xf32>
    %get3A_22 = arith.constant 0 : index
    %get3A_23 = arith.constant 0 : index
    %get3A_24 = vector.load %arg4[%get3A_22, %get3A_23] : memref<1x128xf32, #tpu.memory_space<vmem>>, vector<1x128xf32>
    %add3A_25 = vector.broadcast %get3A_24 : vector<1x128xf32> to vector<10000x128xf32>
    %add3A_26 = arith.addf %add3A_21, %add3A_25 : vector<10000x128xf32>
    %max3A = arith.constant 0.000000e+00 : f32
    %max3A_27 = vector.broadcast %max3A : f32 to vector<10000x128xf32>
    %max3A_28 = arith.maximumf %add3A_26, %max3A_27 : vector<10000x128xf32>
    %get3A_29 = arith.constant 0 : index
    %get3A_30 = arith.constant 0 : index
    %get3A_31 = vector.load %arg5[%get3A_29, %get3A_30] : memref<1x10000xi32, #tpu.memory_space<vmem>>, vector<1x10000xi32>
    %iota3A = tpu.iota {dimensions = array<i32: 0>} : vector<64x10000xi32>
    %eq3A = vector.broadcast %get3A_31 : vector<1x10000xi32> to vector<64x10000xi32>
    %eq3A_32 = arith.cmpi eq, %eq3A, %iota3A : vector<64x10000xi32>
    %convert_element_type3A = arith.extui %eq3A_32 : vector<64x10000xi1> to vector<64x10000xi32>
    %convert_element_type3A_33 = arith.sitofp %convert_element_type3A : vector<64x10000xi32> to vector<64x10000xf32>
    %dot_general3A_34 = arith.constant dense<0.000000e+00> : vector<64x128xf32>
    %dot_general3A_35 = tpu.matmul %convert_element_type3A_33, %max3A_28, %dot_general3A_34 {dimension_numbers = #tpu.dot_dimension_numbers<[1], [0], [0], [1], [0, 0, 1, 1], [], []>, transpose_lhs_hint = false} : vector<64x10000xf32>, vector<10000x128xf32>, vector<64x128xf32> -> vector<64x128xf32>
    %reduce_sum3A = arith.constant dense<0.000000e+00> : vector<64xf32>
    %reduce_sum3A_36 = vector.multi_reduction <add>, %convert_element_type3A_33, %reduce_sum3A [1] : vector<64x10000xf32> to vector<64xf32>
    %max3A_37 = arith.constant 1.000000e+00 : f32
    %max3A_38 = vector.broadcast %max3A_37 : f32 to vector<64xf32>
    %max3A_39 = arith.maximumf %reduce_sum3A_36, %max3A_38 : vector<64xf32>
    %broadcast_in_dim3A = vector.shape_cast %max3A_39 : vector<64xf32> to vector<64x1xf32>
    %div3A = vector.broadcast %broadcast_in_dim3A : vector<64x1xf32> to vector<64x128xf32>
    %div3A_40 = arith.divf %dot_general3A_35, %div3A : vector<64x128xf32>
    %get3A_41 = arith.constant 0 : index
    %get3A_42 = arith.constant 0 : index
    %get3A_43 = vector.load %arg6[%get3A_41, %get3A_42] : memref<128x10xf32, #tpu.memory_space<vmem>>, vector<128x10xf32>
    %dot_general3A_44 = arith.constant dense<0.000000e+00> : vector<64x10xf32>
    %dot_general3A_45 = tpu.matmul %div3A_40, %get3A_43, %dot_general3A_44 {dimension_numbers = #tpu.dot_dimension_numbers<[1], [0], [0], [1], [0, 0, 1, 1], [], []>, transpose_lhs_hint = false} : vector<64x128xf32>, vector<128x10xf32>, vector<64x10xf32> -> vector<64x10xf32>
    %get3A_46 = arith.constant 0 : index
    %get3A_47 = arith.constant 0 : index
    %get3A_48 = vector.load %arg7[%get3A_46, %get3A_47] : memref<1x10xf32, #tpu.memory_space<vmem>>, vector<1x10xf32>
    %add3A_49 = vector.broadcast %get3A_48 : vector<1x10xf32> to vector<64x10xf32>
    %add3A_50 = arith.addf %dot_general3A_45, %add3A_49 : vector<64x10xf32>
    %swap3A = arith.constant 0 : index
    %swap3A_51 = arith.constant 0 : index
    %swap3A_52 = vector.load %arg8[%swap3A, %swap3A_51] : memref<64x10xf32, #tpu.memory_space<vmem>>, vector<64x10xf32>
    tpu.vector_store %arg8[%swap3A, %swap3A_51], %add3A_50 {strides = array<i32>} : memref<64x10xf32, #tpu.memory_space<vmem>>, vector<64x10xf32>,
    return
  }
}

</mosaic_0001>

<sc_bundles>
// kernel: kernel.12.cloned.1.call-start
scs
__scs_entry_jumppad:
0x0: {  	(pc) =	sbr.rel $0x88, $3  }
0x1: {  	(tag) =	ssettag $0x0;
	lr =	simm.s32 $0x1  }
0x2: {  	[smem:$0x3F93] =	sst lr;
	_ =	strace $0xD0000000  }
0x3: {  	_ = 	snop  }
0x4: {  	_ = 	snop  }
0x5: {  	_ = 	snop  }
0x6: {  	_ = 	snop  }
0x7: {  	_ = 	snop  }
__scs_overlays_trampoline_lowered:
0x8: {  	[smem:$0x3FA2] =	sst s0  }
0x9: {  	[smem:$0x3FA3] =	sst s1  }
0xa: {  	[smem:$0x3FA4] =	sst s2  }
0xb: {  	[smem:$0x3FA5] =	sst s3  }
0xc: {  	[smem:$0x3FA6] =	sst s4  }
0xd: {  	[smem:$0x3FA7] =	sst s5  }
0xe: {  	[smem:$0x3FA8] =	sst s6  }
0xf: {  	[smem:$0x3FA9] =	sst s7  }
0x10: {  	[smem:$0x3FAA] =	sst s8  }
0x11: {  	[smem:$0x3FAB] =	sst s9;
	s0 =	simm.s32 @!p0 $0x0  }
0x12: {  	s1 =	sld [smem:$0x3F91];
	s0 =	simm.s32 @p0 $0x1  }
0x13: {  	[smem:$0x3FAC] =	sst s0;
	s0 =	simm.s32 @!p1 $0x0  }
0x14: {  	s2 =	sld [smem:$0x3F90];
	s0 =	simm.s32 @p1 $0x1  }
0x15: {  	[smem:$0x3FAD] =	sst s0;
	s0 =	simm.s32 @!p2 $0x0  }
0x16: {  	s3 =	sld [smem:$0x3FDB];
	s0 =	simm.s32 @p2 $0x1  }
0x17: {  	s4 =	simm.s32 $0x1BF5;
	[smem:$0x3FAF] =	sst s0  }
0x18: {  	s0 =	sld [smem:$0x3F92];
	_ =	swait.ge [sflag:s4], $0x0  }
0x19: {  	s7 =	sld [smem:$0x3F93]  }
0x1a: {  	s8 =	sadd.s32 $0xFFFFE003, lr  }
0x1b: {  	s9 =	sadd.s32 $0xFFFFFEF7, lr;
	s5 =	simm.s32 $0xFFFFFFFF;
	p2 =	slt.u32 s8, $0xFFFFF086  }
0x1c: {  	p1 =	slt.u32 s9, $0xF7A;
	s5 =	simm.s32 @!p2 $0x0  }
0x1d: {  	s5 =	simm.s32 @p1 $0x1;
	p0 =	seq.s32 s7, s2  }
0x1e: {  	s7 =	smul.u32 @!p0 $0xF7A, s2;
	p2 =	seq.s32 @!p0 s5, $0x0  }
0x1f: {  	s9 =	smul.u32 $0xF7A, s1;
	s8 =	simm.s32 @!p0 $0x1BF5;
	p2 =	por !p2, p0  }
0x20: {  	[sflag:s8] =	ssyncset.s32 @!p0 $0xFFFFF086;
	s6 =	sadd.s32 @!p0 s3, s7;
	s7 =	simm.s32 @!p0 $0x108  }
0x21: {  	s3 =	sadd.s32 s3, s9;
	s6 =	sadd.s32 @!p0 $0x88, s6;
	s7 =	simm.s32 @p2 $0x1082  }
0x22: {  	[simem:s7], [sflag:s8] =	dma.local @!p0 [hbm:s6], $0xF7A  }
0x23: {  	s9 =	sor.u32 $0xD0000000, s2;
	s6 =	simm.s32 $0x108;
	_ =	swait.ge @!p0 [sflag:s8], $0x0  }
0x24: {  	s3 =	sadd.s32 $0x88, s3;
	s6 =	simm.s32 @!p1 $0x1082;
	[sflag:s4] =	ssyncset.s32 $0xFFFFF086  }
0x25: {  	[simem:s6], [sflag:s4] =	dma.local [hbm:s3], $0xF7A  }
0x26: {  	[smem:$0x3F93] =	sst s1;
	(tag) =	ssettag s2;
	_ =	strace s9  }
0x27: {  	s1 =	sld [smem:$0x3FA3]  }
0x28: {  	s2 =	sld [smem:$0x3FA4]  }
0x29: {  	s4 =	sld [smem:$0x3FA6]  }
0x2a: {  	p0 =	seq.s32 s5, $0x0;
	s5 =	sld [smem:$0x3FA7]  }
0x2b: {  	s6 =	sld [smem:$0x3FA8]  }
0x2c: {  	s7 =	sld [smem:$0x3FA9]  }
0x2d: {  	s3 =	simm.s32 $0x108;
	s8 =	sld [smem:$0x3FAA]  }
0x2e: {  	s3 =	simm.s32 @!p0 $0x1082;
	s9 =	sld [smem:$0x3FAB]  }
0x2f: {  	lr =	sadd.s32 s0, s3;
	s0 =	sld [smem:$0x3FA2]  }
0x30: {  	s3 =	sld [smem:$0x3FA5]  }
0x31: {  	[smem:$0x3FAE] =	sst s10  }
0x32: {  	s10 =	sld [smem:$0x3FAC];
	_ =	sdelay $0x3  }
0x33: {  	p0 =	seq.s32 s10, $0x1;
	s10 =	sld [smem:$0x3FAE];
	_ =	sdelay $0x3  }
0x34: {  	[smem:$0x3FAE] =	sst s10  }
0x35: {  	s10 =	sld [smem:$0x3FAD];
	_ =	sdelay $0x3  }
0x36: {  	p1 =	seq.s32 s10, $0x1;
	s10 =	sld [smem:$0x3FAE];
	_ =	sdelay $0x3  }
0x37: {  	[smem:$0x3FAE] =	sst s10  }
0x38: {  	s10 =	sld [smem:$0x3FAF]  }
0x39: {  	_ = 	snop;
	(pc) =	sbr.ind lr, $3  }
0x3a: {  	_ = 	snop  }
0x3b: {  	_ = 	snop  }
0x3c: {  	p2 =	seq.s32 s10, $0x1;
	s10 =	sld [smem:$0x3FAE]  }
0x3d: {  	_ =	shalt  }
0x3e: {  	_ =	shalt  }
0x3f: {  	_ =	shalt  }
0x40: {  	_ =	shalt  }
0x41: {  	_ =	shalt  }
0x42: {  	_ =	shalt  }
0x43: {  	_ =	shalt  }
0x44: {  	_ =	shalt  }
0x45: {  	_ =	shalt  }
0x46: {  	_ =	shalt  }
0x47: {  	_ =	shalt  }
0x48: {  	_ =	shalt  }
0x49: {  	_ =	shalt  }
0x4a: {  	_ =	shalt  }
0x4b: {  	_ =	shalt  }
0x4c: {  	_ =	shalt  }
0x4d: {  	_ =	shalt  }
0x4e: {  	_ =	shalt  }
0x4f: {  	_ =	shalt  }
0x50: {  	_ =	shalt  }
0x51: {  	_ =	shalt  }
0x52: {  	_ =	shalt  }
0x53: {  	_ =	shalt  }
0x54: {  	_ =	shalt  }
0x55: {  	_ =	shalt  }
0x56: {  	_ =	shalt  }
0x57: {  	_ =	shalt  }
0x58: {  	_ =	shalt  }
0x59: {  	_ =	shalt  }
0x5a: {  	_ =	shalt  }
0x5b: {  	_ =	shalt  }
0x5c: {  	_ =	shalt  }
0x5d: {  	_ =	shalt  }
0x5e: {  	_ =	shalt  }
0x5f: {  	_ =	shalt  }
0x60: {  	_ =	shalt  }
0x61: {  	_ =	shalt  }
0x62: {  	_ =	shalt  }
0x63: {  	_ =	shalt  }
0x64: {  	_ =	shalt  }
0x65: {  	_ =	shalt  }
0x66: {  	_ =	shalt  }
0x67: {  	_ =	shalt  }
0x68: {  	_ =	shalt  }
0x69: {  	_ =	shalt  }
0x6a: {  	_ =	shalt  }
0x6b: {  	_ =	shalt  }
0x6c: {  	_ =	shalt  }
0x6d: {  	_ =	shalt  }
0x6e: {  	_ =	shalt  }
0x6f: {  	_ =	shalt  }
0x70: {  	_ =	shalt  }
0x71: {  	_ =	shalt  }
0x72: {  	_ =	shalt  }
0x73: {  	_ =	shalt  }
0x74: {  	_ =	shalt  }
0x75: {  	_ =	shalt  }
0x76: {  	_ =	shalt  }
0x77: {  	_ =	shalt  }
0x78: {  	_ =	shalt  }
0x79: {  	_ =	shalt  }
0x7a: {  	_ =	shalt  }
0x7b: {  	_ =	shalt  }
0x7c: {  	_ =	shalt  }
0x7d: {  	_ =	shalt  }
0x7e: {  	_ =	shalt  }
0x7f: {  	_ =	shalt  }
0x80: {  	_ =	shalt  }
0x81: {  	_ =	shalt  }
0x82: {  	_ =	shalt  }
0x83: {  	_ =	shalt  }
0x84: {  	_ =	shalt  }
0x85: {  	_ =	shalt  }
0x86: {  	_ =	shalt  }
0x87: {  	_ =	shalt  }
.Lfunc_end0:
.L_simem_size_0:
called_computation.1_lowered:
.L_overlay_start_0:
0x88: {  	s2 =	sld [smem:$0x3FD9]  }
0x89: {  	s3 =	sld [smem:$0x3FFE];
	_ =	sdelay $0x1  }
0x8a: {  	s1 =	srdreg.scid  }
0x8b: {  	s0 =	sand.u32 $0x1, s1  }
0x8c: {  	s16 =	sshll.u32 s0, $0xA;
	s2 =	sadd.s32 s3, s2  }
0x8d: {  	s2 =	sadd.s32 s2, s16  }
0x8e: {  	[smem:$0x3FBA] =	sst s2  }
0x8f: {  	_ = 	snop  }
0x90: {  	(tm) =	ssettm $0x1  }
0x91: {  	s17 =	sld [smem:$0x3FFB];
	_ =	sdelay $0x3  }
0x92: {  	_ =	strace s17  }
0x93: {  	s2 =	sld [smem:$0x3FFC];
	_ =	sdelay $0x3  }
0x94: {  	_ =	strace s2  }
0x95: {  	s2 =	sld [smem:$0x3FFD];
	_ =	sdelay $0x3  }
0x96: {  	_ =	strace s2  }
0x97: {  	_ =	strace $0x8FFFFFFF  }
0x98: {  	s18 =	sld [smem:$0x3FDB];
	_ =	sdelay $0x1  }
0x99: {  	s19 =	simm.s32 $_scs_section_size  }
0x9a: {  	s4 =	simm.s32 $_size__tile_overlayer_lowered;
	s5 =	simm.s32 $_tile_overlayer_lowered  }
0x9b: {  	s22 =	simm.s32 $0x1BFF;
	s21 =	sshll.u32 s5, $0x1;
	s2 =	sadd.s32 s19, s18  }
0x9c: {  	s6 =	simm.s32 $0x0;
	s20 =	sshll.u32 s4, $0x1;
	s4 =	sadd.s32 s21, s2  }
0x9d: {  	[timem:s6], [sflag:s22] =	dma.local [hbm:s4], s20  }
0x9e: {  	_ =	swait.ge [sflag:s22], s20  }
0x9f: {  	s3 =	ssub.s32 $0x0, s20;
	[sflag:s22] =	ssyncset.done $0x0  }
0xa0: {  	[sflag:s22] =	ssyncadd.s32 s3;
	_ =	sdelay $0x1  }
0xa1: {  	s23 =	simm.s32 $0x1B8B  }
0xa2: {  	_ =	swait.ge [sflag:s23], $0x1  }
0xa3: {  	[sflag:s23] =	ssyncset.done $0x0  }
0xa4: {  	s25 =	simm.s32 $0x1B8E;
	s24 =	sld [smem:$0x3FFE];
	[sflag:s23] =	ssyncadd.s32 $0xFFFFFFFF  }
0xa5: {  	s26 =	simm.s32 $execute0_lowered;
	[smem:$0x3FD2] =	sst s25  }
0xa6: {  	s4 =	sshll.u32 s26, $0x1;
	_ =	strace $0x80000049;
	[dreg:$0x1] =	wrdreg $0xFFFFFFFF  }
0xa7: {  	s28 =	simm.s32 $_size_execute0_lowered;
	s2 =	sadd.s32 s2, s4;
	[dreg:$0x0] =	wrdreg $0x0  }
0xa8: {  	s4 =	sshll.u32 s28, $0x1;
	[dreg:$0x2] =	wrdreg s2  }
0xa9: {  	[dreg:$0x3] =	wrdreg s4  }
0xaa: {  	[dreg:$0x4] =	wrdreg $0xC0  }
0xab: {  	_ =	task [dreg:s6], $0x5FFFF  }
0xac: {  	[dreg:$0x1] =	wrdreg $0xFFFFFFFF  }
0xad: {  	[dreg:$0x0] =	wrdreg $0x60  }
0xae: {  	[dreg:$0x2] =	wrdreg s24  }
0xaf: {  	[dreg:$0x3] =	wrdreg $0x7B000  }
0xb0: {  	[dreg:$0x4] =	wrdreg $0x9  }
0xb1: {  	_ =	task.clear_ibuf [dreg:s6], $0x5FFFF;
	_ =	strace $0x90000049  }
0xb2: {  	s29 =	simm.s32 $0x9;
	_ =	strace $0x8000004B  }
0xb3: {  	_ =	swait.ge [sflag:s29], $0x1  }
0xb4: {  	[sflag:s29] =	ssyncadd.s32 $0xFFFFFFFF  }
0xb5: {  	_ =	strace $0x9000004B  }
0xb6: {  	_ =	sfence  }
0xb7: {  	s30 =	sld [smem:$0x0];
	_ =	sdelay $0x2  }
0xb8: {  	s31 =	sshll.u32 s1, $0xD;
	s1 =	sshrl.u32 s1, $0x2  }
0xb9: {  	s3 =	sand.u32 $0x4000, s31;
	s1 =	sadd.s32 s1, s30  }
0xba: {  	s0 =	sor.u32 s3, s0;
	s1 =	sshll.u32 s1, $0x11  }
0xbb: {  	s0 =	sor.u32 s1, s0  }
0xbc: {  	s0 =	sadd.s32 $0x8F2B, s0  }
0xbd: {  	[sflag:s0] =	ssyncadd.remote.s32 $0x1  }
0xbe: {  	_ =	sfence.sel $0xFFFF  }
0xbf: {  	[dreg:$0x0] =	wrdreg $0xFFFFFFFF;
	(pc) =	sbr.abs _section_cstart, $3  }
0xc0: {  	[dreg:$0x1] =	wrdreg $0xFFFFFFFF  }
0xc1: {  	_ =	task.clear_ibuf [dreg:s6], $0x2FFFF;
	_ =	strace $0x9FFFFFFF  }
0xc2: {  	(tm) =	ssettm $0x7FFFFFFF  }
0xc3: {  	_ =	shalt  }
tec
execute0_lowered:
.L_overlay_start_1:
0x0: {  	(tag) =	ssettag $0x1  }
0x1: {  	s0 =	rddreg [dreg:$0x0]  }
0x2: {  	s1 =	rddreg [dreg:$0x1]  }
0x3: {  	s2 =	simm.s32 $0x0;
	s15 =	srdreg.scid;
	s12 =	stileid.u32  }
0x4: {  	s28 =	simm.s32 $0x7;
	s29 =	simm.s32 $0x6;
	s30 =	simm.s32 $0x8  }
0x5: {  	s31 =	simm.s32 $0x9;
	[smem:$0x7FF] =	sst s2;
	s4 =	sadd.s32 $0x549C00, s0  }
0x6: {  	s2 =	sand.u32 $0x1, s15;
	s3 =	smul.u32 $0x2800, s12;
	s5 =	sadd.s32 $0x570E00, s0  }
0x7: {  	s6 =	sadd.s32 $0x599C00, s0;
	s7 =	sadd.s32 $0xD200, s0;
	s8 =	sadd.s32 $0x3400, s0  }
0x8: {  	s10 =	sadd.s32 $0x547400, s0;
	s17 =	sshll.u32 s12, $0x1;
	s11 =	smul.u32 $0x50000, s12  }
0x9: {  	s12 =	sshll.u32 s12, $0x6;
	_ =	strace $0x8000004A;
	s9 =	smul.u32 $0x28000, s2  }
0xa: {  	[dreg:$0x3] =	wrdreg s10;
	s16 =	ssub.s32 $0x2, s2;
	s2 =	sor.u32 s2, s17  }
0xb: {  	s24 =	sor.u32 $0x1C0A, s12;
	s18 =	sshrl.u32 s16, $0x1;
	s10 =	smul.u32 $0x2710, s2  }
0xc: {  	s11 =	sshrl.u32 s11, $0x2;
	s2 =	smul.u32 $0x27100, s2;
	s3 =	sadd.s32 s3, s9  }
0xd: {  	[dreg:$0x5] =	wrdreg s24;
	s19 =	sadd.s32 s11, s1;
	s0 =	sadd.s32 s3, s0  }
0xe: {  	s3 =	ssub.s32 s16, s18;
	[dreg:$0x4] =	wrdreg s19;
	s20 =	sshrl.u32 s10, $0x3  }
0xf: {  	s21 =	sadd.s32 $0x50, s10;
	s2 =	sadd.s32 s6, s2;
	s26 =	sadd.s32 $0xA0, s10  }
0x10: {  	s15 =	sadd.s32 $0xF0, s10;
	s22 =	sadd.s32 s7, s20;
	s9 =	sadd.s32 s8, s20  }
0x11: {  	s23 =	sshrl.u32 s21, $0x3;
	[dreg:$0x8] =	wrdreg s2;
	s12 =	sshll.u32 s21, $0x4  }
0x12: {  	s13 =	sshrl.u32 s26, $0x3;
	s2 =	sshll.u32 s26, $0x4;
	[dreg:$0x6] =	wrdreg s22  }
0x13: {  	s16 =	sshrl.u32 s15, $0x3;
	s21 =	sadd.s32 $0x140, s10;
	[dreg:$0x7] =	wrdreg s9  }
0x14: {  	s17 =	sshll.u32 s15, $0x4;
	s0 =	sadd.s32 $0x3E200, s0;
	[dreg:$0x12] =	wrdreg s21  }
0x15: {  	s20 =	sadd.s32 $0x26C0, s10;
	s26 =	smax.u32 s3, $0x1;
	[dreg:$0x18] =	wrdreg s0  }
0x16: {  	s15 =	simm.s32 $0x2980;
	s25 =	sadd.s32 s7, s23;
	[dreg:$0x19] =	wrdreg s26  }
0x17: {  	s3 =	simm.s32 $0x0;
	s9 =	sadd.s32 s8, s23;
	[dreg:$0x9] =	wrdreg s25  }
0x18: {  	s14 =	sadd.s32 s7, s13;
	s11 =	sadd.s32 s8, s13;
	[dreg:$0xa] =	wrdreg s9  }
0x19: {  	s2 =	sadd.s32 s6, s2;
	s18 =	sadd.s32 s7, s16;
	[dreg:$0xc] =	wrdreg s14  }
0x1a: {  	s19 =	sadd.s32 s8, s16;
	s22 =	sadd.s32 $0x190, s10;
	[dreg:$0xd] =	wrdreg s11  }
0x1b: {  	s23 =	sshrl.u32 s20, $0x3;
	s10 =	sadd.s32 $0x1E0, s10;
	[dreg:$0xe] =	wrdreg s2  }
0x1c: {  	s13 =	simm.s32 $0x50;
	s16 =	simm.s32 $0x2A00;
	[dreg:$0xf] =	wrdreg s18  }
0x1d: {  	s21 =	simm.s32 $0x5300;
	s26 =	simm.s32 $0x0;
	[dreg:$0x10] =	wrdreg s19  }
0x1e: {  	s9 =	sadd.s32 s6, s12;
	s2 =	sadd.s32 s6, s17;
	[dreg:$0x13] =	wrdreg s22  }
0x1f: {  	[dreg:$0x14] =	wrdreg s10;
	s25 =	sadd.s32 s7, s23;
	s10 =	simm.s32 $0x100  }
0x20: {  	s12 =	simm.s32 $0x1;
	s14 =	simm.s32 $0x2900;
	s17 =	simm.s32 $0x4  }
0x21: {  	s18 =	simm.s32 $0x2;
	s19 =	simm.s32 $0x5200;
	[dreg:$0xb] =	wrdreg s9  }
0x22: {  	s22 =	simm.s32 $0x5;
	[dreg:$0x11] =	wrdreg s2;
	s2 =	sshll.u32 s20, $0x4  }
0x23: {  	[dreg:$0x15] =	wrdreg s25;
	s9 =	sadd.s32 s8, s23;
	s20 =	simm.s32 $0x5280  }
0x24: {  	s23 =	simm.s32 $0x3;
	[dreg:$0x16] =	wrdreg s9;
	s2 =	sadd.s32 s6, s2  }
0x25: {  	s9 =	simm.s32 $0x80;
	[dreg:$0x17] =	wrdreg s2;
	s2 =	simm.s32 $0xA  }
.LBB2_1:
0x26: {  	[dreg:$0x1a] =	wrdreg s3  }
0x27: {  	s0 =	rddreg [dreg:$0x4]  }
0x28: {  	s11 =	rddreg [dreg:$0x3];
	s0 =	sshrl.u32 s0, $0x3  }
0x29: {  	[dreg:$0x1b] =	wrdreg s0  }
0x2a: {  	[spmem:s0], [sflag:s24] =	dma.local [hbm:s11], $0x2800  }
0x2b: {  	_ =	swait.ge [sflag:s2], $0x2800  }
0x2c: {  	[sflag:s2] =	ssyncset.done $0x0  }
0x2d: {  	[sflag:s2] =	ssyncadd.s32 $0xFFFFD800  }
0x2e: {  	[bflag:$0x0] =	sbarrier.arrive $0xFFFF  }
0x2f: {  	s0 =	simm.s32 $0x0;
	s25 =	rddreg [dreg:$0x6]  }
0x30: {  	[tilespmem:s0], [sflag:$0x1] =	stream.linear.gather [hbm4b:s25+s0], $0x50, $0x38;
	[tilespmem:$0x1BB00] =	vst v63  }
0x31: {  	s3 =	rddreg [dreg:$0x7]  }
0x32: {  	[tilespmem:s9], [sflag:$0x1] =	stream.linear.gather [hbm4b:s3+s0], $0x50, $0x38;
	[tilespmem:$0x1BB00] =	vst v63  }
0x33: {  	s11 =	rddreg [dreg:$0x8]  }
0x34: {  	[tilespmem:s10], [sflag:$0x1] =	stream.linear.gather [hbm4b:s11+s0], $0x2800, $0x38;
	[tilespmem:$0x1BB00] =	vst v63  }
0x35: {  	_ =	swait.ge [sflag:s12], $0x50  }
0x36: {  	[sflag:s12] =	ssyncset.done $0x0  }
0x37: {  	[sflag:s12] =	ssyncadd.s32 $0xFFFFFFB0  }
0x38: {  	_ =	swait.ge [sflag:s12], $0x50  }
0x39: {  	[sflag:s12] =	ssyncset.done $0x0  }
0x3a: {  	[sflag:s12] =	ssyncadd.s32 $0xFFFFFFB0  }
0x3b: {  	_ =	swait.ge [sflag:s12], $0x2800  }
0x3c: {  	[sflag:s12] =	ssyncset.done $0x0  }
0x3d: {  	[sflag:s12] =	ssyncadd.s32 $0xFFFFD800  }
0x3e: {  	[tilespmem:s10], [sflag:$0x4] =	stream.indirect.gather.add.f32 [hbm:s4], $0x80, s0, s13, $0xb8;
	[tilespmem:$0x1BB00] =	vst v63  }
0x3f: {  	_ = 	snop  }
0x40: {  	[tilespmem:s10], [sflag:$0x4] =	stream.indirect.gather.add.f32 [hbm:s5], $0x80, s9, s13, $0xb8;
	[tilespmem:$0x1BB00] =	vst v63  }
0x41: {  	s24 =	rddreg [dreg:$0x9]  }
0x42: {  	[tilespmem:s14], [sflag:$0x2] =	stream.linear.gather [hbm4b:s24+s0], $0x50, $0x38;
	[tilespmem:$0x1BB00] =	vst v63  }
0x43: {  	s25 =	rddreg [dreg:$0xa]  }
0x44: {  	[tilespmem:s15], [sflag:$0x2] =	stream.linear.gather [hbm4b:s25+s0], $0x50, $0x38;
	[tilespmem:$0x1BB00] =	vst v63  }
0x45: {  	s3 =	rddreg [dreg:$0xb]  }
0x46: {  	[tilespmem:s16], [sflag:$0x2] =	stream.linear.gather [hbm4b:s3+s0], $0x2800, $0x38;
	[tilespmem:$0x1BB00] =	vst v63  }
0x47: {  	_ =	swait.ge [sflag:s17], $0x2800  }
0x48: {  	[sflag:s17] =	ssyncset.done $0x0  }
0x49: {  	[sflag:s17] =	ssyncadd.s32 $0xFFFFD800  }
0x4a: {  	_ =	swait.ge [sflag:s17], $0x2800  }
0x4b: {  	[sflag:s17] =	ssyncset.done $0x0  }
0x4c: {  	[sflag:s17] =	ssyncadd.s32 $0xFFFFD800  }
0x4d: {  	_ =	swait.ge [sflag:s18], $0x50  }
0x4e: {  	[sflag:s18] =	ssyncset.done $0x0  }
0x4f: {  	[sflag:s18] =	ssyncadd.s32 $0xFFFFFFB0  }
0x50: {  	_ =	swait.ge [sflag:s18], $0x50  }
0x51: {  	[sflag:s18] =	ssyncset.done $0x0  }
0x52: {  	[sflag:s18] =	ssyncadd.s32 $0xFFFFFFB0  }
0x53: {  	_ =	swait.ge [sflag:s18], $0x2800  }
0x54: {  	[sflag:s18] =	ssyncset.done $0x0  }
0x55: {  	[sflag:s18] =	ssyncadd.s32 $0xFFFFD800  }
0x56: {  	[tilespmem:s16], [sflag:$0x5] =	stream.indirect.gather.add.f32 [hbm:s4], $0x80, s14, s13, $0xb8;
	[tilespmem:$0x1BB00] =	vst v63  }
0x57: {  	_ = 	snop  }
0x58: {  	[tilespmem:s16], [sflag:$0x5] =	stream.indirect.gather.add.f32 [hbm:s5], $0x80, s15, s13, $0xb8;
	[tilespmem:$0x1BB00] =	vst v63  }
0x59: {  	s11 =	rddreg [dreg:$0xc]  }
0x5a: {  	[tilespmem:s19], [sflag:$0x3] =	stream.linear.gather [hbm4b:s11+s0], $0x50, $0x38;
	[tilespmem:$0x1BB00] =	vst v63  }
0x5b: {  	s24 =	rddreg [dreg:$0xd]  }
0x5c: {  	[tilespmem:s20], [sflag:$0x3] =	stream.linear.gather [hbm4b:s24+s0], $0x50, $0x38;
	[tilespmem:$0x1BB00] =	vst v63  }
0x5d: {  	s2 =	simm.s32 $0x0;
	s25 =	rddreg [dreg:$0xe]  }
0x5e: {  	[tilespmem:s21], [sflag:$0x3] =	stream.linear.gather [hbm4b:s25+s0], $0x2800, $0x38;
	[tilespmem:$0x1BB00] =	vst v63  }
0x5f: {  	v2 =	vld [tilespmem:s2+$0x100]  }
0x60: {  	v4 =	vld [tilespmem:s2+$0x110]  }
0x61: {  	v3 =	vld [tilespmem:s2+$0x120]  }
0x62: {  	v1 =	vld [tilespmem:s2+$0x130]  }
0x63: {  	v0 =	vld [tilespmem:s2+$0x140]  }
0x64: {  	v5 =	vmax.f32 v2, $0.0e+00;
	v2 =	vld [tilespmem:s2+$0x150]  }
0x65: {  	s0 =	simm.s32 $0x200;
	[tilespmem:s2+$0x100] =	vst v5;
	v5 =	vmax.f32 v4, $0.0e+00;
	v4 =	vld [tilespmem:s2+$0x160]  }
.LBB2_2:
0x66: {  	s3 =	sshra.s32 s0, $0x2;
	p0 =	sne.s32 s0, $0x9E00;
	[tilespmem:s2+$0x110] =	vst v5;
	v3 =	vmax.f32 v3, $0.0e+00;
	v5 =	vld [tilespmem:s2+$0x170]  }
0x67: {  	v6 =	vld [tilespmem:s3+$0x100];
	[tilespmem:s2+$0x120] =	vst v3;
	v1 =	vmax.f32 v1, $0.0e+00  }
0x68: {  	v7 =	vld [tilespmem:s3+$0x110];
	[tilespmem:s2+$0x130] =	vst v1;
	v0 =	vmax.f32 v0, $0.0e+00  }
.Ltmp0:
0x69: {  	v3 =	vld [tilespmem:s3+$0x120];
	[tilespmem:s2+$0x140] =	vst v0;
	v0 =	vmax.f32 v2, $0.0e+00;
	(pc) =	sbr.rel @p0 .LBB2_2-.Ltmp0, $4  }
0x6a: {  	v1 =	vld [tilespmem:s3+$0x130];
	[tilespmem:s2+$0x150] =	vst v0;
	v2 =	vmax.f32 v4, $0.0e+00  }
0x6b: {  	v0 =	vld [tilespmem:s3+$0x140];
	[tilespmem:s2+$0x160] =	vst v2;
	v4 =	vmax.f32 v5, $0.0e+00  }
0x6c: {  	v5 =	vmax.f32 v6, $0.0e+00;
	v2 =	vld [tilespmem:s3+$0x150];
	[tilespmem:s2+$0x170] =	vst v4;
	s2 =	smov.u32 s3  }
0x6d: {  	s0 =	sadd.s32 $0x200, s0;
	[tilespmem:s2+$0x100] =	vst v5;
	v5 =	vmax.f32 v7, $0.0e+00;
	v4 =	vld [tilespmem:s2+$0x160]  }
0x6e: {  	[tilespmem:s2+$0x110] =	vst v5;
	v3 =	vmax.f32 v3, $0.0e+00;
	v5 =	vld [tilespmem:s2+$0x170]  }
0x6f: {  	[tilespmem:s2+$0x120] =	vst v3;
	v1 =	vmax.f32 v1, $0.0e+00  }
0x70: {  	[tilespmem:s2+$0x130] =	vst v1;
	v0 =	vmax.f32 v0, $0.0e+00  }
0x71: {  	[tilespmem:s2+$0x140] =	vst v0;
	v0 =	vmax.f32 v2, $0.0e+00  }
0x72: {  	[tilespmem:s2+$0x150] =	vst v0;
	v0 =	vmax.f32 v4, $0.0e+00  }
0x73: {  	[tilespmem:s2+$0x160] =	vst v0;
	v0 =	vmax.f32 v5, $0.0e+00  }
0x74: {  	[tilespmem:s2+$0x170] =	vst v0  }
0x75: {  	[spmem:s1] =	stream.indirect.scatter.add.f32 [tilespmem:s10], [sflag:$0x7], $0x80, s9, s13, $0xb8;
	[tilespmem:$0x1BB00] =	vst v63  }
0x76: {  	_ =	swait.ge [sflag:s22], $0x2800  }
0x77: {  	[sflag:s22] =	ssyncset.done $0x0  }
0x78: {  	[sflag:s22] =	ssyncadd.s32 $0xFFFFD800  }
0x79: {  	_ =	swait.ge [sflag:s22], $0x2800  }
0x7a: {  	[sflag:s22] =	ssyncset.done $0x0  }
0x7b: {  	[sflag:s22] =	ssyncadd.s32 $0xFFFFD800  }
0x7c: {  	_ =	swait.ge [sflag:s23], $0x50  }
0x7d: {  	[sflag:s23] =	ssyncset.done $0x0  }
0x7e: {  	[sflag:s23] =	ssyncadd.s32 $0xFFFFFFB0  }
0x7f: {  	_ =	swait.ge [sflag:s23], $0x50  }
0x80: {  	[sflag:s23] =	ssyncset.done $0x0  }
0x81: {  	[sflag:s23] =	ssyncadd.s32 $0xFFFFFFB0  }
0x82: {  	_ =	swait.ge [sflag:s23], $0x2800  }
0x83: {  	[sflag:s23] =	ssyncset.done $0x0  }
0x84: {  	[sflag:s23] =	ssyncadd.s32 $0xFFFFD800  }
0x85: {  	[tilespmem:s21], [sflag:$0x6] =	stream.indirect.gather.add.f32 [hbm:s4], $0x80, s19, s13, $0xb8;
	[tilespmem:$0x1BB00] =	vst v63  }
0x86: {  	_ = 	snop  }
0x87: {  	[tilespmem:s21], [sflag:$0x6] =	stream.indirect.gather.add.f32 [hbm:s5], $0x80, s20, s13, $0xb8;
	[tilespmem:$0x1BB00] =	vst v63  }
0x88: {  	_ =	swait.ge [sflag:s28], $0x2800  }
0x89: {  	[sflag:s28] =	ssyncset.done $0x0  }
0x8a: {  	s0 =	simm.s32 $0x0;
	s11 =	rddreg [dreg:$0xf];
	[sflag:s28] =	ssyncadd.s32 $0xFFFFD800  }
0x8b: {  	[tilespmem:s0], [sflag:$0x1] =	stream.linear.gather [hbm4b:s11+s0], $0x50, $0x38;
	[tilespmem:$0x1BB00] =	vst v63  }
0x8c: {  	s24 =	rddreg [dreg:$0x10]  }
0x8d: {  	[tilespmem:s9], [sflag:$0x1] =	stream.linear.gather [hbm4b:s24+s0], $0x50, $0x38;
	[tilespmem:$0x1BB00] =	vst v63  }
0x8e: {  	s2 =	simm.s32 $0x0;
	s25 =	rddreg [dreg:$0x11]  }
0x8f: {  	[tilespmem:s10], [sflag:$0x1] =	stream.linear.gather [hbm4b:s25+s0], $0x2800, $0x38;
	[tilespmem:$0x1BB00] =	vst v63  }
0x90: {  	v2 =	vld [tilespmem:s2+$0x2A00]  }
0x91: {  	v4 =	vld [tilespmem:s2+$0x2A10]  }
0x92: {  	v3 =	vld [tilespmem:s2+$0x2A20]  }
0x93: {  	v1 =	vld [tilespmem:s2+$0x2A30]  }
0x94: {  	v0 =	vld [tilespmem:s2+$0x2A40]  }
0x95: {  	v5 =	vmax.f32 v2, $0.0e+00;
	v2 =	vld [tilespmem:s2+$0x2A50]  }
0x96: {  	s0 =	simm.s32 $0x200;
	[tilespmem:s2+$0x2A00] =	vst v5;
	v5 =	vmax.f32 v4, $0.0e+00;
	v4 =	vld [tilespmem:s2+$0x2A60]  }
.LBB2_4:
0x97: {  	s3 =	sshra.s32 s0, $0x2;
	p0 =	sne.s32 s0, $0x9E00;
	[tilespmem:s2+$0x2A10] =	vst v5;
	v3 =	vmax.f32 v3, $0.0e+00;
	v5 =	vld [tilespmem:s2+$0x2A70]  }
0x98: {  	v6 =	vld [tilespmem:s3+$0x2A00];
	[tilespmem:s2+$0x2A20] =	vst v3;
	v1 =	vmax.f32 v1, $0.0e+00  }
0x99: {  	v7 =	vld [tilespmem:s3+$0x2A10];
	[tilespmem:s2+$0x2A30] =	vst v1;
	v0 =	vmax.f32 v0, $0.0e+00  }
.Ltmp1:
0x9a: {  	v3 =	vld [tilespmem:s3+$0x2A20];
	[tilespmem:s2+$0x2A40] =	vst v0;
	v0 =	vmax.f32 v2, $0.0e+00;
	(pc) =	sbr.rel @p0 .LBB2_4-.Ltmp1, $4  }
0x9b: {  	v1 =	vld [tilespmem:s3+$0x2A30];
	[tilespmem:s2+$0x2A50] =	vst v0;
	v2 =	vmax.f32 v4, $0.0e+00  }
0x9c: {  	v0 =	vld [tilespmem:s3+$0x2A40];
	[tilespmem:s2+$0x2A60] =	vst v2;
	v4 =	vmax.f32 v5, $0.0e+00  }
0x9d: {  	v5 =	vmax.f32 v6, $0.0e+00;
	v2 =	vld [tilespmem:s3+$0x2A50];
	[tilespmem:s2+$0x2A70] =	vst v4;
	s2 =	smov.u32 s3  }
0x9e: {  	s0 =	sadd.s32 $0x200, s0;
	[tilespmem:s2+$0x2A00] =	vst v5;
	v5 =	vmax.f32 v7, $0.0e+00;
	v4 =	vld [tilespmem:s2+$0x2A60]  }
0x9f: {  	[tilespmem:s2+$0x2A10] =	vst v5;
	v3 =	vmax.f32 v3, $0.0e+00;
	v60 =	vld [tilespmem:s2+$0x2A70]  }
0xa0: {  	[tilespmem:s2+$0x2A20] =	vst v3;
	v1 =	vmax.f32 v1, $0.0e+00  }
0xa1: {  	[tilespmem:s2+$0x2A30] =	vst v1;
	v0 =	vmax.f32 v0, $0.0e+00  }
0xa2: {  	[tilespmem:s2+$0x2A40] =	vst v0;
	v61 =	vmax.f32 v2, $0.0e+00  }
0xa3: {  	[tilespmem:s2+$0x2A50] =	vst v61;
	v62 =	vmax.f32 v4, $0.0e+00  }
0xa4: {  	[tilespmem:s2+$0x2A60] =	vst v62;
	v63 =	vmax.f32 v60, $0.0e+00  }
0xa5: {  	s11 =	simm.s32 $0x0;
	[tilespmem:s2+$0x2A70] =	vst v63;
	s2 =	simm.s32 $0x0  }
0xa6: {  	[spmem:s1] =	stream.indirect.scatter.add.f32 [tilespmem:s16], [sflag:$0x8], $0x80, s15, s13, $0xb8;
	[tilespmem:$0x1BB00] =	vst v63  }
.LBB2_6:
0xa7: {  	_ =	swait.ge [sflag:s29], $0x2800  }
0xa8: {  	[sflag:s29] =	ssyncset.done $0x0  }
0xa9: {  	[sflag:s29] =	ssyncadd.s32 $0xFFFFD800  }
0xaa: {  	_ =	swait.ge [sflag:s29], $0x2800  }
0xab: {  	[sflag:s29] =	ssyncset.done $0x0  }
0xac: {  	[sflag:s29] =	ssyncadd.s32 $0xFFFFD800  }
0xad: {  	_ =	swait.ge [sflag:s12], $0x50  }
0xae: {  	[sflag:s12] =	ssyncset.done $0x0  }
0xaf: {  	[sflag:s12] =	ssyncadd.s32 $0xFFFFFFB0  }
0xb0: {  	_ =	swait.ge [sflag:s12], $0x50  }
0xb1: {  	[sflag:s12] =	ssyncset.done $0x0  }
0xb2: {  	[sflag:s12] =	ssyncadd.s32 $0xFFFFFFB0  }
0xb3: {  	_ =	swait.ge [sflag:s12], $0x2800  }
0xb4: {  	[sflag:s12] =	ssyncset.done $0x0  }
0xb5: {  	[sflag:s12] =	ssyncadd.s32 $0xFFFFD800  }
0xb6: {  	[tilespmem:s10], [sflag:$0x4] =	stream.indirect.gather.add.f32 [hbm:s4], $0x80, s2, s13, $0xb8;
	[tilespmem:$0x1BB00] =	vst v63  }
0xb7: {  	_ = 	snop  }
0xb8: {  	[tilespmem:s10], [sflag:$0x4] =	stream.indirect.gather.add.f32 [hbm:s5], $0x80, s9, s13, $0xb8;
	[tilespmem:$0x1BB00] =	vst v63  }
0xb9: {  	s3 =	smul.u32 $0xF0, s11;
	_ =	swait.ge [sflag:s30], $0x2800  }
0xba: {  	s0 =	rddreg [dreg:$0x12]  }
0xbb: {  	s0 =	sadd.s32 s3, s0  }
0xbc: {  	[sflag:s30] =	ssyncset.done $0x0;
	s24 =	sshrl.u32 s0, $0x3  }
0xbd: {  	[sflag:s30] =	ssyncadd.s32 $0xFFFFD800;
	s25 =	sadd.s32 s7, s24  }
0xbe: {  	[tilespmem:s14], [sflag:$0x2] =	stream.linear.gather [hbm4b:s25+s2], $0x50, $0x38;
	[tilespmem:$0x1BB00] =	vst v63  }
0xbf: {  	s0 =	sshll.u32 s0, $0x4;
	s24 =	sadd.s32 s8, s24  }
0xc0: {  	[tilespmem:s15], [sflag:$0x2] =	stream.linear.gather [hbm4b:s24+s2], $0x50, $0x38;
	[tilespmem:$0x1BB00] =	vst v63  }
0xc1: {  	s0 =	sadd.s32 s6, s0  }
0xc2: {  	[tilespmem:s16], [sflag:$0x2] =	stream.linear.gather [hbm4b:s0+s2], $0x2800, $0x38;
	[tilespmem:$0x1BB00] =	vst v63  }
0xc3: {  	s0 =	simm.s32 $0x0  }
0xc4: {  	v2 =	vld [tilespmem:s0+$0x5300]  }
0xc5: {  	v4 =	vld [tilespmem:s0+$0x5310]  }
0xc6: {  	v3 =	vld [tilespmem:s0+$0x5320]  }
0xc7: {  	v1 =	vld [tilespmem:s0+$0x5330]  }
0xc8: {  	v0 =	vld [tilespmem:s0+$0x5340]  }
0xc9: {  	v5 =	vmax.f32 v2, $0.0e+00;
	v2 =	vld [tilespmem:s0+$0x5350]  }
0xca: {  	s24 =	simm.s32 $0x200;
	[tilespmem:s0+$0x5300] =	vst v5;
	v5 =	vmax.f32 v4, $0.0e+00;
	v4 =	vld [tilespmem:s0+$0x5360]  }
.LBB2_7:
0xcb: {  	s25 =	sshra.s32 s24, $0x2;
	p0 =	sne.s32 s24, $0x9E00;
	[tilespmem:s0+$0x5310] =	vst v5;
	v3 =	vmax.f32 v3, $0.0e+00;
	v5 =	vld [tilespmem:s0+$0x5370]  }
0xcc: {  	v6 =	vld [tilespmem:s25+$0x5300];
	[tilespmem:s0+$0x5320] =	vst v3;
	v1 =	vmax.f32 v1, $0.0e+00  }
0xcd: {  	v7 =	vld [tilespmem:s25+$0x5310];
	[tilespmem:s0+$0x5330] =	vst v1;
	v0 =	vmax.f32 v0, $0.0e+00  }
.Ltmp2:
0xce: {  	v3 =	vld [tilespmem:s25+$0x5320];
	[tilespmem:s0+$0x5340] =	vst v0;
	v0 =	vmax.f32 v2, $0.0e+00;
	(pc) =	sbr.rel @p0 .LBB2_7-.Ltmp2, $4  }
0xcf: {  	v1 =	vld [tilespmem:s25+$0x5330];
	[tilespmem:s0+$0x5350] =	vst v0;
	v2 =	vmax.f32 v4, $0.0e+00  }
0xd0: {  	v0 =	vld [tilespmem:s25+$0x5340];
	[tilespmem:s0+$0x5360] =	vst v2;
	v4 =	vmax.f32 v5, $0.0e+00  }
0xd1: {  	v5 =	vmax.f32 v6, $0.0e+00;
	v2 =	vld [tilespmem:s25+$0x5350];
	[tilespmem:s0+$0x5370] =	vst v4;
	s0 =	smov.u32 s25  }
0xd2: {  	s24 =	sadd.s32 $0x200, s24;
	[tilespmem:s0+$0x5300] =	vst v5;
	v5 =	vmax.f32 v7, $0.0e+00;
	v4 =	vld [tilespmem:s0+$0x5360]  }
0xd3: {  	[tilespmem:s0+$0x5310] =	vst v5;
	v3 =	vmax.f32 v3, $0.0e+00;
	v5 =	vld [tilespmem:s0+$0x5370]  }
0xd4: {  	[tilespmem:s0+$0x5320] =	vst v3;
	v1 =	vmax.f32 v1, $0.0e+00  }
0xd5: {  	[tilespmem:s0+$0x5330] =	vst v1;
	v0 =	vmax.f32 v0, $0.0e+00  }
0xd6: {  	[tilespmem:s0+$0x5340] =	vst v0;
	v0 =	vmax.f32 v2, $0.0e+00  }
0xd7: {  	[tilespmem:s0+$0x5350] =	vst v0;
	v0 =	vmax.f32 v4, $0.0e+00  }
0xd8: {  	[tilespmem:s0+$0x5360] =	vst v0;
	v0 =	vmax.f32 v5, $0.0e+00  }
0xd9: {  	[tilespmem:s0+$0x5370] =	vst v0  }
0xda: {  	[spmem:s1] =	stream.indirect.scatter.add.f32 [tilespmem:s21], [sflag:$0x9], $0x80, s20, s13, $0xb8;
	[tilespmem:$0x1BB00] =	vst v63  }
0xdb: {  	_ =	swait.ge [sflag:s17], $0x2800  }
0xdc: {  	[sflag:s17] =	ssyncset.done $0x0  }
0xdd: {  	[sflag:s17] =	ssyncadd.s32 $0xFFFFD800  }
0xde: {  	_ =	swait.ge [sflag:s17], $0x2800  }
0xdf: {  	[sflag:s17] =	ssyncset.done $0x0  }
0xe0: {  	[sflag:s17] =	ssyncadd.s32 $0xFFFFD800  }
0xe1: {  	_ =	swait.ge [sflag:s18], $0x50  }
0xe2: {  	[sflag:s18] =	ssyncset.done $0x0  }
0xe3: {  	[sflag:s18] =	ssyncadd.s32 $0xFFFFFFB0  }
0xe4: {  	_ =	swait.ge [sflag:s18], $0x50  }
0xe5: {  	[sflag:s18] =	ssyncset.done $0x0  }
0xe6: {  	[sflag:s18] =	ssyncadd.s32 $0xFFFFFFB0  }
0xe7: {  	_ =	swait.ge [sflag:s18], $0x2800  }
0xe8: {  	[sflag:s18] =	ssyncset.done $0x0  }
0xe9: {  	[sflag:s18] =	ssyncadd.s32 $0xFFFFD800  }
0xea: {  	[tilespmem:s16], [sflag:$0x5] =	stream.indirect.gather.add.f32 [hbm:s4], $0x80, s14, s13, $0xb8;
	[tilespmem:$0x1BB00] =	vst v63  }
0xeb: {  	_ = 	snop  }
0xec: {  	[tilespmem:s16], [sflag:$0x5] =	stream.indirect.gather.add.f32 [hbm:s5], $0x80, s15, s13, $0xb8;
	[tilespmem:$0x1BB00] =	vst v63  }
0xed: {  	_ =	swait.ge [sflag:s31], $0x2800  }
0xee: {  	s25 =	rddreg [dreg:$0x13]  }
0xef: {  	s0 =	sadd.s32 s3, s25  }
0xf0: {  	[sflag:s31] =	ssyncset.done $0x0;
	s24 =	sshrl.u32 s0, $0x3  }
0xf1: {  	[sflag:s31] =	ssyncadd.s32 $0xFFFFD800;
	s25 =	sadd.s32 s7, s24  }
0xf2: {  	[tilespmem:s19], [sflag:$0x3] =	stream.linear.gather [hbm4b:s25+s26], $0x50, $0x38;
	[tilespmem:$0x1BB00] =	vst v63  }
0xf3: {  	s0 =	sshll.u32 s0, $0x4;
	s24 =	sadd.s32 s8, s24  }
0xf4: {  	[tilespmem:s20], [sflag:$0x3] =	stream.linear.gather [hbm4b:s24+s26], $0x50, $0x38;
	[tilespmem:$0x1BB00] =	vst v63  }
0xf5: {  	s0 =	sadd.s32 s6, s0  }
0xf6: {  	[tilespmem:s21], [sflag:$0x3] =	stream.linear.gather [hbm4b:s0+s26], $0x2800, $0x38;
	[tilespmem:$0x1BB00] =	vst v63  }
0xf7: {  	s0 =	simm.s32 $0x0  }
0xf8: {  	v2 =	vld [tilespmem:s0+$0x100]  }
0xf9: {  	v4 =	vld [tilespmem:s0+$0x110]  }
0xfa: {  	v3 =	vld [tilespmem:s0+$0x120]  }
0xfb: {  	v1 =	vld [tilespmem:s0+$0x130]  }
0xfc: {  	v0 =	vld [tilespmem:s0+$0x140]  }
0xfd: {  	v5 =	vmax.f32 v2, $0.0e+00;
	v2 =	vld [tilespmem:s0+$0x150]  }
0xfe: {  	s24 =	simm.s32 $0x200;
	[tilespmem:s0+$0x100] =	vst v5;
	v5 =	vmax.f32 v4, $0.0e+00;
	v4 =	vld [tilespmem:s0+$0x160]  }
.LBB2_9:
0xff: {  	s25 =	sshra.s32 s24, $0x2;
	p0 =	sne.s32 s24, $0x9E00;
	[tilespmem:s0+$0x110] =	vst v5;
	v3 =	vmax.f32 v3, $0.0e+00;
	v5 =	vld [tilespmem:s0+$0x170]  }
0x100: {  	v6 =	vld [tilespmem:s25+$0x100];
	[tilespmem:s0+$0x120] =	vst v3;
	v1 =	vmax.f32 v1, $0.0e+00  }
0x101: {  	v7 =	vld [tilespmem:s25+$0x110];
	[tilespmem:s0+$0x130] =	vst v1;
	v0 =	vmax.f32 v0, $0.0e+00  }
.Ltmp3:
0x102: {  	v3 =	vld [tilespmem:s25+$0x120];
	[tilespmem:s0+$0x140] =	vst v0;
	v0 =	vmax.f32 v2, $0.0e+00;
	(pc) =	sbr.rel @p0 .LBB2_9-.Ltmp3, $4  }
0x103: {  	v1 =	vld [tilespmem:s25+$0x130];
	[tilespmem:s0+$0x150] =	vst v0;
	v2 =	vmax.f32 v4, $0.0e+00  }
0x104: {  	v0 =	vld [tilespmem:s25+$0x140];
	[tilespmem:s0+$0x160] =	vst v2;
	v4 =	vmax.f32 v5, $0.0e+00  }
0x105: {  	v5 =	vmax.f32 v6, $0.0e+00;
	v2 =	vld [tilespmem:s25+$0x150];
	[tilespmem:s0+$0x170] =	vst v4;
	s0 =	smov.u32 s25  }
0x106: {  	s24 =	sadd.s32 $0x200, s24;
	[tilespmem:s0+$0x100] =	vst v5;
	v5 =	vmax.f32 v7, $0.0e+00;
	v4 =	vld [tilespmem:s0+$0x160]  }
0x107: {  	[tilespmem:s0+$0x110] =	vst v5;
	v3 =	vmax.f32 v3, $0.0e+00;
	v5 =	vld [tilespmem:s0+$0x170]  }
0x108: {  	[tilespmem:s0+$0x120] =	vst v3;
	v1 =	vmax.f32 v1, $0.0e+00  }
0x109: {  	[tilespmem:s0+$0x130] =	vst v1;
	v0 =	vmax.f32 v0, $0.0e+00  }
0x10a: {  	[tilespmem:s0+$0x140] =	vst v0;
	v0 =	vmax.f32 v2, $0.0e+00  }
0x10b: {  	[tilespmem:s0+$0x150] =	vst v0;
	v0 =	vmax.f32 v4, $0.0e+00  }
0x10c: {  	[tilespmem:s0+$0x160] =	vst v0;
	v0 =	vmax.f32 v5, $0.0e+00  }
0x10d: {  	[tilespmem:s0+$0x170] =	vst v0  }
0x10e: {  	[spmem:s1] =	stream.indirect.scatter.add.f32 [tilespmem:s10], [sflag:$0x7], $0x80, s9, s13, $0xb8;
	[tilespmem:$0x1BB00] =	vst v63  }
0x10f: {  	_ =	swait.ge [sflag:s22], $0x2800  }
0x110: {  	[sflag:s22] =	ssyncset.done $0x0  }
0x111: {  	[sflag:s22] =	ssyncadd.s32 $0xFFFFD800  }
0x112: {  	_ =	swait.ge [sflag:s22], $0x2800  }
0x113: {  	[sflag:s22] =	ssyncset.done $0x0  }
0x114: {  	[sflag:s22] =	ssyncadd.s32 $0xFFFFD800  }
0x115: {  	_ =	swait.ge [sflag:s23], $0x50  }
0x116: {  	[sflag:s23] =	ssyncset.done $0x0  }
0x117: {  	[sflag:s23] =	ssyncadd.s32 $0xFFFFFFB0  }
0x118: {  	_ =	swait.ge [sflag:s23], $0x50  }
0x119: {  	[sflag:s23] =	ssyncset.done $0x0  }
0x11a: {  	[sflag:s23] =	ssyncadd.s32 $0xFFFFFFB0  }
0x11b: {  	_ =	swait.ge [sflag:s23], $0x2800  }
0x11c: {  	[sflag:s23] =	ssyncset.done $0x0  }
0x11d: {  	[sflag:s23] =	ssyncadd.s32 $0xFFFFD800  }
0x11e: {  	[tilespmem:s21], [sflag:$0x6] =	stream.indirect.gather.add.f32 [hbm:s4], $0x80, s19, s13, $0xb8;
	[tilespmem:$0x1BB00] =	vst v63  }
0x11f: {  	_ = 	snop  }
0x120: {  	[tilespmem:s21], [sflag:$0x6] =	stream.indirect.gather.add.f32 [hbm:s5], $0x80, s20, s13, $0xb8;
	[tilespmem:$0x1BB00] =	vst v63  }
0x121: {  	_ =	swait.ge [sflag:s28], $0x2800  }
0x122: {  	s25 =	rddreg [dreg:$0x14]  }
0x123: {  	s0 =	sadd.s32 s3, s25  }
0x124: {  	[sflag:s28] =	ssyncset.done $0x0;
	s3 =	sshrl.u32 s0, $0x3  }
0x125: {  	[sflag:s28] =	ssyncadd.s32 $0xFFFFD800;
	s25 =	simm.s32 $0x0;
	s24 =	sadd.s32 s7, s3  }
0x126: {  	[tilespmem:s25], [sflag:$0x1] =	stream.linear.gather [hbm4b:s24+s25], $0x50, $0x38;
	[tilespmem:$0x1BB00] =	vst v63  }
0x127: {  	s0 =	sshll.u32 s0, $0x4;
	s3 =	sadd.s32 s8, s3  }
0x128: {  	[tilespmem:s9], [sflag:$0x1] =	stream.linear.gather [hbm4b:s3+s25], $0x50, $0x38;
	[tilespmem:$0x1BB00] =	vst v63  }
0x129: {  	s0 =	sadd.s32 s6, s0  }
0x12a: {  	[tilespmem:s10], [sflag:$0x1] =	stream.linear.gather [hbm4b:s0+s25], $0x2800, $0x38;
	[tilespmem:$0x1BB00] =	vst v63  }
0x12b: {  	s0 =	simm.s32 $0x0  }
0x12c: {  	v2 =	vld [tilespmem:s0+$0x2A00]  }
0x12d: {  	v4 =	vld [tilespmem:s0+$0x2A10]  }
0x12e: {  	v3 =	vld [tilespmem:s0+$0x2A20]  }
0x12f: {  	v1 =	vld [tilespmem:s0+$0x2A30]  }
0x130: {  	v0 =	vld [tilespmem:s0+$0x2A40]  }
0x131: {  	v5 =	vmax.f32 v2, $0.0e+00;
	v2 =	vld [tilespmem:s0+$0x2A50]  }
0x132: {  	s3 =	simm.s32 $0x200;
	[tilespmem:s0+$0x2A00] =	vst v5;
	v5 =	vmax.f32 v4, $0.0e+00;
	v4 =	vld [tilespmem:s0+$0x2A60]  }
.LBB2_11:
0x133: {  	s24 =	sshra.s32 s3, $0x2;
	p0 =	sne.s32 s3, $0x9E00;
	[tilespmem:s0+$0x2A10] =	vst v5;
	v3 =	vmax.f32 v3, $0.0e+00;
	v5 =	vld [tilespmem:s0+$0x2A70]  }
0x134: {  	v6 =	vld [tilespmem:s24+$0x2A00];
	[tilespmem:s0+$0x2A20] =	vst v3;
	v1 =	vmax.f32 v1, $0.0e+00  }
0x135: {  	v7 =	vld [tilespmem:s24+$0x2A10];
	[tilespmem:s0+$0x2A30] =	vst v1;
	v0 =	vmax.f32 v0, $0.0e+00  }
.Ltmp4:
0x136: {  	v3 =	vld [tilespmem:s24+$0x2A20];
	[tilespmem:s0+$0x2A40] =	vst v0;
	v0 =	vmax.f32 v2, $0.0e+00;
	(pc) =	sbr.rel @p0 .LBB2_11-.Ltmp4, $4  }
0x137: {  	v1 =	vld [tilespmem:s24+$0x2A30];
	[tilespmem:s0+$0x2A50] =	vst v0;
	v2 =	vmax.f32 v4, $0.0e+00  }
0x138: {  	v0 =	vld [tilespmem:s24+$0x2A40];
	[tilespmem:s0+$0x2A60] =	vst v2;
	v4 =	vmax.f32 v5, $0.0e+00  }
0x139: {  	v5 =	vmax.f32 v6, $0.0e+00;
	v2 =	vld [tilespmem:s24+$0x2A50];
	[tilespmem:s0+$0x2A70] =	vst v4;
	s0 =	smov.u32 s24  }
0x13a: {  	s3 =	sadd.s32 $0x200, s3;
	[tilespmem:s0+$0x2A00] =	vst v5;
	v5 =	vmax.f32 v7, $0.0e+00;
	v4 =	vld [tilespmem:s0+$0x2A60]  }
0x13b: {  	[tilespmem:s0+$0x2A10] =	vst v5;
	v3 =	vmax.f32 v3, $0.0e+00;
	v60 =	vld [tilespmem:s0+$0x2A70]  }
0x13c: {  	s11 =	sadd.s32 $0x1, s11;
	[tilespmem:s0+$0x2A20] =	vst v3;
	v1 =	vmax.f32 v1, $0.0e+00  }
0x13d: {  	p0 =	sne.s32 s11, $0x28;
	[tilespmem:s0+$0x2A30] =	vst v1;
	v0 =	vmax.f32 v0, $0.0e+00  }
.Ltmp5:
0x13e: {  	[tilespmem:s0+$0x2A40] =	vst v0;
	v61 =	vmax.f32 v2, $0.0e+00;
	(pc) =	sbr.rel @p0 .LBB2_6-.Ltmp5, $4  }
0x13f: {  	[tilespmem:s0+$0x2A50] =	vst v61;
	v62 =	vmax.f32 v4, $0.0e+00  }
0x140: {  	[tilespmem:s0+$0x2A60] =	vst v62;
	v63 =	vmax.f32 v60, $0.0e+00  }
0x141: {  	[tilespmem:s0+$0x2A70] =	vst v63  }
0x142: {  	[spmem:s1] =	stream.indirect.scatter.add.f32 [tilespmem:s16], [sflag:$0x8], $0x80, s15, s13, $0xb8;
	[tilespmem:$0x1BB00] =	vst v63  }
0x143: {  	_ =	swait.ge [sflag:s29], $0x2800  }
0x144: {  	[sflag:s29] =	ssyncset.done $0x0  }
0x145: {  	[sflag:s29] =	ssyncadd.s32 $0xFFFFD800  }
0x146: {  	_ =	swait.ge [sflag:s29], $0x2800  }
0x147: {  	[sflag:s29] =	ssyncset.done $0x0  }
0x148: {  	[sflag:s29] =	ssyncadd.s32 $0xFFFFD800  }
0x149: {  	_ =	swait.ge [sflag:s12], $0x50  }
0x14a: {  	[sflag:s12] =	ssyncset.done $0x0  }
0x14b: {  	[sflag:s12] =	ssyncadd.s32 $0xFFFFFFB0  }
0x14c: {  	_ =	swait.ge [sflag:s12], $0x50  }
0x14d: {  	[sflag:s12] =	ssyncset.done $0x0  }
0x14e: {  	[sflag:s12] =	ssyncadd.s32 $0xFFFFFFB0  }
0x14f: {  	_ =	swait.ge [sflag:s12], $0x2800  }
0x150: {  	[sflag:s12] =	ssyncset.done $0x0  }
0x151: {  	s0 =	simm.s32 $0x0;
	[sflag:s12] =	ssyncadd.s32 $0xFFFFD800  }
0x152: {  	[tilespmem:s10], [sflag:$0x4] =	stream.indirect.gather.add.f32 [hbm:s4], $0x80, s0, s13, $0xb8;
	[tilespmem:$0x1BB00] =	vst v63  }
0x153: {  	_ = 	snop  }
0x154: {  	[tilespmem:s10], [sflag:$0x4] =	stream.indirect.gather.add.f32 [hbm:s5], $0x80, s9, s13, $0xb8;
	[tilespmem:$0x1BB00] =	vst v63  }
0x155: {  	_ =	swait.ge [sflag:s30], $0x2800  }
0x156: {  	[sflag:s30] =	ssyncset.done $0x0  }
0x157: {  	s2 =	rddreg [dreg:$0x15];
	[sflag:s30] =	ssyncadd.s32 $0xFFFFD800  }
0x158: {  	[tilespmem:s14], [sflag:$0x2] =	stream.linear.gather [hbm4b:s2+s0], $0x50, $0x38;
	[tilespmem:$0x1BB00] =	vst v63  }
0x159: {  	s24 =	rddreg [dreg:$0x16]  }
0x15a: {  	[tilespmem:s15], [sflag:$0x2] =	stream.linear.gather [hbm4b:s24+s0], $0x50, $0x38;
	[tilespmem:$0x1BB00] =	vst v63  }
0x15b: {  	s25 =	rddreg [dreg:$0x17]  }
0x15c: {  	[tilespmem:s16], [sflag:$0x2] =	stream.linear.gather [hbm4b:s25+s0], $0x2800, $0x38;
	[tilespmem:$0x1BB00] =	vst v63  }
0x15d: {  	s0 =	simm.s32 $0x0  }
0x15e: {  	v2 =	vld [tilespmem:s0+$0x5300]  }
0x15f: {  	v4 =	vld [tilespmem:s0+$0x5310]  }
0x160: {  	v3 =	vld [tilespmem:s0+$0x5320]  }
0x161: {  	v1 =	vld [tilespmem:s0+$0x5330]  }
0x162: {  	v0 =	vld [tilespmem:s0+$0x5340]  }
0x163: {  	v5 =	vmax.f32 v2, $0.0e+00;
	v2 =	vld [tilespmem:s0+$0x5350]  }
0x164: {  	s2 =	simm.s32 $0x200;
	[tilespmem:s0+$0x5300] =	vst v5;
	v5 =	vmax.f32 v4, $0.0e+00;
	v4 =	vld [tilespmem:s0+$0x5360]  }
.LBB2_14:
0x165: {  	s3 =	sshra.s32 s2, $0x2;
	p0 =	sne.s32 s2, $0x9E00;
	[tilespmem:s0+$0x5310] =	vst v5;
	v3 =	vmax.f32 v3, $0.0e+00;
	v5 =	vld [tilespmem:s0+$0x5370]  }
0x166: {  	v6 =	vld [tilespmem:s3+$0x5300];
	[tilespmem:s0+$0x5320] =	vst v3;
	v1 =	vmax.f32 v1, $0.0e+00  }
0x167: {  	v7 =	vld [tilespmem:s3+$0x5310];
	[tilespmem:s0+$0x5330] =	vst v1;
	v0 =	vmax.f32 v0, $0.0e+00  }
.Ltmp6:
0x168: {  	v3 =	vld [tilespmem:s3+$0x5320];
	[tilespmem:s0+$0x5340] =	vst v0;
	v0 =	vmax.f32 v2, $0.0e+00;
	(pc) =	sbr.rel @p0 .LBB2_14-.Ltmp6, $4  }
0x169: {  	v1 =	vld [tilespmem:s3+$0x5330];
	[tilespmem:s0+$0x5350] =	vst v0;
	v2 =	vmax.f32 v4, $0.0e+00  }
0x16a: {  	v0 =	vld [tilespmem:s3+$0x5340];
	[tilespmem:s0+$0x5360] =	vst v2;
	v4 =	vmax.f32 v5, $0.0e+00  }
0x16b: {  	v5 =	vmax.f32 v6, $0.0e+00;
	v2 =	vld [tilespmem:s3+$0x5350];
	[tilespmem:s0+$0x5370] =	vst v4;
	s0 =	smov.u32 s3  }
0x16c: {  	s2 =	sadd.s32 $0x200, s2;
	[tilespmem:s0+$0x5300] =	vst v5;
	v5 =	vmax.f32 v7, $0.0e+00;
	v4 =	vld [tilespmem:s0+$0x5360]  }
0x16d: {  	[tilespmem:s0+$0x5310] =	vst v5;
	v3 =	vmax.f32 v3, $0.0e+00;
	v5 =	vld [tilespmem:s0+$0x5370]  }
0x16e: {  	[tilespmem:s0+$0x5320] =	vst v3;
	v1 =	vmax.f32 v1, $0.0e+00  }
0x16f: {  	[tilespmem:s0+$0x5330] =	vst v1;
	v0 =	vmax.f32 v0, $0.0e+00  }
0x170: {  	[tilespmem:s0+$0x5340] =	vst v0;
	v0 =	vmax.f32 v2, $0.0e+00  }
0x171: {  	[tilespmem:s0+$0x5350] =	vst v0;
	v0 =	vmax.f32 v4, $0.0e+00  }
0x172: {  	[tilespmem:s0+$0x5360] =	vst v0;
	v0 =	vmax.f32 v5, $0.0e+00  }
0x173: {  	[tilespmem:s0+$0x5370] =	vst v0  }
0x174: {  	[spmem:s1] =	stream.indirect.scatter.add.f32 [tilespmem:s21], [sflag:$0x9], $0x80, s20, s13, $0xb8;
	[tilespmem:$0x1BB00] =	vst v63  }
0x175: {  	_ =	swait.ge [sflag:s17], $0x2800  }
0x176: {  	[sflag:s17] =	ssyncset.done $0x0  }
0x177: {  	[sflag:s17] =	ssyncadd.s32 $0xFFFFD800  }
0x178: {  	_ =	swait.ge [sflag:s17], $0x2800  }
0x179: {  	[sflag:s17] =	ssyncset.done $0x0  }
0x17a: {  	[sflag:s17] =	ssyncadd.s32 $0xFFFFD800  }
0x17b: {  	_ =	swait.ge [sflag:s18], $0x50  }
0x17c: {  	[sflag:s18] =	ssyncset.done $0x0  }
0x17d: {  	[sflag:s18] =	ssyncadd.s32 $0xFFFFFFB0  }
0x17e: {  	_ =	swait.ge [sflag:s18], $0x50  }
0x17f: {  	[sflag:s18] =	ssyncset.done $0x0  }
0x180: {  	[sflag:s18] =	ssyncadd.s32 $0xFFFFFFB0  }
0x181: {  	_ =	swait.ge [sflag:s18], $0x2800  }
0x182: {  	[sflag:s18] =	ssyncset.done $0x0  }
0x183: {  	[sflag:s18] =	ssyncadd.s32 $0xFFFFD800  }
0x184: {  	[tilespmem:s16], [sflag:$0x5] =	stream.indirect.gather.add.f32 [hbm:s4], $0x80, s14, s13, $0xb8;
	[tilespmem:$0x1BB00] =	vst v63  }
0x185: {  	s0 =	simm.s32 $0x0  }
0x186: {  	[tilespmem:s16], [sflag:$0x5] =	stream.indirect.gather.add.f32 [hbm:s5], $0x80, s15, s13, $0xb8;
	[tilespmem:$0x1BB00] =	vst v63  }
0x187: {  	v2 =	vld [tilespmem:s0+$0x100]  }
0x188: {  	v4 =	vld [tilespmem:s0+$0x110]  }
0x189: {  	v3 =	vld [tilespmem:s0+$0x120]  }
0x18a: {  	v1 =	vld [tilespmem:s0+$0x130]  }
0x18b: {  	v0 =	vld [tilespmem:s0+$0x140]  }
0x18c: {  	v5 =	vmax.f32 v2, $0.0e+00;
	v2 =	vld [tilespmem:s0+$0x150]  }
0x18d: {  	s2 =	simm.s32 $0x200;
	s24 =	rddreg [dreg:$0x5];
	[tilespmem:s0+$0x100] =	vst v5;
	v5 =	vmax.f32 v4, $0.0e+00;
	v4 =	vld [tilespmem:s0+$0x160]  }
.LBB2_16:
0x18e: {  	s3 =	sshra.s32 s2, $0x2;
	p0 =	sne.s32 s2, $0x9E00;
	[tilespmem:s0+$0x110] =	vst v5;
	v3 =	vmax.f32 v3, $0.0e+00;
	v5 =	vld [tilespmem:s0+$0x170]  }
0x18f: {  	v6 =	vld [tilespmem:s3+$0x100];
	[tilespmem:s0+$0x120] =	vst v3;
	v1 =	vmax.f32 v1, $0.0e+00  }
0x190: {  	v7 =	vld [tilespmem:s3+$0x110];
	[tilespmem:s0+$0x130] =	vst v1;
	v0 =	vmax.f32 v0, $0.0e+00  }
.Ltmp7:
0x191: {  	v3 =	vld [tilespmem:s3+$0x120];
	[tilespmem:s0+$0x140] =	vst v0;
	v0 =	vmax.f32 v2, $0.0e+00;
	(pc) =	sbr.rel @p0 .LBB2_16-.Ltmp7, $4  }
0x192: {  	v1 =	vld [tilespmem:s3+$0x130];
	[tilespmem:s0+$0x150] =	vst v0;
	v2 =	vmax.f32 v4, $0.0e+00  }
0x193: {  	v0 =	vld [tilespmem:s3+$0x140];
	[tilespmem:s0+$0x160] =	vst v2;
	v4 =	vmax.f32 v5, $0.0e+00  }
0x194: {  	v5 =	vmax.f32 v6, $0.0e+00;
	v2 =	vld [tilespmem:s3+$0x150];
	[tilespmem:s0+$0x170] =	vst v4;
	s0 =	smov.u32 s3  }
0x195: {  	s2 =	sadd.s32 $0x200, s2;
	[tilespmem:s0+$0x100] =	vst v5;
	v5 =	vmax.f32 v7, $0.0e+00;
	v4 =	vld [tilespmem:s0+$0x160]  }
0x196: {  	[tilespmem:s0+$0x110] =	vst v5;
	v3 =	vmax.f32 v3, $0.0e+00;
	v5 =	vld [tilespmem:s0+$0x170]  }
0x197: {  	[tilespmem:s0+$0x120] =	vst v3;
	v1 =	vmax.f32 v1, $0.0e+00  }
0x198: {  	[tilespmem:s0+$0x130] =	vst v1;
	v0 =	vmax.f32 v0, $0.0e+00  }
0x199: {  	[tilespmem:s0+$0x140] =	vst v0;
	v0 =	vmax.f32 v2, $0.0e+00  }
0x19a: {  	[tilespmem:s0+$0x150] =	vst v0;
	v0 =	vmax.f32 v4, $0.0e+00  }
0x19b: {  	[tilespmem:s0+$0x160] =	vst v0;
	v0 =	vmax.f32 v5, $0.0e+00  }
0x19c: {  	[tilespmem:s0+$0x170] =	vst v0  }
0x19d: {  	[spmem:s1] =	stream.indirect.scatter.add.f32 [tilespmem:s10], [sflag:$0x7], $0x80, s9, s13, $0xb8;
	[tilespmem:$0x1BB00] =	vst v63  }
0x19e: {  	_ =	swait.ge [sflag:s22], $0x2800  }
0x19f: {  	[sflag:s22] =	ssyncset.done $0x0  }
0x1a0: {  	[sflag:s22] =	ssyncadd.s32 $0xFFFFD800  }
0x1a1: {  	_ =	swait.ge [sflag:s22], $0x2800  }
0x1a2: {  	[sflag:s22] =	ssyncset.done $0x0  }
0x1a3: {  	s0 =	simm.s32 $0x0;
	[sflag:s22] =	ssyncadd.s32 $0xFFFFD800  }
0x1a4: {  	v2 =	vld [tilespmem:s0+$0x2A00]  }
0x1a5: {  	v4 =	vld [tilespmem:s0+$0x2A10]  }
0x1a6: {  	v3 =	vld [tilespmem:s0+$0x2A20]  }
0x1a7: {  	v1 =	vld [tilespmem:s0+$0x2A30]  }
0x1a8: {  	v0 =	vld [tilespmem:s0+$0x2A40]  }
0x1a9: {  	v5 =	vmax.f32 v2, $0.0e+00;
	v2 =	vld [tilespmem:s0+$0x2A50]  }
0x1aa: {  	s2 =	simm.s32 $0x200;
	[tilespmem:s0+$0x2A00] =	vst v5;
	v5 =	vmax.f32 v4, $0.0e+00;
	v4 =	vld [tilespmem:s0+$0x2A60]  }
.LBB2_18:
0x1ab: {  	s3 =	sshra.s32 s2, $0x2;
	p0 =	sne.s32 s2, $0x9E00;
	[tilespmem:s0+$0x2A10] =	vst v5;
	v3 =	vmax.f32 v3, $0.0e+00;
	v5 =	vld [tilespmem:s0+$0x2A70]  }
0x1ac: {  	v6 =	vld [tilespmem:s3+$0x2A00];
	[tilespmem:s0+$0x2A20] =	vst v3;
	v1 =	vmax.f32 v1, $0.0e+00  }
0x1ad: {  	v7 =	vld [tilespmem:s3+$0x2A10];
	[tilespmem:s0+$0x2A30] =	vst v1;
	v0 =	vmax.f32 v0, $0.0e+00  }
.Ltmp8:
0x1ae: {  	v3 =	vld [tilespmem:s3+$0x2A20];
	[tilespmem:s0+$0x2A40] =	vst v0;
	v0 =	vmax.f32 v2, $0.0e+00;
	(pc) =	sbr.rel @p0 .LBB2_18-.Ltmp8, $4  }
0x1af: {  	v1 =	vld [tilespmem:s3+$0x2A30];
	[tilespmem:s0+$0x2A50] =	vst v0;
	v2 =	vmax.f32 v4, $0.0e+00  }
0x1b0: {  	v0 =	vld [tilespmem:s3+$0x2A40];
	[tilespmem:s0+$0x2A60] =	vst v2;
	v4 =	vmax.f32 v5, $0.0e+00  }
0x1b1: {  	v5 =	vmax.f32 v6, $0.0e+00;
	v2 =	vld [tilespmem:s3+$0x2A50];
	[tilespmem:s0+$0x2A70] =	vst v4;
	s0 =	smov.u32 s3  }
0x1b2: {  	s2 =	sadd.s32 $0x200, s2;
	[tilespmem:s0+$0x2A00] =	vst v5;
	v5 =	vmax.f32 v7, $0.0e+00;
	v4 =	vld [tilespmem:s0+$0x2A60]  }
0x1b3: {  	[tilespmem:s0+$0x2A10] =	vst v5;
	v3 =	vmax.f32 v3, $0.0e+00;
	v60 =	vld [tilespmem:s0+$0x2A70]  }
0x1b4: {  	[tilespmem:s0+$0x2A20] =	vst v3;
	v1 =	vmax.f32 v1, $0.0e+00  }
0x1b5: {  	[tilespmem:s0+$0x2A30] =	vst v1;
	v0 =	vmax.f32 v0, $0.0e+00  }
0x1b6: {  	[tilespmem:s0+$0x2A40] =	vst v0;
	v61 =	vmax.f32 v2, $0.0e+00  }
0x1b7: {  	[tilespmem:s0+$0x2A50] =	vst v61;
	v62 =	vmax.f32 v4, $0.0e+00  }
0x1b8: {  	[tilespmem:s0+$0x2A60] =	vst v62;
	v63 =	vmax.f32 v60, $0.0e+00  }
0x1b9: {  	[tilespmem:s0+$0x2A70] =	vst v63  }
0x1ba: {  	[spmem:s1] =	stream.indirect.scatter.add.f32 [tilespmem:s16], [sflag:$0x8], $0x80, s15, s13, $0xb8;
	[tilespmem:$0x1BB00] =	vst v63  }
0x1bb: {  	_ =	swait.ge [sflag:s31], $0x2800  }
0x1bc: {  	[sflag:s31] =	ssyncset.done $0x0  }
0x1bd: {  	[sflag:s31] =	ssyncadd.s32 $0xFFFFD800  }
0x1be: {  	_ =	swait.ge [sflag:s28], $0x2800  }
0x1bf: {  	[sflag:s28] =	ssyncset.done $0x0  }
0x1c0: {  	[sflag:s28] =	ssyncadd.s32 $0xFFFFD800  }
0x1c1: {  	_ =	swait.ge [sflag:s30], $0x2800  }
0x1c2: {  	[sflag:s30] =	ssyncset.done $0x0  }
0x1c3: {  	[sflag:s30] =	ssyncadd.s32 $0xFFFFD800  }
0x1c4: {  	[bflag:$0x0] =	sbarrier.arrive $0xFFFF  }
0x1c5: {  	s11 =	rddreg [dreg:$0x18]  }
0x1c6: {  	s2 =	rddreg [dreg:$0x1b]  }
0x1c7: {  	[hbm:s11], [sflag:s24] =	dma.local [spmem:s2], $0x2800  }
0x1c8: {  	s2 =	simm.s32 $0xA  }
0x1c9: {  	_ =	swait.ge [sflag:s2], $0x2800  }
0x1ca: {  	s3 =	rddreg [dreg:$0x1a]  }
0x1cb: {  	s25 =	rddreg [dreg:$0x19];
	s3 =	sadd.s32 $0x1, s3  }
0x1cc: {  	p0 =	sne.s32 s3, s25  }
.Ltmp9:
0x1cd: {  	_ = 	snop;
	(pc) =	sbr.rel @p0 .LBB2_1-.Ltmp9, $3  }
0x1ce: {  	_ =	sdelay $0x1  }
0x1cf: {  	[sflag:s2] =	ssyncset.done $0x0  }
0x1d0: {  	[sflag:s2] =	ssyncadd.s32 $0xFFFFD800  }
0x1d1: {  	_ =	sfence.sel $0x180000  }
0x1d2: {  	[bflag:$0x0] =	sbarrier.arrive $0xFFFF  }
0x1d3: {  	_ =	strace $0x9000004A  }
0x1d4: {  	s0 =	stileid.u32;
	[bflag:$0x2] =	sbarrier.arrive $0xFFFF  }
0x1d5: {  	p0 =	sne.s32 s0, $0x0;
	s0 =	rddreg [dreg:$0x2]  }
0x1d6: {  	s0 =	sadd.s32 @!p0 $0x100000, s0  }
0x1d7: {  	[sflag:s0] =	ssyncadd.tile.s32 @!p0 $0x1;
	_ =	shalt  }
.Lfunc_end2:
_tile_overlayer_lowered:
.L_overlay_start_2:
0x1d8: {  	(tag) =	ssettag $0x2  }
0x1d9: {  	s0 =	rddreg [dreg:$0x0];
	s2 =	stileid.u32  }
0x1da: {  	s1 =	rddreg [dreg:$0x1];
	p0 =	sne.s32 s2, $0x0  }
0x1db: {  	s3 =	rddreg [dreg:$0x2];
	[bflag:$0x3] =	sbarrier.arrive $0xFFFF;
	s2 =	simm.s32 @!p0 $0x1C0A  }
0x1dc: {  	[timem:s3], [sflag:s2] =	dma.local @!p0 [hbm:s0], s1  }
0x1dd: {  	s0 =	simm.s32 @!p0 $0xA  }
0x1de: {  	_ =	swait.ge @!p0 [sflag:s0], s1  }
0x1df: {  	s1 =	ssub.s32 @!p0 $0x0, s1;
	[sflag:s0] =	ssyncset.done @!p0 $0x0  }
0x1e0: {  	[sflag:s0] =	ssyncadd.s32 @!p0 s1  }
0x1e1: {  	[bflag:$0x3] =	sbarrier.arrive $0xFFFF  }
0x1e2: {  	_ =	shalt  }

// kernel: kernel.9.cloned.1.call-start
scs
__scs_entry_jumppad:
0x0: {  	(pc) =	sbr.rel $0x88, $3  }
0x1: {  	(tag) =	ssettag $0x0;
	lr =	simm.s32 $0x1  }
0x2: {  	[smem:$0x3F93] =	sst lr;
	_ =	strace $0xD0000000  }
0x3: {  	_ = 	snop  }
0x4: {  	_ = 	snop  }
0x5: {  	_ = 	snop  }
0x6: {  	_ = 	snop  }
0x7: {  	_ = 	snop  }
__scs_overlays_trampoline_lowered:
0x8: {  	[smem:$0x3FA2] =	sst s0  }
0x9: {  	[smem:$0x3FA3] =	sst s1  }
0xa: {  	[smem:$0x3FA4] =	sst s2  }
0xb: {  	[smem:$0x3FA5] =	sst s3  }
0xc: {  	[smem:$0x3FA6] =	sst s4  }
0xd: {  	[smem:$0x3FA7] =	sst s5  }
0xe: {  	[smem:$0x3FA8] =	sst s6  }
0xf: {  	[smem:$0x3FA9] =	sst s7  }
0x10: {  	[smem:$0x3FAA] =	sst s8  }
0x11: {  	[smem:$0x3FAB] =	sst s9;
	s0 =	simm.s32 @!p0 $0x0  }
0x12: {  	s1 =	sld [smem:$0x3F91];
	s0 =	simm.s32 @p0 $0x1  }
0x13: {  	[smem:$0x3FAC] =	sst s0;
	s0 =	simm.s32 @!p1 $0x0  }
0x14: {  	s2 =	sld [smem:$0x3F90];
	s0 =	simm.s32 @p1 $0x1  }
0x15: {  	[smem:$0x3FAD] =	sst s0;
	s0 =	simm.s32 @!p2 $0x0  }
0x16: {  	s3 =	sld [smem:$0x3FDB];
	s0 =	simm.s32 @p2 $0x1  }
0x17: {  	s4 =	simm.s32 $0x1BF5;
	[smem:$0x3FAF] =	sst s0  }
0x18: {  	s0 =	sld [smem:$0x3F92];
	_ =	swait.ge [sflag:s4], $0x0  }
0x19: {  	s7 =	sld [smem:$0x3F93]  }
0x1a: {  	s8 =	sadd.s32 $0xFFFFE003, lr  }
0x1b: {  	s9 =	sadd.s32 $0xFFFFFEF7, lr;
	s5 =	simm.s32 $0xFFFFFFFF;
	p2 =	slt.u32 s8, $0xFFFFF086  }
0x1c: {  	p1 =	slt.u32 s9, $0xF7A;
	s5 =	simm.s32 @!p2 $0x0  }
0x1d: {  	s5 =	simm.s32 @p1 $0x1;
	p0 =	seq.s32 s7, s2  }
0x1e: {  	s7 =	smul.u32 @!p0 $0xF7A, s2;
	p2 =	seq.s32 @!p0 s5, $0x0  }
0x1f: {  	s9 =	smul.u32 $0xF7A, s1;
	s8 =	simm.s32 @!p0 $0x1BF5;
	p2 =	por !p2, p0  }
0x20: {  	[sflag:s8] =	ssyncset.s32 @!p0 $0xFFFFF086;
	s6 =	sadd.s32 @!p0 s3, s7;
	s7 =	simm.s32 @!p0 $0x108  }
0x21: {  	s3 =	sadd.s32 s3, s9;
	s6 =	sadd.s32 @!p0 $0x88, s6;
	s7 =	simm.s32 @p2 $0x1082  }
0x22: {  	[simem:s7], [sflag:s8] =	dma.local @!p0 [hbm:s6], $0xF7A  }
0x23: {  	s9 =	sor.u32 $0xD0000000, s2;
	s6 =	simm.s32 $0x108;
	_ =	swait.ge @!p0 [sflag:s8], $0x0  }
0x24: {  	s3 =	sadd.s32 $0x88, s3;
	s6 =	simm.s32 @!p1 $0x1082;
	[sflag:s4] =	ssyncset.s32 $0xFFFFF086  }
0x25: {  	[simem:s6], [sflag:s4] =	dma.local [hbm:s3], $0xF7A  }
0x26: {  	[smem:$0x3F93] =	sst s1;
	(tag) =	ssettag s2;
	_ =	strace s9  }
0x27: {  	s1 =	sld [smem:$0x3FA3]  }
0x28: {  	s2 =	sld [smem:$0x3FA4]  }
0x29: {  	s4 =	sld [smem:$0x3FA6]  }
0x2a: {  	p0 =	seq.s32 s5, $0x0;
	s5 =	sld [smem:$0x3FA7]  }
0x2b: {  	s6 =	sld [smem:$0x3FA8]  }
0x2c: {  	s7 =	sld [smem:$0x3FA9]  }
0x2d: {  	s3 =	simm.s32 $0x108;
	s8 =	sld [smem:$0x3FAA]  }
0x2e: {  	s3 =	simm.s32 @!p0 $0x1082;
	s9 =	sld [smem:$0x3FAB]  }
0x2f: {  	lr =	sadd.s32 s0, s3;
	s0 =	sld [smem:$0x3FA2]  }
0x30: {  	s3 =	sld [smem:$0x3FA5]  }
0x31: {  	[smem:$0x3FAE] =	sst s10  }
0x32: {  	s10 =	sld [smem:$0x3FAC];
	_ =	sdelay $0x3  }
0x33: {  	p0 =	seq.s32 s10, $0x1;
	s10 =	sld [smem:$0x3FAE];
	_ =	sdelay $0x3  }
0x34: {  	[smem:$0x3FAE] =	sst s10  }
0x35: {  	s10 =	sld [smem:$0x3FAD];
	_ =	sdelay $0x3  }
0x36: {  	p1 =	seq.s32 s10, $0x1;
	s10 =	sld [smem:$0x3FAE];
	_ =	sdelay $0x3  }
0x37: {  	[smem:$0x3FAE] =	sst s10  }
0x38: {  	s10 =	sld [smem:$0x3FAF]  }
0x39: {  	_ = 	snop;
	(pc) =	sbr.ind lr, $3  }
0x3a: {  	_ = 	snop  }
0x3b: {  	_ = 	snop  }
0x3c: {  	p2 =	seq.s32 s10, $0x1;
	s10 =	sld [smem:$0x3FAE]  }
0x3d: {  	_ =	shalt  }
0x3e: {  	_ =	shalt  }
0x3f: {  	_ =	shalt  }
0x40: {  	_ =	shalt  }
0x41: {  	_ =	shalt  }
0x42: {  	_ =	shalt  }
0x43: {  	_ =	shalt  }
0x44: {  	_ =	shalt  }
0x45: {  	_ =	shalt  }
0x46: {  	_ =	shalt  }
0x47: {  	_ =	shalt  }
0x48: {  	_ =	shalt  }
0x49: {  	_ =	shalt  }
0x4a: {  	_ =	shalt  }
0x4b: {  	_ =	shalt  }
0x4c: {  	_ =	shalt  }
0x4d: {  	_ =	shalt  }
0x4e: {  	_ =	shalt  }
0x4f: {  	_ =	shalt  }
0x50: {  	_ =	shalt  }
0x51: {  	_ =	shalt  }
0x52: {  	_ =	shalt  }
0x53: {  	_ =	shalt  }
0x54: {  	_ =	shalt  }
0x55: {  	_ =	shalt  }
0x56: {  	_ =	shalt  }
0x57: {  	_ =	shalt  }
0x58: {  	_ =	shalt  }
0x59: {  	_ =	shalt  }
0x5a: {  	_ =	shalt  }
0x5b: {  	_ =	shalt  }
0x5c: {  	_ =	shalt  }
0x5d: {  	_ =	shalt  }
0x5e: {  	_ =	shalt  }
0x5f: {  	_ =	shalt  }
0x60: {  	_ =	shalt  }
0x61: {  	_ =	shalt  }
0x62: {  	_ =	shalt  }
0x63: {  	_ =	shalt  }
0x64: {  	_ =	shalt  }
0x65: {  	_ =	shalt  }
0x66: {  	_ =	shalt  }
0x67: {  	_ =	shalt  }
0x68: {  	_ =	shalt  }
0x69: {  	_ =	shalt  }
0x6a: {  	_ =	shalt  }
0x6b: {  	_ =	shalt  }
0x6c: {  	_ =	shalt  }
0x6d: {  	_ =	shalt  }
0x6e: {  	_ =	shalt  }
0x6f: {  	_ =	shalt  }
0x70: {  	_ =	shalt  }
0x71: {  	_ =	shalt  }
0x72: {  	_ =	shalt  }
0x73: {  	_ =	shalt  }
0x74: {  	_ =	shalt  }
0x75: {  	_ =	shalt  }
0x76: {  	_ =	shalt  }
0x77: {  	_ =	shalt  }
0x78: {  	_ =	shalt  }
0x79: {  	_ =	shalt  }
0x7a: {  	_ =	shalt  }
0x7b: {  	_ =	shalt  }
0x7c: {  	_ =	shalt  }
0x7d: {  	_ =	shalt  }
0x7e: {  	_ =	shalt  }
0x7f: {  	_ =	shalt  }
0x80: {  	_ =	shalt  }
0x81: {  	_ =	shalt  }
0x82: {  	_ =	shalt  }
0x83: {  	_ =	shalt  }
0x84: {  	_ =	shalt  }
0x85: {  	_ =	shalt  }
0x86: {  	_ =	shalt  }
0x87: {  	_ =	shalt  }
.Lfunc_end0:
.L_simem_size_0:
called_computation_lowered:
.L_overlay_start_0:
0x88: {  	s2 =	sld [smem:$0x3FD9]  }
0x89: {  	s3 =	sld [smem:$0x3FFE];
	_ =	sdelay $0x1  }
0x8a: {  	s1 =	srdreg.scid  }
0x8b: {  	s0 =	sand.u32 $0x1, s1  }
0x8c: {  	s16 =	sshll.u32 s0, $0xA;
	s2 =	sadd.s32 s3, s2  }
0x8d: {  	s2 =	sadd.s32 s2, s16  }
0x8e: {  	[smem:$0x3FBA] =	sst s2  }
0x8f: {  	_ = 	snop  }
0x90: {  	(tm) =	ssettm $0x1  }
0x91: {  	s17 =	sld [smem:$0x3FFB];
	_ =	sdelay $0x3  }
0x92: {  	_ =	strace s17  }
0x93: {  	s2 =	sld [smem:$0x3FFC];
	_ =	sdelay $0x3  }
0x94: {  	_ =	strace s2  }
0x95: {  	s2 =	sld [smem:$0x3FFD];
	_ =	sdelay $0x3  }
0x96: {  	_ =	strace s2  }
0x97: {  	_ =	strace $0x8FFFFFFF  }
0x98: {  	s18 =	sld [smem:$0x3FDB];
	_ =	sdelay $0x1  }
0x99: {  	s19 =	simm.s32 $_scs_section_size  }
0x9a: {  	s4 =	simm.s32 $_size__tile_overlayer_lowered;
	s5 =	simm.s32 $_tile_overlayer_lowered  }
0x9b: {  	s22 =	simm.s32 $0x1BFF;
	s21 =	sshll.u32 s5, $0x1;
	s2 =	sadd.s32 s19, s18  }
0x9c: {  	s6 =	simm.s32 $0x0;
	s20 =	sshll.u32 s4, $0x1;
	s4 =	sadd.s32 s21, s2  }
0x9d: {  	[timem:s6], [sflag:s22] =	dma.local [hbm:s4], s20  }
0x9e: {  	_ =	swait.ge [sflag:s22], s20  }
0x9f: {  	s3 =	ssub.s32 $0x0, s20;
	[sflag:s22] =	ssyncset.done $0x0  }
0xa0: {  	[sflag:s22] =	ssyncadd.s32 s3;
	_ =	sdelay $0x1  }
0xa1: {  	s23 =	simm.s32 $0x1B8B  }
0xa2: {  	_ =	swait.ge [sflag:s23], $0x1  }
0xa3: {  	[sflag:s23] =	ssyncset.done $0x0  }
0xa4: {  	s25 =	simm.s32 $0x1B8E;
	s24 =	sld [smem:$0x3FFE];
	[sflag:s23] =	ssyncadd.s32 $0xFFFFFFFF  }
0xa5: {  	s26 =	simm.s32 $execute0_lowered;
	[smem:$0x3FD2] =	sst s25  }
0xa6: {  	s4 =	sshll.u32 s26, $0x1;
	_ =	strace $0x80000046;
	[dreg:$0x1] =	wrdreg $0xFFFFFFFF  }
0xa7: {  	s28 =	simm.s32 $_size_execute0_lowered;
	s2 =	sadd.s32 s2, s4;
	[dreg:$0x0] =	wrdreg $0x0  }
0xa8: {  	s4 =	sshll.u32 s28, $0x1;
	[dreg:$0x2] =	wrdreg s2  }
0xa9: {  	[dreg:$0x3] =	wrdreg s4  }
0xaa: {  	[dreg:$0x4] =	wrdreg $0xC0  }
0xab: {  	_ =	task [dreg:s6], $0x5FFFF  }
0xac: {  	[dreg:$0x1] =	wrdreg $0xFFFFFFFF  }
0xad: {  	[dreg:$0x0] =	wrdreg $0x60  }
0xae: {  	[dreg:$0x2] =	wrdreg s24  }
0xaf: {  	[dreg:$0x3] =	wrdreg $0x7B000  }
0xb0: {  	[dreg:$0x4] =	wrdreg $0x9  }
0xb1: {  	_ =	task.clear_ibuf [dreg:s6], $0x5FFFF;
	_ =	strace $0x90000046  }
0xb2: {  	s29 =	simm.s32 $0x9;
	_ =	strace $0x80000048  }
0xb3: {  	_ =	swait.ge [sflag:s29], $0x1  }
0xb4: {  	[sflag:s29] =	ssyncadd.s32 $0xFFFFFFFF  }
0xb5: {  	_ =	strace $0x90000048  }
0xb6: {  	_ =	sfence  }
0xb7: {  	s30 =	sld [smem:$0x0];
	_ =	sdelay $0x2  }
0xb8: {  	s31 =	sshll.u32 s1, $0xD;
	s1 =	sshrl.u32 s1, $0x2  }
0xb9: {  	s3 =	sand.u32 $0x4000, s31;
	s1 =	sadd.s32 s1, s30  }
0xba: {  	s0 =	sor.u32 s3, s0;
	s1 =	sshll.u32 s1, $0x11  }
0xbb: {  	s0 =	sor.u32 s1, s0  }
0xbc: {  	s0 =	sadd.s32 $0x8F2B, s0  }
0xbd: {  	[sflag:s0] =	ssyncadd.remote.s32 $0x1  }
0xbe: {  	_ =	sfence.sel $0xFFFF  }
0xbf: {  	[dreg:$0x0] =	wrdreg $0xFFFFFFFF;
	(pc) =	sbr.abs _section_cstart, $3  }
0xc0: {  	[dreg:$0x1] =	wrdreg $0xFFFFFFFF  }
0xc1: {  	_ =	task.clear_ibuf [dreg:s6], $0x2FFFF;
	_ =	strace $0x9FFFFFFF  }
0xc2: {  	(tm) =	ssettm $0x7FFFFFFF  }
0xc3: {  	_ =	shalt  }
tec
execute0_lowered:
.L_overlay_start_1:
0x0: {  	(tag) =	ssettag $0x1  }
0x1: {  	s0 =	rddreg [dreg:$0x0]  }
0x2: {  	s2 =	rddreg [dreg:$0x1]  }
0x3: {  	s3 =	simm.s32 $0x0;
	s1 =	srdreg.scid;
	s12 =	stileid.u32  }
0x4: {  	s28 =	simm.s32 $0x7;
	s29 =	simm.s32 $0x6;
	s30 =	simm.s32 $0x8  }
0x5: {  	s31 =	simm.s32 $0x9;
	[smem:$0x7FF] =	sst s3;
	s1 =	sand.u32 $0x1, s1  }
0x6: {  	s15 =	smul.u32 $0x2800, s12;
	s4 =	sadd.s32 $0x4F9000, s0;
	s5 =	sadd.s32 $0x520200, s0  }
0x7: {  	s6 =	sadd.s32 $0x17000, s0;
	s7 =	sadd.s32 $0xD200, s0;
	s8 =	sadd.s32 $0x3400, s0  }
0x8: {  	s10 =	sadd.s32 $0x547400, s0;
	s17 =	sshll.u32 s12, $0x1;
	s11 =	smul.u32 $0x50000, s12  }
0x9: {  	s12 =	sshll.u32 s12, $0x6;
	_ =	strace $0x80000047;
	s9 =	smul.u32 $0x28000, s1  }
0xa: {  	[dreg:$0x3] =	wrdreg s10;
	s16 =	ssub.s32 $0x2, s1;
	s1 =	sor.u32 s1, s17  }
0xb: {  	s24 =	sor.u32 $0x1C0A, s12;
	s18 =	sshrl.u32 s16, $0x1;
	s10 =	smul.u32 $0x2710, s1  }
0xc: {  	s11 =	sshrl.u32 s11, $0x2;
	s1 =	smul.u32 $0x27100, s1;
	s3 =	sadd.s32 s15, s9  }
0xd: {  	[dreg:$0x5] =	wrdreg s24;
	s19 =	sadd.s32 s11, s2;
	s0 =	sadd.s32 s3, s0  }
0xe: {  	s3 =	ssub.s32 s16, s18;
	[dreg:$0x4] =	wrdreg s19;
	s20 =	sshrl.u32 s10, $0x3  }
0xf: {  	s21 =	sadd.s32 $0x50, s10;
	s1 =	sadd.s32 s6, s1;
	s26 =	sadd.s32 $0xA0, s10  }
0x10: {  	s15 =	sadd.s32 $0xF0, s10;
	s22 =	sadd.s32 s7, s20;
	s9 =	sadd.s32 s8, s20  }
0x11: {  	s23 =	sshrl.u32 s21, $0x3;
	[dreg:$0x8] =	wrdreg s1;
	s12 =	sshll.u32 s21, $0x4  }
0x12: {  	s13 =	sshrl.u32 s26, $0x3;
	s1 =	sshll.u32 s26, $0x4;
	[dreg:$0x6] =	wrdreg s22  }
0x13: {  	s16 =	sshrl.u32 s15, $0x3;
	s21 =	sadd.s32 $0x140, s10;
	[dreg:$0x7] =	wrdreg s9  }
0x14: {  	s17 =	sshll.u32 s15, $0x4;
	s0 =	sadd.s32 $0x549C00, s0;
	[dreg:$0x12] =	wrdreg s21  }
0x15: {  	s20 =	sadd.s32 $0x26C0, s10;
	s26 =	smax.u32 s3, $0x1;
	[dreg:$0x18] =	wrdreg s0  }
0x16: {  	s15 =	simm.s32 $0x2980;
	s25 =	sadd.s32 s7, s23;
	[dreg:$0x19] =	wrdreg s26  }
0x17: {  	s3 =	simm.s32 $0x0;
	s9 =	sadd.s32 s8, s23;
	[dreg:$0x9] =	wrdreg s25  }
0x18: {  	s14 =	sadd.s32 s7, s13;
	s11 =	sadd.s32 s8, s13;
	[dreg:$0xa] =	wrdreg s9  }
0x19: {  	s1 =	sadd.s32 s6, s1;
	s18 =	sadd.s32 s7, s16;
	[dreg:$0xc] =	wrdreg s14  }
0x1a: {  	s19 =	sadd.s32 s8, s16;
	s22 =	sadd.s32 $0x190, s10;
	[dreg:$0xd] =	wrdreg s11  }
0x1b: {  	s23 =	sshrl.u32 s20, $0x3;
	s10 =	sadd.s32 $0x1E0, s10;
	[dreg:$0xe] =	wrdreg s1  }
0x1c: {  	s13 =	simm.s32 $0x50;
	s16 =	simm.s32 $0x2A00;
	[dreg:$0xf] =	wrdreg s18  }
0x1d: {  	s21 =	simm.s32 $0x5300;
	s26 =	simm.s32 $0x0;
	[dreg:$0x10] =	wrdreg s19  }
0x1e: {  	s9 =	sadd.s32 s6, s12;
	s1 =	sadd.s32 s6, s17;
	[dreg:$0x13] =	wrdreg s22  }
0x1f: {  	[dreg:$0x14] =	wrdreg s10;
	s25 =	sadd.s32 s7, s23;
	s10 =	simm.s32 $0x100  }
0x20: {  	s12 =	simm.s32 $0x1;
	s14 =	simm.s32 $0x2900;
	s17 =	simm.s32 $0x4  }
0x21: {  	s18 =	simm.s32 $0x2;
	s19 =	simm.s32 $0x5200;
	[dreg:$0xb] =	wrdreg s9  }
0x22: {  	s22 =	simm.s32 $0x5;
	[dreg:$0x11] =	wrdreg s1;
	s1 =	sshll.u32 s20, $0x4  }
0x23: {  	[dreg:$0x15] =	wrdreg s25;
	s9 =	sadd.s32 s8, s23;
	s20 =	simm.s32 $0x5280  }
0x24: {  	s23 =	simm.s32 $0x3;
	[dreg:$0x16] =	wrdreg s9;
	s1 =	sadd.s32 s6, s1  }
0x25: {  	s9 =	simm.s32 $0x80;
	[dreg:$0x17] =	wrdreg s1;
	s1 =	simm.s32 $0xA  }
.LBB2_1:
0x26: {  	[dreg:$0x1a] =	wrdreg s3  }
0x27: {  	s0 =	rddreg [dreg:$0x4]  }
0x28: {  	s11 =	rddreg [dreg:$0x3];
	s0 =	sshrl.u32 s0, $0x3  }
0x29: {  	[dreg:$0x1b] =	wrdreg s0  }
0x2a: {  	[spmem:s0], [sflag:s24] =	dma.local [hbm:s11], $0x2800  }
0x2b: {  	_ =	swait.ge [sflag:s1], $0x2800  }
0x2c: {  	[sflag:s1] =	ssyncset.done $0x0  }
0x2d: {  	[sflag:s1] =	ssyncadd.s32 $0xFFFFD800  }
0x2e: {  	[bflag:$0x0] =	sbarrier.arrive $0xFFFF  }
0x2f: {  	s0 =	simm.s32 $0x0;
	s25 =	rddreg [dreg:$0x6]  }
0x30: {  	[tilespmem:s0], [sflag:$0x1] =	stream.linear.gather [hbm4b:s25+s0], $0x50, $0x38;
	[tilespmem:$0x1BB00] =	vst v63  }
0x31: {  	s3 =	rddreg [dreg:$0x7]  }
0x32: {  	[tilespmem:s9], [sflag:$0x1] =	stream.linear.gather [hbm4b:s3+s0], $0x50, $0x38;
	[tilespmem:$0x1BB00] =	vst v63  }
0x33: {  	s11 =	rddreg [dreg:$0x8]  }
0x34: {  	[tilespmem:s10], [sflag:$0x1] =	stream.linear.gather [hbm4b:s11+s0], $0x2800, $0x38;
	[tilespmem:$0x1BB00] =	vst v63  }
0x35: {  	_ =	swait.ge [sflag:s12], $0x50  }
0x36: {  	[sflag:s12] =	ssyncset.done $0x0  }
0x37: {  	[sflag:s12] =	ssyncadd.s32 $0xFFFFFFB0  }
0x38: {  	_ =	swait.ge [sflag:s12], $0x50  }
0x39: {  	[sflag:s12] =	ssyncset.done $0x0  }
0x3a: {  	[sflag:s12] =	ssyncadd.s32 $0xFFFFFFB0  }
0x3b: {  	_ =	swait.ge [sflag:s12], $0x2800  }
0x3c: {  	[sflag:s12] =	ssyncset.done $0x0  }
0x3d: {  	[sflag:s12] =	ssyncadd.s32 $0xFFFFD800  }
0x3e: {  	[tilespmem:s10], [sflag:$0x4] =	stream.indirect.gather.add.f32 [hbm:s4], $0x80, s0, s13, $0xb8;
	[tilespmem:$0x1BB00] =	vst v63  }
0x3f: {  	_ = 	snop  }
0x40: {  	[tilespmem:s10], [sflag:$0x4] =	stream.indirect.gather.add.f32 [hbm:s5], $0x80, s9, s13, $0xb8;
	[tilespmem:$0x1BB00] =	vst v63  }
0x41: {  	s24 =	rddreg [dreg:$0x9]  }
0x42: {  	[tilespmem:s14], [sflag:$0x2] =	stream.linear.gather [hbm4b:s24+s0], $0x50, $0x38;
	[tilespmem:$0x1BB00] =	vst v63  }
0x43: {  	s25 =	rddreg [dreg:$0xa]  }
0x44: {  	[tilespmem:s15], [sflag:$0x2] =	stream.linear.gather [hbm4b:s25+s0], $0x50, $0x38;
	[tilespmem:$0x1BB00] =	vst v63  }
0x45: {  	s3 =	rddreg [dreg:$0xb]  }
0x46: {  	[tilespmem:s16], [sflag:$0x2] =	stream.linear.gather [hbm4b:s3+s0], $0x2800, $0x38;
	[tilespmem:$0x1BB00] =	vst v63  }
0x47: {  	_ =	swait.ge [sflag:s17], $0x2800  }
0x48: {  	[sflag:s17] =	ssyncset.done $0x0  }
0x49: {  	[sflag:s17] =	ssyncadd.s32 $0xFFFFD800  }
0x4a: {  	_ =	swait.ge [sflag:s17], $0x2800  }
0x4b: {  	[sflag:s17] =	ssyncset.done $0x0  }
0x4c: {  	[sflag:s17] =	ssyncadd.s32 $0xFFFFD800  }
0x4d: {  	_ =	swait.ge [sflag:s18], $0x50  }
0x4e: {  	[sflag:s18] =	ssyncset.done $0x0  }
0x4f: {  	[sflag:s18] =	ssyncadd.s32 $0xFFFFFFB0  }
0x50: {  	_ =	swait.ge [sflag:s18], $0x50  }
0x51: {  	[sflag:s18] =	ssyncset.done $0x0  }
0x52: {  	[sflag:s18] =	ssyncadd.s32 $0xFFFFFFB0  }
0x53: {  	_ =	swait.ge [sflag:s18], $0x2800  }
0x54: {  	[sflag:s18] =	ssyncset.done $0x0  }
0x55: {  	[sflag:s18] =	ssyncadd.s32 $0xFFFFD800  }
0x56: {  	[tilespmem:s16], [sflag:$0x5] =	stream.indirect.gather.add.f32 [hbm:s4], $0x80, s14, s13, $0xb8;
	[tilespmem:$0x1BB00] =	vst v63  }
0x57: {  	_ = 	snop  }
0x58: {  	[tilespmem:s16], [sflag:$0x5] =	stream.indirect.gather.add.f32 [hbm:s5], $0x80, s15, s13, $0xb8;
	[tilespmem:$0x1BB00] =	vst v63  }
0x59: {  	s11 =	rddreg [dreg:$0xc]  }
0x5a: {  	[tilespmem:s19], [sflag:$0x3] =	stream.linear.gather [hbm4b:s11+s0], $0x50, $0x38;
	[tilespmem:$0x1BB00] =	vst v63  }
0x5b: {  	s24 =	rddreg [dreg:$0xd]  }
0x5c: {  	[tilespmem:s20], [sflag:$0x3] =	stream.linear.gather [hbm4b:s24+s0], $0x50, $0x38;
	[tilespmem:$0x1BB00] =	vst v63  }
0x5d: {  	s1 =	simm.s32 $0x0;
	s25 =	rddreg [dreg:$0xe]  }
0x5e: {  	[tilespmem:s21], [sflag:$0x3] =	stream.linear.gather [hbm4b:s25+s0], $0x2800, $0x38;
	[tilespmem:$0x1BB00] =	vst v63  }
0x5f: {  	v2 =	vld [tilespmem:s1+$0x100]  }
0x60: {  	v4 =	vld [tilespmem:s1+$0x110]  }
0x61: {  	v3 =	vld [tilespmem:s1+$0x120]  }
0x62: {  	v1 =	vld [tilespmem:s1+$0x130]  }
0x63: {  	v0 =	vld [tilespmem:s1+$0x140]  }
0x64: {  	v5 =	vmax.f32 v2, $0.0e+00;
	v2 =	vld [tilespmem:s1+$0x150]  }
0x65: {  	s0 =	simm.s32 $0x200;
	[tilespmem:s1+$0x100] =	vst v5;
	v5 =	vmax.f32 v4, $0.0e+00;
	v4 =	vld [tilespmem:s1+$0x160]  }
.LBB2_2:
0x66: {  	s3 =	sshra.s32 s0, $0x2;
	p0 =	sne.s32 s0, $0x9E00;
	[tilespmem:s1+$0x110] =	vst v5;
	v3 =	vmax.f32 v3, $0.0e+00;
	v5 =	vld [tilespmem:s1+$0x170]  }
0x67: {  	v6 =	vld [tilespmem:s3+$0x100];
	[tilespmem:s1+$0x120] =	vst v3;
	v1 =	vmax.f32 v1, $0.0e+00  }
0x68: {  	v7 =	vld [tilespmem:s3+$0x110];
	[tilespmem:s1+$0x130] =	vst v1;
	v0 =	vmax.f32 v0, $0.0e+00  }
.Ltmp0:
0x69: {  	v3 =	vld [tilespmem:s3+$0x120];
	[tilespmem:s1+$0x140] =	vst v0;
	v0 =	vmax.f32 v2, $0.0e+00;
	(pc) =	sbr.rel @p0 .LBB2_2-.Ltmp0, $4  }
0x6a: {  	v1 =	vld [tilespmem:s3+$0x130];
	[tilespmem:s1+$0x150] =	vst v0;
	v2 =	vmax.f32 v4, $0.0e+00  }
0x6b: {  	v0 =	vld [tilespmem:s3+$0x140];
	[tilespmem:s1+$0x160] =	vst v2;
	v4 =	vmax.f32 v5, $0.0e+00  }
0x6c: {  	v5 =	vmax.f32 v6, $0.0e+00;
	v2 =	vld [tilespmem:s3+$0x150];
	[tilespmem:s1+$0x170] =	vst v4;
	s1 =	smov.u32 s3  }
0x6d: {  	s0 =	sadd.s32 $0x200, s0;
	[tilespmem:s1+$0x100] =	vst v5;
	v5 =	vmax.f32 v7, $0.0e+00;
	v4 =	vld [tilespmem:s1+$0x160]  }
0x6e: {  	[tilespmem:s1+$0x110] =	vst v5;
	v3 =	vmax.f32 v3, $0.0e+00;
	v5 =	vld [tilespmem:s1+$0x170]  }
0x6f: {  	[tilespmem:s1+$0x120] =	vst v3;
	v1 =	vmax.f32 v1, $0.0e+00  }
0x70: {  	[tilespmem:s1+$0x130] =	vst v1;
	v0 =	vmax.f32 v0, $0.0e+00  }
0x71: {  	[tilespmem:s1+$0x140] =	vst v0;
	v0 =	vmax.f32 v2, $0.0e+00  }
0x72: {  	[tilespmem:s1+$0x150] =	vst v0;
	v0 =	vmax.f32 v4, $0.0e+00  }
0x73: {  	[tilespmem:s1+$0x160] =	vst v0;
	v0 =	vmax.f32 v5, $0.0e+00  }
0x74: {  	[tilespmem:s1+$0x170] =	vst v0  }
0x75: {  	[spmem:s2] =	stream.indirect.scatter.add.f32 [tilespmem:s10], [sflag:$0x7], $0x80, s9, s13, $0xb8;
	[tilespmem:$0x1BB00] =	vst v63  }
0x76: {  	_ =	swait.ge [sflag:s22], $0x2800  }
0x77: {  	[sflag:s22] =	ssyncset.done $0x0  }
0x78: {  	[sflag:s22] =	ssyncadd.s32 $0xFFFFD800  }
0x79: {  	_ =	swait.ge [sflag:s22], $0x2800  }
0x7a: {  	[sflag:s22] =	ssyncset.done $0x0  }
0x7b: {  	[sflag:s22] =	ssyncadd.s32 $0xFFFFD800  }
0x7c: {  	_ =	swait.ge [sflag:s23], $0x50  }
0x7d: {  	[sflag:s23] =	ssyncset.done $0x0  }
0x7e: {  	[sflag:s23] =	ssyncadd.s32 $0xFFFFFFB0  }
0x7f: {  	_ =	swait.ge [sflag:s23], $0x50  }
0x80: {  	[sflag:s23] =	ssyncset.done $0x0  }
0x81: {  	[sflag:s23] =	ssyncadd.s32 $0xFFFFFFB0  }
0x82: {  	_ =	swait.ge [sflag:s23], $0x2800  }
0x83: {  	[sflag:s23] =	ssyncset.done $0x0  }
0x84: {  	[sflag:s23] =	ssyncadd.s32 $0xFFFFD800  }
0x85: {  	[tilespmem:s21], [sflag:$0x6] =	stream.indirect.gather.add.f32 [hbm:s4], $0x80, s19, s13, $0xb8;
	[tilespmem:$0x1BB00] =	vst v63  }
0x86: {  	_ = 	snop  }
0x87: {  	[tilespmem:s21], [sflag:$0x6] =	stream.indirect.gather.add.f32 [hbm:s5], $0x80, s20, s13, $0xb8;
	[tilespmem:$0x1BB00] =	vst v63  }
0x88: {  	_ =	swait.ge [sflag:s28], $0x2800  }
0x89: {  	[sflag:s28] =	ssyncset.done $0x0  }
0x8a: {  	s0 =	simm.s32 $0x0;
	s11 =	rddreg [dreg:$0xf];
	[sflag:s28] =	ssyncadd.s32 $0xFFFFD800  }
0x8b: {  	[tilespmem:s0], [sflag:$0x1] =	stream.linear.gather [hbm4b:s11+s0], $0x50, $0x38;
	[tilespmem:$0x1BB00] =	vst v63  }
0x8c: {  	s24 =	rddreg [dreg:$0x10]  }
0x8d: {  	[tilespmem:s9], [sflag:$0x1] =	stream.linear.gather [hbm4b:s24+s0], $0x50, $0x38;
	[tilespmem:$0x1BB00] =	vst v63  }
0x8e: {  	s1 =	simm.s32 $0x0;
	s25 =	rddreg [dreg:$0x11]  }
0x8f: {  	[tilespmem:s10], [sflag:$0x1] =	stream.linear.gather [hbm4b:s25+s0], $0x2800, $0x38;
	[tilespmem:$0x1BB00] =	vst v63  }
0x90: {  	v2 =	vld [tilespmem:s1+$0x2A00]  }
0x91: {  	v4 =	vld [tilespmem:s1+$0x2A10]  }
0x92: {  	v3 =	vld [tilespmem:s1+$0x2A20]  }
0x93: {  	v1 =	vld [tilespmem:s1+$0x2A30]  }
0x94: {  	v0 =	vld [tilespmem:s1+$0x2A40]  }
0x95: {  	v5 =	vmax.f32 v2, $0.0e+00;
	v2 =	vld [tilespmem:s1+$0x2A50]  }
0x96: {  	s0 =	simm.s32 $0x200;
	[tilespmem:s1+$0x2A00] =	vst v5;
	v5 =	vmax.f32 v4, $0.0e+00;
	v4 =	vld [tilespmem:s1+$0x2A60]  }
.LBB2_4:
0x97: {  	s3 =	sshra.s32 s0, $0x2;
	p0 =	sne.s32 s0, $0x9E00;
	[tilespmem:s1+$0x2A10] =	vst v5;
	v3 =	vmax.f32 v3, $0.0e+00;
	v5 =	vld [tilespmem:s1+$0x2A70]  }
0x98: {  	v6 =	vld [tilespmem:s3+$0x2A00];
	[tilespmem:s1+$0x2A20] =	vst v3;
	v1 =	vmax.f32 v1, $0.0e+00  }
0x99: {  	v7 =	vld [tilespmem:s3+$0x2A10];
	[tilespmem:s1+$0x2A30] =	vst v1;
	v0 =	vmax.f32 v0, $0.0e+00  }
.Ltmp1:
0x9a: {  	v3 =	vld [tilespmem:s3+$0x2A20];
	[tilespmem:s1+$0x2A40] =	vst v0;
	v0 =	vmax.f32 v2, $0.0e+00;
	(pc) =	sbr.rel @p0 .LBB2_4-.Ltmp1, $4  }
0x9b: {  	v1 =	vld [tilespmem:s3+$0x2A30];
	[tilespmem:s1+$0x2A50] =	vst v0;
	v2 =	vmax.f32 v4, $0.0e+00  }
0x9c: {  	v0 =	vld [tilespmem:s3+$0x2A40];
	[tilespmem:s1+$0x2A60] =	vst v2;
	v4 =	vmax.f32 v5, $0.0e+00  }
0x9d: {  	v5 =	vmax.f32 v6, $0.0e+00;
	v2 =	vld [tilespmem:s3+$0x2A50];
	[tilespmem:s1+$0x2A70] =	vst v4;
	s1 =	smov.u32 s3  }
0x9e: {  	s0 =	sadd.s32 $0x200, s0;
	[tilespmem:s1+$0x2A00] =	vst v5;
	v5 =	vmax.f32 v7, $0.0e+00;
	v4 =	vld [tilespmem:s1+$0x2A60]  }
0x9f: {  	[tilespmem:s1+$0x2A10] =	vst v5;
	v3 =	vmax.f32 v3, $0.0e+00;
	v60 =	vld [tilespmem:s1+$0x2A70]  }
0xa0: {  	[tilespmem:s1+$0x2A20] =	vst v3;
	v1 =	vmax.f32 v1, $0.0e+00  }
0xa1: {  	[tilespmem:s1+$0x2A30] =	vst v1;
	v0 =	vmax.f32 v0, $0.0e+00  }
0xa2: {  	[tilespmem:s1+$0x2A40] =	vst v0;
	v61 =	vmax.f32 v2, $0.0e+00  }
0xa3: {  	[tilespmem:s1+$0x2A50] =	vst v61;
	v62 =	vmax.f32 v4, $0.0e+00  }
0xa4: {  	[tilespmem:s1+$0x2A60] =	vst v62;
	v63 =	vmax.f32 v60, $0.0e+00  }
0xa5: {  	s11 =	simm.s32 $0x0;
	[tilespmem:s1+$0x2A70] =	vst v63;
	s1 =	simm.s32 $0x0  }
0xa6: {  	[spmem:s2] =	stream.indirect.scatter.add.f32 [tilespmem:s16], [sflag:$0x8], $0x80, s15, s13, $0xb8;
	[tilespmem:$0x1BB00] =	vst v63  }
.LBB2_6:
0xa7: {  	_ =	swait.ge [sflag:s29], $0x2800  }
0xa8: {  	[sflag:s29] =	ssyncset.done $0x0  }
0xa9: {  	[sflag:s29] =	ssyncadd.s32 $0xFFFFD800  }
0xaa: {  	_ =	swait.ge [sflag:s29], $0x2800  }
0xab: {  	[sflag:s29] =	ssyncset.done $0x0  }
0xac: {  	[sflag:s29] =	ssyncadd.s32 $0xFFFFD800  }
0xad: {  	_ =	swait.ge [sflag:s12], $0x50  }
0xae: {  	[sflag:s12] =	ssyncset.done $0x0  }
0xaf: {  	[sflag:s12] =	ssyncadd.s32 $0xFFFFFFB0  }
0xb0: {  	_ =	swait.ge [sflag:s12], $0x50  }
0xb1: {  	[sflag:s12] =	ssyncset.done $0x0  }
0xb2: {  	[sflag:s12] =	ssyncadd.s32 $0xFFFFFFB0  }
0xb3: {  	_ =	swait.ge [sflag:s12], $0x2800  }
0xb4: {  	[sflag:s12] =	ssyncset.done $0x0  }
0xb5: {  	[sflag:s12] =	ssyncadd.s32 $0xFFFFD800  }
0xb6: {  	[tilespmem:s10], [sflag:$0x4] =	stream.indirect.gather.add.f32 [hbm:s4], $0x80, s1, s13, $0xb8;
	[tilespmem:$0x1BB00] =	vst v63  }
0xb7: {  	_ = 	snop  }
0xb8: {  	[tilespmem:s10], [sflag:$0x4] =	stream.indirect.gather.add.f32 [hbm:s5], $0x80, s9, s13, $0xb8;
	[tilespmem:$0x1BB00] =	vst v63  }
0xb9: {  	s3 =	smul.u32 $0xF0, s11;
	_ =	swait.ge [sflag:s30], $0x2800  }
0xba: {  	s0 =	rddreg [dreg:$0x12]  }
0xbb: {  	s0 =	sadd.s32 s3, s0  }
0xbc: {  	[sflag:s30] =	ssyncset.done $0x0;
	s24 =	sshrl.u32 s0, $0x3  }
0xbd: {  	[sflag:s30] =	ssyncadd.s32 $0xFFFFD800;
	s25 =	sadd.s32 s7, s24  }
0xbe: {  	[tilespmem:s14], [sflag:$0x2] =	stream.linear.gather [hbm4b:s25+s1], $0x50, $0x38;
	[tilespmem:$0x1BB00] =	vst v63  }
0xbf: {  	s0 =	sshll.u32 s0, $0x4;
	s24 =	sadd.s32 s8, s24  }
0xc0: {  	[tilespmem:s15], [sflag:$0x2] =	stream.linear.gather [hbm4b:s24+s1], $0x50, $0x38;
	[tilespmem:$0x1BB00] =	vst v63  }
0xc1: {  	s0 =	sadd.s32 s6, s0  }
0xc2: {  	[tilespmem:s16], [sflag:$0x2] =	stream.linear.gather [hbm4b:s0+s1], $0x2800, $0x38;
	[tilespmem:$0x1BB00] =	vst v63  }
0xc3: {  	s0 =	simm.s32 $0x0  }
0xc4: {  	v2 =	vld [tilespmem:s0+$0x5300]  }
0xc5: {  	v4 =	vld [tilespmem:s0+$0x5310]  }
0xc6: {  	v3 =	vld [tilespmem:s0+$0x5320]  }
0xc7: {  	v1 =	vld [tilespmem:s0+$0x5330]  }
0xc8: {  	v0 =	vld [tilespmem:s0+$0x5340]  }
0xc9: {  	v5 =	vmax.f32 v2, $0.0e+00;
	v2 =	vld [tilespmem:s0+$0x5350]  }
0xca: {  	s24 =	simm.s32 $0x200;
	[tilespmem:s0+$0x5300] =	vst v5;
	v5 =	vmax.f32 v4, $0.0e+00;
	v4 =	vld [tilespmem:s0+$0x5360]  }
.LBB2_7:
0xcb: {  	s25 =	sshra.s32 s24, $0x2;
	p0 =	sne.s32 s24, $0x9E00;
	[tilespmem:s0+$0x5310] =	vst v5;
	v3 =	vmax.f32 v3, $0.0e+00;
	v5 =	vld [tilespmem:s0+$0x5370]  }
0xcc: {  	v6 =	vld [tilespmem:s25+$0x5300];
	[tilespmem:s0+$0x5320] =	vst v3;
	v1 =	vmax.f32 v1, $0.0e+00  }
0xcd: {  	v7 =	vld [tilespmem:s25+$0x5310];
	[tilespmem:s0+$0x5330] =	vst v1;
	v0 =	vmax.f32 v0, $0.0e+00  }
.Ltmp2:
0xce: {  	v3 =	vld [tilespmem:s25+$0x5320];
	[tilespmem:s0+$0x5340] =	vst v0;
	v0 =	vmax.f32 v2, $0.0e+00;
	(pc) =	sbr.rel @p0 .LBB2_7-.Ltmp2, $4  }
0xcf: {  	v1 =	vld [tilespmem:s25+$0x5330];
	[tilespmem:s0+$0x5350] =	vst v0;
	v2 =	vmax.f32 v4, $0.0e+00  }
0xd0: {  	v0 =	vld [tilespmem:s25+$0x5340];
	[tilespmem:s0+$0x5360] =	vst v2;
	v4 =	vmax.f32 v5, $0.0e+00  }
0xd1: {  	v5 =	vmax.f32 v6, $0.0e+00;
	v2 =	vld [tilespmem:s25+$0x5350];
	[tilespmem:s0+$0x5370] =	vst v4;
	s0 =	smov.u32 s25  }
0xd2: {  	s24 =	sadd.s32 $0x200, s24;
	[tilespmem:s0+$0x5300] =	vst v5;
	v5 =	vmax.f32 v7, $0.0e+00;
	v4 =	vld [tilespmem:s0+$0x5360]  }
0xd3: {  	[tilespmem:s0+$0x5310] =	vst v5;
	v3 =	vmax.f32 v3, $0.0e+00;
	v5 =	vld [tilespmem:s0+$0x5370]  }
0xd4: {  	[tilespmem:s0+$0x5320] =	vst v3;
	v1 =	vmax.f32 v1, $0.0e+00  }
0xd5: {  	[tilespmem:s0+$0x5330] =	vst v1;
	v0 =	vmax.f32 v0, $0.0e+00  }
0xd6: {  	[tilespmem:s0+$0x5340] =	vst v0;
	v0 =	vmax.f32 v2, $0.0e+00  }
0xd7: {  	[tilespmem:s0+$0x5350] =	vst v0;
	v0 =	vmax.f32 v4, $0.0e+00  }
0xd8: {  	[tilespmem:s0+$0x5360] =	vst v0;
	v0 =	vmax.f32 v5, $0.0e+00  }
0xd9: {  	[tilespmem:s0+$0x5370] =	vst v0  }
0xda: {  	[spmem:s2] =	stream.indirect.scatter.add.f32 [tilespmem:s21], [sflag:$0x9], $0x80, s20, s13, $0xb8;
	[tilespmem:$0x1BB00] =	vst v63  }
0xdb: {  	_ =	swait.ge [sflag:s17], $0x2800  }
0xdc: {  	[sflag:s17] =	ssyncset.done $0x0  }
0xdd: {  	[sflag:s17] =	ssyncadd.s32 $0xFFFFD800  }
0xde: {  	_ =	swait.ge [sflag:s17], $0x2800  }
0xdf: {  	[sflag:s17] =	ssyncset.done $0x0  }
0xe0: {  	[sflag:s17] =	ssyncadd.s32 $0xFFFFD800  }
0xe1: {  	_ =	swait.ge [sflag:s18], $0x50  }
0xe2: {  	[sflag:s18] =	ssyncset.done $0x0  }
0xe3: {  	[sflag:s18] =	ssyncadd.s32 $0xFFFFFFB0  }
0xe4: {  	_ =	swait.ge [sflag:s18], $0x50  }
0xe5: {  	[sflag:s18] =	ssyncset.done $0x0  }
0xe6: {  	[sflag:s18] =	ssyncadd.s32 $0xFFFFFFB0  }
0xe7: {  	_ =	swait.ge [sflag:s18], $0x2800  }
0xe8: {  	[sflag:s18] =	ssyncset.done $0x0  }
0xe9: {  	[sflag:s18] =	ssyncadd.s32 $0xFFFFD800  }
0xea: {  	[tilespmem:s16], [sflag:$0x5] =	stream.indirect.gather.add.f32 [hbm:s4], $0x80, s14, s13, $0xb8;
	[tilespmem:$0x1BB00] =	vst v63  }
0xeb: {  	_ = 	snop  }
0xec: {  	[tilespmem:s16], [sflag:$0x5] =	stream.indirect.gather.add.f32 [hbm:s5], $0x80, s15, s13, $0xb8;
	[tilespmem:$0x1BB00] =	vst v63  }
0xed: {  	_ =	swait.ge [sflag:s31], $0x2800  }
0xee: {  	s25 =	rddreg [dreg:$0x13]  }
0xef: {  	s0 =	sadd.s32 s3, s25  }
0xf0: {  	[sflag:s31] =	ssyncset.done $0x0;
	s24 =	sshrl.u32 s0, $0x3  }
0xf1: {  	[sflag:s31] =	ssyncadd.s32 $0xFFFFD800;
	s25 =	sadd.s32 s7, s24  }
0xf2: {  	[tilespmem:s19], [sflag:$0x3] =	stream.linear.gather [hbm4b:s25+s26], $0x50, $0x38;
	[tilespmem:$0x1BB00] =	vst v63  }
0xf3: {  	s0 =	sshll.u32 s0, $0x4;
	s24 =	sadd.s32 s8, s24  }
0xf4: {  	[tilespmem:s20], [sflag:$0x3] =	stream.linear.gather [hbm4b:s24+s26], $0x50, $0x38;
	[tilespmem:$0x1BB00] =	vst v63  }
0xf5: {  	s0 =	sadd.s32 s6, s0  }
0xf6: {  	[tilespmem:s21], [sflag:$0x3] =	stream.linear.gather [hbm4b:s0+s26], $0x2800, $0x38;
	[tilespmem:$0x1BB00] =	vst v63  }
0xf7: {  	s0 =	simm.s32 $0x0  }
0xf8: {  	v2 =	vld [tilespmem:s0+$0x100]  }
0xf9: {  	v4 =	vld [tilespmem:s0+$0x110]  }
0xfa: {  	v3 =	vld [tilespmem:s0+$0x120]  }
0xfb: {  	v1 =	vld [tilespmem:s0+$0x130]  }
0xfc: {  	v0 =	vld [tilespmem:s0+$0x140]  }
0xfd: {  	v5 =	vmax.f32 v2, $0.0e+00;
	v2 =	vld [tilespmem:s0+$0x150]  }
0xfe: {  	s24 =	simm.s32 $0x200;
	[tilespmem:s0+$0x100] =	vst v5;
	v5 =	vmax.f32 v4, $0.0e+00;
	v4 =	vld [tilespmem:s0+$0x160]  }
.LBB2_9:
0xff: {  	s25 =	sshra.s32 s24, $0x2;
	p0 =	sne.s32 s24, $0x9E00;
	[tilespmem:s0+$0x110] =	vst v5;
	v3 =	vmax.f32 v3, $0.0e+00;
	v5 =	vld [tilespmem:s0+$0x170]  }
0x100: {  	v6 =	vld [tilespmem:s25+$0x100];
	[tilespmem:s0+$0x120] =	vst v3;
	v1 =	vmax.f32 v1, $0.0e+00  }
0x101: {  	v7 =	vld [tilespmem:s25+$0x110];
	[tilespmem:s0+$0x130] =	vst v1;
	v0 =	vmax.f32 v0, $0.0e+00  }
.Ltmp3:
0x102: {  	v3 =	vld [tilespmem:s25+$0x120];
	[tilespmem:s0+$0x140] =	vst v0;
	v0 =	vmax.f32 v2, $0.0e+00;
	(pc) =	sbr.rel @p0 .LBB2_9-.Ltmp3, $4  }
0x103: {  	v1 =	vld [tilespmem:s25+$0x130];
	[tilespmem:s0+$0x150] =	vst v0;
	v2 =	vmax.f32 v4, $0.0e+00  }
0x104: {  	v0 =	vld [tilespmem:s25+$0x140];
	[tilespmem:s0+$0x160] =	vst v2;
	v4 =	vmax.f32 v5, $0.0e+00  }
0x105: {  	v5 =	vmax.f32 v6, $0.0e+00;
	v2 =	vld [tilespmem:s25+$0x150];
	[tilespmem:s0+$0x170] =	vst v4;
	s0 =	smov.u32 s25  }
0x106: {  	s24 =	sadd.s32 $0x200, s24;
	[tilespmem:s0+$0x100] =	vst v5;
	v5 =	vmax.f32 v7, $0.0e+00;
	v4 =	vld [tilespmem:s0+$0x160]  }
0x107: {  	[tilespmem:s0+$0x110] =	vst v5;
	v3 =	vmax.f32 v3, $0.0e+00;
	v5 =	vld [tilespmem:s0+$0x170]  }
0x108: {  	[tilespmem:s0+$0x120] =	vst v3;
	v1 =	vmax.f32 v1, $0.0e+00  }
0x109: {  	[tilespmem:s0+$0x130] =	vst v1;
	v0 =	vmax.f32 v0, $0.0e+00  }
0x10a: {  	[tilespmem:s0+$0x140] =	vst v0;
	v0 =	vmax.f32 v2, $0.0e+00  }
0x10b: {  	[tilespmem:s0+$0x150] =	vst v0;
	v0 =	vmax.f32 v4, $0.0e+00  }
0x10c: {  	[tilespmem:s0+$0x160] =	vst v0;
	v0 =	vmax.f32 v5, $0.0e+00  }
0x10d: {  	[tilespmem:s0+$0x170] =	vst v0  }
0x10e: {  	[spmem:s2] =	stream.indirect.scatter.add.f32 [tilespmem:s10], [sflag:$0x7], $0x80, s9, s13, $0xb8;
	[tilespmem:$0x1BB00] =	vst v63  }
0x10f: {  	_ =	swait.ge [sflag:s22], $0x2800  }
0x110: {  	[sflag:s22] =	ssyncset.done $0x0  }
0x111: {  	[sflag:s22] =	ssyncadd.s32 $0xFFFFD800  }
0x112: {  	_ =	swait.ge [sflag:s22], $0x2800  }
0x113: {  	[sflag:s22] =	ssyncset.done $0x0  }
0x114: {  	[sflag:s22] =	ssyncadd.s32 $0xFFFFD800  }
0x115: {  	_ =	swait.ge [sflag:s23], $0x50  }
0x116: {  	[sflag:s23] =	ssyncset.done $0x0  }
0x117: {  	[sflag:s23] =	ssyncadd.s32 $0xFFFFFFB0  }
0x118: {  	_ =	swait.ge [sflag:s23], $0x50  }
0x119: {  	[sflag:s23] =	ssyncset.done $0x0  }
0x11a: {  	[sflag:s23] =	ssyncadd.s32 $0xFFFFFFB0  }
0x11b: {  	_ =	swait.ge [sflag:s23], $0x2800  }
0x11c: {  	[sflag:s23] =	ssyncset.done $0x0  }
0x11d: {  	[sflag:s23] =	ssyncadd.s32 $0xFFFFD800  }
0x11e: {  	[tilespmem:s21], [sflag:$0x6] =	stream.indirect.gather.add.f32 [hbm:s4], $0x80, s19, s13, $0xb8;
	[tilespmem:$0x1BB00] =	vst v63  }
0x11f: {  	_ = 	snop  }
0x120: {  	[tilespmem:s21], [sflag:$0x6] =	stream.indirect.gather.add.f32 [hbm:s5], $0x80, s20, s13, $0xb8;
	[tilespmem:$0x1BB00] =	vst v63  }
0x121: {  	_ =	swait.ge [sflag:s28], $0x2800  }
0x122: {  	s25 =	rddreg [dreg:$0x14]  }
0x123: {  	s0 =	sadd.s32 s3, s25  }
0x124: {  	[sflag:s28] =	ssyncset.done $0x0;
	s3 =	sshrl.u32 s0, $0x3  }
0x125: {  	[sflag:s28] =	ssyncadd.s32 $0xFFFFD800;
	s25 =	simm.s32 $0x0;
	s24 =	sadd.s32 s7, s3  }
0x126: {  	[tilespmem:s25], [sflag:$0x1] =	stream.linear.gather [hbm4b:s24+s25], $0x50, $0x38;
	[tilespmem:$0x1BB00] =	vst v63  }
0x127: {  	s0 =	sshll.u32 s0, $0x4;
	s3 =	sadd.s32 s8, s3  }
0x128: {  	[tilespmem:s9], [sflag:$0x1] =	stream.linear.gather [hbm4b:s3+s25], $0x50, $0x38;
	[tilespmem:$0x1BB00] =	vst v63  }
0x129: {  	s0 =	sadd.s32 s6, s0  }
0x12a: {  	[tilespmem:s10], [sflag:$0x1] =	stream.linear.gather [hbm4b:s0+s25], $0x2800, $0x38;
	[tilespmem:$0x1BB00] =	vst v63  }
0x12b: {  	s0 =	simm.s32 $0x0  }
0x12c: {  	v2 =	vld [tilespmem:s0+$0x2A00]  }
0x12d: {  	v4 =	vld [tilespmem:s0+$0x2A10]  }
0x12e: {  	v3 =	vld [tilespmem:s0+$0x2A20]  }
0x12f: {  	v1 =	vld [tilespmem:s0+$0x2A30]  }
0x130: {  	v0 =	vld [tilespmem:s0+$0x2A40]  }
0x131: {  	v5 =	vmax.f32 v2, $0.0e+00;
	v2 =	vld [tilespmem:s0+$0x2A50]  }
0x132: {  	s3 =	simm.s32 $0x200;
	[tilespmem:s0+$0x2A00] =	vst v5;
	v5 =	vmax.f32 v4, $0.0e+00;
	v4 =	vld [tilespmem:s0+$0x2A60]  }
.LBB2_11:
0x133: {  	s24 =	sshra.s32 s3, $0x2;
	p0 =	sne.s32 s3, $0x9E00;
	[tilespmem:s0+$0x2A10] =	vst v5;
	v3 =	vmax.f32 v3, $0.0e+00;
	v5 =	vld [tilespmem:s0+$0x2A70]  }
0x134: {  	v6 =	vld [tilespmem:s24+$0x2A00];
	[tilespmem:s0+$0x2A20] =	vst v3;
	v1 =	vmax.f32 v1, $0.0e+00  }
0x135: {  	v7 =	vld [tilespmem:s24+$0x2A10];
	[tilespmem:s0+$0x2A30] =	vst v1;
	v0 =	vmax.f32 v0, $0.0e+00  }
.Ltmp4:
0x136: {  	v3 =	vld [tilespmem:s24+$0x2A20];
	[tilespmem:s0+$0x2A40] =	vst v0;
	v0 =	vmax.f32 v2, $0.0e+00;
	(pc) =	sbr.rel @p0 .LBB2_11-.Ltmp4, $4  }
0x137: {  	v1 =	vld [tilespmem:s24+$0x2A30];
	[tilespmem:s0+$0x2A50] =	vst v0;
	v2 =	vmax.f32 v4, $0.0e+00  }
0x138: {  	v0 =	vld [tilespmem:s24+$0x2A40];
	[tilespmem:s0+$0x2A60] =	vst v2;
	v4 =	vmax.f32 v5, $0.0e+00  }
0x139: {  	v5 =	vmax.f32 v6, $0.0e+00;
	v2 =	vld [tilespmem:s24+$0x2A50];
	[tilespmem:s0+$0x2A70] =	vst v4;
	s0 =	smov.u32 s24  }
0x13a: {  	s3 =	sadd.s32 $0x200, s3;
	[tilespmem:s0+$0x2A00] =	vst v5;
	v5 =	vmax.f32 v7, $0.0e+00;
	v4 =	vld [tilespmem:s0+$0x2A60]  }
0x13b: {  	[tilespmem:s0+$0x2A10] =	vst v5;
	v3 =	vmax.f32 v3, $0.0e+00;
	v60 =	vld [tilespmem:s0+$0x2A70]  }
0x13c: {  	s11 =	sadd.s32 $0x1, s11;
	[tilespmem:s0+$0x2A20] =	vst v3;
	v1 =	vmax.f32 v1, $0.0e+00  }
0x13d: {  	p0 =	sne.s32 s11, $0x28;
	[tilespmem:s0+$0x2A30] =	vst v1;
	v0 =	vmax.f32 v0, $0.0e+00  }
.Ltmp5:
0x13e: {  	[tilespmem:s0+$0x2A40] =	vst v0;
	v61 =	vmax.f32 v2, $0.0e+00;
	(pc) =	sbr.rel @p0 .LBB2_6-.Ltmp5, $4  }
0x13f: {  	[tilespmem:s0+$0x2A50] =	vst v61;
	v62 =	vmax.f32 v4, $0.0e+00  }
0x140: {  	[tilespmem:s0+$0x2A60] =	vst v62;
	v63 =	vmax.f32 v60, $0.0e+00  }
0x141: {  	[tilespmem:s0+$0x2A70] =	vst v63  }
0x142: {  	[spmem:s2] =	stream.indirect.scatter.add.f32 [tilespmem:s16], [sflag:$0x8], $0x80, s15, s13, $0xb8;
	[tilespmem:$0x1BB00] =	vst v63  }
0x143: {  	_ =	swait.ge [sflag:s29], $0x2800  }
0x144: {  	[sflag:s29] =	ssyncset.done $0x0  }
0x145: {  	[sflag:s29] =	ssyncadd.s32 $0xFFFFD800  }
0x146: {  	_ =	swait.ge [sflag:s29], $0x2800  }
0x147: {  	[sflag:s29] =	ssyncset.done $0x0  }
0x148: {  	[sflag:s29] =	ssyncadd.s32 $0xFFFFD800  }
0x149: {  	_ =	swait.ge [sflag:s12], $0x50  }
0x14a: {  	[sflag:s12] =	ssyncset.done $0x0  }
0x14b: {  	[sflag:s12] =	ssyncadd.s32 $0xFFFFFFB0  }
0x14c: {  	_ =	swait.ge [sflag:s12], $0x50  }
0x14d: {  	[sflag:s12] =	ssyncset.done $0x0  }
0x14e: {  	[sflag:s12] =	ssyncadd.s32 $0xFFFFFFB0  }
0x14f: {  	_ =	swait.ge [sflag:s12], $0x2800  }
0x150: {  	[sflag:s12] =	ssyncset.done $0x0  }
0x151: {  	s0 =	simm.s32 $0x0;
	[sflag:s12] =	ssyncadd.s32 $0xFFFFD800  }
0x152: {  	[tilespmem:s10], [sflag:$0x4] =	stream.indirect.gather.add.f32 [hbm:s4], $0x80, s0, s13, $0xb8;
	[tilespmem:$0x1BB00] =	vst v63  }
0x153: {  	_ = 	snop  }
0x154: {  	[tilespmem:s10], [sflag:$0x4] =	stream.indirect.gather.add.f32 [hbm:s5], $0x80, s9, s13, $0xb8;
	[tilespmem:$0x1BB00] =	vst v63  }
0x155: {  	_ =	swait.ge [sflag:s30], $0x2800  }
0x156: {  	[sflag:s30] =	ssyncset.done $0x0  }
0x157: {  	s1 =	rddreg [dreg:$0x15];
	[sflag:s30] =	ssyncadd.s32 $0xFFFFD800  }
0x158: {  	[tilespmem:s14], [sflag:$0x2] =	stream.linear.gather [hbm4b:s1+s0], $0x50, $0x38;
	[tilespmem:$0x1BB00] =	vst v63  }
0x159: {  	s24 =	rddreg [dreg:$0x16]  }
0x15a: {  	[tilespmem:s15], [sflag:$0x2] =	stream.linear.gather [hbm4b:s24+s0], $0x50, $0x38;
	[tilespmem:$0x1BB00] =	vst v63  }
0x15b: {  	s25 =	rddreg [dreg:$0x17]  }
0x15c: {  	[tilespmem:s16], [sflag:$0x2] =	stream.linear.gather [hbm4b:s25+s0], $0x2800, $0x38;
	[tilespmem:$0x1BB00] =	vst v63  }
0x15d: {  	s0 =	simm.s32 $0x0  }
0x15e: {  	v2 =	vld [tilespmem:s0+$0x5300]  }
0x15f: {  	v4 =	vld [tilespmem:s0+$0x5310]  }
0x160: {  	v3 =	vld [tilespmem:s0+$0x5320]  }
0x161: {  	v1 =	vld [tilespmem:s0+$0x5330]  }
0x162: {  	v0 =	vld [tilespmem:s0+$0x5340]  }
0x163: {  	v5 =	vmax.f32 v2, $0.0e+00;
	v2 =	vld [tilespmem:s0+$0x5350]  }
0x164: {  	s1 =	simm.s32 $0x200;
	[tilespmem:s0+$0x5300] =	vst v5;
	v5 =	vmax.f32 v4, $0.0e+00;
	v4 =	vld [tilespmem:s0+$0x5360]  }
.LBB2_14:
0x165: {  	s3 =	sshra.s32 s1, $0x2;
	p0 =	sne.s32 s1, $0x9E00;
	[tilespmem:s0+$0x5310] =	vst v5;
	v3 =	vmax.f32 v3, $0.0e+00;
	v5 =	vld [tilespmem:s0+$0x5370]  }
0x166: {  	v6 =	vld [tilespmem:s3+$0x5300];
	[tilespmem:s0+$0x5320] =	vst v3;
	v1 =	vmax.f32 v1, $0.0e+00  }
0x167: {  	v7 =	vld [tilespmem:s3+$0x5310];
	[tilespmem:s0+$0x5330] =	vst v1;
	v0 =	vmax.f32 v0, $0.0e+00  }
.Ltmp6:
0x168: {  	v3 =	vld [tilespmem:s3+$0x5320];
	[tilespmem:s0+$0x5340] =	vst v0;
	v0 =	vmax.f32 v2, $0.0e+00;
	(pc) =	sbr.rel @p0 .LBB2_14-.Ltmp6, $4  }
0x169: {  	v1 =	vld [tilespmem:s3+$0x5330];
	[tilespmem:s0+$0x5350] =	vst v0;
	v2 =	vmax.f32 v4, $0.0e+00  }
0x16a: {  	v0 =	vld [tilespmem:s3+$0x5340];
	[tilespmem:s0+$0x5360] =	vst v2;
	v4 =	vmax.f32 v5, $0.0e+00  }
0x16b: {  	v5 =	vmax.f32 v6, $0.0e+00;
	v2 =	vld [tilespmem:s3+$0x5350];
	[tilespmem:s0+$0x5370] =	vst v4;
	s0 =	smov.u32 s3  }
0x16c: {  	s1 =	sadd.s32 $0x200, s1;
	[tilespmem:s0+$0x5300] =	vst v5;
	v5 =	vmax.f32 v7, $0.0e+00;
	v4 =	vld [tilespmem:s0+$0x5360]  }
0x16d: {  	[tilespmem:s0+$0x5310] =	vst v5;
	v3 =	vmax.f32 v3, $0.0e+00;
	v5 =	vld [tilespmem:s0+$0x5370]  }
0x16e: {  	[tilespmem:s0+$0x5320] =	vst v3;
	v1 =	vmax.f32 v1, $0.0e+00  }
0x16f: {  	[tilespmem:s0+$0x5330] =	vst v1;
	v0 =	vmax.f32 v0, $0.0e+00  }
0x170: {  	[tilespmem:s0+$0x5340] =	vst v0;
	v0 =	vmax.f32 v2, $0.0e+00  }
0x171: {  	[tilespmem:s0+$0x5350] =	vst v0;
	v0 =	vmax.f32 v4, $0.0e+00  }
0x172: {  	[tilespmem:s0+$0x5360] =	vst v0;
	v0 =	vmax.f32 v5, $0.0e+00  }
0x173: {  	[tilespmem:s0+$0x5370] =	vst v0  }
0x174: {  	[spmem:s2] =	stream.indirect.scatter.add.f32 [tilespmem:s21], [sflag:$0x9], $0x80, s20, s13, $0xb8;
	[tilespmem:$0x1BB00] =	vst v63  }
0x175: {  	_ =	swait.ge [sflag:s17], $0x2800  }
0x176: {  	[sflag:s17] =	ssyncset.done $0x0  }
0x177: {  	[sflag:s17] =	ssyncadd.s32 $0xFFFFD800  }
0x178: {  	_ =	swait.ge [sflag:s17], $0x2800  }
0x179: {  	[sflag:s17] =	ssyncset.done $0x0  }
0x17a: {  	[sflag:s17] =	ssyncadd.s32 $0xFFFFD800  }
0x17b: {  	_ =	swait.ge [sflag:s18], $0x50  }
0x17c: {  	[sflag:s18] =	ssyncset.done $0x0  }
0x17d: {  	[sflag:s18] =	ssyncadd.s32 $0xFFFFFFB0  }
0x17e: {  	_ =	swait.ge [sflag:s18], $0x50  }
0x17f: {  	[sflag:s18] =	ssyncset.done $0x0  }
0x180: {  	[sflag:s18] =	ssyncadd.s32 $0xFFFFFFB0  }
0x181: {  	_ =	swait.ge [sflag:s18], $0x2800  }
0x182: {  	[sflag:s18] =	ssyncset.done $0x0  }
0x183: {  	[sflag:s18] =	ssyncadd.s32 $0xFFFFD800  }
0x184: {  	[tilespmem:s16], [sflag:$0x5] =	stream.indirect.gather.add.f32 [hbm:s4], $0x80, s14, s13, $0xb8;
	[tilespmem:$0x1BB00] =	vst v63  }
0x185: {  	s0 =	simm.s32 $0x0  }
0x186: {  	[tilespmem:s16], [sflag:$0x5] =	stream.indirect.gather.add.f32 [hbm:s5], $0x80, s15, s13, $0xb8;
	[tilespmem:$0x1BB00] =	vst v63  }
0x187: {  	v2 =	vld [tilespmem:s0+$0x100]  }
0x188: {  	v4 =	vld [tilespmem:s0+$0x110]  }
0x189: {  	v3 =	vld [tilespmem:s0+$0x120]  }
0x18a: {  	v1 =	vld [tilespmem:s0+$0x130]  }
0x18b: {  	v0 =	vld [tilespmem:s0+$0x140]  }
0x18c: {  	v5 =	vmax.f32 v2, $0.0e+00;
	v2 =	vld [tilespmem:s0+$0x150]  }
0x18d: {  	s1 =	simm.s32 $0x200;
	s24 =	rddreg [dreg:$0x5];
	[tilespmem:s0+$0x100] =	vst v5;
	v5 =	vmax.f32 v4, $0.0e+00;
	v4 =	vld [tilespmem:s0+$0x160]  }
.LBB2_16:
0x18e: {  	s3 =	sshra.s32 s1, $0x2;
	p0 =	sne.s32 s1, $0x9E00;
	[tilespmem:s0+$0x110] =	vst v5;
	v3 =	vmax.f32 v3, $0.0e+00;
	v5 =	vld [tilespmem:s0+$0x170]  }
0x18f: {  	v6 =	vld [tilespmem:s3+$0x100];
	[tilespmem:s0+$0x120] =	vst v3;
	v1 =	vmax.f32 v1, $0.0e+00  }
0x190: {  	v7 =	vld [tilespmem:s3+$0x110];
	[tilespmem:s0+$0x130] =	vst v1;
	v0 =	vmax.f32 v0, $0.0e+00  }
.Ltmp7:
0x191: {  	v3 =	vld [tilespmem:s3+$0x120];
	[tilespmem:s0+$0x140] =	vst v0;
	v0 =	vmax.f32 v2, $0.0e+00;
	(pc) =	sbr.rel @p0 .LBB2_16-.Ltmp7, $4  }
0x192: {  	v1 =	vld [tilespmem:s3+$0x130];
	[tilespmem:s0+$0x150] =	vst v0;
	v2 =	vmax.f32 v4, $0.0e+00  }
0x193: {  	v0 =	vld [tilespmem:s3+$0x140];
	[tilespmem:s0+$0x160] =	vst v2;
	v4 =	vmax.f32 v5, $0.0e+00  }
0x194: {  	v5 =	vmax.f32 v6, $0.0e+00;
	v2 =	vld [tilespmem:s3+$0x150];
	[tilespmem:s0+$0x170] =	vst v4;
	s0 =	smov.u32 s3  }
0x195: {  	s1 =	sadd.s32 $0x200, s1;
	[tilespmem:s0+$0x100] =	vst v5;
	v5 =	vmax.f32 v7, $0.0e+00;
	v4 =	vld [tilespmem:s0+$0x160]  }
0x196: {  	[tilespmem:s0+$0x110] =	vst v5;
	v3 =	vmax.f32 v3, $0.0e+00;
	v5 =	vld [tilespmem:s0+$0x170]  }
0x197: {  	[tilespmem:s0+$0x120] =	vst v3;
	v1 =	vmax.f32 v1, $0.0e+00  }
0x198: {  	[tilespmem:s0+$0x130] =	vst v1;
	v0 =	vmax.f32 v0, $0.0e+00  }
0x199: {  	[tilespmem:s0+$0x140] =	vst v0;
	v0 =	vmax.f32 v2, $0.0e+00  }
0x19a: {  	[tilespmem:s0+$0x150] =	vst v0;
	v0 =	vmax.f32 v4, $0.0e+00  }
0x19b: {  	[tilespmem:s0+$0x160] =	vst v0;
	v0 =	vmax.f32 v5, $0.0e+00  }
0x19c: {  	[tilespmem:s0+$0x170] =	vst v0  }
0x19d: {  	[spmem:s2] =	stream.indirect.scatter.add.f32 [tilespmem:s10], [sflag:$0x7], $0x80, s9, s13, $0xb8;
	[tilespmem:$0x1BB00] =	vst v63  }
0x19e: {  	_ =	swait.ge [sflag:s22], $0x2800  }
0x19f: {  	[sflag:s22] =	ssyncset.done $0x0  }
0x1a0: {  	[sflag:s22] =	ssyncadd.s32 $0xFFFFD800  }
0x1a1: {  	_ =	swait.ge [sflag:s22], $0x2800  }
0x1a2: {  	[sflag:s22] =	ssyncset.done $0x0  }
0x1a3: {  	s0 =	simm.s32 $0x0;
	[sflag:s22] =	ssyncadd.s32 $0xFFFFD800  }
0x1a4: {  	v2 =	vld [tilespmem:s0+$0x2A00]  }
0x1a5: {  	v4 =	vld [tilespmem:s0+$0x2A10]  }
0x1a6: {  	v3 =	vld [tilespmem:s0+$0x2A20]  }
0x1a7: {  	v1 =	vld [tilespmem:s0+$0x2A30]  }
0x1a8: {  	v0 =	vld [tilespmem:s0+$0x2A40]  }
0x1a9: {  	v5 =	vmax.f32 v2, $0.0e+00;
	v2 =	vld [tilespmem:s0+$0x2A50]  }
0x1aa: {  	s1 =	simm.s32 $0x200;
	[tilespmem:s0+$0x2A00] =	vst v5;
	v5 =	vmax.f32 v4, $0.0e+00;
	v4 =	vld [tilespmem:s0+$0x2A60]  }
.LBB2_18:
0x1ab: {  	s3 =	sshra.s32 s1, $0x2;
	p0 =	sne.s32 s1, $0x9E00;
	[tilespmem:s0+$0x2A10] =	vst v5;
	v3 =	vmax.f32 v3, $0.0e+00;
	v5 =	vld [tilespmem:s0+$0x2A70]  }
0x1ac: {  	v6 =	vld [tilespmem:s3+$0x2A00];
	[tilespmem:s0+$0x2A20] =	vst v3;
	v1 =	vmax.f32 v1, $0.0e+00  }
0x1ad: {  	v7 =	vld [tilespmem:s3+$0x2A10];
	[tilespmem:s0+$0x2A30] =	vst v1;
	v0 =	vmax.f32 v0, $0.0e+00  }
.Ltmp8:
0x1ae: {  	v3 =	vld [tilespmem:s3+$0x2A20];
	[tilespmem:s0+$0x2A40] =	vst v0;
	v0 =	vmax.f32 v2, $0.0e+00;
	(pc) =	sbr.rel @p0 .LBB2_18-.Ltmp8, $4  }
0x1af: {  	v1 =	vld [tilespmem:s3+$0x2A30];
	[tilespmem:s0+$0x2A50] =	vst v0;
	v2 =	vmax.f32 v4, $0.0e+00  }
0x1b0: {  	v0 =	vld [tilespmem:s3+$0x2A40];
	[tilespmem:s0+$0x2A60] =	vst v2;
	v4 =	vmax.f32 v5, $0.0e+00  }
0x1b1: {  	v5 =	vmax.f32 v6, $0.0e+00;
	v2 =	vld [tilespmem:s3+$0x2A50];
	[tilespmem:s0+$0x2A70] =	vst v4;
	s0 =	smov.u32 s3  }
0x1b2: {  	s1 =	sadd.s32 $0x200, s1;
	[tilespmem:s0+$0x2A00] =	vst v5;
	v5 =	vmax.f32 v7, $0.0e+00;
	v4 =	vld [tilespmem:s0+$0x2A60]  }
0x1b3: {  	[tilespmem:s0+$0x2A10] =	vst v5;
	v3 =	vmax.f32 v3, $0.0e+00;
	v60 =	vld [tilespmem:s0+$0x2A70]  }
0x1b4: {  	[tilespmem:s0+$0x2A20] =	vst v3;
	v1 =	vmax.f32 v1, $0.0e+00  }
0x1b5: {  	[tilespmem:s0+$0x2A30] =	vst v1;
	v0 =	vmax.f32 v0, $0.0e+00  }
0x1b6: {  	[tilespmem:s0+$0x2A40] =	vst v0;
	v61 =	vmax.f32 v2, $0.0e+00  }
0x1b7: {  	[tilespmem:s0+$0x2A50] =	vst v61;
	v62 =	vmax.f32 v4, $0.0e+00  }
0x1b8: {  	[tilespmem:s0+$0x2A60] =	vst v62;
	v63 =	vmax.f32 v60, $0.0e+00  }
0x1b9: {  	[tilespmem:s0+$0x2A70] =	vst v63  }
0x1ba: {  	[spmem:s2] =	stream.indirect.scatter.add.f32 [tilespmem:s16], [sflag:$0x8], $0x80, s15, s13, $0xb8;
	[tilespmem:$0x1BB00] =	vst v63  }
0x1bb: {  	_ =	swait.ge [sflag:s31], $0x2800  }
0x1bc: {  	[sflag:s31] =	ssyncset.done $0x0  }
0x1bd: {  	[sflag:s31] =	ssyncadd.s32 $0xFFFFD800  }
0x1be: {  	_ =	swait.ge [sflag:s28], $0x2800  }
0x1bf: {  	[sflag:s28] =	ssyncset.done $0x0  }
0x1c0: {  	[sflag:s28] =	ssyncadd.s32 $0xFFFFD800  }
0x1c1: {  	_ =	swait.ge [sflag:s30], $0x2800  }
0x1c2: {  	[sflag:s30] =	ssyncset.done $0x0  }
0x1c3: {  	[sflag:s30] =	ssyncadd.s32 $0xFFFFD800  }
0x1c4: {  	[bflag:$0x0] =	sbarrier.arrive $0xFFFF  }
0x1c5: {  	s11 =	rddreg [dreg:$0x18]  }
0x1c6: {  	s1 =	rddreg [dreg:$0x1b]  }
0x1c7: {  	[hbm:s11], [sflag:s24] =	dma.local [spmem:s1], $0x2800  }
0x1c8: {  	s1 =	simm.s32 $0xA  }
0x1c9: {  	_ =	swait.ge [sflag:s1], $0x2800  }
0x1ca: {  	s3 =	rddreg [dreg:$0x1a]  }
0x1cb: {  	s25 =	rddreg [dreg:$0x19];
	s3 =	sadd.s32 $0x1, s3  }
0x1cc: {  	p0 =	sne.s32 s3, s25  }
.Ltmp9:
0x1cd: {  	_ = 	snop;
	(pc) =	sbr.rel @p0 .LBB2_1-.Ltmp9, $3  }
0x1ce: {  	_ =	sdelay $0x1  }
0x1cf: {  	[sflag:s1] =	ssyncset.done $0x0  }
0x1d0: {  	[sflag:s1] =	ssyncadd.s32 $0xFFFFD800  }
0x1d1: {  	_ =	sfence.sel $0x180000  }
0x1d2: {  	[bflag:$0x0] =	sbarrier.arrive $0xFFFF  }
0x1d3: {  	_ =	strace $0x90000047  }
0x1d4: {  	s0 =	stileid.u32;
	[bflag:$0x2] =	sbarrier.arrive $0xFFFF  }
0x1d5: {  	p0 =	sne.s32 s0, $0x0;
	s0 =	rddreg [dreg:$0x2]  }
0x1d6: {  	s0 =	sadd.s32 @!p0 $0x100000, s0  }
0x1d7: {  	[sflag:s0] =	ssyncadd.tile.s32 @!p0 $0x1;
	_ =	shalt  }
.Lfunc_end2:
_tile_overlayer_lowered:
.L_overlay_start_2:
0x1d8: {  	(tag) =	ssettag $0x2  }
0x1d9: {  	s0 =	rddreg [dreg:$0x0];
	s2 =	stileid.u32  }
0x1da: {  	s1 =	rddreg [dreg:$0x1];
	p0 =	sne.s32 s2, $0x0  }
0x1db: {  	s3 =	rddreg [dreg:$0x2];
	[bflag:$0x3] =	sbarrier.arrive $0xFFFF;
	s2 =	simm.s32 @!p0 $0x1C0A  }
0x1dc: {  	[timem:s3], [sflag:s2] =	dma.local @!p0 [hbm:s0], s1  }
0x1dd: {  	s0 =	simm.s32 @!p0 $0xA  }
0x1de: {  	_ =	swait.ge @!p0 [sflag:s0], s1  }
0x1df: {  	s1 =	ssub.s32 @!p0 $0x0, s1;
	[sflag:s0] =	ssyncset.done @!p0 $0x0  }
0x1e0: {  	[sflag:s0] =	ssyncadd.s32 @!p0 s1  }
0x1e1: {  	[bflag:$0x3] =	sbarrier.arrive $0xFFFF  }
0x1e2: {  	_ =	shalt  }

</sc_bundles>
